<compile_context>
chip_gen: v7x
topology: tpu7x:2x2x1
jax: 0.10.2.dev20260603
libtpu: 0.0.44.dev20260713+nightly
codegen_flags: <defaults>
</compile_context>

<pallas_src>
import functools

import jax
import jax.numpy as jnp
from jax import lax
from jax.experimental import pallas as pl
from jax.experimental.pallas import tpu as pltpu
from jax.experimental.pallas import tpu_sc as plsc

_NB = 1024
_LT = 128
_XB = 4
_DEG = 32
_D = 50


def _tc1_body(qT_ref, entT_ref, BT_ref, Went_ref, bent_ref, c_ref, out_ref):
    entp = jnp.dot(Went_ref[...], entT_ref[...],
                   preferred_element_type=jnp.float32) + bent_ref[...]
    qB = jnp.dot(BT_ref[...], qT_ref[...], preferred_element_type=jnp.float32)
    out_ref[...] = jnp.sum(qB * entp, axis=0, keepdims=True) + c_ref[0, 0]


def _tc2_body(aggT_ref, Wproj_ref, gbias_ref, Wrank_ref, brank_ref, out_ref):
    blk = aggT_ref[...]
    agg = blk[0:_D, :] / (blk[63:64, :] + 1e-16)
    out_n = jnp.dot(Wproj_ref[...], agg,
                    preferred_element_type=jnp.float32) + gbias_ref[...]
    out_n = jnp.where(out_n > 0, out_n, jnp.exp(jnp.minimum(out_n, 0.0)) - 1.0)
    out_ref[...] = jnp.dot(Wrank_ref[...], out_n,
                           preferred_element_type=jnp.float32) + brank_ref[...]


def _tc_full_body(qT_ref, entT_ref, nbT_ref, BT_ref, v3_ref, Went_ref,
                  bent_ref, Wproj_ref, gbias_ref, Wrank_ref, brank_ref,
                  c_ref, out_ref):
    entp = jnp.dot(Went_ref[...], entT_ref[...],
                   preferred_element_type=jnp.float32) + bent_ref[...]
    qB = jnp.dot(BT_ref[...], qT_ref[...], preferred_element_type=jnp.float32)
    s_tgt = jnp.sum(qB * entp, axis=0, keepdims=True) + c_ref[0, 0]
    nb = nbT_ref[...]
    s_src = jnp.sum(nb * v3_ref[...], axis=0)
    s = s_src + s_tgt
    s = jnp.where(s > 0, s, 0.2 * s)
    e = jnp.exp(s)
    denom = jnp.sum(e, axis=0, keepdims=True) + 1e-16
    attn = e / denom
    agg = jnp.sum(nb * attn[None, :, :], axis=1)
    out_n = jnp.dot(Wproj_ref[...], agg,
                    preferred_element_type=jnp.float32) + gbias_ref[...]
    out_n = jnp.where(out_n > 0, out_n, jnp.exp(jnp.minimum(out_n, 0.0)) - 1.0)
    out_ref[...] = jnp.dot(Wrank_ref[...], out_n,
                           preferred_element_type=jnp.float32) + brank_ref[...]


def _sc_attention(nbT, stgt, vv):
    n_pad = 32 * _LT
    mesh = plsc.VectorSubcoreMesh(core_axis_name="c", subcore_axis_name="s")
    n_dc = _DEG // 8

    @functools.partial(
        pl.kernel, mesh=mesh,
        out_type=jax.ShapeDtypeStruct((64, n_pad), jnp.float32),
        scratch_types=[
            pltpu.VMEM((_D, 8, _LT), jnp.float32),
            pltpu.VMEM((_D, 8, _LT), jnp.float32),
            pltpu.VMEM((64, _LT), jnp.float32),
            pltpu.VMEM((_LT,), jnp.float32),
            pltpu.VMEM((64, 16), jnp.float32),
            pltpu.SemaphoreType.DMA,
            pltpu.SemaphoreType.DMA,
            pltpu.SemaphoreType.DMA,
        ],
    )
    def sc_kernel(nbT_hbm, stgt_hbm, vv_hbm, out_hbm,
                  buf0, buf1, aggb, stgtb, vvb, sem0, sem1, sem2):
        wid = lax.axis_index("s") * 2 + lax.axis_index("c")
        bufs = (buf0, buf1)
        sems = (sem0, sem1)
        base = wid * _LT
        cp_v = pltpu.async_copy(vv_hbm, vvb, sem2)
        cp_s = pltpu.async_copy(stgt_hbm.at[pl.ds(base, _LT)], stgtb, sem2)

        def start(dc):
            return pltpu.async_copy(
                nbT_hbm.at[:, pl.ds(dc * 8, 8), pl.ds(base, _LT)],
                bufs[dc % 2], sems[dc % 2])

        cp = start(0)
        cp_v.wait()
        cp_s.wait()
        for dc in range(n_dc):
            nxt = start(dc + 1) if dc + 1 < n_dc else None
            cp.wait()
            buf = bufs[dc % 2]

            def j_body(j, _):
                js = j * 16
                st = stgtb[pl.ds(js, 16)]

                def k_a(step, accs):
                    k0 = step * 5
                    for u in range(5):
                        vk = vvb[k0 + u, pl.ds(0, 16)]
                        accs = tuple(
                            accs[d] + buf[k0 + u, d, pl.ds(js, 16)] * vk
                            for d in range(8))
                    return accs
                accs = lax.fori_loop(
                    0, _D // 5, k_a,
                    tuple(jnp.zeros((16,), jnp.float32) for _ in range(8)))

                es = []
                for d in range(8):
                    s = accs[d] + st
                    s = jnp.where(s > 0, s, 0.2 * s)
                    es.append(jnp.exp(s))
                esum = es[0]
                for d in range(1, 8):
                    esum = esum + es[d]
                if dc == 0:
                    aggb[63, pl.ds(js, 16)] = esum
                else:
                    aggb[63, pl.ds(js, 16)] = aggb[63, pl.ds(js, 16)] + esum

                def k_b(step, _):
                    k0 = step * 5
                    for u in range(5):
                        acc = es[0] * buf[k0 + u, 0, pl.ds(js, 16)]
                        for d in range(1, 8):
                            acc = acc + es[d] * buf[k0 + u, d, pl.ds(js, 16)]
                        if dc == 0:
                            aggb[k0 + u, pl.ds(js, 16)] = acc
                        else:
                            aggb[k0 + u, pl.ds(js, 16)] = (
                                aggb[k0 + u, pl.ds(js, 16)] + acc)
                    return 0
                lax.fori_loop(0, _D // 5, k_b, 0)
                return 0

            lax.fori_loop(0, _LT // 16, j_body, 0)
            cp = nxt
        pltpu.sync_copy(aggb, out_hbm.at[:, pl.ds(base, _LT)])

    return sc_kernel(nbT, stgt, vv)


@jax.jit
def kernel(query_emb, entity_emb, neighbors, W_ent, b_ent, A_bil, b_bil,
           W_proj, a_src, a_tgt, gat_bias, W_rank, b_rank):
    N, deg, D = neighbors.shape
    ent_in = entity_emb.shape[1]
    qT = jnp.transpose(query_emb, (2, 1, 0)).reshape(D, N)
    entT = entity_emb.T
    nbT = jnp.transpose(neighbors, (2, 1, 0))

    u = W_proj.T @ a_tgt
    v = W_proj.T @ a_src
    BT = jnp.einsum('k,kij->ji', u, A_bil)
    c = jnp.dot(b_bil, u).reshape(1, 1)

    n_sc = _XB * _NB
    const = lambda shape: pl.BlockSpec(shape, lambda i: (0,) * len(shape))

    stgt2d = pl.pallas_call(
        _tc1_body,
        grid=(_XB,),
        in_specs=[
            pl.BlockSpec((D, _NB), lambda i: (0, i)),
            pl.BlockSpec((ent_in, _NB), lambda i: (0, i)),
            const((D, D)),
            const((D, ent_in)),
            const((D, 1)),
            const((1, 1)),
        ],
        out_specs=pl.BlockSpec((1, _NB), lambda i: (0, i)),
        out_shape=jax.ShapeDtypeStruct((1, n_sc), jnp.float32),
    )(qT, entT, BT, W_ent, b_ent.reshape(D, 1), c)
    stgt = stgt2d.reshape(n_sc)

    vv = jnp.pad(jnp.broadcast_to(v.reshape(D, 1), (D, 16)),
                 ((0, 64 - D), (0, 0)))
    aggT = _sc_attention(nbT, stgt, vv)

    n_tc = pl.cdiv(N, _NB) * _NB - n_sc
    rank_tc = pl.pallas_call(
        _tc_full_body,
        grid=(n_tc // _NB,),
        in_specs=[
            pl.BlockSpec((D, _NB), lambda i: (0, i + _XB)),
            pl.BlockSpec((ent_in, _NB), lambda i: (0, i + _XB)),
            pl.BlockSpec((D, deg, _NB), lambda i: (0, 0, i + _XB)),
            const((D, D)),
            const((D, 1, 1)),
            const((D, ent_in)),
            const((D, 1)),
            const((D, D)),
            const((D, 1)),
            const((1, D)),
            const((1, 1)),
            const((1, 1)),
        ],
        out_specs=pl.BlockSpec((1, _NB), lambda i: (0, i)),
        out_shape=jax.ShapeDtypeStruct((1, n_tc), jnp.float32),
    )(
        qT, entT, nbT, BT, v.reshape(D, 1, 1), W_ent,
        b_ent.reshape(D, 1), W_proj, gat_bias.reshape(D, 1), W_rank,
        b_rank.reshape(1, 1), c,
    )

    brank2 = b_rank.reshape(1, 1) + 0.0 * rank_tc[:, :1]
    rank_sc = pl.pallas_call(
        _tc2_body,
        grid=(_XB,),
        in_specs=[
            pl.BlockSpec((64, _NB), lambda i: (0, i)),
            const((D, D)),
            const((D, 1)),
            const((1, D)),
            const((1, 1)),
        ],
        out_specs=pl.BlockSpec((1, _NB), lambda i: (0, i)),
        out_shape=jax.ShapeDtypeStruct((1, n_sc), jnp.float32),
    )(aggT, W_proj, gat_bias.reshape(D, 1), W_rank, brank2)

    rank = jnp.concatenate([rank_sc, rank_tc], axis=1)[:, :N]
    return rank.T

# --- scband reference (transcript-rebuilt; emitter-appended) ---
"""Pipeline reference for scband-neural-ecmmodel-91130616087299 (READ-ONLY COPY).

The authoritative reference and input builder live on the scoring server;
editing this copy changes nothing except your own understanding.
"""

import jax, jax.numpy as jnp
import numpy as np

N, DEG, ENT_IN, D = 10000, 32, 300, 50

def setup_inputs(seed: int = 0) -> dict:
    key = jax.random.key(seed)
    ks = jax.random.split(key, 12)
    inp = {}
    inp["query_emb"] = jax.random.normal(ks[0], (N, 1, D), dtype=jnp.float32)
    inp["entity_emb"] = jax.random.normal(ks[1], (N, ENT_IN), dtype=jnp.float32)
    inp["neighbors"] = jax.random.normal(ks[2], (N, DEG, D), dtype=jnp.float32)
    # entity_projection: Linear(ENT_IN -> 50)
    inp["W_ent"] = jax.random.normal(ks[3], (D, ENT_IN), dtype=jnp.float32) * (1.0 / np.sqrt(ENT_IN))
    inp["b_ent"] = jnp.zeros((D,), dtype=jnp.float32)
    # query_ent_projection: Bilinear(50, 50 -> 50)
    inp["A_bil"] = jax.random.normal(ks[4], (D, D, D), dtype=jnp.float32) * (1.0 / np.sqrt(D))
    inp["b_bil"] = jnp.zeros((D,), dtype=jnp.float32)
    # GAT (layer_flag != 1): linear_proj (50->50, no bias), scoring fns, bias
    inp["W_proj"] = jax.random.normal(ks[5], (D, D), dtype=jnp.float32) * (1.0 / np.sqrt(D))
    inp["a_src"] = jax.random.normal(ks[6], (D,), dtype=jnp.float32) * 0.1
    inp["a_tgt"] = jax.random.normal(ks[7], (D,), dtype=jnp.float32) * 0.1
    inp["gat_bias"] = jnp.zeros((D,), dtype=jnp.float32)
    # rank_score: Linear(50 -> 1)
    inp["W_rank"] = jax.random.normal(ks[8], (1, D), dtype=jnp.float32) * (1.0 / np.sqrt(D))
    inp["b_rank"] = jnp.zeros((1,), dtype=jnp.float32)
    return inp

def _leaky_relu(x, alpha=0.2):
    return jnp.where(x > 0, x, alpha * x)

def _elu(x):
    return jnp.where(x > 0, x, jnp.expm1(x))

def reference(query_emb, entity_emb, neighbors, W_ent, b_ent, A_bil, b_bil, W_proj, a_src, a_tgt, gat_bias, W_rank, b_rank):
    # entity projection
    ent = entity_emb @ W_ent.T + b_ent                      # [N, 50]
    # bilinear(query.squeeze(), ent) -> node embeddings
    q = jnp.squeeze(query_emb, axis=1)                      # [N, 50]
    nodes = jnp.einsum('ni,kij,nj->nk', q, A_bil, ent) + b_bil  # [N, 50]
    # GAT layer (eval mode: dropout = identity). neighbors is the vectorized
    # form of the per-node list: neighbors[i] has shape [deg, 50].
    proj_nodes = nodes @ W_proj.T                           # [N, 50]
    scores_target = jnp.sum(proj_nodes * a_tgt, axis=-1)    # [N]
    neigh_proj = neighbors @ W_proj.T                       # [N, deg, 50]
    scores_source = jnp.sum(neigh_proj * a_src, axis=-1)    # [N, deg]
    scores_per_edge = _leaky_relu(scores_source + scores_target[:, None])
    exp_scores = jnp.exp(scores_per_edge)
    denom = jnp.sum(exp_scores, axis=1, keepdims=True) + 1e-16
    attn = exp_scores / denom                               # [N, deg]
    out_nodes = jnp.sum(neigh_proj * attn[..., None], axis=1)  # [N, 50]
    out_nodes = _elu(out_nodes + gat_bias)
    # rank score head
    rank = out_nodes @ W_rank.T + b_rank                    # [N, 1]
    return rank

if __name__ == "__main__":
    import jax
    _d = setup_inputs()
    print(jax.jit(kernel)(*tuple(_d.values())))

</pallas_src>

<mosaic_0001>
#map = affine_map<(d0, d1) -> (0, 0, 0)>
#map1 = affine_map<(d0, d1) -> (0)>
#map2 = affine_map<(d0, d1) -> (0, 0)>
module attributes {stable_mosaic.version = 14 : i64} {
  func.func @sc_kernel(%arg0: i32, %arg1: i32, %arg2: memref<50x32x10000xf32, #tpu.memory_space<hbm>>, %arg3: memref<4096xf32, #tpu.memory_space<hbm>>, %arg4: memref<64x16xf32, #tpu.memory_space<hbm>>, %arg5: memref<64x4096xf32, #tpu.memory_space<hbm>>, %arg6: memref<50x8x128xf32, #tpu.memory_space<vmem>>, %arg7: memref<50x8x128xf32, #tpu.memory_space<vmem>>, %arg8: memref<64x128xf32, #tpu.memory_space<vmem>>, %arg9: memref<128xf32, #tpu.memory_space<vmem>>, %arg10: memref<64x16xf32, #tpu.memory_space<vmem>>, %arg11: memref<!tpu.dma_semaphore, #tpu.memory_space<semaphore_mem>>, %arg12: memref<!tpu.dma_semaphore, #tpu.memory_space<semaphore_mem>>, %arg13: memref<!tpu.dma_semaphore, #tpu.memory_space<semaphore_mem>>) attributes {dimension_semantics = [#tpu.dimension_semantics<core_parallel>, #tpu.dimension_semantics<subcore_parallel>], iteration_bounds = array<i64: 2, 16>, scalar_prefetch = 0 : i64, scratch_operands = 8 : i64, tpu.core_type = #tpu.core_type<sc_vector_subcore>, window_params = [{transform_indices = #map}, {transform_indices = #map1}, {transform_indices = #map2}, {transform_indices = #map2}]} {
    %mul3A = arith.constant 2 : i32
    %mul3A_0 = arith.muli %arg1, %mul3A : i32
    %add3A = arith.addi %mul3A_0, %arg0 : i32
    %mul3A_1 = arith.constant 128 : i32
    %mul3A_2 = arith.muli %add3A, %mul3A_1 : i32
    tpu.enqueue_dma source(%arg4 : memref<64x16xf32, #tpu.memory_space<hbm>>) target(%arg10 : memref<64x16xf32, #tpu.memory_space<vmem>>) target_semaphore(%arg13 : memref<!tpu.dma_semaphore, #tpu.memory_space<semaphore_mem>>)
    %dma_start3A = tpu.memref_slice %arg3[%mul3A_2] : memref<4096xf32, #tpu.memory_space<hbm>> -> memref<128xf32, #tpu.memory_space<hbm>>
    %dma_start3A_3 = tpu.memref_slice %arg3[%mul3A_2] : memref<4096xf32, #tpu.memory_space<hbm>> -> memref<128xf32, #tpu.memory_space<hbm>>
    tpu.enqueue_dma source(%dma_start3A_3 : memref<128xf32, #tpu.memory_space<hbm>>) target(%arg9 : memref<128xf32, #tpu.memory_space<vmem>>) target_semaphore(%arg13 : memref<!tpu.dma_semaphore, #tpu.memory_space<semaphore_mem>>)
    %dma_start3A_4 = arith.constant 0 : i32
    %dma_start3A_5 = arith.constant 0 : i32
    %dma_start3A_6 = tpu.memref_slice %arg2[%dma_start3A_4, %dma_start3A_5, %mul3A_2] : memref<50x32x10000xf32, #tpu.memory_space<hbm>> -> memref<50x8x128xf32, #tpu.memory_space<hbm>>
    %dma_start3A_7 = arith.constant 0 : i32
    %dma_start3A_8 = arith.constant 0 : i32
    %dma_start3A_9 = tpu.memref_slice %arg2[%dma_start3A_7, %dma_start3A_8, %mul3A_2] : memref<50x32x10000xf32, #tpu.memory_space<hbm>> -> memref<50x8x128xf32, #tpu.memory_space<hbm>>
    tpu.enqueue_dma source(%dma_start3A_9 : memref<50x8x128xf32, #tpu.memory_space<hbm>>) target(%arg6 : memref<50x8x128xf32, #tpu.memory_space<vmem>>) target_semaphore(%arg11 : memref<!tpu.dma_semaphore, #tpu.memory_space<semaphore_mem>>)
    tpu.wait_dma2 semaphore(%arg13 : memref<!tpu.dma_semaphore, #tpu.memory_space<semaphore_mem>>) src(%arg4 : memref<64x16xf32, #tpu.memory_space<hbm>>) dst(%arg10 : memref<64x16xf32, #tpu.memory_space<vmem>>)
    %dma_wait3A = tpu.memref_slice %arg3[%mul3A_2] : memref<4096xf32, #tpu.memory_space<hbm>> -> memref<128xf32, #tpu.memory_space<hbm>>
    %dma_wait3A_10 = tpu.memref_slice %arg3[%mul3A_2] : memref<4096xf32, #tpu.memory_space<hbm>> -> memref<128xf32, #tpu.memory_space<hbm>>
    tpu.wait_dma2 semaphore(%arg13 : memref<!tpu.dma_semaphore, #tpu.memory_space<semaphore_mem>>) src(%dma_wait3A_10 : memref<128xf32, #tpu.memory_space<hbm>>) dst(%arg9 : memref<128xf32, #tpu.memory_space<vmem>>)
    %dma_start3A_11 = arith.constant 0 : i32
    %dma_start3A_12 = arith.constant 8 : i32
    %dma_start3A_13 = tpu.memref_slice %arg2[%dma_start3A_11, %dma_start3A_12, %mul3A_2] : memref<50x32x10000xf32, #tpu.memory_space<hbm>> -> memref<50x8x128xf32, #tpu.memory_space<hbm>>
    %dma_start3A_14 = arith.constant 0 : i32
    %dma_start3A_15 = arith.constant 8 : i32
    %dma_start3A_16 = tpu.memref_slice %arg2[%dma_start3A_14, %dma_start3A_15, %mul3A_2] : memref<50x32x10000xf32, #tpu.memory_space<hbm>> -> memref<50x8x128xf32, #tpu.memory_space<hbm>>
    tpu.enqueue_dma source(%dma_start3A_16 : memref<50x8x128xf32, #tpu.memory_space<hbm>>) target(%arg7 : memref<50x8x128xf32, #tpu.memory_space<vmem>>) target_semaphore(%arg12 : memref<!tpu.dma_semaphore, #tpu.memory_space<semaphore_mem>>)
    %dma_wait3A_17 = arith.constant 0 : i32
    %dma_wait3A_18 = arith.constant 0 : i32
    %dma_wait3A_19 = tpu.memref_slice %arg2[%dma_wait3A_17, %dma_wait3A_18, %mul3A_2] : memref<50x32x10000xf32, #tpu.memory_space<hbm>> -> memref<50x8x128xf32, #tpu.memory_space<hbm>>
    %dma_wait3A_20 = arith.constant 0 : i32
    %dma_wait3A_21 = arith.constant 0 : i32
    %dma_wait3A_22 = tpu.memref_slice %arg2[%dma_wait3A_20, %dma_wait3A_21, %mul3A_2] : memref<50x32x10000xf32, #tpu.memory_space<hbm>> -> memref<50x8x128xf32, #tpu.memory_space<hbm>>
    tpu.wait_dma2 semaphore(%arg11 : memref<!tpu.dma_semaphore, #tpu.memory_space<semaphore_mem>>) src(%dma_wait3A_22 : memref<50x8x128xf32, #tpu.memory_space<hbm>>) dst(%arg6 : memref<50x8x128xf32, #tpu.memory_space<vmem>>)
    %scan3A = arith.constant 0 : i32
    %scan3A_23 = arith.constant 0 : i32
    %scan3A_24 = arith.constant 8 : i32
    %scan3A_25 = arith.addi %scan3A_23, %scan3A_24 : i32
    %scan3A_26 = arith.constant 1 : i32
    %scan3A_27 = scf.for %scan3A_80 = %scan3A_23 to %scan3A_25 step %scan3A_26 iter_args(%scan3A_81 = %scan3A) -> (i32)  : i32 {
      %mul3A_82 = arith.constant 16 : i32
      %mul3A_83 = arith.muli %scan3A_80, %mul3A_82 : i32
      %get3A = arith.index_cast %mul3A_83 : i32 to index
      %get3A_84 = tpu.vector_load %arg9[%get3A] {strides = array<i32>} : memref<128xf32, #tpu.memory_space<vmem>>, vector<16xf32>,
      %get3A_85 = vector.shape_cast %get3A_84 : vector<16xf32> to vector<16xf32>
      %broadcast_in_dim3A = arith.constant 0.000000e+00 : f32
      %broadcast_in_dim3A_86 = vector.broadcast %broadcast_in_dim3A : f32 to vector<16xf32>
      %broadcast_in_dim3A_87 = arith.constant 0.000000e+00 : f32
      %broadcast_in_dim3A_88 = vector.broadcast %broadcast_in_dim3A_87 : f32 to vector<16xf32>
      %broadcast_in_dim3A_89 = arith.constant 0.000000e+00 : f32
      %broadcast_in_dim3A_90 = vector.broadcast %broadcast_in_dim3A_89 : f32 to vector<16xf32>
      %broadcast_in_dim3A_91 = arith.constant 0.000000e+00 : f32
      %broadcast_in_dim3A_92 = vector.broadcast %broadcast_in_dim3A_91 : f32 to vector<16xf32>
      %broadcast_in_dim3A_93 = arith.constant 0.000000e+00 : f32
      %broadcast_in_dim3A_94 = vector.broadcast %broadcast_in_dim3A_93 : f32 to vector<16xf32>
      %broadcast_in_dim3A_95 = arith.constant 0.000000e+00 : f32
      %broadcast_in_dim3A_96 = vector.broadcast %broadcast_in_dim3A_95 : f32 to vector<16xf32>
      %broadcast_in_dim3A_97 = arith.constant 0.000000e+00 : f32
      %broadcast_in_dim3A_98 = vector.broadcast %broadcast_in_dim3A_97 : f32 to vector<16xf32>
      %broadcast_in_dim3A_99 = arith.constant 0.000000e+00 : f32
      %broadcast_in_dim3A_100 = vector.broadcast %broadcast_in_dim3A_99 : f32 to vector<16xf32>
      %scan3A_101 = arith.constant 0 : i32
      %scan3A_102 = arith.constant 10 : i32
      %scan3A_103 = arith.addi %scan3A_101, %scan3A_102 : i32
      %scan3A_104 = arith.constant 1 : i32
      %scan3A_105:8 = scf.for %scan3A_196 = %scan3A_101 to %scan3A_103 step %scan3A_104 iter_args(%scan3A_197 = %broadcast_in_dim3A_86, %scan3A_198 = %broadcast_in_dim3A_88, %scan3A_199 = %broadcast_in_dim3A_90, %scan3A_200 = %broadcast_in_dim3A_92, %scan3A_201 = %broadcast_in_dim3A_94, %scan3A_202 = %broadcast_in_dim3A_96, %scan3A_203 = %broadcast_in_dim3A_98, %scan3A_204 = %broadcast_in_dim3A_100) -> (vector<16xf32>, vector<16xf32>, vector<16xf32>, vector<16xf32>, vector<16xf32>, vector<16xf32>, vector<16xf32>, vector<16xf32>)  : i32 {
        %mul3A_205 = arith.constant 5 : i32
        %mul3A_206 = arith.muli %scan3A_196, %mul3A_205 : i32
        %add3A_207 = arith.constant 0 : i32
        %add3A_208 = arith.addi %mul3A_206, %add3A_207 : i32
        %get3A_209 = arith.index_cast %add3A_208 : i32 to index
        %get3A_210 = arith.constant 0 : index
        %get3A_211 = tpu.vector_load %arg10[%get3A_209, %get3A_210] {strides = array<i32>} : memref<64x16xf32, #tpu.memory_space<vmem>>, vector<1x16xf32>,
        %get3A_212 = vector.shape_cast %get3A_211 : vector<1x16xf32> to vector<16xf32>
        %add3A_213 = arith.constant 0 : i32
        %add3A_214 = arith.addi %mul3A_206, %add3A_213 : i32
        %get3A_215 = arith.constant 0 : i32
        %get3A_216 = arith.index_cast %add3A_214 : i32 to index
        %get3A_217 = arith.index_cast %get3A_215 : i32 to index
        %get3A_218 = arith.index_cast %mul3A_83 : i32 to index
        %get3A_219 = tpu.vector_load %arg6[%get3A_216, %get3A_217, %get3A_218] {strides = array<i32>} : memref<50x8x128xf32, #tpu.memory_space<vmem>>, vector<1x1x16xf32>,
        %get3A_220 = vector.shape_cast %get3A_219 : vector<1x1x16xf32> to vector<16xf32>
        %mul3A_221 = arith.mulf %get3A_220, %get3A_212 : vector<16xf32>
        %add3A_222 = arith.addf %scan3A_197, %mul3A_221 : vector<16xf32>
        %add3A_223 = arith.constant 0 : i32
        %add3A_224 = arith.addi %mul3A_206, %add3A_223 : i32
        %get3A_225 = arith.constant 1 : i32
        %get3A_226 = arith.index_cast %add3A_224 : i32 to index
        %get3A_227 = arith.index_cast %get3A_225 : i32 to index
        %get3A_228 = arith.index_cast %mul3A_83 : i32 to index
        %get3A_229 = tpu.vector_load %arg6[%get3A_226, %get3A_227, %get3A_228] {strides = array<i32>} : memref<50x8x128xf32, #tpu.memory_space<vmem>>, vector<1x1x16xf32>,
        %get3A_230 = vector.shape_cast %get3A_229 : vector<1x1x16xf32> to vector<16xf32>
        %mul3A_231 = arith.mulf %get3A_230, %get3A_212 : vector<16xf32>
        %add3A_232 = arith.addf %scan3A_198, %mul3A_231 : vector<16xf32>
        %add3A_233 = arith.constant 0 : i32
        %add3A_234 = arith.addi %mul3A_206, %add3A_233 : i32
        %get3A_235 = arith.constant 2 : i32
        %get3A_236 = arith.index_cast %add3A_234 : i32 to index
        %get3A_237 = arith.index_cast %get3A_235 : i32 to index
        %get3A_238 = arith.index_cast %mul3A_83 : i32 to index
        %get3A_239 = tpu.vector_load %arg6[%get3A_236, %get3A_237, %get3A_238] {strides = array<i32>} : memref<50x8x128xf32, #tpu.memory_space<vmem>>, vector<1x1x16xf32>,
        %get3A_240 = vector.shape_cast %get3A_239 : vector<1x1x16xf32> to vector<16xf32>
        %mul3A_241 = arith.mulf %get3A_240, %get3A_212 : vector<16xf32>
        %add3A_242 = arith.addf %scan3A_199, %mul3A_241 : vector<16xf32>
        %add3A_243 = arith.constant 0 : i32
        %add3A_244 = arith.addi %mul3A_206, %add3A_243 : i32
        %get3A_245 = arith.constant 3 : i32
        %get3A_246 = arith.index_cast %add3A_244 : i32 to index
        %get3A_247 = arith.index_cast %get3A_245 : i32 to index
        %get3A_248 = arith.index_cast %mul3A_83 : i32 to index
        %get3A_249 = tpu.vector_load %arg6[%get3A_246, %get3A_247, %get3A_248] {strides = array<i32>} : memref<50x8x128xf32, #tpu.memory_space<vmem>>, vector<1x1x16xf32>,
        %get3A_250 = vector.shape_cast %get3A_249 : vector<1x1x16xf32> to vector<16xf32>
        %mul3A_251 = arith.mulf %get3A_250, %get3A_212 : vector<16xf32>
        %add3A_252 = arith.addf %scan3A_200, %mul3A_251 : vector<16xf32>
        %add3A_253 = arith.constant 0 : i32
        %add3A_254 = arith.addi %mul3A_206, %add3A_253 : i32
        %get3A_255 = arith.constant 4 : i32
        %get3A_256 = arith.index_cast %add3A_254 : i32 to index
        %get3A_257 = arith.index_cast %get3A_255 : i32 to index
        %get3A_258 = arith.index_cast %mul3A_83 : i32 to index
        %get3A_259 = tpu.vector_load %arg6[%get3A_256, %get3A_257, %get3A_258] {strides = array<i32>} : memref<50x8x128xf32, #tpu.memory_space<vmem>>, vector<1x1x16xf32>,
        %get3A_260 = vector.shape_cast %get3A_259 : vector<1x1x16xf32> to vector<16xf32>
        %mul3A_261 = arith.mulf %get3A_260, %get3A_212 : vector<16xf32>
        %add3A_262 = arith.addf %scan3A_201, %mul3A_261 : vector<16xf32>
        %add3A_263 = arith.constant 0 : i32
        %add3A_264 = arith.addi %mul3A_206, %add3A_263 : i32
        %get3A_265 = arith.constant 5 : i32
        %get3A_266 = arith.index_cast %add3A_264 : i32 to index
        %get3A_267 = arith.index_cast %get3A_265 : i32 to index
        %get3A_268 = arith.index_cast %mul3A_83 : i32 to index
        %get3A_269 = tpu.vector_load %arg6[%get3A_266, %get3A_267, %get3A_268] {strides = array<i32>} : memref<50x8x128xf32, #tpu.memory_space<vmem>>, vector<1x1x16xf32>,
        %get3A_270 = vector.shape_cast %get3A_269 : vector<1x1x16xf32> to vector<16xf32>
        %mul3A_271 = arith.mulf %get3A_270, %get3A_212 : vector<16xf32>
        %add3A_272 = arith.addf %scan3A_202, %mul3A_271 : vector<16xf32>
        %add3A_273 = arith.constant 0 : i32
        %add3A_274 = arith.addi %mul3A_206, %add3A_273 : i32
        %get3A_275 = arith.constant 6 : i32
        %get3A_276 = arith.index_cast %add3A_274 : i32 to index
        %get3A_277 = arith.index_cast %get3A_275 : i32 to index
        %get3A_278 = arith.index_cast %mul3A_83 : i32 to index
        %get3A_279 = tpu.vector_load %arg6[%get3A_276, %get3A_277, %get3A_278] {strides = array<i32>} : memref<50x8x128xf32, #tpu.memory_space<vmem>>, vector<1x1x16xf32>,
        %get3A_280 = vector.shape_cast %get3A_279 : vector<1x1x16xf32> to vector<16xf32>
        %mul3A_281 = arith.mulf %get3A_280, %get3A_212 : vector<16xf32>
        %add3A_282 = arith.addf %scan3A_203, %mul3A_281 : vector<16xf32>
        %add3A_283 = arith.constant 0 : i32
        %add3A_284 = arith.addi %mul3A_206, %add3A_283 : i32
        %get3A_285 = arith.constant 7 : i32
        %get3A_286 = arith.index_cast %add3A_284 : i32 to index
        %get3A_287 = arith.index_cast %get3A_285 : i32 to index
        %get3A_288 = arith.index_cast %mul3A_83 : i32 to index
        %get3A_289 = tpu.vector_load %arg6[%get3A_286, %get3A_287, %get3A_288] {strides = array<i32>} : memref<50x8x128xf32, #tpu.memory_space<vmem>>, vector<1x1x16xf32>,
        %get3A_290 = vector.shape_cast %get3A_289 : vector<1x1x16xf32> to vector<16xf32>
        %mul3A_291 = arith.mulf %get3A_290, %get3A_212 : vector<16xf32>
        %add3A_292 = arith.addf %scan3A_204, %mul3A_291 : vector<16xf32>
        %add3A_293 = arith.constant 1 : i32
        %add3A_294 = arith.addi %mul3A_206, %add3A_293 : i32
        %get3A_295 = arith.index_cast %add3A_294 : i32 to index
        %get3A_296 = arith.constant 0 : index
        %get3A_297 = tpu.vector_load %arg10[%get3A_295, %get3A_296] {strides = array<i32>} : memref<64x16xf32, #tpu.memory_space<vmem>>, vector<1x16xf32>,
        %get3A_298 = vector.shape_cast %get3A_297 : vector<1x16xf32> to vector<16xf32>
        %add3A_299 = arith.constant 1 : i32
        %add3A_300 = arith.addi %mul3A_206, %add3A_299 : i32
        %get3A_301 = arith.constant 0 : i32
        %get3A_302 = arith.index_cast %add3A_300 : i32 to index
        %get3A_303 = arith.index_cast %get3A_301 : i32 to index
        %get3A_304 = arith.index_cast %mul3A_83 : i32 to index
        %get3A_305 = tpu.vector_load %arg6[%get3A_302, %get3A_303, %get3A_304] {strides = array<i32>} : memref<50x8x128xf32, #tpu.memory_space<vmem>>, vector<1x1x16xf32>,
        %get3A_306 = vector.shape_cast %get3A_305 : vector<1x1x16xf32> to vector<16xf32>
        %mul3A_307 = arith.mulf %get3A_306, %get3A_298 : vector<16xf32>
        %add3A_308 = arith.addf %add3A_222, %mul3A_307 : vector<16xf32>
        %add3A_309 = arith.constant 1 : i32
        %add3A_310 = arith.addi %mul3A_206, %add3A_309 : i32
        %get3A_311 = arith.constant 1 : i32
        %get3A_312 = arith.index_cast %add3A_310 : i32 to index
        %get3A_313 = arith.index_cast %get3A_311 : i32 to index
        %get3A_314 = arith.index_cast %mul3A_83 : i32 to index
        %get3A_315 = tpu.vector_load %arg6[%get3A_312, %get3A_313, %get3A_314] {strides = array<i32>} : memref<50x8x128xf32, #tpu.memory_space<vmem>>, vector<1x1x16xf32>,
        %get3A_316 = vector.shape_cast %get3A_315 : vector<1x1x16xf32> to vector<16xf32>
        %mul3A_317 = arith.mulf %get3A_316, %get3A_298 : vector<16xf32>
        %add3A_318 = arith.addf %add3A_232, %mul3A_317 : vector<16xf32>
        %add3A_319 = arith.constant 1 : i32
        %add3A_320 = arith.addi %mul3A_206, %add3A_319 : i32
        %get3A_321 = arith.constant 2 : i32
        %get3A_322 = arith.index_cast %add3A_320 : i32 to index
        %get3A_323 = arith.index_cast %get3A_321 : i32 to index
        %get3A_324 = arith.index_cast %mul3A_83 : i32 to index
        %get3A_325 = tpu.vector_load %arg6[%get3A_322, %get3A_323, %get3A_324] {strides = array<i32>} : memref<50x8x128xf32, #tpu.memory_space<vmem>>, vector<1x1x16xf32>,
        %get3A_326 = vector.shape_cast %get3A_325 : vector<1x1x16xf32> to vector<16xf32>
        %mul3A_327 = arith.mulf %get3A_326, %get3A_298 : vector<16xf32>
        %add3A_328 = arith.addf %add3A_242, %mul3A_327 : vector<16xf32>
        %add3A_329 = arith.constant 1 : i32
        %add3A_330 = arith.addi %mul3A_206, %add3A_329 : i32
        %get3A_331 = arith.constant 3 : i32
        %get3A_332 = arith.index_cast %add3A_330 : i32 to index
        %get3A_333 = arith.index_cast %get3A_331 : i32 to index
        %get3A_334 = arith.index_cast %mul3A_83 : i32 to index
        %get3A_335 = tpu.vector_load %arg6[%get3A_332, %get3A_333, %get3A_334] {strides = array<i32>} : memref<50x8x128xf32, #tpu.memory_space<vmem>>, vector<1x1x16xf32>,
        %get3A_336 = vector.shape_cast %get3A_335 : vector<1x1x16xf32> to vector<16xf32>
        %mul3A_337 = arith.mulf %get3A_336, %get3A_298 : vector<16xf32>
        %add3A_338 = arith.addf %add3A_252, %mul3A_337 : vector<16xf32>
        %add3A_339 = arith.constant 1 : i32
        %add3A_340 = arith.addi %mul3A_206, %add3A_339 : i32
        %get3A_341 = arith.constant 4 : i32
        %get3A_342 = arith.index_cast %add3A_340 : i32 to index
        %get3A_343 = arith.index_cast %get3A_341 : i32 to index
        %get3A_344 = arith.index_cast %mul3A_83 : i32 to index
        %get3A_345 = tpu.vector_load %arg6[%get3A_342, %get3A_343, %get3A_344] {strides = array<i32>} : memref<50x8x128xf32, #tpu.memory_space<vmem>>, vector<1x1x16xf32>,
        %get3A_346 = vector.shape_cast %get3A_345 : vector<1x1x16xf32> to vector<16xf32>
        %mul3A_347 = arith.mulf %get3A_346, %get3A_298 : vector<16xf32>
        %add3A_348 = arith.addf %add3A_262, %mul3A_347 : vector<16xf32>
        %add3A_349 = arith.constant 1 : i32
        %add3A_350 = arith.addi %mul3A_206, %add3A_349 : i32
        %get3A_351 = arith.constant 5 : i32
        %get3A_352 = arith.index_cast %add3A_350 : i32 to index
        %get3A_353 = arith.index_cast %get3A_351 : i32 to index
        %get3A_354 = arith.index_cast %mul3A_83 : i32 to index
        %get3A_355 = tpu.vector_load %arg6[%get3A_352, %get3A_353, %get3A_354] {strides = array<i32>} : memref<50x8x128xf32, #tpu.memory_space<vmem>>, vector<1x1x16xf32>,
        %get3A_356 = vector.shape_cast %get3A_355 : vector<1x1x16xf32> to vector<16xf32>
        %mul3A_357 = arith.mulf %get3A_356, %get3A_298 : vector<16xf32>
        %add3A_358 = arith.addf %add3A_272, %mul3A_357 : vector<16xf32>
        %add3A_359 = arith.constant 1 : i32
        %add3A_360 = arith.addi %mul3A_206, %add3A_359 : i32
        %get3A_361 = arith.constant 6 : i32
        %get3A_362 = arith.index_cast %add3A_360 : i32 to index
        %get3A_363 = arith.index_cast %get3A_361 : i32 to index
        %get3A_364 = arith.index_cast %mul3A_83 : i32 to index
        %get3A_365 = tpu.vector_load %arg6[%get3A_362, %get3A_363, %get3A_364] {strides = array<i32>} : memref<50x8x128xf32, #tpu.memory_space<vmem>>, vector<1x1x16xf32>,
        %get3A_366 = vector.shape_cast %get3A_365 : vector<1x1x16xf32> to vector<16xf32>
        %mul3A_367 = arith.mulf %get3A_366, %get3A_298 : vector<16xf32>
        %add3A_368 = arith.addf %add3A_282, %mul3A_367 : vector<16xf32>
        %add3A_369 = arith.constant 1 : i32
        %add3A_370 = arith.addi %mul3A_206, %add3A_369 : i32
        %get3A_371 = arith.constant 7 : i32
        %get3A_372 = arith.index_cast %add3A_370 : i32 to index
        %get3A_373 = arith.index_cast %get3A_371 : i32 to index
        %get3A_374 = arith.index_cast %mul3A_83 : i32 to index
        %get3A_375 = tpu.vector_load %arg6[%get3A_372, %get3A_373, %get3A_374] {strides = array<i32>} : memref<50x8x128xf32, #tpu.memory_space<vmem>>, vector<1x1x16xf32>,
        %get3A_376 = vector.shape_cast %get3A_375 : vector<1x1x16xf32> to vector<16xf32>
        %mul3A_377 = arith.mulf %get3A_376, %get3A_298 : vector<16xf32>
        %add3A_378 = arith.addf %add3A_292, %mul3A_377 : vector<16xf32>
        %add3A_379 = arith.constant 2 : i32
        %add3A_380 = arith.addi %mul3A_206, %add3A_379 : i32
        %get3A_381 = arith.index_cast %add3A_380 : i32 to index
        %get3A_382 = arith.constant 0 : index
        %get3A_383 = tpu.vector_load %arg10[%get3A_381, %get3A_382] {strides = array<i32>} : memref<64x16xf32, #tpu.memory_space<vmem>>, vector<1x16xf32>,
        %get3A_384 = vector.shape_cast %get3A_383 : vector<1x16xf32> to vector<16xf32>
        %add3A_385 = arith.constant 2 : i32
        %add3A_386 = arith.addi %mul3A_206, %add3A_385 : i32
        %get3A_387 = arith.constant 0 : i32
        %get3A_388 = arith.index_cast %add3A_386 : i32 to index
        %get3A_389 = arith.index_cast %get3A_387 : i32 to index
        %get3A_390 = arith.index_cast %mul3A_83 : i32 to index
        %get3A_391 = tpu.vector_load %arg6[%get3A_388, %get3A_389, %get3A_390] {strides = array<i32>} : memref<50x8x128xf32, #tpu.memory_space<vmem>>, vector<1x1x16xf32>,
        %get3A_392 = vector.shape_cast %get3A_391 : vector<1x1x16xf32> to vector<16xf32>
        %mul3A_393 = arith.mulf %get3A_392, %get3A_384 : vector<16xf32>
        %add3A_394 = arith.addf %add3A_308, %mul3A_393 : vector<16xf32>
        %add3A_395 = arith.constant 2 : i32
        %add3A_396 = arith.addi %mul3A_206, %add3A_395 : i32
        %get3A_397 = arith.constant 1 : i32
        %get3A_398 = arith.index_cast %add3A_396 : i32 to index
        %get3A_399 = arith.index_cast %get3A_397 : i32 to index
        %get3A_400 = arith.index_cast %mul3A_83 : i32 to index
        %get3A_401 = tpu.vector_load %arg6[%get3A_398, %get3A_399, %get3A_400] {strides = array<i32>} : memref<50x8x128xf32, #tpu.memory_space<vmem>>, vector<1x1x16xf32>,
        %get3A_402 = vector.shape_cast %get3A_401 : vector<1x1x16xf32> to vector<16xf32>
        %mul3A_403 = arith.mulf %get3A_402, %get3A_384 : vector<16xf32>
        %add3A_404 = arith.addf %add3A_318, %mul3A_403 : vector<16xf32>
        %add3A_405 = arith.constant 2 : i32
        %add3A_406 = arith.addi %mul3A_206, %add3A_405 : i32
        %get3A_407 = arith.constant 2 : i32
        %get3A_408 = arith.index_cast %add3A_406 : i32 to index
        %get3A_409 = arith.index_cast %get3A_407 : i32 to index
        %get3A_410 = arith.index_cast %mul3A_83 : i32 to index
        %get3A_411 = tpu.vector_load %arg6[%get3A_408, %get3A_409, %get3A_410] {strides = array<i32>} : memref<50x8x128xf32, #tpu.memory_space<vmem>>, vector<1x1x16xf32>,
        %get3A_412 = vector.shape_cast %get3A_411 : vector<1x1x16xf32> to vector<16xf32>
        %mul3A_413 = arith.mulf %get3A_412, %get3A_384 : vector<16xf32>
        %add3A_414 = arith.addf %add3A_328, %mul3A_413 : vector<16xf32>
        %add3A_415 = arith.constant 2 : i32
        %add3A_416 = arith.addi %mul3A_206, %add3A_415 : i32
        %get3A_417 = arith.constant 3 : i32
        %get3A_418 = arith.index_cast %add3A_416 : i32 to index
        %get3A_419 = arith.index_cast %get3A_417 : i32 to index
        %get3A_420 = arith.index_cast %mul3A_83 : i32 to index
        %get3A_421 = tpu.vector_load %arg6[%get3A_418, %get3A_419, %get3A_420] {strides = array<i32>} : memref<50x8x128xf32, #tpu.memory_space<vmem>>, vector<1x1x16xf32>,
        %get3A_422 = vector.shape_cast %get3A_421 : vector<1x1x16xf32> to vector<16xf32>
        %mul3A_423 = arith.mulf %get3A_422, %get3A_384 : vector<16xf32>
        %add3A_424 = arith.addf %add3A_338, %mul3A_423 : vector<16xf32>
        %add3A_425 = arith.constant 2 : i32
        %add3A_426 = arith.addi %mul3A_206, %add3A_425 : i32
        %get3A_427 = arith.constant 4 : i32
        %get3A_428 = arith.index_cast %add3A_426 : i32 to index
        %get3A_429 = arith.index_cast %get3A_427 : i32 to index
        %get3A_430 = arith.index_cast %mul3A_83 : i32 to index
        %get3A_431 = tpu.vector_load %arg6[%get3A_428, %get3A_429, %get3A_430] {strides = array<i32>} : memref<50x8x128xf32, #tpu.memory_space<vmem>>, vector<1x1x16xf32>,
        %get3A_432 = vector.shape_cast %get3A_431 : vector<1x1x16xf32> to vector<16xf32>
        %mul3A_433 = arith.mulf %get3A_432, %get3A_384 : vector<16xf32>
        %add3A_434 = arith.addf %add3A_348, %mul3A_433 : vector<16xf32>
        %add3A_435 = arith.constant 2 : i32
        %add3A_436 = arith.addi %mul3A_206, %add3A_435 : i32
        %get3A_437 = arith.constant 5 : i32
        %get3A_438 = arith.index_cast %add3A_436 : i32 to index
        %get3A_439 = arith.index_cast %get3A_437 : i32 to index
        %get3A_440 = arith.index_cast %mul3A_83 : i32 to index
        %get3A_441 = tpu.vector_load %arg6[%get3A_438, %get3A_439, %get3A_440] {strides = array<i32>} : memref<50x8x128xf32, #tpu.memory_space<vmem>>, vector<1x1x16xf32>,
        %get3A_442 = vector.shape_cast %get3A_441 : vector<1x1x16xf32> to vector<16xf32>
        %mul3A_443 = arith.mulf %get3A_442, %get3A_384 : vector<16xf32>
        %add3A_444 = arith.addf %add3A_358, %mul3A_443 : vector<16xf32>
        %add3A_445 = arith.constant 2 : i32
        %add3A_446 = arith.addi %mul3A_206, %add3A_445 : i32
        %get3A_447 = arith.constant 6 : i32
        %get3A_448 = arith.index_cast %add3A_446 : i32 to index
        %get3A_449 = arith.index_cast %get3A_447 : i32 to index
        %get3A_450 = arith.index_cast %mul3A_83 : i32 to index
        %get3A_451 = tpu.vector_load %arg6[%get3A_448, %get3A_449, %get3A_450] {strides = array<i32>} : memref<50x8x128xf32, #tpu.memory_space<vmem>>, vector<1x1x16xf32>,
        %get3A_452 = vector.shape_cast %get3A_451 : vector<1x1x16xf32> to vector<16xf32>
        %mul3A_453 = arith.mulf %get3A_452, %get3A_384 : vector<16xf32>
        %add3A_454 = arith.addf %add3A_368, %mul3A_453 : vector<16xf32>
        %add3A_455 = arith.constant 2 : i32
        %add3A_456 = arith.addi %mul3A_206, %add3A_455 : i32
        %get3A_457 = arith.constant 7 : i32
        %get3A_458 = arith.index_cast %add3A_456 : i32 to index
        %get3A_459 = arith.index_cast %get3A_457 : i32 to index
        %get3A_460 = arith.index_cast %mul3A_83 : i32 to index
        %get3A_461 = tpu.vector_load %arg6[%get3A_458, %get3A_459, %get3A_460] {strides = array<i32>} : memref<50x8x128xf32, #tpu.memory_space<vmem>>, vector<1x1x16xf32>,
        %get3A_462 = vector.shape_cast %get3A_461 : vector<1x1x16xf32> to vector<16xf32>
        %mul3A_463 = arith.mulf %get3A_462, %get3A_384 : vector<16xf32>
        %add3A_464 = arith.addf %add3A_378, %mul3A_463 : vector<16xf32>
        %add3A_465 = arith.constant 3 : i32
        %add3A_466 = arith.addi %mul3A_206, %add3A_465 : i32
        %get3A_467 = arith.index_cast %add3A_466 : i32 to index
        %get3A_468 = arith.constant 0 : index
        %get3A_469 = tpu.vector_load %arg10[%get3A_467, %get3A_468] {strides = array<i32>} : memref<64x16xf32, #tpu.memory_space<vmem>>, vector<1x16xf32>,
        %get3A_470 = vector.shape_cast %get3A_469 : vector<1x16xf32> to vector<16xf32>
        %add3A_471 = arith.constant 3 : i32
        %add3A_472 = arith.addi %mul3A_206, %add3A_471 : i32
        %get3A_473 = arith.constant 0 : i32
        %get3A_474 = arith.index_cast %add3A_472 : i32 to index
        %get3A_475 = arith.index_cast %get3A_473 : i32 to index
        %get3A_476 = arith.index_cast %mul3A_83 : i32 to index
        %get3A_477 = tpu.vector_load %arg6[%get3A_474, %get3A_475, %get3A_476] {strides = array<i32>} : memref<50x8x128xf32, #tpu.memory_space<vmem>>, vector<1x1x16xf32>,
        %get3A_478 = vector.shape_cast %get3A_477 : vector<1x1x16xf32> to vector<16xf32>
        %mul3A_479 = arith.mulf %get3A_478, %get3A_470 : vector<16xf32>
        %add3A_480 = arith.addf %add3A_394, %mul3A_479 : vector<16xf32>
        %add3A_481 = arith.constant 3 : i32
        %add3A_482 = arith.addi %mul3A_206, %add3A_481 : i32
        %get3A_483 = arith.constant 1 : i32
        %get3A_484 = arith.index_cast %add3A_482 : i32 to index
        %get3A_485 = arith.index_cast %get3A_483 : i32 to index
        %get3A_486 = arith.index_cast %mul3A_83 : i32 to index
        %get3A_487 = tpu.vector_load %arg6[%get3A_484, %get3A_485, %get3A_486] {strides = array<i32>} : memref<50x8x128xf32, #tpu.memory_space<vmem>>, vector<1x1x16xf32>,
        %get3A_488 = vector.shape_cast %get3A_487 : vector<1x1x16xf32> to vector<16xf32>
        %mul3A_489 = arith.mulf %get3A_488, %get3A_470 : vector<16xf32>
        %add3A_490 = arith.addf %add3A_404, %mul3A_489 : vector<16xf32>
        %add3A_491 = arith.constant 3 : i32
        %add3A_492 = arith.addi %mul3A_206, %add3A_491 : i32
        %get3A_493 = arith.constant 2 : i32
        %get3A_494 = arith.index_cast %add3A_492 : i32 to index
        %get3A_495 = arith.index_cast %get3A_493 : i32 to index
        %get3A_496 = arith.index_cast %mul3A_83 : i32 to index
        %get3A_497 = tpu.vector_load %arg6[%get3A_494, %get3A_495, %get3A_496] {strides = array<i32>} : memref<50x8x128xf32, #tpu.memory_space<vmem>>, vector<1x1x16xf32>,
        %get3A_498 = vector.shape_cast %get3A_497 : vector<1x1x16xf32> to vector<16xf32>
        %mul3A_499 = arith.mulf %get3A_498, %get3A_470 : vector<16xf32>
        %add3A_500 = arith.addf %add3A_414, %mul3A_499 : vector<16xf32>
        %add3A_501 = arith.constant 3 : i32
        %add3A_502 = arith.addi %mul3A_206, %add3A_501 : i32
        %get3A_503 = arith.constant 3 : i32
        %get3A_504 = arith.index_cast %add3A_502 : i32 to index
        %get3A_505 = arith.index_cast %get3A_503 : i32 to index
        %get3A_506 = arith.index_cast %mul3A_83 : i32 to index
        %get3A_507 = tpu.vector_load %arg6[%get3A_504, %get3A_505, %get3A_506] {strides = array<i32>} : memref<50x8x128xf32, #tpu.memory_space<vmem>>, vector<1x1x16xf32>,
        %get3A_508 = vector.shape_cast %get3A_507 : vector<1x1x16xf32> to vector<16xf32>
        %mul3A_509 = arith.mulf %get3A_508, %get3A_470 : vector<16xf32>
        %add3A_510 = arith.addf %add3A_424, %mul3A_509 : vector<16xf32>
        %add3A_511 = arith.constant 3 : i32
        %add3A_512 = arith.addi %mul3A_206, %add3A_511 : i32
        %get3A_513 = arith.constant 4 : i32
        %get3A_514 = arith.index_cast %add3A_512 : i32 to index
        %get3A_515 = arith.index_cast %get3A_513 : i32 to index
        %get3A_516 = arith.index_cast %mul3A_83 : i32 to index
        %get3A_517 = tpu.vector_load %arg6[%get3A_514, %get3A_515, %get3A_516] {strides = array<i32>} : memref<50x8x128xf32, #tpu.memory_space<vmem>>, vector<1x1x16xf32>,
        %get3A_518 = vector.shape_cast %get3A_517 : vector<1x1x16xf32> to vector<16xf32>
        %mul3A_519 = arith.mulf %get3A_518, %get3A_470 : vector<16xf32>
        %add3A_520 = arith.addf %add3A_434, %mul3A_519 : vector<16xf32>
        %add3A_521 = arith.constant 3 : i32
        %add3A_522 = arith.addi %mul3A_206, %add3A_521 : i32
        %get3A_523 = arith.constant 5 : i32
        %get3A_524 = arith.index_cast %add3A_522 : i32 to index
        %get3A_525 = arith.index_cast %get3A_523 : i32 to index
        %get3A_526 = arith.index_cast %mul3A_83 : i32 to index
        %get3A_527 = tpu.vector_load %arg6[%get3A_524, %get3A_525, %get3A_526] {strides = array<i32>} : memref<50x8x128xf32, #tpu.memory_space<vmem>>, vector<1x1x16xf32>,
        %get3A_528 = vector.shape_cast %get3A_527 : vector<1x1x16xf32> to vector<16xf32>
        %mul3A_529 = arith.mulf %get3A_528, %get3A_470 : vector<16xf32>
        %add3A_530 = arith.addf %add3A_444, %mul3A_529 : vector<16xf32>
        %add3A_531 = arith.constant 3 : i32
        %add3A_532 = arith.addi %mul3A_206, %add3A_531 : i32
        %get3A_533 = arith.constant 6 : i32
        %get3A_534 = arith.index_cast %add3A_532 : i32 to index
        %get3A_535 = arith.index_cast %get3A_533 : i32 to index
        %get3A_536 = arith.index_cast %mul3A_83 : i32 to index
        %get3A_537 = tpu.vector_load %arg6[%get3A_534, %get3A_535, %get3A_536] {strides = array<i32>} : memref<50x8x128xf32, #tpu.memory_space<vmem>>, vector<1x1x16xf32>,
        %get3A_538 = vector.shape_cast %get3A_537 : vector<1x1x16xf32> to vector<16xf32>
        %mul3A_539 = arith.mulf %get3A_538, %get3A_470 : vector<16xf32>
        %add3A_540 = arith.addf %add3A_454, %mul3A_539 : vector<16xf32>
        %add3A_541 = arith.constant 3 : i32
        %add3A_542 = arith.addi %mul3A_206, %add3A_541 : i32
        %get3A_543 = arith.constant 7 : i32
        %get3A_544 = arith.index_cast %add3A_542 : i32 to index
        %get3A_545 = arith.index_cast %get3A_543 : i32 to index
        %get3A_546 = arith.index_cast %mul3A_83 : i32 to index
        %get3A_547 = tpu.vector_load %arg6[%get3A_544, %get3A_545, %get3A_546] {strides = array<i32>} : memref<50x8x128xf32, #tpu.memory_space<vmem>>, vector<1x1x16xf32>,
        %get3A_548 = vector.shape_cast %get3A_547 : vector<1x1x16xf32> to vector<16xf32>
        %mul3A_549 = arith.mulf %get3A_548, %get3A_470 : vector<16xf32>
        %add3A_550 = arith.addf %add3A_464, %mul3A_549 : vector<16xf32>
        %add3A_551 = arith.constant 4 : i32
        %add3A_552 = arith.addi %mul3A_206, %add3A_551 : i32
        %get3A_553 = arith.index_cast %add3A_552 : i32 to index
        %get3A_554 = arith.constant 0 : index
        %get3A_555 = tpu.vector_load %arg10[%get3A_553, %get3A_554] {strides = array<i32>} : memref<64x16xf32, #tpu.memory_space<vmem>>, vector<1x16xf32>,
        %get3A_556 = vector.shape_cast %get3A_555 : vector<1x16xf32> to vector<16xf32>
        %add3A_557 = arith.constant 4 : i32
        %add3A_558 = arith.addi %mul3A_206, %add3A_557 : i32
        %get3A_559 = arith.constant 0 : i32
        %get3A_560 = arith.index_cast %add3A_558 : i32 to index
        %get3A_561 = arith.index_cast %get3A_559 : i32 to index
        %get3A_562 = arith.index_cast %mul3A_83 : i32 to index
        %get3A_563 = tpu.vector_load %arg6[%get3A_560, %get3A_561, %get3A_562] {strides = array<i32>} : memref<50x8x128xf32, #tpu.memory_space<vmem>>, vector<1x1x16xf32>,
        %get3A_564 = vector.shape_cast %get3A_563 : vector<1x1x16xf32> to vector<16xf32>
        %mul3A_565 = arith.mulf %get3A_564, %get3A_556 : vector<16xf32>
        %add3A_566 = arith.addf %add3A_480, %mul3A_565 : vector<16xf32>
        %add3A_567 = arith.constant 4 : i32
        %add3A_568 = arith.addi %mul3A_206, %add3A_567 : i32
        %get3A_569 = arith.constant 1 : i32
        %get3A_570 = arith.index_cast %add3A_568 : i32 to index
        %get3A_571 = arith.index_cast %get3A_569 : i32 to index
        %get3A_572 = arith.index_cast %mul3A_83 : i32 to index
        %get3A_573 = tpu.vector_load %arg6[%get3A_570, %get3A_571, %get3A_572] {strides = array<i32>} : memref<50x8x128xf32, #tpu.memory_space<vmem>>, vector<1x1x16xf32>,
        %get3A_574 = vector.shape_cast %get3A_573 : vector<1x1x16xf32> to vector<16xf32>
        %mul3A_575 = arith.mulf %get3A_574, %get3A_556 : vector<16xf32>
        %add3A_576 = arith.addf %add3A_490, %mul3A_575 : vector<16xf32>
        %add3A_577 = arith.constant 4 : i32
        %add3A_578 = arith.addi %mul3A_206, %add3A_577 : i32
        %get3A_579 = arith.constant 2 : i32
        %get3A_580 = arith.index_cast %add3A_578 : i32 to index
        %get3A_581 = arith.index_cast %get3A_579 : i32 to index
        %get3A_582 = arith.index_cast %mul3A_83 : i32 to index
        %get3A_583 = tpu.vector_load %arg6[%get3A_580, %get3A_581, %get3A_582] {strides = array<i32>} : memref<50x8x128xf32, #tpu.memory_space<vmem>>, vector<1x1x16xf32>,
        %get3A_584 = vector.shape_cast %get3A_583 : vector<1x1x16xf32> to vector<16xf32>
        %mul3A_585 = arith.mulf %get3A_584, %get3A_556 : vector<16xf32>
        %add3A_586 = arith.addf %add3A_500, %mul3A_585 : vector<16xf32>
        %add3A_587 = arith.constant 4 : i32
        %add3A_588 = arith.addi %mul3A_206, %add3A_587 : i32
        %get3A_589 = arith.constant 3 : i32
        %get3A_590 = arith.index_cast %add3A_588 : i32 to index
        %get3A_591 = arith.index_cast %get3A_589 : i32 to index
        %get3A_592 = arith.index_cast %mul3A_83 : i32 to index
        %get3A_593 = tpu.vector_load %arg6[%get3A_590, %get3A_591, %get3A_592] {strides = array<i32>} : memref<50x8x128xf32, #tpu.memory_space<vmem>>, vector<1x1x16xf32>,
        %get3A_594 = vector.shape_cast %get3A_593 : vector<1x1x16xf32> to vector<16xf32>
        %mul3A_595 = arith.mulf %get3A_594, %get3A_556 : vector<16xf32>
        %add3A_596 = arith.addf %add3A_510, %mul3A_595 : vector<16xf32>
        %add3A_597 = arith.constant 4 : i32
        %add3A_598 = arith.addi %mul3A_206, %add3A_597 : i32
        %get3A_599 = arith.constant 4 : i32
        %get3A_600 = arith.index_cast %add3A_598 : i32 to index
        %get3A_601 = arith.index_cast %get3A_599 : i32 to index
        %get3A_602 = arith.index_cast %mul3A_83 : i32 to index
        %get3A_603 = tpu.vector_load %arg6[%get3A_600, %get3A_601, %get3A_602] {strides = array<i32>} : memref<50x8x128xf32, #tpu.memory_space<vmem>>, vector<1x1x16xf32>,
        %get3A_604 = vector.shape_cast %get3A_603 : vector<1x1x16xf32> to vector<16xf32>
        %mul3A_605 = arith.mulf %get3A_604, %get3A_556 : vector<16xf32>
        %add3A_606 = arith.addf %add3A_520, %mul3A_605 : vector<16xf32>
        %add3A_607 = arith.constant 4 : i32
        %add3A_608 = arith.addi %mul3A_206, %add3A_607 : i32
        %get3A_609 = arith.constant 5 : i32
        %get3A_610 = arith.index_cast %add3A_608 : i32 to index
        %get3A_611 = arith.index_cast %get3A_609 : i32 to index
        %get3A_612 = arith.index_cast %mul3A_83 : i32 to index
        %get3A_613 = tpu.vector_load %arg6[%get3A_610, %get3A_611, %get3A_612] {strides = array<i32>} : memref<50x8x128xf32, #tpu.memory_space<vmem>>, vector<1x1x16xf32>,
        %get3A_614 = vector.shape_cast %get3A_613 : vector<1x1x16xf32> to vector<16xf32>
        %mul3A_615 = arith.mulf %get3A_614, %get3A_556 : vector<16xf32>
        %add3A_616 = arith.addf %add3A_530, %mul3A_615 : vector<16xf32>
        %add3A_617 = arith.constant 4 : i32
        %add3A_618 = arith.addi %mul3A_206, %add3A_617 : i32
        %get3A_619 = arith.constant 6 : i32
        %get3A_620 = arith.index_cast %add3A_618 : i32 to index
        %get3A_621 = arith.index_cast %get3A_619 : i32 to index
        %get3A_622 = arith.index_cast %mul3A_83 : i32 to index
        %get3A_623 = tpu.vector_load %arg6[%get3A_620, %get3A_621, %get3A_622] {strides = array<i32>} : memref<50x8x128xf32, #tpu.memory_space<vmem>>, vector<1x1x16xf32>,
        %get3A_624 = vector.shape_cast %get3A_623 : vector<1x1x16xf32> to vector<16xf32>
        %mul3A_625 = arith.mulf %get3A_624, %get3A_556 : vector<16xf32>
        %add3A_626 = arith.addf %add3A_540, %mul3A_625 : vector<16xf32>
        %add3A_627 = arith.constant 4 : i32
        %add3A_628 = arith.addi %mul3A_206, %add3A_627 : i32
        %get3A_629 = arith.constant 7 : i32
        %get3A_630 = arith.index_cast %add3A_628 : i32 to index
        %get3A_631 = arith.index_cast %get3A_629 : i32 to index
        %get3A_632 = arith.index_cast %mul3A_83 : i32 to index
        %get3A_633 = tpu.vector_load %arg6[%get3A_630, %get3A_631, %get3A_632] {strides = array<i32>} : memref<50x8x128xf32, #tpu.memory_space<vmem>>, vector<1x1x16xf32>,
        %get3A_634 = vector.shape_cast %get3A_633 : vector<1x1x16xf32> to vector<16xf32>
        %mul3A_635 = arith.mulf %get3A_634, %get3A_556 : vector<16xf32>
        %add3A_636 = arith.addf %add3A_550, %mul3A_635 : vector<16xf32>
        scf.yield %add3A_566, %add3A_576, %add3A_586, %add3A_596, %add3A_606, %add3A_616, %add3A_626, %add3A_636 : vector<16xf32>, vector<16xf32>, vector<16xf32>, vector<16xf32>, vector<16xf32>, vector<16xf32>, vector<16xf32>, vector<16xf32>
      }
      %scan3A_106 = arith.constant 10 : i32
      %add3A_107 = arith.addf %scan3A_105#0, %get3A_85 : vector<16xf32>
      %gt3A = arith.constant 0.000000e+00 : f32
      %gt3A_108 = vector.broadcast %gt3A : f32 to vector<16xf32>
      %gt3A_109 = arith.cmpf ogt, %add3A_107, %gt3A_108 : vector<16xf32>
      %mul3A_110 = arith.constant 2.000000e-01 : f32
      %mul3A_111 = vector.broadcast %mul3A_110 : f32 to vector<16xf32>
      %mul3A_112 = arith.mulf %mul3A_111, %add3A_107 : vector<16xf32>
      %select_n3A = arith.select %gt3A_109, %add3A_107, %mul3A_112 : vector<16xi1>, vector<16xf32>
      %exp3A = math.exp %select_n3A : vector<16xf32>
      %add3A_113 = arith.addf %scan3A_105#1, %get3A_85 : vector<16xf32>
      %gt3A_114 = arith.constant 0.000000e+00 : f32
      %gt3A_115 = vector.broadcast %gt3A_114 : f32 to vector<16xf32>
      %gt3A_116 = arith.cmpf ogt, %add3A_113, %gt3A_115 : vector<16xf32>
      %mul3A_117 = arith.constant 2.000000e-01 : f32
      %mul3A_118 = vector.broadcast %mul3A_117 : f32 to vector<16xf32>
      %mul3A_119 = arith.mulf %mul3A_118, %add3A_113 : vector<16xf32>
      %select_n3A_120 = arith.select %gt3A_116, %add3A_113, %mul3A_119 : vector<16xi1>, vector<16xf32>
      %exp3A_121 = math.exp %select_n3A_120 : vector<16xf32>
      %add3A_122 = arith.addf %scan3A_105#2, %get3A_85 : vector<16xf32>
      %gt3A_123 = arith.constant 0.000000e+00 : f32
      %gt3A_124 = vector.broadcast %gt3A_123 : f32 to vector<16xf32>
      %gt3A_125 = arith.cmpf ogt, %add3A_122, %gt3A_124 : vector<16xf32>
      %mul3A_126 = arith.constant 2.000000e-01 : f32
      %mul3A_127 = vector.broadcast %mul3A_126 : f32 to vector<16xf32>
      %mul3A_128 = arith.mulf %mul3A_127, %add3A_122 : vector<16xf32>
      %select_n3A_129 = arith.select %gt3A_125, %add3A_122, %mul3A_128 : vector<16xi1>, vector<16xf32>
      %exp3A_130 = math.exp %select_n3A_129 : vector<16xf32>
      %add3A_131 = arith.addf %scan3A_105#3, %get3A_85 : vector<16xf32>
      %gt3A_132 = arith.constant 0.000000e+00 : f32
      %gt3A_133 = vector.broadcast %gt3A_132 : f32 to vector<16xf32>
      %gt3A_134 = arith.cmpf ogt, %add3A_131, %gt3A_133 : vector<16xf32>
      %mul3A_135 = arith.constant 2.000000e-01 : f32
      %mul3A_136 = vector.broadcast %mul3A_135 : f32 to vector<16xf32>
      %mul3A_137 = arith.mulf %mul3A_136, %add3A_131 : vector<16xf32>
      %select_n3A_138 = arith.select %gt3A_134, %add3A_131, %mul3A_137 : vector<16xi1>, vector<16xf32>
      %exp3A_139 = math.exp %select_n3A_138 : vector<16xf32>
      %add3A_140 = arith.addf %scan3A_105#4, %get3A_85 : vector<16xf32>
      %gt3A_141 = arith.constant 0.000000e+00 : f32
      %gt3A_142 = vector.broadcast %gt3A_141 : f32 to vector<16xf32>
      %gt3A_143 = arith.cmpf ogt, %add3A_140, %gt3A_142 : vector<16xf32>
      %mul3A_144 = arith.constant 2.000000e-01 : f32
      %mul3A_145 = vector.broadcast %mul3A_144 : f32 to vector<16xf32>
      %mul3A_146 = arith.mulf %mul3A_145, %add3A_140 : vector<16xf32>
      %select_n3A_147 = arith.select %gt3A_143, %add3A_140, %mul3A_146 : vector<16xi1>, vector<16xf32>
      %exp3A_148 = math.exp %select_n3A_147 : vector<16xf32>
      %add3A_149 = arith.addf %scan3A_105#5, %get3A_85 : vector<16xf32>
      %gt3A_150 = arith.constant 0.000000e+00 : f32
      %gt3A_151 = vector.broadcast %gt3A_150 : f32 to vector<16xf32>
      %gt3A_152 = arith.cmpf ogt, %add3A_149, %gt3A_151 : vector<16xf32>
      %mul3A_153 = arith.constant 2.000000e-01 : f32
      %mul3A_154 = vector.broadcast %mul3A_153 : f32 to vector<16xf32>
      %mul3A_155 = arith.mulf %mul3A_154, %add3A_149 : vector<16xf32>
      %select_n3A_156 = arith.select %gt3A_152, %add3A_149, %mul3A_155 : vector<16xi1>, vector<16xf32>
      %exp3A_157 = math.exp %select_n3A_156 : vector<16xf32>
      %add3A_158 = arith.addf %scan3A_105#6, %get3A_85 : vector<16xf32>
      %gt3A_159 = arith.constant 0.000000e+00 : f32
      %gt3A_160 = vector.broadcast %gt3A_159 : f32 to vector<16xf32>
      %gt3A_161 = arith.cmpf ogt, %add3A_158, %gt3A_160 : vector<16xf32>
      %mul3A_162 = arith.constant 2.000000e-01 : f32
      %mul3A_163 = vector.broadcast %mul3A_162 : f32 to vector<16xf32>
      %mul3A_164 = arith.mulf %mul3A_163, %add3A_158 : vector<16xf32>
      %select_n3A_165 = arith.select %gt3A_161, %add3A_158, %mul3A_164 : vector<16xi1>, vector<16xf32>
      %exp3A_166 = math.exp %select_n3A_165 : vector<16xf32>
      %add3A_167 = arith.addf %scan3A_105#7, %get3A_85 : vector<16xf32>
      %gt3A_168 = arith.constant 0.000000e+00 : f32
      %gt3A_169 = vector.broadcast %gt3A_168 : f32 to vector<16xf32>
      %gt3A_170 = arith.cmpf ogt, %add3A_167, %gt3A_169 : vector<16xf32>
      %mul3A_171 = arith.constant 2.000000e-01 : f32
      %mul3A_172 = vector.broadcast %mul3A_171 : f32 to vector<16xf32>
      %mul3A_173 = arith.mulf %mul3A_172, %add3A_167 : vector<16xf32>
      %select_n3A_174 = arith.select %gt3A_170, %add3A_167, %mul3A_173 : vector<16xi1>, vector<16xf32>
      %exp3A_175 = math.exp %select_n3A_174 : vector<16xf32>
      %add3A_176 = arith.addf %exp3A, %exp3A_121 : vector<16xf32>
      %add3A_177 = arith.addf %add3A_176, %exp3A_130 : vector<16xf32>
      %add3A_178 = arith.addf %add3A_177, %exp3A_139 : vector<16xf32>
      %add3A_179 = arith.addf %add3A_178, %exp3A_148 : vector<16xf32>
      %add3A_180 = arith.addf %add3A_179, %exp3A_157 : vector<16xf32>
      %add3A_181 = arith.addf %add3A_180, %exp3A_166 : vector<16xf32>
      %add3A_182 = arith.addf %add3A_181, %exp3A_175 : vector<16xf32>
      %swap3A = arith.constant 63 : i32
      %swap3A_183 = arith.index_cast %swap3A : i32 to index
      %swap3A_184 = arith.index_cast %mul3A_83 : i32 to index
      %swap3A_185 = tpu.vector_load %arg8[%swap3A_183, %swap3A_184] {strides = array<i32>} : memref<64x128xf32, #tpu.memory_space<vmem>>, vector<1x16xf32>,
      %swap3A_186 = vector.shape_cast %swap3A_185 : vector<1x16xf32> to vector<16xf32>
      %swap3A_187 = vector.shape_cast %add3A_182 : vector<16xf32> to vector<1x16xf32>
      tpu.vector_store %arg8[%swap3A_183, %swap3A_184], %swap3A_187 {strides = array<i32>} : memref<64x128xf32, #tpu.memory_space<vmem>>, vector<1x16xf32>,
      %scan3A_188 = arith.constant 0 : i32
      %scan3A_189 = arith.constant 0 : i32
      %scan3A_190 = arith.constant 10 : i32
      %scan3A_191 = arith.addi %scan3A_189, %scan3A_190 : i32
      %scan3A_192 = arith.constant 1 : i32
      %scan3A_193 = scf.for %scan3A_196 = %scan3A_189 to %scan3A_191 step %scan3A_192 iter_args(%scan3A_197 = %scan3A_188) -> (i32)  : i32 {
        %mul3A_198 = arith.constant 5 : i32
        %mul3A_199 = arith.muli %scan3A_196, %mul3A_198 : i32
        %add3A_200 = arith.constant 0 : i32
        %add3A_201 = arith.addi %mul3A_199, %add3A_200 : i32
        %get3A_202 = arith.constant 0 : i32
        %get3A_203 = arith.index_cast %add3A_201 : i32 to index
        %get3A_204 = arith.index_cast %get3A_202 : i32 to index
        %get3A_205 = arith.index_cast %mul3A_83 : i32 to index
        %get3A_206 = tpu.vector_load %arg6[%get3A_203, %get3A_204, %get3A_205] {strides = array<i32>} : memref<50x8x128xf32, #tpu.memory_space<vmem>>, vector<1x1x16xf32>,
        %get3A_207 = vector.shape_cast %get3A_206 : vector<1x1x16xf32> to vector<16xf32>
        %mul3A_208 = arith.mulf %exp3A, %get3A_207 : vector<16xf32>
        %add3A_209 = arith.constant 0 : i32
        %add3A_210 = arith.addi %mul3A_199, %add3A_209 : i32
        %get3A_211 = arith.constant 1 : i32
        %get3A_212 = arith.index_cast %add3A_210 : i32 to index
        %get3A_213 = arith.index_cast %get3A_211 : i32 to index
        %get3A_214 = arith.index_cast %mul3A_83 : i32 to index
        %get3A_215 = tpu.vector_load %arg6[%get3A_212, %get3A_213, %get3A_214] {strides = array<i32>} : memref<50x8x128xf32, #tpu.memory_space<vmem>>, vector<1x1x16xf32>,
        %get3A_216 = vector.shape_cast %get3A_215 : vector<1x1x16xf32> to vector<16xf32>
        %mul3A_217 = arith.mulf %exp3A_121, %get3A_216 : vector<16xf32>
        %add3A_218 = arith.addf %mul3A_208, %mul3A_217 : vector<16xf32>
        %add3A_219 = arith.constant 0 : i32
        %add3A_220 = arith.addi %mul3A_199, %add3A_219 : i32
        %get3A_221 = arith.constant 2 : i32
        %get3A_222 = arith.index_cast %add3A_220 : i32 to index
        %get3A_223 = arith.index_cast %get3A_221 : i32 to index
        %get3A_224 = arith.index_cast %mul3A_83 : i32 to index
        %get3A_225 = tpu.vector_load %arg6[%get3A_222, %get3A_223, %get3A_224] {strides = array<i32>} : memref<50x8x128xf32, #tpu.memory_space<vmem>>, vector<1x1x16xf32>,
        %get3A_226 = vector.shape_cast %get3A_225 : vector<1x1x16xf32> to vector<16xf32>
        %mul3A_227 = arith.mulf %exp3A_130, %get3A_226 : vector<16xf32>
        %add3A_228 = arith.addf %add3A_218, %mul3A_227 : vector<16xf32>
        %add3A_229 = arith.constant 0 : i32
        %add3A_230 = arith.addi %mul3A_199, %add3A_229 : i32
        %get3A_231 = arith.constant 3 : i32
        %get3A_232 = arith.index_cast %add3A_230 : i32 to index
        %get3A_233 = arith.index_cast %get3A_231 : i32 to index
        %get3A_234 = arith.index_cast %mul3A_83 : i32 to index
        %get3A_235 = tpu.vector_load %arg6[%get3A_232, %get3A_233, %get3A_234] {strides = array<i32>} : memref<50x8x128xf32, #tpu.memory_space<vmem>>, vector<1x1x16xf32>,
        %get3A_236 = vector.shape_cast %get3A_235 : vector<1x1x16xf32> to vector<16xf32>
        %mul3A_237 = arith.mulf %exp3A_139, %get3A_236 : vector<16xf32>
        %add3A_238 = arith.addf %add3A_228, %mul3A_237 : vector<16xf32>
        %add3A_239 = arith.constant 0 : i32
        %add3A_240 = arith.addi %mul3A_199, %add3A_239 : i32
        %get3A_241 = arith.constant 4 : i32
        %get3A_242 = arith.index_cast %add3A_240 : i32 to index
        %get3A_243 = arith.index_cast %get3A_241 : i32 to index
        %get3A_244 = arith.index_cast %mul3A_83 : i32 to index
        %get3A_245 = tpu.vector_load %arg6[%get3A_242, %get3A_243, %get3A_244] {strides = array<i32>} : memref<50x8x128xf32, #tpu.memory_space<vmem>>, vector<1x1x16xf32>,
        %get3A_246 = vector.shape_cast %get3A_245 : vector<1x1x16xf32> to vector<16xf32>
        %mul3A_247 = arith.mulf %exp3A_148, %get3A_246 : vector<16xf32>
        %add3A_248 = arith.addf %add3A_238, %mul3A_247 : vector<16xf32>
        %add3A_249 = arith.constant 0 : i32
        %add3A_250 = arith.addi %mul3A_199, %add3A_249 : i32
        %get3A_251 = arith.constant 5 : i32
        %get3A_252 = arith.index_cast %add3A_250 : i32 to index
        %get3A_253 = arith.index_cast %get3A_251 : i32 to index
        %get3A_254 = arith.index_cast %mul3A_83 : i32 to index
        %get3A_255 = tpu.vector_load %arg6[%get3A_252, %get3A_253, %get3A_254] {strides = array<i32>} : memref<50x8x128xf32, #tpu.memory_space<vmem>>, vector<1x1x16xf32>,
        %get3A_256 = vector.shape_cast %get3A_255 : vector<1x1x16xf32> to vector<16xf32>
        %mul3A_257 = arith.mulf %exp3A_157, %get3A_256 : vector<16xf32>
        %add3A_258 = arith.addf %add3A_248, %mul3A_257 : vector<16xf32>
        %add3A_259 = arith.constant 0 : i32
        %add3A_260 = arith.addi %mul3A_199, %add3A_259 : i32
        %get3A_261 = arith.constant 6 : i32
        %get3A_262 = arith.index_cast %add3A_260 : i32 to index
        %get3A_263 = arith.index_cast %get3A_261 : i32 to index
        %get3A_264 = arith.index_cast %mul3A_83 : i32 to index
        %get3A_265 = tpu.vector_load %arg6[%get3A_262, %get3A_263, %get3A_264] {strides = array<i32>} : memref<50x8x128xf32, #tpu.memory_space<vmem>>, vector<1x1x16xf32>,
        %get3A_266 = vector.shape_cast %get3A_265 : vector<1x1x16xf32> to vector<16xf32>
        %mul3A_267 = arith.mulf %exp3A_166, %get3A_266 : vector<16xf32>
        %add3A_268 = arith.addf %add3A_258, %mul3A_267 : vector<16xf32>
        %add3A_269 = arith.constant 0 : i32
        %add3A_270 = arith.addi %mul3A_199, %add3A_269 : i32
        %get3A_271 = arith.constant 7 : i32
        %get3A_272 = arith.index_cast %add3A_270 : i32 to index
        %get3A_273 = arith.index_cast %get3A_271 : i32 to index
        %get3A_274 = arith.index_cast %mul3A_83 : i32 to index
        %get3A_275 = tpu.vector_load %arg6[%get3A_272, %get3A_273, %get3A_274] {strides = array<i32>} : memref<50x8x128xf32, #tpu.memory_space<vmem>>, vector<1x1x16xf32>,
        %get3A_276 = vector.shape_cast %get3A_275 : vector<1x1x16xf32> to vector<16xf32>
        %mul3A_277 = arith.mulf %exp3A_175, %get3A_276 : vector<16xf32>
        %add3A_278 = arith.addf %add3A_268, %mul3A_277 : vector<16xf32>
        %add3A_279 = arith.constant 0 : i32
        %add3A_280 = arith.addi %mul3A_199, %add3A_279 : i32
        %swap3A_281 = arith.index_cast %add3A_280 : i32 to index
        %swap3A_282 = arith.index_cast %mul3A_83 : i32 to index
        %swap3A_283 = tpu.vector_load %arg8[%swap3A_281, %swap3A_282] {strides = array<i32>} : memref<64x128xf32, #tpu.memory_space<vmem>>, vector<1x16xf32>,
        %swap3A_284 = vector.shape_cast %swap3A_283 : vector<1x16xf32> to vector<16xf32>
        %swap3A_285 = vector.shape_cast %add3A_278 : vector<16xf32> to vector<1x16xf32>
        tpu.vector_store %arg8[%swap3A_281, %swap3A_282], %swap3A_285 {strides = array<i32>} : memref<64x128xf32, #tpu.memory_space<vmem>>, vector<1x16xf32>,
        %add3A_286 = arith.constant 1 : i32
        %add3A_287 = arith.addi %mul3A_199, %add3A_286 : i32
        %get3A_288 = arith.constant 0 : i32
        %get3A_289 = arith.index_cast %add3A_287 : i32 to index
        %get3A_290 = arith.index_cast %get3A_288 : i32 to index
        %get3A_291 = arith.index_cast %mul3A_83 : i32 to index
        %get3A_292 = tpu.vector_load %arg6[%get3A_289, %get3A_290, %get3A_291] {strides = array<i32>} : memref<50x8x128xf32, #tpu.memory_space<vmem>>, vector<1x1x16xf32>,
        %get3A_293 = vector.shape_cast %get3A_292 : vector<1x1x16xf32> to vector<16xf32>
        %mul3A_294 = arith.mulf %exp3A, %get3A_293 : vector<16xf32>
        %add3A_295 = arith.constant 1 : i32
        %add3A_296 = arith.addi %mul3A_199, %add3A_295 : i32
        %get3A_297 = arith.constant 1 : i32
        %get3A_298 = arith.index_cast %add3A_296 : i32 to index
        %get3A_299 = arith.index_cast %get3A_297 : i32 to index
        %get3A_300 = arith.index_cast %mul3A_83 : i32 to index
        %get3A_301 = tpu.vector_load %arg6[%get3A_298, %get3A_299, %get3A_300] {strides = array<i32>} : memref<50x8x128xf32, #tpu.memory_space<vmem>>, vector<1x1x16xf32>,
        %get3A_302 = vector.shape_cast %get3A_301 : vector<1x1x16xf32> to vector<16xf32>
        %mul3A_303 = arith.mulf %exp3A_121, %get3A_302 : vector<16xf32>
        %add3A_304 = arith.addf %mul3A_294, %mul3A_303 : vector<16xf32>
        %add3A_305 = arith.constant 1 : i32
        %add3A_306 = arith.addi %mul3A_199, %add3A_305 : i32
        %get3A_307 = arith.constant 2 : i32
        %get3A_308 = arith.index_cast %add3A_306 : i32 to index
        %get3A_309 = arith.index_cast %get3A_307 : i32 to index
        %get3A_310 = arith.index_cast %mul3A_83 : i32 to index
        %get3A_311 = tpu.vector_load %arg6[%get3A_308, %get3A_309, %get3A_310] {strides = array<i32>} : memref<50x8x128xf32, #tpu.memory_space<vmem>>, vector<1x1x16xf32>,
        %get3A_312 = vector.shape_cast %get3A_311 : vector<1x1x16xf32> to vector<16xf32>
        %mul3A_313 = arith.mulf %exp3A_130, %get3A_312 : vector<16xf32>
        %add3A_314 = arith.addf %add3A_304, %mul3A_313 : vector<16xf32>
        %add3A_315 = arith.constant 1 : i32
        %add3A_316 = arith.addi %mul3A_199, %add3A_315 : i32
        %get3A_317 = arith.constant 3 : i32
        %get3A_318 = arith.index_cast %add3A_316 : i32 to index
        %get3A_319 = arith.index_cast %get3A_317 : i32 to index
        %get3A_320 = arith.index_cast %mul3A_83 : i32 to index
        %get3A_321 = tpu.vector_load %arg6[%get3A_318, %get3A_319, %get3A_320] {strides = array<i32>} : memref<50x8x128xf32, #tpu.memory_space<vmem>>, vector<1x1x16xf32>,
        %get3A_322 = vector.shape_cast %get3A_321 : vector<1x1x16xf32> to vector<16xf32>
        %mul3A_323 = arith.mulf %exp3A_139, %get3A_322 : vector<16xf32>
        %add3A_324 = arith.addf %add3A_314, %mul3A_323 : vector<16xf32>
        %add3A_325 = arith.constant 1 : i32
        %add3A_326 = arith.addi %mul3A_199, %add3A_325 : i32
        %get3A_327 = arith.constant 4 : i32
        %get3A_328 = arith.index_cast %add3A_326 : i32 to index
        %get3A_329 = arith.index_cast %get3A_327 : i32 to index
        %get3A_330 = arith.index_cast %mul3A_83 : i32 to index
        %get3A_331 = tpu.vector_load %arg6[%get3A_328, %get3A_329, %get3A_330] {strides = array<i32>} : memref<50x8x128xf32, #tpu.memory_space<vmem>>, vector<1x1x16xf32>,
        %get3A_332 = vector.shape_cast %get3A_331 : vector<1x1x16xf32> to vector<16xf32>
        %mul3A_333 = arith.mulf %exp3A_148, %get3A_332 : vector<16xf32>
        %add3A_334 = arith.addf %add3A_324, %mul3A_333 : vector<16xf32>
        %add3A_335 = arith.constant 1 : i32
        %add3A_336 = arith.addi %mul3A_199, %add3A_335 : i32
        %get3A_337 = arith.constant 5 : i32
        %get3A_338 = arith.index_cast %add3A_336 : i32 to index
        %get3A_339 = arith.index_cast %get3A_337 : i32 to index
        %get3A_340 = arith.index_cast %mul3A_83 : i32 to index
        %get3A_341 = tpu.vector_load %arg6[%get3A_338, %get3A_339, %get3A_340] {strides = array<i32>} : memref<50x8x128xf32, #tpu.memory_space<vmem>>, vector<1x1x16xf32>,
        %get3A_342 = vector.shape_cast %get3A_341 : vector<1x1x16xf32> to vector<16xf32>
        %mul3A_343 = arith.mulf %exp3A_157, %get3A_342 : vector<16xf32>
        %add3A_344 = arith.addf %add3A_334, %mul3A_343 : vector<16xf32>
        %add3A_345 = arith.constant 1 : i32
        %add3A_346 = arith.addi %mul3A_199, %add3A_345 : i32
        %get3A_347 = arith.constant 6 : i32
        %get3A_348 = arith.index_cast %add3A_346 : i32 to index
        %get3A_349 = arith.index_cast %get3A_347 : i32 to index
        %get3A_350 = arith.index_cast %mul3A_83 : i32 to index
        %get3A_351 = tpu.vector_load %arg6[%get3A_348, %get3A_349, %get3A_350] {strides = array<i32>} : memref<50x8x128xf32, #tpu.memory_space<vmem>>, vector<1x1x16xf32>,
        %get3A_352 = vector.shape_cast %get3A_351 : vector<1x1x16xf32> to vector<16xf32>
        %mul3A_353 = arith.mulf %exp3A_166, %get3A_352 : vector<16xf32>
        %add3A_354 = arith.addf %add3A_344, %mul3A_353 : vector<16xf32>
        %add3A_355 = arith.constant 1 : i32
        %add3A_356 = arith.addi %mul3A_199, %add3A_355 : i32
        %get3A_357 = arith.constant 7 : i32
        %get3A_358 = arith.index_cast %add3A_356 : i32 to index
        %get3A_359 = arith.index_cast %get3A_357 : i32 to index
        %get3A_360 = arith.index_cast %mul3A_83 : i32 to index
        %get3A_361 = tpu.vector_load %arg6[%get3A_358, %get3A_359, %get3A_360] {strides = array<i32>} : memref<50x8x128xf32, #tpu.memory_space<vmem>>, vector<1x1x16xf32>,
        %get3A_362 = vector.shape_cast %get3A_361 : vector<1x1x16xf32> to vector<16xf32>
        %mul3A_363 = arith.mulf %exp3A_175, %get3A_362 : vector<16xf32>
        %add3A_364 = arith.addf %add3A_354, %mul3A_363 : vector<16xf32>
        %add3A_365 = arith.constant 1 : i32
        %add3A_366 = arith.addi %mul3A_199, %add3A_365 : i32
        %swap3A_367 = arith.index_cast %add3A_366 : i32 to index
        %swap3A_368 = arith.index_cast %mul3A_83 : i32 to index
        %swap3A_369 = tpu.vector_load %arg8[%swap3A_367, %swap3A_368] {strides = array<i32>} : memref<64x128xf32, #tpu.memory_space<vmem>>, vector<1x16xf32>,
        %swap3A_370 = vector.shape_cast %swap3A_369 : vector<1x16xf32> to vector<16xf32>
        %swap3A_371 = vector.shape_cast %add3A_364 : vector<16xf32> to vector<1x16xf32>
        tpu.vector_store %arg8[%swap3A_367, %swap3A_368], %swap3A_371 {strides = array<i32>} : memref<64x128xf32, #tpu.memory_space<vmem>>, vector<1x16xf32>,
        %add3A_372 = arith.constant 2 : i32
        %add3A_373 = arith.addi %mul3A_199, %add3A_372 : i32
        %get3A_374 = arith.constant 0 : i32
        %get3A_375 = arith.index_cast %add3A_373 : i32 to index
        %get3A_376 = arith.index_cast %get3A_374 : i32 to index
        %get3A_377 = arith.index_cast %mul3A_83 : i32 to index
        %get3A_378 = tpu.vector_load %arg6[%get3A_375, %get3A_376, %get3A_377] {strides = array<i32>} : memref<50x8x128xf32, #tpu.memory_space<vmem>>, vector<1x1x16xf32>,
        %get3A_379 = vector.shape_cast %get3A_378 : vector<1x1x16xf32> to vector<16xf32>
        %mul3A_380 = arith.mulf %exp3A, %get3A_379 : vector<16xf32>
        %add3A_381 = arith.constant 2 : i32
        %add3A_382 = arith.addi %mul3A_199, %add3A_381 : i32
        %get3A_383 = arith.constant 1 : i32
        %get3A_384 = arith.index_cast %add3A_382 : i32 to index
        %get3A_385 = arith.index_cast %get3A_383 : i32 to index
        %get3A_386 = arith.index_cast %mul3A_83 : i32 to index
        %get3A_387 = tpu.vector_load %arg6[%get3A_384, %get3A_385, %get3A_386] {strides = array<i32>} : memref<50x8x128xf32, #tpu.memory_space<vmem>>, vector<1x1x16xf32>,
        %get3A_388 = vector.shape_cast %get3A_387 : vector<1x1x16xf32> to vector<16xf32>
        %mul3A_389 = arith.mulf %exp3A_121, %get3A_388 : vector<16xf32>
        %add3A_390 = arith.addf %mul3A_380, %mul3A_389 : vector<16xf32>
        %add3A_391 = arith.constant 2 : i32
        %add3A_392 = arith.addi %mul3A_199, %add3A_391 : i32
        %get3A_393 = arith.constant 2 : i32
        %get3A_394 = arith.index_cast %add3A_392 : i32 to index
        %get3A_395 = arith.index_cast %get3A_393 : i32 to index
        %get3A_396 = arith.index_cast %mul3A_83 : i32 to index
        %get3A_397 = tpu.vector_load %arg6[%get3A_394, %get3A_395, %get3A_396] {strides = array<i32>} : memref<50x8x128xf32, #tpu.memory_space<vmem>>, vector<1x1x16xf32>,
        %get3A_398 = vector.shape_cast %get3A_397 : vector<1x1x16xf32> to vector<16xf32>
        %mul3A_399 = arith.mulf %exp3A_130, %get3A_398 : vector<16xf32>
        %add3A_400 = arith.addf %add3A_390, %mul3A_399 : vector<16xf32>
        %add3A_401 = arith.constant 2 : i32
        %add3A_402 = arith.addi %mul3A_199, %add3A_401 : i32
        %get3A_403 = arith.constant 3 : i32
        %get3A_404 = arith.index_cast %add3A_402 : i32 to index
        %get3A_405 = arith.index_cast %get3A_403 : i32 to index
        %get3A_406 = arith.index_cast %mul3A_83 : i32 to index
        %get3A_407 = tpu.vector_load %arg6[%get3A_404, %get3A_405, %get3A_406] {strides = array<i32>} : memref<50x8x128xf32, #tpu.memory_space<vmem>>, vector<1x1x16xf32>,
        %get3A_408 = vector.shape_cast %get3A_407 : vector<1x1x16xf32> to vector<16xf32>
        %mul3A_409 = arith.mulf %exp3A_139, %get3A_408 : vector<16xf32>
        %add3A_410 = arith.addf %add3A_400, %mul3A_409 : vector<16xf32>
        %add3A_411 = arith.constant 2 : i32
        %add3A_412 = arith.addi %mul3A_199, %add3A_411 : i32
        %get3A_413 = arith.constant 4 : i32
        %get3A_414 = arith.index_cast %add3A_412 : i32 to index
        %get3A_415 = arith.index_cast %get3A_413 : i32 to index
        %get3A_416 = arith.index_cast %mul3A_83 : i32 to index
        %get3A_417 = tpu.vector_load %arg6[%get3A_414, %get3A_415, %get3A_416] {strides = array<i32>} : memref<50x8x128xf32, #tpu.memory_space<vmem>>, vector<1x1x16xf32>,
        %get3A_418 = vector.shape_cast %get3A_417 : vector<1x1x16xf32> to vector<16xf32>
        %mul3A_419 = arith.mulf %exp3A_148, %get3A_418 : vector<16xf32>
        %add3A_420 = arith.addf %add3A_410, %mul3A_419 : vector<16xf32>
        %add3A_421 = arith.constant 2 : i32
        %add3A_422 = arith.addi %mul3A_199, %add3A_421 : i32
        %get3A_423 = arith.constant 5 : i32
        %get3A_424 = arith.index_cast %add3A_422 : i32 to index
        %get3A_425 = arith.index_cast %get3A_423 : i32 to index
        %get3A_426 = arith.index_cast %mul3A_83 : i32 to index
        %get3A_427 = tpu.vector_load %arg6[%get3A_424, %get3A_425, %get3A_426] {strides = array<i32>} : memref<50x8x128xf32, #tpu.memory_space<vmem>>, vector<1x1x16xf32>,
        %get3A_428 = vector.shape_cast %get3A_427 : vector<1x1x16xf32> to vector<16xf32>
        %mul3A_429 = arith.mulf %exp3A_157, %get3A_428 : vector<16xf32>
        %add3A_430 = arith.addf %add3A_420, %mul3A_429 : vector<16xf32>
        %add3A_431 = arith.constant 2 : i32
        %add3A_432 = arith.addi %mul3A_199, %add3A_431 : i32
        %get3A_433 = arith.constant 6 : i32
        %get3A_434 = arith.index_cast %add3A_432 : i32 to index
        %get3A_435 = arith.index_cast %get3A_433 : i32 to index
        %get3A_436 = arith.index_cast %mul3A_83 : i32 to index
        %get3A_437 = tpu.vector_load %arg6[%get3A_434, %get3A_435, %get3A_436] {strides = array<i32>} : memref<50x8x128xf32, #tpu.memory_space<vmem>>, vector<1x1x16xf32>,
        %get3A_438 = vector.shape_cast %get3A_437 : vector<1x1x16xf32> to vector<16xf32>
        %mul3A_439 = arith.mulf %exp3A_166, %get3A_438 : vector<16xf32>
        %add3A_440 = arith.addf %add3A_430, %mul3A_439 : vector<16xf32>
        %add3A_441 = arith.constant 2 : i32
        %add3A_442 = arith.addi %mul3A_199, %add3A_441 : i32
        %get3A_443 = arith.constant 7 : i32
        %get3A_444 = arith.index_cast %add3A_442 : i32 to index
        %get3A_445 = arith.index_cast %get3A_443 : i32 to index
        %get3A_446 = arith.index_cast %mul3A_83 : i32 to index
        %get3A_447 = tpu.vector_load %arg6[%get3A_444, %get3A_445, %get3A_446] {strides = array<i32>} : memref<50x8x128xf32, #tpu.memory_space<vmem>>, vector<1x1x16xf32>,
        %get3A_448 = vector.shape_cast %get3A_447 : vector<1x1x16xf32> to vector<16xf32>
        %mul3A_449 = arith.mulf %exp3A_175, %get3A_448 : vector<16xf32>
        %add3A_450 = arith.addf %add3A_440, %mul3A_449 : vector<16xf32>
        %add3A_451 = arith.constant 2 : i32
        %add3A_452 = arith.addi %mul3A_199, %add3A_451 : i32
        %swap3A_453 = arith.index_cast %add3A_452 : i32 to index
        %swap3A_454 = arith.index_cast %mul3A_83 : i32 to index
        %swap3A_455 = tpu.vector_load %arg8[%swap3A_453, %swap3A_454] {strides = array<i32>} : memref<64x128xf32, #tpu.memory_space<vmem>>, vector<1x16xf32>,
        %swap3A_456 = vector.shape_cast %swap3A_455 : vector<1x16xf32> to vector<16xf32>
        %swap3A_457 = vector.shape_cast %add3A_450 : vector<16xf32> to vector<1x16xf32>
        tpu.vector_store %arg8[%swap3A_453, %swap3A_454], %swap3A_457 {strides = array<i32>} : memref<64x128xf32, #tpu.memory_space<vmem>>, vector<1x16xf32>,
        %add3A_458 = arith.constant 3 : i32
        %add3A_459 = arith.addi %mul3A_199, %add3A_458 : i32
        %get3A_460 = arith.constant 0 : i32
        %get3A_461 = arith.index_cast %add3A_459 : i32 to index
        %get3A_462 = arith.index_cast %get3A_460 : i32 to index
        %get3A_463 = arith.index_cast %mul3A_83 : i32 to index
        %get3A_464 = tpu.vector_load %arg6[%get3A_461, %get3A_462, %get3A_463] {strides = array<i32>} : memref<50x8x128xf32, #tpu.memory_space<vmem>>, vector<1x1x16xf32>,
        %get3A_465 = vector.shape_cast %get3A_464 : vector<1x1x16xf32> to vector<16xf32>
        %mul3A_466 = arith.mulf %exp3A, %get3A_465 : vector<16xf32>
        %add3A_467 = arith.constant 3 : i32
        %add3A_468 = arith.addi %mul3A_199, %add3A_467 : i32
        %get3A_469 = arith.constant 1 : i32
        %get3A_470 = arith.index_cast %add3A_468 : i32 to index
        %get3A_471 = arith.index_cast %get3A_469 : i32 to index
        %get3A_472 = arith.index_cast %mul3A_83 : i32 to index
        %get3A_473 = tpu.vector_load %arg6[%get3A_470, %get3A_471, %get3A_472] {strides = array<i32>} : memref<50x8x128xf32, #tpu.memory_space<vmem>>, vector<1x1x16xf32>,
        %get3A_474 = vector.shape_cast %get3A_473 : vector<1x1x16xf32> to vector<16xf32>
        %mul3A_475 = arith.mulf %exp3A_121, %get3A_474 : vector<16xf32>
        %add3A_476 = arith.addf %mul3A_466, %mul3A_475 : vector<16xf32>
        %add3A_477 = arith.constant 3 : i32
        %add3A_478 = arith.addi %mul3A_199, %add3A_477 : i32
        %get3A_479 = arith.constant 2 : i32
        %get3A_480 = arith.index_cast %add3A_478 : i32 to index
        %get3A_481 = arith.index_cast %get3A_479 : i32 to index
        %get3A_482 = arith.index_cast %mul3A_83 : i32 to index
        %get3A_483 = tpu.vector_load %arg6[%get3A_480, %get3A_481, %get3A_482] {strides = array<i32>} : memref<50x8x128xf32, #tpu.memory_space<vmem>>, vector<1x1x16xf32>,
        %get3A_484 = vector.shape_cast %get3A_483 : vector<1x1x16xf32> to vector<16xf32>
        %mul3A_485 = arith.mulf %exp3A_130, %get3A_484 : vector<16xf32>
        %add3A_486 = arith.addf %add3A_476, %mul3A_485 : vector<16xf32>
        %add3A_487 = arith.constant 3 : i32
        %add3A_488 = arith.addi %mul3A_199, %add3A_487 : i32
        %get3A_489 = arith.constant 3 : i32
        %get3A_490 = arith.index_cast %add3A_488 : i32 to index
        %get3A_491 = arith.index_cast %get3A_489 : i32 to index
        %get3A_492 = arith.index_cast %mul3A_83 : i32 to index
        %get3A_493 = tpu.vector_load %arg6[%get3A_490, %get3A_491, %get3A_492] {strides = array<i32>} : memref<50x8x128xf32, #tpu.memory_space<vmem>>, vector<1x1x16xf32>,
        %get3A_494 = vector.shape_cast %get3A_493 : vector<1x1x16xf32> to vector<16xf32>
        %mul3A_495 = arith.mulf %exp3A_139, %get3A_494 : vector<16xf32>
        %add3A_496 = arith.addf %add3A_486, %mul3A_495 : vector<16xf32>
        %add3A_497 = arith.constant 3 : i32
        %add3A_498 = arith.addi %mul3A_199, %add3A_497 : i32
        %get3A_499 = arith.constant 4 : i32
        %get3A_500 = arith.index_cast %add3A_498 : i32 to index
        %get3A_501 = arith.index_cast %get3A_499 : i32 to index
        %get3A_502 = arith.index_cast %mul3A_83 : i32 to index
        %get3A_503 = tpu.vector_load %arg6[%get3A_500, %get3A_501, %get3A_502] {strides = array<i32>} : memref<50x8x128xf32, #tpu.memory_space<vmem>>, vector<1x1x16xf32>,
        %get3A_504 = vector.shape_cast %get3A_503 : vector<1x1x16xf32> to vector<16xf32>
        %mul3A_505 = arith.mulf %exp3A_148, %get3A_504 : vector<16xf32>
        %add3A_506 = arith.addf %add3A_496, %mul3A_505 : vector<16xf32>
        %add3A_507 = arith.constant 3 : i32
        %add3A_508 = arith.addi %mul3A_199, %add3A_507 : i32
        %get3A_509 = arith.constant 5 : i32
        %get3A_510 = arith.index_cast %add3A_508 : i32 to index
        %get3A_511 = arith.index_cast %get3A_509 : i32 to index
        %get3A_512 = arith.index_cast %mul3A_83 : i32 to index
        %get3A_513 = tpu.vector_load %arg6[%get3A_510, %get3A_511, %get3A_512] {strides = array<i32>} : memref<50x8x128xf32, #tpu.memory_space<vmem>>, vector<1x1x16xf32>,
        %get3A_514 = vector.shape_cast %get3A_513 : vector<1x1x16xf32> to vector<16xf32>
        %mul3A_515 = arith.mulf %exp3A_157, %get3A_514 : vector<16xf32>
        %add3A_516 = arith.addf %add3A_506, %mul3A_515 : vector<16xf32>
        %add3A_517 = arith.constant 3 : i32
        %add3A_518 = arith.addi %mul3A_199, %add3A_517 : i32
        %get3A_519 = arith.constant 6 : i32
        %get3A_520 = arith.index_cast %add3A_518 : i32 to index
        %get3A_521 = arith.index_cast %get3A_519 : i32 to index
        %get3A_522 = arith.index_cast %mul3A_83 : i32 to index
        %get3A_523 = tpu.vector_load %arg6[%get3A_520, %get3A_521, %get3A_522] {strides = array<i32>} : memref<50x8x128xf32, #tpu.memory_space<vmem>>, vector<1x1x16xf32>,
        %get3A_524 = vector.shape_cast %get3A_523 : vector<1x1x16xf32> to vector<16xf32>
        %mul3A_525 = arith.mulf %exp3A_166, %get3A_524 : vector<16xf32>
        %add3A_526 = arith.addf %add3A_516, %mul3A_525 : vector<16xf32>
        %add3A_527 = arith.constant 3 : i32
        %add3A_528 = arith.addi %mul3A_199, %add3A_527 : i32
        %get3A_529 = arith.constant 7 : i32
        %get3A_530 = arith.index_cast %add3A_528 : i32 to index
        %get3A_531 = arith.index_cast %get3A_529 : i32 to index
        %get3A_532 = arith.index_cast %mul3A_83 : i32 to index
        %get3A_533 = tpu.vector_load %arg6[%get3A_530, %get3A_531, %get3A_532] {strides = array<i32>} : memref<50x8x128xf32, #tpu.memory_space<vmem>>, vector<1x1x16xf32>,
        %get3A_534 = vector.shape_cast %get3A_533 : vector<1x1x16xf32> to vector<16xf32>
        %mul3A_535 = arith.mulf %exp3A_175, %get3A_534 : vector<16xf32>
        %add3A_536 = arith.addf %add3A_526, %mul3A_535 : vector<16xf32>
        %add3A_537 = arith.constant 3 : i32
        %add3A_538 = arith.addi %mul3A_199, %add3A_537 : i32
        %swap3A_539 = arith.index_cast %add3A_538 : i32 to index
        %swap3A_540 = arith.index_cast %mul3A_83 : i32 to index
        %swap3A_541 = tpu.vector_load %arg8[%swap3A_539, %swap3A_540] {strides = array<i32>} : memref<64x128xf32, #tpu.memory_space<vmem>>, vector<1x16xf32>,
        %swap3A_542 = vector.shape_cast %swap3A_541 : vector<1x16xf32> to vector<16xf32>
        %swap3A_543 = vector.shape_cast %add3A_536 : vector<16xf32> to vector<1x16xf32>
        tpu.vector_store %arg8[%swap3A_539, %swap3A_540], %swap3A_543 {strides = array<i32>} : memref<64x128xf32, #tpu.memory_space<vmem>>, vector<1x16xf32>,
        %add3A_544 = arith.constant 4 : i32
        %add3A_545 = arith.addi %mul3A_199, %add3A_544 : i32
        %get3A_546 = arith.constant 0 : i32
        %get3A_547 = arith.index_cast %add3A_545 : i32 to index
        %get3A_548 = arith.index_cast %get3A_546 : i32 to index
        %get3A_549 = arith.index_cast %mul3A_83 : i32 to index
        %get3A_550 = tpu.vector_load %arg6[%get3A_547, %get3A_548, %get3A_549] {strides = array<i32>} : memref<50x8x128xf32, #tpu.memory_space<vmem>>, vector<1x1x16xf32>,
        %get3A_551 = vector.shape_cast %get3A_550 : vector<1x1x16xf32> to vector<16xf32>
        %mul3A_552 = arith.mulf %exp3A, %get3A_551 : vector<16xf32>
        %add3A_553 = arith.constant 4 : i32
        %add3A_554 = arith.addi %mul3A_199, %add3A_553 : i32
        %get3A_555 = arith.constant 1 : i32
        %get3A_556 = arith.index_cast %add3A_554 : i32 to index
        %get3A_557 = arith.index_cast %get3A_555 : i32 to index
        %get3A_558 = arith.index_cast %mul3A_83 : i32 to index
        %get3A_559 = tpu.vector_load %arg6[%get3A_556, %get3A_557, %get3A_558] {strides = array<i32>} : memref<50x8x128xf32, #tpu.memory_space<vmem>>, vector<1x1x16xf32>,
        %get3A_560 = vector.shape_cast %get3A_559 : vector<1x1x16xf32> to vector<16xf32>
        %mul3A_561 = arith.mulf %exp3A_121, %get3A_560 : vector<16xf32>
        %add3A_562 = arith.addf %mul3A_552, %mul3A_561 : vector<16xf32>
        %add3A_563 = arith.constant 4 : i32
        %add3A_564 = arith.addi %mul3A_199, %add3A_563 : i32
        %get3A_565 = arith.constant 2 : i32
        %get3A_566 = arith.index_cast %add3A_564 : i32 to index
        %get3A_567 = arith.index_cast %get3A_565 : i32 to index
        %get3A_568 = arith.index_cast %mul3A_83 : i32 to index
        %get3A_569 = tpu.vector_load %arg6[%get3A_566, %get3A_567, %get3A_568] {strides = array<i32>} : memref<50x8x128xf32, #tpu.memory_space<vmem>>, vector<1x1x16xf32>,
        %get3A_570 = vector.shape_cast %get3A_569 : vector<1x1x16xf32> to vector<16xf32>
        %mul3A_571 = arith.mulf %exp3A_130, %get3A_570 : vector<16xf32>
        %add3A_572 = arith.addf %add3A_562, %mul3A_571 : vector<16xf32>
        %add3A_573 = arith.constant 4 : i32
        %add3A_574 = arith.addi %mul3A_199, %add3A_573 : i32
        %get3A_575 = arith.constant 3 : i32
        %get3A_576 = arith.index_cast %add3A_574 : i32 to index
        %get3A_577 = arith.index_cast %get3A_575 : i32 to index
        %get3A_578 = arith.index_cast %mul3A_83 : i32 to index
        %get3A_579 = tpu.vector_load %arg6[%get3A_576, %get3A_577, %get3A_578] {strides = array<i32>} : memref<50x8x128xf32, #tpu.memory_space<vmem>>, vector<1x1x16xf32>,
        %get3A_580 = vector.shape_cast %get3A_579 : vector<1x1x16xf32> to vector<16xf32>
        %mul3A_581 = arith.mulf %exp3A_139, %get3A_580 : vector<16xf32>
        %add3A_582 = arith.addf %add3A_572, %mul3A_581 : vector<16xf32>
        %add3A_583 = arith.constant 4 : i32
        %add3A_584 = arith.addi %mul3A_199, %add3A_583 : i32
        %get3A_585 = arith.constant 4 : i32
        %get3A_586 = arith.index_cast %add3A_584 : i32 to index
        %get3A_587 = arith.index_cast %get3A_585 : i32 to index
        %get3A_588 = arith.index_cast %mul3A_83 : i32 to index
        %get3A_589 = tpu.vector_load %arg6[%get3A_586, %get3A_587, %get3A_588] {strides = array<i32>} : memref<50x8x128xf32, #tpu.memory_space<vmem>>, vector<1x1x16xf32>,
        %get3A_590 = vector.shape_cast %get3A_589 : vector<1x1x16xf32> to vector<16xf32>
        %mul3A_591 = arith.mulf %exp3A_148, %get3A_590 : vector<16xf32>
        %add3A_592 = arith.addf %add3A_582, %mul3A_591 : vector<16xf32>
        %add3A_593 = arith.constant 4 : i32
        %add3A_594 = arith.addi %mul3A_199, %add3A_593 : i32
        %get3A_595 = arith.constant 5 : i32
        %get3A_596 = arith.index_cast %add3A_594 : i32 to index
        %get3A_597 = arith.index_cast %get3A_595 : i32 to index
        %get3A_598 = arith.index_cast %mul3A_83 : i32 to index
        %get3A_599 = tpu.vector_load %arg6[%get3A_596, %get3A_597, %get3A_598] {strides = array<i32>} : memref<50x8x128xf32, #tpu.memory_space<vmem>>, vector<1x1x16xf32>,
        %get3A_600 = vector.shape_cast %get3A_599 : vector<1x1x16xf32> to vector<16xf32>
        %mul3A_601 = arith.mulf %exp3A_157, %get3A_600 : vector<16xf32>
        %add3A_602 = arith.addf %add3A_592, %mul3A_601 : vector<16xf32>
        %add3A_603 = arith.constant 4 : i32
        %add3A_604 = arith.addi %mul3A_199, %add3A_603 : i32
        %get3A_605 = arith.constant 6 : i32
        %get3A_606 = arith.index_cast %add3A_604 : i32 to index
        %get3A_607 = arith.index_cast %get3A_605 : i32 to index
        %get3A_608 = arith.index_cast %mul3A_83 : i32 to index
        %get3A_609 = tpu.vector_load %arg6[%get3A_606, %get3A_607, %get3A_608] {strides = array<i32>} : memref<50x8x128xf32, #tpu.memory_space<vmem>>, vector<1x1x16xf32>,
        %get3A_610 = vector.shape_cast %get3A_609 : vector<1x1x16xf32> to vector<16xf32>
        %mul3A_611 = arith.mulf %exp3A_166, %get3A_610 : vector<16xf32>
        %add3A_612 = arith.addf %add3A_602, %mul3A_611 : vector<16xf32>
        %add3A_613 = arith.constant 4 : i32
        %add3A_614 = arith.addi %mul3A_199, %add3A_613 : i32
        %get3A_615 = arith.constant 7 : i32
        %get3A_616 = arith.index_cast %add3A_614 : i32 to index
        %get3A_617 = arith.index_cast %get3A_615 : i32 to index
        %get3A_618 = arith.index_cast %mul3A_83 : i32 to index
        %get3A_619 = tpu.vector_load %arg6[%get3A_616, %get3A_617, %get3A_618] {strides = array<i32>} : memref<50x8x128xf32, #tpu.memory_space<vmem>>, vector<1x1x16xf32>,
        %get3A_620 = vector.shape_cast %get3A_619 : vector<1x1x16xf32> to vector<16xf32>
        %mul3A_621 = arith.mulf %exp3A_175, %get3A_620 : vector<16xf32>
        %add3A_622 = arith.addf %add3A_612, %mul3A_621 : vector<16xf32>
        %add3A_623 = arith.constant 4 : i32
        %add3A_624 = arith.addi %mul3A_199, %add3A_623 : i32
        %swap3A_625 = arith.index_cast %add3A_624 : i32 to index
        %swap3A_626 = arith.index_cast %mul3A_83 : i32 to index
        %swap3A_627 = tpu.vector_load %arg8[%swap3A_625, %swap3A_626] {strides = array<i32>} : memref<64x128xf32, #tpu.memory_space<vmem>>, vector<1x16xf32>,
        %swap3A_628 = vector.shape_cast %swap3A_627 : vector<1x16xf32> to vector<16xf32>
        %swap3A_629 = vector.shape_cast %add3A_622 : vector<16xf32> to vector<1x16xf32>
        tpu.vector_store %arg8[%swap3A_625, %swap3A_626], %swap3A_629 {strides = array<i32>} : memref<64x128xf32, #tpu.memory_space<vmem>>, vector<1x16xf32>,
        %scan3A_630 = arith.constant 0 : i32
        scf.yield %scan3A_630 : i32
      }
      %scan3A_194 = arith.constant 10 : i32
      %scan3A_195 = arith.constant 0 : i32
      scf.yield %scan3A_195 : i32
    }
    %scan3A_28 = arith.constant 8 : i32
    %dma_start3A_29 = arith.constant 0 : i32
    %dma_start3A_30 = arith.constant 16 : i32
    %dma_start3A_31 = tpu.memref_slice %arg2[%dma_start3A_29, %dma_start3A_30, %mul3A_2] : memref<50x32x10000xf32, #tpu.memory_space<hbm>> -> memref<50x8x128xf32, #tpu.memory_space<hbm>>
    %dma_start3A_32 = arith.constant 0 : i32
    %dma_start3A_33 = arith.constant 16 : i32
    %dma_start3A_34 = tpu.memref_slice %arg2[%dma_start3A_32, %dma_start3A_33, %mul3A_2] : memref<50x32x10000xf32, #tpu.memory_space<hbm>> -> memref<50x8x128xf32, #tpu.memory_space<hbm>>
    tpu.enqueue_dma source(%dma_start3A_34 : memref<50x8x128xf32, #tpu.memory_space<hbm>>) target(%arg6 : memref<50x8x128xf32, #tpu.memory_space<vmem>>) target_semaphore(%arg11 : memref<!tpu.dma_semaphore, #tpu.memory_space<semaphore_mem>>)
    %dma_wait3A_35 = arith.constant 0 : i32
    %dma_wait3A_36 = arith.constant 8 : i32
    %dma_wait3A_37 = tpu.memref_slice %arg2[%dma_wait3A_35, %dma_wait3A_36, %mul3A_2] : memref<50x32x10000xf32, #tpu.memory_space<hbm>> -> memref<50x8x128xf32, #tpu.memory_space<hbm>>
    %dma_wait3A_38 = arith.constant 0 : i32
    %dma_wait3A_39 = arith.constant 8 : i32
    %dma_wait3A_40 = tpu.memref_slice %arg2[%dma_wait3A_38, %dma_wait3A_39, %mul3A_2] : memref<50x32x10000xf32, #tpu.memory_space<hbm>> -> memref<50x8x128xf32, #tpu.memory_space<hbm>>
    tpu.wait_dma2 semaphore(%arg12 : memref<!tpu.dma_semaphore, #tpu.memory_space<semaphore_mem>>) src(%dma_wait3A_40 : memref<50x8x128xf32, #tpu.memory_space<hbm>>) dst(%arg7 : memref<50x8x128xf32, #tpu.memory_space<vmem>>)
    %scan3A_41 = arith.constant 0 : i32
    %scan3A_42 = arith.constant 0 : i32
    %scan3A_43 = arith.constant 8 : i32
    %scan3A_44 = arith.addi %scan3A_42, %scan3A_43 : i32
    %scan3A_45 = arith.constant 1 : i32
    %scan3A_46 = scf.for %scan3A_80 = %scan3A_42 to %scan3A_44 step %scan3A_45 iter_args(%scan3A_81 = %scan3A_41) -> (i32)  : i32 {
      %mul3A_82 = arith.constant 16 : i32
      %mul3A_83 = arith.muli %scan3A_80, %mul3A_82 : i32
      %get3A = arith.index_cast %mul3A_83 : i32 to index
      %get3A_84 = tpu.vector_load %arg9[%get3A] {strides = array<i32>} : memref<128xf32, #tpu.memory_space<vmem>>, vector<16xf32>,
      %get3A_85 = vector.shape_cast %get3A_84 : vector<16xf32> to vector<16xf32>
      %broadcast_in_dim3A = arith.constant 0.000000e+00 : f32
      %broadcast_in_dim3A_86 = vector.broadcast %broadcast_in_dim3A : f32 to vector<16xf32>
      %broadcast_in_dim3A_87 = arith.constant 0.000000e+00 : f32
      %broadcast_in_dim3A_88 = vector.broadcast %broadcast_in_dim3A_87 : f32 to vector<16xf32>
      %broadcast_in_dim3A_89 = arith.constant 0.000000e+00 : f32
      %broadcast_in_dim3A_90 = vector.broadcast %broadcast_in_dim3A_89 : f32 to vector<16xf32>
      %broadcast_in_dim3A_91 = arith.constant 0.000000e+00 : f32
      %broadcast_in_dim3A_92 = vector.broadcast %broadcast_in_dim3A_91 : f32 to vector<16xf32>
      %broadcast_in_dim3A_93 = arith.constant 0.000000e+00 : f32
      %broadcast_in_dim3A_94 = vector.broadcast %broadcast_in_dim3A_93 : f32 to vector<16xf32>
      %broadcast_in_dim3A_95 = arith.constant 0.000000e+00 : f32
      %broadcast_in_dim3A_96 = vector.broadcast %broadcast_in_dim3A_95 : f32 to vector<16xf32>
      %broadcast_in_dim3A_97 = arith.constant 0.000000e+00 : f32
      %broadcast_in_dim3A_98 = vector.broadcast %broadcast_in_dim3A_97 : f32 to vector<16xf32>
      %broadcast_in_dim3A_99 = arith.constant 0.000000e+00 : f32
      %broadcast_in_dim3A_100 = vector.broadcast %broadcast_in_dim3A_99 : f32 to vector<16xf32>
      %scan3A_101 = arith.constant 0 : i32
      %scan3A_102 = arith.constant 10 : i32
      %scan3A_103 = arith.addi %scan3A_101, %scan3A_102 : i32
      %scan3A_104 = arith.constant 1 : i32
      %scan3A_105:8 = scf.for %scan3A_202 = %scan3A_101 to %scan3A_103 step %scan3A_104 iter_args(%scan3A_203 = %broadcast_in_dim3A_86, %scan3A_204 = %broadcast_in_dim3A_88, %scan3A_205 = %broadcast_in_dim3A_90, %scan3A_206 = %broadcast_in_dim3A_92, %scan3A_207 = %broadcast_in_dim3A_94, %scan3A_208 = %broadcast_in_dim3A_96, %scan3A_209 = %broadcast_in_dim3A_98, %scan3A_210 = %broadcast_in_dim3A_100) -> (vector<16xf32>, vector<16xf32>, vector<16xf32>, vector<16xf32>, vector<16xf32>, vector<16xf32>, vector<16xf32>, vector<16xf32>)  : i32 {
        %mul3A_211 = arith.constant 5 : i32
        %mul3A_212 = arith.muli %scan3A_202, %mul3A_211 : i32
        %add3A_213 = arith.constant 0 : i32
        %add3A_214 = arith.addi %mul3A_212, %add3A_213 : i32
        %get3A_215 = arith.index_cast %add3A_214 : i32 to index
        %get3A_216 = arith.constant 0 : index
        %get3A_217 = tpu.vector_load %arg10[%get3A_215, %get3A_216] {strides = array<i32>} : memref<64x16xf32, #tpu.memory_space<vmem>>, vector<1x16xf32>,
        %get3A_218 = vector.shape_cast %get3A_217 : vector<1x16xf32> to vector<16xf32>
        %add3A_219 = arith.constant 0 : i32
        %add3A_220 = arith.addi %mul3A_212, %add3A_219 : i32
        %get3A_221 = arith.constant 0 : i32
        %get3A_222 = arith.index_cast %add3A_220 : i32 to index
        %get3A_223 = arith.index_cast %get3A_221 : i32 to index
        %get3A_224 = arith.index_cast %mul3A_83 : i32 to index
        %get3A_225 = tpu.vector_load %arg7[%get3A_222, %get3A_223, %get3A_224] {strides = array<i32>} : memref<50x8x128xf32, #tpu.memory_space<vmem>>, vector<1x1x16xf32>,
        %get3A_226 = vector.shape_cast %get3A_225 : vector<1x1x16xf32> to vector<16xf32>
        %mul3A_227 = arith.mulf %get3A_226, %get3A_218 : vector<16xf32>
        %add3A_228 = arith.addf %scan3A_203, %mul3A_227 : vector<16xf32>
        %add3A_229 = arith.constant 0 : i32
        %add3A_230 = arith.addi %mul3A_212, %add3A_229 : i32
        %get3A_231 = arith.constant 1 : i32
        %get3A_232 = arith.index_cast %add3A_230 : i32 to index
        %get3A_233 = arith.index_cast %get3A_231 : i32 to index
        %get3A_234 = arith.index_cast %mul3A_83 : i32 to index
        %get3A_235 = tpu.vector_load %arg7[%get3A_232, %get3A_233, %get3A_234] {strides = array<i32>} : memref<50x8x128xf32, #tpu.memory_space<vmem>>, vector<1x1x16xf32>,
        %get3A_236 = vector.shape_cast %get3A_235 : vector<1x1x16xf32> to vector<16xf32>
        %mul3A_237 = arith.mulf %get3A_236, %get3A_218 : vector<16xf32>
        %add3A_238 = arith.addf %scan3A_204, %mul3A_237 : vector<16xf32>
        %add3A_239 = arith.constant 0 : i32
        %add3A_240 = arith.addi %mul3A_212, %add3A_239 : i32
        %get3A_241 = arith.constant 2 : i32
        %get3A_242 = arith.index_cast %add3A_240 : i32 to index
        %get3A_243 = arith.index_cast %get3A_241 : i32 to index
        %get3A_244 = arith.index_cast %mul3A_83 : i32 to index
        %get3A_245 = tpu.vector_load %arg7[%get3A_242, %get3A_243, %get3A_244] {strides = array<i32>} : memref<50x8x128xf32, #tpu.memory_space<vmem>>, vector<1x1x16xf32>,
        %get3A_246 = vector.shape_cast %get3A_245 : vector<1x1x16xf32> to vector<16xf32>
        %mul3A_247 = arith.mulf %get3A_246, %get3A_218 : vector<16xf32>
        %add3A_248 = arith.addf %scan3A_205, %mul3A_247 : vector<16xf32>
        %add3A_249 = arith.constant 0 : i32
        %add3A_250 = arith.addi %mul3A_212, %add3A_249 : i32
        %get3A_251 = arith.constant 3 : i32
        %get3A_252 = arith.index_cast %add3A_250 : i32 to index
        %get3A_253 = arith.index_cast %get3A_251 : i32 to index
        %get3A_254 = arith.index_cast %mul3A_83 : i32 to index
        %get3A_255 = tpu.vector_load %arg7[%get3A_252, %get3A_253, %get3A_254] {strides = array<i32>} : memref<50x8x128xf32, #tpu.memory_space<vmem>>, vector<1x1x16xf32>,
        %get3A_256 = vector.shape_cast %get3A_255 : vector<1x1x16xf32> to vector<16xf32>
        %mul3A_257 = arith.mulf %get3A_256, %get3A_218 : vector<16xf32>
        %add3A_258 = arith.addf %scan3A_206, %mul3A_257 : vector<16xf32>
        %add3A_259 = arith.constant 0 : i32
        %add3A_260 = arith.addi %mul3A_212, %add3A_259 : i32
        %get3A_261 = arith.constant 4 : i32
        %get3A_262 = arith.index_cast %add3A_260 : i32 to index
        %get3A_263 = arith.index_cast %get3A_261 : i32 to index
        %get3A_264 = arith.index_cast %mul3A_83 : i32 to index
        %get3A_265 = tpu.vector_load %arg7[%get3A_262, %get3A_263, %get3A_264] {strides = array<i32>} : memref<50x8x128xf32, #tpu.memory_space<vmem>>, vector<1x1x16xf32>,
        %get3A_266 = vector.shape_cast %get3A_265 : vector<1x1x16xf32> to vector<16xf32>
        %mul3A_267 = arith.mulf %get3A_266, %get3A_218 : vector<16xf32>
        %add3A_268 = arith.addf %scan3A_207, %mul3A_267 : vector<16xf32>
        %add3A_269 = arith.constant 0 : i32
        %add3A_270 = arith.addi %mul3A_212, %add3A_269 : i32
        %get3A_271 = arith.constant 5 : i32
        %get3A_272 = arith.index_cast %add3A_270 : i32 to index
        %get3A_273 = arith.index_cast %get3A_271 : i32 to index
        %get3A_274 = arith.index_cast %mul3A_83 : i32 to index
        %get3A_275 = tpu.vector_load %arg7[%get3A_272, %get3A_273, %get3A_274] {strides = array<i32>} : memref<50x8x128xf32, #tpu.memory_space<vmem>>, vector<1x1x16xf32>,
        %get3A_276 = vector.shape_cast %get3A_275 : vector<1x1x16xf32> to vector<16xf32>
        %mul3A_277 = arith.mulf %get3A_276, %get3A_218 : vector<16xf32>
        %add3A_278 = arith.addf %scan3A_208, %mul3A_277 : vector<16xf32>
        %add3A_279 = arith.constant 0 : i32
        %add3A_280 = arith.addi %mul3A_212, %add3A_279 : i32
        %get3A_281 = arith.constant 6 : i32
        %get3A_282 = arith.index_cast %add3A_280 : i32 to index
        %get3A_283 = arith.index_cast %get3A_281 : i32 to index
        %get3A_284 = arith.index_cast %mul3A_83 : i32 to index
        %get3A_285 = tpu.vector_load %arg7[%get3A_282, %get3A_283, %get3A_284] {strides = array<i32>} : memref<50x8x128xf32, #tpu.memory_space<vmem>>, vector<1x1x16xf32>,
        %get3A_286 = vector.shape_cast %get3A_285 : vector<1x1x16xf32> to vector<16xf32>
        %mul3A_287 = arith.mulf %get3A_286, %get3A_218 : vector<16xf32>
        %add3A_288 = arith.addf %scan3A_209, %mul3A_287 : vector<16xf32>
        %add3A_289 = arith.constant 0 : i32
        %add3A_290 = arith.addi %mul3A_212, %add3A_289 : i32
        %get3A_291 = arith.constant 7 : i32
        %get3A_292 = arith.index_cast %add3A_290 : i32 to index
        %get3A_293 = arith.index_cast %get3A_291 : i32 to index
        %get3A_294 = arith.index_cast %mul3A_83 : i32 to index
        %get3A_295 = tpu.vector_load %arg7[%get3A_292, %get3A_293, %get3A_294] {strides = array<i32>} : memref<50x8x128xf32, #tpu.memory_space<vmem>>, vector<1x1x16xf32>,
        %get3A_296 = vector.shape_cast %get3A_295 : vector<1x1x16xf32> to vector<16xf32>
        %mul3A_297 = arith.mulf %get3A_296, %get3A_218 : vector<16xf32>
        %add3A_298 = arith.addf %scan3A_210, %mul3A_297 : vector<16xf32>
        %add3A_299 = arith.constant 1 : i32
        %add3A_300 = arith.addi %mul3A_212, %add3A_299 : i32
        %get3A_301 = arith.index_cast %add3A_300 : i32 to index
        %get3A_302 = arith.constant 0 : index
        %get3A_303 = tpu.vector_load %arg10[%get3A_301, %get3A_302] {strides = array<i32>} : memref<64x16xf32, #tpu.memory_space<vmem>>, vector<1x16xf32>,
        %get3A_304 = vector.shape_cast %get3A_303 : vector<1x16xf32> to vector<16xf32>
        %add3A_305 = arith.constant 1 : i32
        %add3A_306 = arith.addi %mul3A_212, %add3A_305 : i32
        %get3A_307 = arith.constant 0 : i32
        %get3A_308 = arith.index_cast %add3A_306 : i32 to index
        %get3A_309 = arith.index_cast %get3A_307 : i32 to index
        %get3A_310 = arith.index_cast %mul3A_83 : i32 to index
        %get3A_311 = tpu.vector_load %arg7[%get3A_308, %get3A_309, %get3A_310] {strides = array<i32>} : memref<50x8x128xf32, #tpu.memory_space<vmem>>, vector<1x1x16xf32>,
        %get3A_312 = vector.shape_cast %get3A_311 : vector<1x1x16xf32> to vector<16xf32>
        %mul3A_313 = arith.mulf %get3A_312, %get3A_304 : vector<16xf32>
        %add3A_314 = arith.addf %add3A_228, %mul3A_313 : vector<16xf32>
        %add3A_315 = arith.constant 1 : i32
        %add3A_316 = arith.addi %mul3A_212, %add3A_315 : i32
        %get3A_317 = arith.constant 1 : i32
        %get3A_318 = arith.index_cast %add3A_316 : i32 to index
        %get3A_319 = arith.index_cast %get3A_317 : i32 to index
        %get3A_320 = arith.index_cast %mul3A_83 : i32 to index
        %get3A_321 = tpu.vector_load %arg7[%get3A_318, %get3A_319, %get3A_320] {strides = array<i32>} : memref<50x8x128xf32, #tpu.memory_space<vmem>>, vector<1x1x16xf32>,
        %get3A_322 = vector.shape_cast %get3A_321 : vector<1x1x16xf32> to vector<16xf32>
        %mul3A_323 = arith.mulf %get3A_322, %get3A_304 : vector<16xf32>
        %add3A_324 = arith.addf %add3A_238, %mul3A_323 : vector<16xf32>
        %add3A_325 = arith.constant 1 : i32
        %add3A_326 = arith.addi %mul3A_212, %add3A_325 : i32
        %get3A_327 = arith.constant 2 : i32
        %get3A_328 = arith.index_cast %add3A_326 : i32 to index
        %get3A_329 = arith.index_cast %get3A_327 : i32 to index
        %get3A_330 = arith.index_cast %mul3A_83 : i32 to index
        %get3A_331 = tpu.vector_load %arg7[%get3A_328, %get3A_329, %get3A_330] {strides = array<i32>} : memref<50x8x128xf32, #tpu.memory_space<vmem>>, vector<1x1x16xf32>,
        %get3A_332 = vector.shape_cast %get3A_331 : vector<1x1x16xf32> to vector<16xf32>
        %mul3A_333 = arith.mulf %get3A_332, %get3A_304 : vector<16xf32>
        %add3A_334 = arith.addf %add3A_248, %mul3A_333 : vector<16xf32>
        %add3A_335 = arith.constant 1 : i32
        %add3A_336 = arith.addi %mul3A_212, %add3A_335 : i32
        %get3A_337 = arith.constant 3 : i32
        %get3A_338 = arith.index_cast %add3A_336 : i32 to index
        %get3A_339 = arith.index_cast %get3A_337 : i32 to index
        %get3A_340 = arith.index_cast %mul3A_83 : i32 to index
        %get3A_341 = tpu.vector_load %arg7[%get3A_338, %get3A_339, %get3A_340] {strides = array<i32>} : memref<50x8x128xf32, #tpu.memory_space<vmem>>, vector<1x1x16xf32>,
        %get3A_342 = vector.shape_cast %get3A_341 : vector<1x1x16xf32> to vector<16xf32>
        %mul3A_343 = arith.mulf %get3A_342, %get3A_304 : vector<16xf32>
        %add3A_344 = arith.addf %add3A_258, %mul3A_343 : vector<16xf32>
        %add3A_345 = arith.constant 1 : i32
        %add3A_346 = arith.addi %mul3A_212, %add3A_345 : i32
        %get3A_347 = arith.constant 4 : i32
        %get3A_348 = arith.index_cast %add3A_346 : i32 to index
        %get3A_349 = arith.index_cast %get3A_347 : i32 to index
        %get3A_350 = arith.index_cast %mul3A_83 : i32 to index
        %get3A_351 = tpu.vector_load %arg7[%get3A_348, %get3A_349, %get3A_350] {strides = array<i32>} : memref<50x8x128xf32, #tpu.memory_space<vmem>>, vector<1x1x16xf32>,
        %get3A_352 = vector.shape_cast %get3A_351 : vector<1x1x16xf32> to vector<16xf32>
        %mul3A_353 = arith.mulf %get3A_352, %get3A_304 : vector<16xf32>
        %add3A_354 = arith.addf %add3A_268, %mul3A_353 : vector<16xf32>
        %add3A_355 = arith.constant 1 : i32
        %add3A_356 = arith.addi %mul3A_212, %add3A_355 : i32
        %get3A_357 = arith.constant 5 : i32
        %get3A_358 = arith.index_cast %add3A_356 : i32 to index
        %get3A_359 = arith.index_cast %get3A_357 : i32 to index
        %get3A_360 = arith.index_cast %mul3A_83 : i32 to index
        %get3A_361 = tpu.vector_load %arg7[%get3A_358, %get3A_359, %get3A_360] {strides = array<i32>} : memref<50x8x128xf32, #tpu.memory_space<vmem>>, vector<1x1x16xf32>,
        %get3A_362 = vector.shape_cast %get3A_361 : vector<1x1x16xf32> to vector<16xf32>
        %mul3A_363 = arith.mulf %get3A_362, %get3A_304 : vector<16xf32>
        %add3A_364 = arith.addf %add3A_278, %mul3A_363 : vector<16xf32>
        %add3A_365 = arith.constant 1 : i32
        %add3A_366 = arith.addi %mul3A_212, %add3A_365 : i32
        %get3A_367 = arith.constant 6 : i32
        %get3A_368 = arith.index_cast %add3A_366 : i32 to index
        %get3A_369 = arith.index_cast %get3A_367 : i32 to index
        %get3A_370 = arith.index_cast %mul3A_83 : i32 to index
        %get3A_371 = tpu.vector_load %arg7[%get3A_368, %get3A_369, %get3A_370] {strides = array<i32>} : memref<50x8x128xf32, #tpu.memory_space<vmem>>, vector<1x1x16xf32>,
        %get3A_372 = vector.shape_cast %get3A_371 : vector<1x1x16xf32> to vector<16xf32>
        %mul3A_373 = arith.mulf %get3A_372, %get3A_304 : vector<16xf32>
        %add3A_374 = arith.addf %add3A_288, %mul3A_373 : vector<16xf32>
        %add3A_375 = arith.constant 1 : i32
        %add3A_376 = arith.addi %mul3A_212, %add3A_375 : i32
        %get3A_377 = arith.constant 7 : i32
        %get3A_378 = arith.index_cast %add3A_376 : i32 to index
        %get3A_379 = arith.index_cast %get3A_377 : i32 to index
        %get3A_380 = arith.index_cast %mul3A_83 : i32 to index
        %get3A_381 = tpu.vector_load %arg7[%get3A_378, %get3A_379, %get3A_380] {strides = array<i32>} : memref<50x8x128xf32, #tpu.memory_space<vmem>>, vector<1x1x16xf32>,
        %get3A_382 = vector.shape_cast %get3A_381 : vector<1x1x16xf32> to vector<16xf32>
        %mul3A_383 = arith.mulf %get3A_382, %get3A_304 : vector<16xf32>
        %add3A_384 = arith.addf %add3A_298, %mul3A_383 : vector<16xf32>
        %add3A_385 = arith.constant 2 : i32
        %add3A_386 = arith.addi %mul3A_212, %add3A_385 : i32
        %get3A_387 = arith.index_cast %add3A_386 : i32 to index
        %get3A_388 = arith.constant 0 : index
        %get3A_389 = tpu.vector_load %arg10[%get3A_387, %get3A_388] {strides = array<i32>} : memref<64x16xf32, #tpu.memory_space<vmem>>, vector<1x16xf32>,
        %get3A_390 = vector.shape_cast %get3A_389 : vector<1x16xf32> to vector<16xf32>
        %add3A_391 = arith.constant 2 : i32
        %add3A_392 = arith.addi %mul3A_212, %add3A_391 : i32
        %get3A_393 = arith.constant 0 : i32
        %get3A_394 = arith.index_cast %add3A_392 : i32 to index
        %get3A_395 = arith.index_cast %get3A_393 : i32 to index
        %get3A_396 = arith.index_cast %mul3A_83 : i32 to index
        %get3A_397 = tpu.vector_load %arg7[%get3A_394, %get3A_395, %get3A_396] {strides = array<i32>} : memref<50x8x128xf32, #tpu.memory_space<vmem>>, vector<1x1x16xf32>,
        %get3A_398 = vector.shape_cast %get3A_397 : vector<1x1x16xf32> to vector<16xf32>
        %mul3A_399 = arith.mulf %get3A_398, %get3A_390 : vector<16xf32>
        %add3A_400 = arith.addf %add3A_314, %mul3A_399 : vector<16xf32>
        %add3A_401 = arith.constant 2 : i32
        %add3A_402 = arith.addi %mul3A_212, %add3A_401 : i32
        %get3A_403 = arith.constant 1 : i32
        %get3A_404 = arith.index_cast %add3A_402 : i32 to index
        %get3A_405 = arith.index_cast %get3A_403 : i32 to index
        %get3A_406 = arith.index_cast %mul3A_83 : i32 to index
        %get3A_407 = tpu.vector_load %arg7[%get3A_404, %get3A_405, %get3A_406] {strides = array<i32>} : memref<50x8x128xf32, #tpu.memory_space<vmem>>, vector<1x1x16xf32>,
        %get3A_408 = vector.shape_cast %get3A_407 : vector<1x1x16xf32> to vector<16xf32>
        %mul3A_409 = arith.mulf %get3A_408, %get3A_390 : vector<16xf32>
        %add3A_410 = arith.addf %add3A_324, %mul3A_409 : vector<16xf32>
        %add3A_411 = arith.constant 2 : i32
        %add3A_412 = arith.addi %mul3A_212, %add3A_411 : i32
        %get3A_413 = arith.constant 2 : i32
        %get3A_414 = arith.index_cast %add3A_412 : i32 to index
        %get3A_415 = arith.index_cast %get3A_413 : i32 to index
        %get3A_416 = arith.index_cast %mul3A_83 : i32 to index
        %get3A_417 = tpu.vector_load %arg7[%get3A_414, %get3A_415, %get3A_416] {strides = array<i32>} : memref<50x8x128xf32, #tpu.memory_space<vmem>>, vector<1x1x16xf32>,
        %get3A_418 = vector.shape_cast %get3A_417 : vector<1x1x16xf32> to vector<16xf32>
        %mul3A_419 = arith.mulf %get3A_418, %get3A_390 : vector<16xf32>
        %add3A_420 = arith.addf %add3A_334, %mul3A_419 : vector<16xf32>
        %add3A_421 = arith.constant 2 : i32
        %add3A_422 = arith.addi %mul3A_212, %add3A_421 : i32
        %get3A_423 = arith.constant 3 : i32
        %get3A_424 = arith.index_cast %add3A_422 : i32 to index
        %get3A_425 = arith.index_cast %get3A_423 : i32 to index
        %get3A_426 = arith.index_cast %mul3A_83 : i32 to index
        %get3A_427 = tpu.vector_load %arg7[%get3A_424, %get3A_425, %get3A_426] {strides = array<i32>} : memref<50x8x128xf32, #tpu.memory_space<vmem>>, vector<1x1x16xf32>,
        %get3A_428 = vector.shape_cast %get3A_427 : vector<1x1x16xf32> to vector<16xf32>
        %mul3A_429 = arith.mulf %get3A_428, %get3A_390 : vector<16xf32>
        %add3A_430 = arith.addf %add3A_344, %mul3A_429 : vector<16xf32>
        %add3A_431 = arith.constant 2 : i32
        %add3A_432 = arith.addi %mul3A_212, %add3A_431 : i32
        %get3A_433 = arith.constant 4 : i32
        %get3A_434 = arith.index_cast %add3A_432 : i32 to index
        %get3A_435 = arith.index_cast %get3A_433 : i32 to index
        %get3A_436 = arith.index_cast %mul3A_83 : i32 to index
        %get3A_437 = tpu.vector_load %arg7[%get3A_434, %get3A_435, %get3A_436] {strides = array<i32>} : memref<50x8x128xf32, #tpu.memory_space<vmem>>, vector<1x1x16xf32>,
        %get3A_438 = vector.shape_cast %get3A_437 : vector<1x1x16xf32> to vector<16xf32>
        %mul3A_439 = arith.mulf %get3A_438, %get3A_390 : vector<16xf32>
        %add3A_440 = arith.addf %add3A_354, %mul3A_439 : vector<16xf32>
        %add3A_441 = arith.constant 2 : i32
        %add3A_442 = arith.addi %mul3A_212, %add3A_441 : i32
        %get3A_443 = arith.constant 5 : i32
        %get3A_444 = arith.index_cast %add3A_442 : i32 to index
        %get3A_445 = arith.index_cast %get3A_443 : i32 to index
        %get3A_446 = arith.index_cast %mul3A_83 : i32 to index
        %get3A_447 = tpu.vector_load %arg7[%get3A_444, %get3A_445, %get3A_446] {strides = array<i32>} : memref<50x8x128xf32, #tpu.memory_space<vmem>>, vector<1x1x16xf32>,
        %get3A_448 = vector.shape_cast %get3A_447 : vector<1x1x16xf32> to vector<16xf32>
        %mul3A_449 = arith.mulf %get3A_448, %get3A_390 : vector<16xf32>
        %add3A_450 = arith.addf %add3A_364, %mul3A_449 : vector<16xf32>
        %add3A_451 = arith.constant 2 : i32
        %add3A_452 = arith.addi %mul3A_212, %add3A_451 : i32
        %get3A_453 = arith.constant 6 : i32
        %get3A_454 = arith.index_cast %add3A_452 : i32 to index
        %get3A_455 = arith.index_cast %get3A_453 : i32 to index
        %get3A_456 = arith.index_cast %mul3A_83 : i32 to index
        %get3A_457 = tpu.vector_load %arg7[%get3A_454, %get3A_455, %get3A_456] {strides = array<i32>} : memref<50x8x128xf32, #tpu.memory_space<vmem>>, vector<1x1x16xf32>,
        %get3A_458 = vector.shape_cast %get3A_457 : vector<1x1x16xf32> to vector<16xf32>
        %mul3A_459 = arith.mulf %get3A_458, %get3A_390 : vector<16xf32>
        %add3A_460 = arith.addf %add3A_374, %mul3A_459 : vector<16xf32>
        %add3A_461 = arith.constant 2 : i32
        %add3A_462 = arith.addi %mul3A_212, %add3A_461 : i32
        %get3A_463 = arith.constant 7 : i32
        %get3A_464 = arith.index_cast %add3A_462 : i32 to index
        %get3A_465 = arith.index_cast %get3A_463 : i32 to index
        %get3A_466 = arith.index_cast %mul3A_83 : i32 to index
        %get3A_467 = tpu.vector_load %arg7[%get3A_464, %get3A_465, %get3A_466] {strides = array<i32>} : memref<50x8x128xf32, #tpu.memory_space<vmem>>, vector<1x1x16xf32>,
        %get3A_468 = vector.shape_cast %get3A_467 : vector<1x1x16xf32> to vector<16xf32>
        %mul3A_469 = arith.mulf %get3A_468, %get3A_390 : vector<16xf32>
        %add3A_470 = arith.addf %add3A_384, %mul3A_469 : vector<16xf32>
        %add3A_471 = arith.constant 3 : i32
        %add3A_472 = arith.addi %mul3A_212, %add3A_471 : i32
        %get3A_473 = arith.index_cast %add3A_472 : i32 to index
        %get3A_474 = arith.constant 0 : index
        %get3A_475 = tpu.vector_load %arg10[%get3A_473, %get3A_474] {strides = array<i32>} : memref<64x16xf32, #tpu.memory_space<vmem>>, vector<1x16xf32>,
        %get3A_476 = vector.shape_cast %get3A_475 : vector<1x16xf32> to vector<16xf32>
        %add3A_477 = arith.constant 3 : i32
        %add3A_478 = arith.addi %mul3A_212, %add3A_477 : i32
        %get3A_479 = arith.constant 0 : i32
        %get3A_480 = arith.index_cast %add3A_478 : i32 to index
        %get3A_481 = arith.index_cast %get3A_479 : i32 to index
        %get3A_482 = arith.index_cast %mul3A_83 : i32 to index
        %get3A_483 = tpu.vector_load %arg7[%get3A_480, %get3A_481, %get3A_482] {strides = array<i32>} : memref<50x8x128xf32, #tpu.memory_space<vmem>>, vector<1x1x16xf32>,
        %get3A_484 = vector.shape_cast %get3A_483 : vector<1x1x16xf32> to vector<16xf32>
        %mul3A_485 = arith.mulf %get3A_484, %get3A_476 : vector<16xf32>
        %add3A_486 = arith.addf %add3A_400, %mul3A_485 : vector<16xf32>
        %add3A_487 = arith.constant 3 : i32
        %add3A_488 = arith.addi %mul3A_212, %add3A_487 : i32
        %get3A_489 = arith.constant 1 : i32
        %get3A_490 = arith.index_cast %add3A_488 : i32 to index
        %get3A_491 = arith.index_cast %get3A_489 : i32 to index
        %get3A_492 = arith.index_cast %mul3A_83 : i32 to index
        %get3A_493 = tpu.vector_load %arg7[%get3A_490, %get3A_491, %get3A_492] {strides = array<i32>} : memref<50x8x128xf32, #tpu.memory_space<vmem>>, vector<1x1x16xf32>,
        %get3A_494 = vector.shape_cast %get3A_493 : vector<1x1x16xf32> to vector<16xf32>
        %mul3A_495 = arith.mulf %get3A_494, %get3A_476 : vector<16xf32>
        %add3A_496 = arith.addf %add3A_410, %mul3A_495 : vector<16xf32>
        %add3A_497 = arith.constant 3 : i32
        %add3A_498 = arith.addi %mul3A_212, %add3A_497 : i32
        %get3A_499 = arith.constant 2 : i32
        %get3A_500 = arith.index_cast %add3A_498 : i32 to index
        %get3A_501 = arith.index_cast %get3A_499 : i32 to index
        %get3A_502 = arith.index_cast %mul3A_83 : i32 to index
        %get3A_503 = tpu.vector_load %arg7[%get3A_500, %get3A_501, %get3A_502] {strides = array<i32>} : memref<50x8x128xf32, #tpu.memory_space<vmem>>, vector<1x1x16xf32>,
        %get3A_504 = vector.shape_cast %get3A_503 : vector<1x1x16xf32> to vector<16xf32>
        %mul3A_505 = arith.mulf %get3A_504, %get3A_476 : vector<16xf32>
        %add3A_506 = arith.addf %add3A_420, %mul3A_505 : vector<16xf32>
        %add3A_507 = arith.constant 3 : i32
        %add3A_508 = arith.addi %mul3A_212, %add3A_507 : i32
        %get3A_509 = arith.constant 3 : i32
        %get3A_510 = arith.index_cast %add3A_508 : i32 to index
        %get3A_511 = arith.index_cast %get3A_509 : i32 to index
        %get3A_512 = arith.index_cast %mul3A_83 : i32 to index
        %get3A_513 = tpu.vector_load %arg7[%get3A_510, %get3A_511, %get3A_512] {strides = array<i32>} : memref<50x8x128xf32, #tpu.memory_space<vmem>>, vector<1x1x16xf32>,
        %get3A_514 = vector.shape_cast %get3A_513 : vector<1x1x16xf32> to vector<16xf32>
        %mul3A_515 = arith.mulf %get3A_514, %get3A_476 : vector<16xf32>
        %add3A_516 = arith.addf %add3A_430, %mul3A_515 : vector<16xf32>
        %add3A_517 = arith.constant 3 : i32
        %add3A_518 = arith.addi %mul3A_212, %add3A_517 : i32
        %get3A_519 = arith.constant 4 : i32
        %get3A_520 = arith.index_cast %add3A_518 : i32 to index
        %get3A_521 = arith.index_cast %get3A_519 : i32 to index
        %get3A_522 = arith.index_cast %mul3A_83 : i32 to index
        %get3A_523 = tpu.vector_load %arg7[%get3A_520, %get3A_521, %get3A_522] {strides = array<i32>} : memref<50x8x128xf32, #tpu.memory_space<vmem>>, vector<1x1x16xf32>,
        %get3A_524 = vector.shape_cast %get3A_523 : vector<1x1x16xf32> to vector<16xf32>
        %mul3A_525 = arith.mulf %get3A_524, %get3A_476 : vector<16xf32>
        %add3A_526 = arith.addf %add3A_440, %mul3A_525 : vector<16xf32>
        %add3A_527 = arith.constant 3 : i32
        %add3A_528 = arith.addi %mul3A_212, %add3A_527 : i32
        %get3A_529 = arith.constant 5 : i32
        %get3A_530 = arith.index_cast %add3A_528 : i32 to index
        %get3A_531 = arith.index_cast %get3A_529 : i32 to index
        %get3A_532 = arith.index_cast %mul3A_83 : i32 to index
        %get3A_533 = tpu.vector_load %arg7[%get3A_530, %get3A_531, %get3A_532] {strides = array<i32>} : memref<50x8x128xf32, #tpu.memory_space<vmem>>, vector<1x1x16xf32>,
        %get3A_534 = vector.shape_cast %get3A_533 : vector<1x1x16xf32> to vector<16xf32>
        %mul3A_535 = arith.mulf %get3A_534, %get3A_476 : vector<16xf32>
        %add3A_536 = arith.addf %add3A_450, %mul3A_535 : vector<16xf32>
        %add3A_537 = arith.constant 3 : i32
        %add3A_538 = arith.addi %mul3A_212, %add3A_537 : i32
        %get3A_539 = arith.constant 6 : i32
        %get3A_540 = arith.index_cast %add3A_538 : i32 to index
        %get3A_541 = arith.index_cast %get3A_539 : i32 to index
        %get3A_542 = arith.index_cast %mul3A_83 : i32 to index
        %get3A_543 = tpu.vector_load %arg7[%get3A_540, %get3A_541, %get3A_542] {strides = array<i32>} : memref<50x8x128xf32, #tpu.memory_space<vmem>>, vector<1x1x16xf32>,
        %get3A_544 = vector.shape_cast %get3A_543 : vector<1x1x16xf32> to vector<16xf32>
        %mul3A_545 = arith.mulf %get3A_544, %get3A_476 : vector<16xf32>
        %add3A_546 = arith.addf %add3A_460, %mul3A_545 : vector<16xf32>
        %add3A_547 = arith.constant 3 : i32
        %add3A_548 = arith.addi %mul3A_212, %add3A_547 : i32
        %get3A_549 = arith.constant 7 : i32
        %get3A_550 = arith.index_cast %add3A_548 : i32 to index
        %get3A_551 = arith.index_cast %get3A_549 : i32 to index
        %get3A_552 = arith.index_cast %mul3A_83 : i32 to index
        %get3A_553 = tpu.vector_load %arg7[%get3A_550, %get3A_551, %get3A_552] {strides = array<i32>} : memref<50x8x128xf32, #tpu.memory_space<vmem>>, vector<1x1x16xf32>,
        %get3A_554 = vector.shape_cast %get3A_553 : vector<1x1x16xf32> to vector<16xf32>
        %mul3A_555 = arith.mulf %get3A_554, %get3A_476 : vector<16xf32>
        %add3A_556 = arith.addf %add3A_470, %mul3A_555 : vector<16xf32>
        %add3A_557 = arith.constant 4 : i32
        %add3A_558 = arith.addi %mul3A_212, %add3A_557 : i32
        %get3A_559 = arith.index_cast %add3A_558 : i32 to index
        %get3A_560 = arith.constant 0 : index
        %get3A_561 = tpu.vector_load %arg10[%get3A_559, %get3A_560] {strides = array<i32>} : memref<64x16xf32, #tpu.memory_space<vmem>>, vector<1x16xf32>,
        %get3A_562 = vector.shape_cast %get3A_561 : vector<1x16xf32> to vector<16xf32>
        %add3A_563 = arith.constant 4 : i32
        %add3A_564 = arith.addi %mul3A_212, %add3A_563 : i32
        %get3A_565 = arith.constant 0 : i32
        %get3A_566 = arith.index_cast %add3A_564 : i32 to index
        %get3A_567 = arith.index_cast %get3A_565 : i32 to index
        %get3A_568 = arith.index_cast %mul3A_83 : i32 to index
        %get3A_569 = tpu.vector_load %arg7[%get3A_566, %get3A_567, %get3A_568] {strides = array<i32>} : memref<50x8x128xf32, #tpu.memory_space<vmem>>, vector<1x1x16xf32>,
        %get3A_570 = vector.shape_cast %get3A_569 : vector<1x1x16xf32> to vector<16xf32>
        %mul3A_571 = arith.mulf %get3A_570, %get3A_562 : vector<16xf32>
        %add3A_572 = arith.addf %add3A_486, %mul3A_571 : vector<16xf32>
        %add3A_573 = arith.constant 4 : i32
        %add3A_574 = arith.addi %mul3A_212, %add3A_573 : i32
        %get3A_575 = arith.constant 1 : i32
        %get3A_576 = arith.index_cast %add3A_574 : i32 to index
        %get3A_577 = arith.index_cast %get3A_575 : i32 to index
        %get3A_578 = arith.index_cast %mul3A_83 : i32 to index
        %get3A_579 = tpu.vector_load %arg7[%get3A_576, %get3A_577, %get3A_578] {strides = array<i32>} : memref<50x8x128xf32, #tpu.memory_space<vmem>>, vector<1x1x16xf32>,
        %get3A_580 = vector.shape_cast %get3A_579 : vector<1x1x16xf32> to vector<16xf32>
        %mul3A_581 = arith.mulf %get3A_580, %get3A_562 : vector<16xf32>
        %add3A_582 = arith.addf %add3A_496, %mul3A_581 : vector<16xf32>
        %add3A_583 = arith.constant 4 : i32
        %add3A_584 = arith.addi %mul3A_212, %add3A_583 : i32
        %get3A_585 = arith.constant 2 : i32
        %get3A_586 = arith.index_cast %add3A_584 : i32 to index
        %get3A_587 = arith.index_cast %get3A_585 : i32 to index
        %get3A_588 = arith.index_cast %mul3A_83 : i32 to index
        %get3A_589 = tpu.vector_load %arg7[%get3A_586, %get3A_587, %get3A_588] {strides = array<i32>} : memref<50x8x128xf32, #tpu.memory_space<vmem>>, vector<1x1x16xf32>,
        %get3A_590 = vector.shape_cast %get3A_589 : vector<1x1x16xf32> to vector<16xf32>
        %mul3A_591 = arith.mulf %get3A_590, %get3A_562 : vector<16xf32>
        %add3A_592 = arith.addf %add3A_506, %mul3A_591 : vector<16xf32>
        %add3A_593 = arith.constant 4 : i32
        %add3A_594 = arith.addi %mul3A_212, %add3A_593 : i32
        %get3A_595 = arith.constant 3 : i32
        %get3A_596 = arith.index_cast %add3A_594 : i32 to index
        %get3A_597 = arith.index_cast %get3A_595 : i32 to index
        %get3A_598 = arith.index_cast %mul3A_83 : i32 to index
        %get3A_599 = tpu.vector_load %arg7[%get3A_596, %get3A_597, %get3A_598] {strides = array<i32>} : memref<50x8x128xf32, #tpu.memory_space<vmem>>, vector<1x1x16xf32>,
        %get3A_600 = vector.shape_cast %get3A_599 : vector<1x1x16xf32> to vector<16xf32>
        %mul3A_601 = arith.mulf %get3A_600, %get3A_562 : vector<16xf32>
        %add3A_602 = arith.addf %add3A_516, %mul3A_601 : vector<16xf32>
        %add3A_603 = arith.constant 4 : i32
        %add3A_604 = arith.addi %mul3A_212, %add3A_603 : i32
        %get3A_605 = arith.constant 4 : i32
        %get3A_606 = arith.index_cast %add3A_604 : i32 to index
        %get3A_607 = arith.index_cast %get3A_605 : i32 to index
        %get3A_608 = arith.index_cast %mul3A_83 : i32 to index
        %get3A_609 = tpu.vector_load %arg7[%get3A_606, %get3A_607, %get3A_608] {strides = array<i32>} : memref<50x8x128xf32, #tpu.memory_space<vmem>>, vector<1x1x16xf32>,
        %get3A_610 = vector.shape_cast %get3A_609 : vector<1x1x16xf32> to vector<16xf32>
        %mul3A_611 = arith.mulf %get3A_610, %get3A_562 : vector<16xf32>
        %add3A_612 = arith.addf %add3A_526, %mul3A_611 : vector<16xf32>
        %add3A_613 = arith.constant 4 : i32
        %add3A_614 = arith.addi %mul3A_212, %add3A_613 : i32
        %get3A_615 = arith.constant 5 : i32
        %get3A_616 = arith.index_cast %add3A_614 : i32 to index
        %get3A_617 = arith.index_cast %get3A_615 : i32 to index
        %get3A_618 = arith.index_cast %mul3A_83 : i32 to index
        %get3A_619 = tpu.vector_load %arg7[%get3A_616, %get3A_617, %get3A_618] {strides = array<i32>} : memref<50x8x128xf32, #tpu.memory_space<vmem>>, vector<1x1x16xf32>,
        %get3A_620 = vector.shape_cast %get3A_619 : vector<1x1x16xf32> to vector<16xf32>
        %mul3A_621 = arith.mulf %get3A_620, %get3A_562 : vector<16xf32>
        %add3A_622 = arith.addf %add3A_536, %mul3A_621 : vector<16xf32>
        %add3A_623 = arith.constant 4 : i32
        %add3A_624 = arith.addi %mul3A_212, %add3A_623 : i32
        %get3A_625 = arith.constant 6 : i32
        %get3A_626 = arith.index_cast %add3A_624 : i32 to index
        %get3A_627 = arith.index_cast %get3A_625 : i32 to index
        %get3A_628 = arith.index_cast %mul3A_83 : i32 to index
        %get3A_629 = tpu.vector_load %arg7[%get3A_626, %get3A_627, %get3A_628] {strides = array<i32>} : memref<50x8x128xf32, #tpu.memory_space<vmem>>, vector<1x1x16xf32>,
        %get3A_630 = vector.shape_cast %get3A_629 : vector<1x1x16xf32> to vector<16xf32>
        %mul3A_631 = arith.mulf %get3A_630, %get3A_562 : vector<16xf32>
        %add3A_632 = arith.addf %add3A_546, %mul3A_631 : vector<16xf32>
        %add3A_633 = arith.constant 4 : i32
        %add3A_634 = arith.addi %mul3A_212, %add3A_633 : i32
        %get3A_635 = arith.constant 7 : i32
        %get3A_636 = arith.index_cast %add3A_634 : i32 to index
        %get3A_637 = arith.index_cast %get3A_635 : i32 to index
        %get3A_638 = arith.index_cast %mul3A_83 : i32 to index
        %get3A_639 = tpu.vector_load %arg7[%get3A_636, %get3A_637, %get3A_638] {strides = array<i32>} : memref<50x8x128xf32, #tpu.memory_space<vmem>>, vector<1x1x16xf32>,
        %get3A_640 = vector.shape_cast %get3A_639 : vector<1x1x16xf32> to vector<16xf32>
        %mul3A_641 = arith.mulf %get3A_640, %get3A_562 : vector<16xf32>
        %add3A_642 = arith.addf %add3A_556, %mul3A_641 : vector<16xf32>
        scf.yield %add3A_572, %add3A_582, %add3A_592, %add3A_602, %add3A_612, %add3A_622, %add3A_632, %add3A_642 : vector<16xf32>, vector<16xf32>, vector<16xf32>, vector<16xf32>, vector<16xf32>, vector<16xf32>, vector<16xf32>, vector<16xf32>
      }
      %scan3A_106 = arith.constant 10 : i32
      %add3A_107 = arith.addf %scan3A_105#0, %get3A_85 : vector<16xf32>
      %gt3A = arith.constant 0.000000e+00 : f32
      %gt3A_108 = vector.broadcast %gt3A : f32 to vector<16xf32>
      %gt3A_109 = arith.cmpf ogt, %add3A_107, %gt3A_108 : vector<16xf32>
      %mul3A_110 = arith.constant 2.000000e-01 : f32
      %mul3A_111 = vector.broadcast %mul3A_110 : f32 to vector<16xf32>
      %mul3A_112 = arith.mulf %mul3A_111, %add3A_107 : vector<16xf32>
      %select_n3A = arith.select %gt3A_109, %add3A_107, %mul3A_112 : vector<16xi1>, vector<16xf32>
      %exp3A = math.exp %select_n3A : vector<16xf32>
      %add3A_113 = arith.addf %scan3A_105#1, %get3A_85 : vector<16xf32>
      %gt3A_114 = arith.constant 0.000000e+00 : f32
      %gt3A_115 = vector.broadcast %gt3A_114 : f32 to vector<16xf32>
      %gt3A_116 = arith.cmpf ogt, %add3A_113, %gt3A_115 : vector<16xf32>
      %mul3A_117 = arith.constant 2.000000e-01 : f32
      %mul3A_118 = vector.broadcast %mul3A_117 : f32 to vector<16xf32>
      %mul3A_119 = arith.mulf %mul3A_118, %add3A_113 : vector<16xf32>
      %select_n3A_120 = arith.select %gt3A_116, %add3A_113, %mul3A_119 : vector<16xi1>, vector<16xf32>
      %exp3A_121 = math.exp %select_n3A_120 : vector<16xf32>
      %add3A_122 = arith.addf %scan3A_105#2, %get3A_85 : vector<16xf32>
      %gt3A_123 = arith.constant 0.000000e+00 : f32
      %gt3A_124 = vector.broadcast %gt3A_123 : f32 to vector<16xf32>
      %gt3A_125 = arith.cmpf ogt, %add3A_122, %gt3A_124 : vector<16xf32>
      %mul3A_126 = arith.constant 2.000000e-01 : f32
      %mul3A_127 = vector.broadcast %mul3A_126 : f32 to vector<16xf32>
      %mul3A_128 = arith.mulf %mul3A_127, %add3A_122 : vector<16xf32>
      %select_n3A_129 = arith.select %gt3A_125, %add3A_122, %mul3A_128 : vector<16xi1>, vector<16xf32>
      %exp3A_130 = math.exp %select_n3A_129 : vector<16xf32>
      %add3A_131 = arith.addf %scan3A_105#3, %get3A_85 : vector<16xf32>
      %gt3A_132 = arith.constant 0.000000e+00 : f32
      %gt3A_133 = vector.broadcast %gt3A_132 : f32 to vector<16xf32>
      %gt3A_134 = arith.cmpf ogt, %add3A_131, %gt3A_133 : vector<16xf32>
      %mul3A_135 = arith.constant 2.000000e-01 : f32
      %mul3A_136 = vector.broadcast %mul3A_135 : f32 to vector<16xf32>
      %mul3A_137 = arith.mulf %mul3A_136, %add3A_131 : vector<16xf32>
      %select_n3A_138 = arith.select %gt3A_134, %add3A_131, %mul3A_137 : vector<16xi1>, vector<16xf32>
      %exp3A_139 = math.exp %select_n3A_138 : vector<16xf32>
      %add3A_140 = arith.addf %scan3A_105#4, %get3A_85 : vector<16xf32>
      %gt3A_141 = arith.constant 0.000000e+00 : f32
      %gt3A_142 = vector.broadcast %gt3A_141 : f32 to vector<16xf32>
      %gt3A_143 = arith.cmpf ogt, %add3A_140, %gt3A_142 : vector<16xf32>
      %mul3A_144 = arith.constant 2.000000e-01 : f32
      %mul3A_145 = vector.broadcast %mul3A_144 : f32 to vector<16xf32>
      %mul3A_146 = arith.mulf %mul3A_145, %add3A_140 : vector<16xf32>
      %select_n3A_147 = arith.select %gt3A_143, %add3A_140, %mul3A_146 : vector<16xi1>, vector<16xf32>
      %exp3A_148 = math.exp %select_n3A_147 : vector<16xf32>
      %add3A_149 = arith.addf %scan3A_105#5, %get3A_85 : vector<16xf32>
      %gt3A_150 = arith.constant 0.000000e+00 : f32
      %gt3A_151 = vector.broadcast %gt3A_150 : f32 to vector<16xf32>
      %gt3A_152 = arith.cmpf ogt, %add3A_149, %gt3A_151 : vector<16xf32>
      %mul3A_153 = arith.constant 2.000000e-01 : f32
      %mul3A_154 = vector.broadcast %mul3A_153 : f32 to vector<16xf32>
      %mul3A_155 = arith.mulf %mul3A_154, %add3A_149 : vector<16xf32>
      %select_n3A_156 = arith.select %gt3A_152, %add3A_149, %mul3A_155 : vector<16xi1>, vector<16xf32>
      %exp3A_157 = math.exp %select_n3A_156 : vector<16xf32>
      %add3A_158 = arith.addf %scan3A_105#6, %get3A_85 : vector<16xf32>
      %gt3A_159 = arith.constant 0.000000e+00 : f32
      %gt3A_160 = vector.broadcast %gt3A_159 : f32 to vector<16xf32>
      %gt3A_161 = arith.cmpf ogt, %add3A_158, %gt3A_160 : vector<16xf32>
      %mul3A_162 = arith.constant 2.000000e-01 : f32
      %mul3A_163 = vector.broadcast %mul3A_162 : f32 to vector<16xf32>
      %mul3A_164 = arith.mulf %mul3A_163, %add3A_158 : vector<16xf32>
      %select_n3A_165 = arith.select %gt3A_161, %add3A_158, %mul3A_164 : vector<16xi1>, vector<16xf32>
      %exp3A_166 = math.exp %select_n3A_165 : vector<16xf32>
      %add3A_167 = arith.addf %scan3A_105#7, %get3A_85 : vector<16xf32>
      %gt3A_168 = arith.constant 0.000000e+00 : f32
      %gt3A_169 = vector.broadcast %gt3A_168 : f32 to vector<16xf32>
      %gt3A_170 = arith.cmpf ogt, %add3A_167, %gt3A_169 : vector<16xf32>
      %mul3A_171 = arith.constant 2.000000e-01 : f32
      %mul3A_172 = vector.broadcast %mul3A_171 : f32 to vector<16xf32>
      %mul3A_173 = arith.mulf %mul3A_172, %add3A_167 : vector<16xf32>
      %select_n3A_174 = arith.select %gt3A_170, %add3A_167, %mul3A_173 : vector<16xi1>, vector<16xf32>
      %exp3A_175 = math.exp %select_n3A_174 : vector<16xf32>
      %add3A_176 = arith.addf %exp3A, %exp3A_121 : vector<16xf32>
      %add3A_177 = arith.addf %add3A_176, %exp3A_130 : vector<16xf32>
      %add3A_178 = arith.addf %add3A_177, %exp3A_139 : vector<16xf32>
      %add3A_179 = arith.addf %add3A_178, %exp3A_148 : vector<16xf32>
      %add3A_180 = arith.addf %add3A_179, %exp3A_157 : vector<16xf32>
      %add3A_181 = arith.addf %add3A_180, %exp3A_166 : vector<16xf32>
      %add3A_182 = arith.addf %add3A_181, %exp3A_175 : vector<16xf32>
      %get3A_183 = arith.constant 63 : i32
      %get3A_184 = arith.index_cast %get3A_183 : i32 to index
      %get3A_185 = arith.index_cast %mul3A_83 : i32 to index
      %get3A_186 = tpu.vector_load %arg8[%get3A_184, %get3A_185] {strides = array<i32>} : memref<64x128xf32, #tpu.memory_space<vmem>>, vector<1x16xf32>,
      %get3A_187 = vector.shape_cast %get3A_186 : vector<1x16xf32> to vector<16xf32>
      %add3A_188 = arith.addf %get3A_187, %add3A_182 : vector<16xf32>
      %swap3A = arith.constant 63 : i32
      %swap3A_189 = arith.index_cast %swap3A : i32 to index
      %swap3A_190 = arith.index_cast %mul3A_83 : i32 to index
      %swap3A_191 = tpu.vector_load %arg8[%swap3A_189, %swap3A_190] {strides = array<i32>} : memref<64x128xf32, #tpu.memory_space<vmem>>, vector<1x16xf32>,
      %swap3A_192 = vector.shape_cast %swap3A_191 : vector<1x16xf32> to vector<16xf32>
      %swap3A_193 = vector.shape_cast %add3A_188 : vector<16xf32> to vector<1x16xf32>
      tpu.vector_store %arg8[%swap3A_189, %swap3A_190], %swap3A_193 {strides = array<i32>} : memref<64x128xf32, #tpu.memory_space<vmem>>, vector<1x16xf32>,
      %scan3A_194 = arith.constant 0 : i32
      %scan3A_195 = arith.constant 0 : i32
      %scan3A_196 = arith.constant 10 : i32
      %scan3A_197 = arith.addi %scan3A_195, %scan3A_196 : i32
      %scan3A_198 = arith.constant 1 : i32
      %scan3A_199 = scf.for %scan3A_202 = %scan3A_195 to %scan3A_197 step %scan3A_198 iter_args(%scan3A_203 = %scan3A_194) -> (i32)  : i32 {
        %mul3A_204 = arith.constant 5 : i32
        %mul3A_205 = arith.muli %scan3A_202, %mul3A_204 : i32
        %add3A_206 = arith.constant 0 : i32
        %add3A_207 = arith.addi %mul3A_205, %add3A_206 : i32
        %get3A_208 = arith.constant 0 : i32
        %get3A_209 = arith.index_cast %add3A_207 : i32 to index
        %get3A_210 = arith.index_cast %get3A_208 : i32 to index
        %get3A_211 = arith.index_cast %mul3A_83 : i32 to index
        %get3A_212 = tpu.vector_load %arg7[%get3A_209, %get3A_210, %get3A_211] {strides = array<i32>} : memref<50x8x128xf32, #tpu.memory_space<vmem>>, vector<1x1x16xf32>,
        %get3A_213 = vector.shape_cast %get3A_212 : vector<1x1x16xf32> to vector<16xf32>
        %mul3A_214 = arith.mulf %exp3A, %get3A_213 : vector<16xf32>
        %add3A_215 = arith.constant 0 : i32
        %add3A_216 = arith.addi %mul3A_205, %add3A_215 : i32
        %get3A_217 = arith.constant 1 : i32
        %get3A_218 = arith.index_cast %add3A_216 : i32 to index
        %get3A_219 = arith.index_cast %get3A_217 : i32 to index
        %get3A_220 = arith.index_cast %mul3A_83 : i32 to index
        %get3A_221 = tpu.vector_load %arg7[%get3A_218, %get3A_219, %get3A_220] {strides = array<i32>} : memref<50x8x128xf32, #tpu.memory_space<vmem>>, vector<1x1x16xf32>,
        %get3A_222 = vector.shape_cast %get3A_221 : vector<1x1x16xf32> to vector<16xf32>
        %mul3A_223 = arith.mulf %exp3A_121, %get3A_222 : vector<16xf32>
        %add3A_224 = arith.addf %mul3A_214, %mul3A_223 : vector<16xf32>
        %add3A_225 = arith.constant 0 : i32
        %add3A_226 = arith.addi %mul3A_205, %add3A_225 : i32
        %get3A_227 = arith.constant 2 : i32
        %get3A_228 = arith.index_cast %add3A_226 : i32 to index
        %get3A_229 = arith.index_cast %get3A_227 : i32 to index
        %get3A_230 = arith.index_cast %mul3A_83 : i32 to index
        %get3A_231 = tpu.vector_load %arg7[%get3A_228, %get3A_229, %get3A_230] {strides = array<i32>} : memref<50x8x128xf32, #tpu.memory_space<vmem>>, vector<1x1x16xf32>,
        %get3A_232 = vector.shape_cast %get3A_231 : vector<1x1x16xf32> to vector<16xf32>
        %mul3A_233 = arith.mulf %exp3A_130, %get3A_232 : vector<16xf32>
        %add3A_234 = arith.addf %add3A_224, %mul3A_233 : vector<16xf32>
        %add3A_235 = arith.constant 0 : i32
        %add3A_236 = arith.addi %mul3A_205, %add3A_235 : i32
        %get3A_237 = arith.constant 3 : i32
        %get3A_238 = arith.index_cast %add3A_236 : i32 to index
        %get3A_239 = arith.index_cast %get3A_237 : i32 to index
        %get3A_240 = arith.index_cast %mul3A_83 : i32 to index
        %get3A_241 = tpu.vector_load %arg7[%get3A_238, %get3A_239, %get3A_240] {strides = array<i32>} : memref<50x8x128xf32, #tpu.memory_space<vmem>>, vector<1x1x16xf32>,
        %get3A_242 = vector.shape_cast %get3A_241 : vector<1x1x16xf32> to vector<16xf32>
        %mul3A_243 = arith.mulf %exp3A_139, %get3A_242 : vector<16xf32>
        %add3A_244 = arith.addf %add3A_234, %mul3A_243 : vector<16xf32>
        %add3A_245 = arith.constant 0 : i32
        %add3A_246 = arith.addi %mul3A_205, %add3A_245 : i32
        %get3A_247 = arith.constant 4 : i32
        %get3A_248 = arith.index_cast %add3A_246 : i32 to index
        %get3A_249 = arith.index_cast %get3A_247 : i32 to index
        %get3A_250 = arith.index_cast %mul3A_83 : i32 to index
        %get3A_251 = tpu.vector_load %arg7[%get3A_248, %get3A_249, %get3A_250] {strides = array<i32>} : memref<50x8x128xf32, #tpu.memory_space<vmem>>, vector<1x1x16xf32>,
        %get3A_252 = vector.shape_cast %get3A_251 : vector<1x1x16xf32> to vector<16xf32>
        %mul3A_253 = arith.mulf %exp3A_148, %get3A_252 : vector<16xf32>
        %add3A_254 = arith.addf %add3A_244, %mul3A_253 : vector<16xf32>
        %add3A_255 = arith.constant 0 : i32
        %add3A_256 = arith.addi %mul3A_205, %add3A_255 : i32
        %get3A_257 = arith.constant 5 : i32
        %get3A_258 = arith.index_cast %add3A_256 : i32 to index
        %get3A_259 = arith.index_cast %get3A_257 : i32 to index
        %get3A_260 = arith.index_cast %mul3A_83 : i32 to index
        %get3A_261 = tpu.vector_load %arg7[%get3A_258, %get3A_259, %get3A_260] {strides = array<i32>} : memref<50x8x128xf32, #tpu.memory_space<vmem>>, vector<1x1x16xf32>,
        %get3A_262 = vector.shape_cast %get3A_261 : vector<1x1x16xf32> to vector<16xf32>
        %mul3A_263 = arith.mulf %exp3A_157, %get3A_262 : vector<16xf32>
        %add3A_264 = arith.addf %add3A_254, %mul3A_263 : vector<16xf32>
        %add3A_265 = arith.constant 0 : i32
        %add3A_266 = arith.addi %mul3A_205, %add3A_265 : i32
        %get3A_267 = arith.constant 6 : i32
        %get3A_268 = arith.index_cast %add3A_266 : i32 to index
        %get3A_269 = arith.index_cast %get3A_267 : i32 to index
        %get3A_270 = arith.index_cast %mul3A_83 : i32 to index
        %get3A_271 = tpu.vector_load %arg7[%get3A_268, %get3A_269, %get3A_270] {strides = array<i32>} : memref<50x8x128xf32, #tpu.memory_space<vmem>>, vector<1x1x16xf32>,
        %get3A_272 = vector.shape_cast %get3A_271 : vector<1x1x16xf32> to vector<16xf32>
        %mul3A_273 = arith.mulf %exp3A_166, %get3A_272 : vector<16xf32>
        %add3A_274 = arith.addf %add3A_264, %mul3A_273 : vector<16xf32>
        %add3A_275 = arith.constant 0 : i32
        %add3A_276 = arith.addi %mul3A_205, %add3A_275 : i32
        %get3A_277 = arith.constant 7 : i32
        %get3A_278 = arith.index_cast %add3A_276 : i32 to index
        %get3A_279 = arith.index_cast %get3A_277 : i32 to index
        %get3A_280 = arith.index_cast %mul3A_83 : i32 to index
        %get3A_281 = tpu.vector_load %arg7[%get3A_278, %get3A_279, %get3A_280] {strides = array<i32>} : memref<50x8x128xf32, #tpu.memory_space<vmem>>, vector<1x1x16xf32>,
        %get3A_282 = vector.shape_cast %get3A_281 : vector<1x1x16xf32> to vector<16xf32>
        %mul3A_283 = arith.mulf %exp3A_175, %get3A_282 : vector<16xf32>
        %add3A_284 = arith.addf %add3A_274, %mul3A_283 : vector<16xf32>
        %add3A_285 = arith.constant 0 : i32
        %add3A_286 = arith.addi %mul3A_205, %add3A_285 : i32
        %get3A_287 = arith.index_cast %add3A_286 : i32 to index
        %get3A_288 = arith.index_cast %mul3A_83 : i32 to index
        %get3A_289 = tpu.vector_load %arg8[%get3A_287, %get3A_288] {strides = array<i32>} : memref<64x128xf32, #tpu.memory_space<vmem>>, vector<1x16xf32>,
        %get3A_290 = vector.shape_cast %get3A_289 : vector<1x16xf32> to vector<16xf32>
        %add3A_291 = arith.addf %get3A_290, %add3A_284 : vector<16xf32>
        %add3A_292 = arith.constant 0 : i32
        %add3A_293 = arith.addi %mul3A_205, %add3A_292 : i32
        %swap3A_294 = arith.index_cast %add3A_293 : i32 to index
        %swap3A_295 = arith.index_cast %mul3A_83 : i32 to index
        %swap3A_296 = tpu.vector_load %arg8[%swap3A_294, %swap3A_295] {strides = array<i32>} : memref<64x128xf32, #tpu.memory_space<vmem>>, vector<1x16xf32>,
        %swap3A_297 = vector.shape_cast %swap3A_296 : vector<1x16xf32> to vector<16xf32>
        %swap3A_298 = vector.shape_cast %add3A_291 : vector<16xf32> to vector<1x16xf32>
        tpu.vector_store %arg8[%swap3A_294, %swap3A_295], %swap3A_298 {strides = array<i32>} : memref<64x128xf32, #tpu.memory_space<vmem>>, vector<1x16xf32>,
        %add3A_299 = arith.constant 1 : i32
        %add3A_300 = arith.addi %mul3A_205, %add3A_299 : i32
        %get3A_301 = arith.constant 0 : i32
        %get3A_302 = arith.index_cast %add3A_300 : i32 to index
        %get3A_303 = arith.index_cast %get3A_301 : i32 to index
        %get3A_304 = arith.index_cast %mul3A_83 : i32 to index
        %get3A_305 = tpu.vector_load %arg7[%get3A_302, %get3A_303, %get3A_304] {strides = array<i32>} : memref<50x8x128xf32, #tpu.memory_space<vmem>>, vector<1x1x16xf32>,
        %get3A_306 = vector.shape_cast %get3A_305 : vector<1x1x16xf32> to vector<16xf32>
        %mul3A_307 = arith.mulf %exp3A, %get3A_306 : vector<16xf32>
        %add3A_308 = arith.constant 1 : i32
        %add3A_309 = arith.addi %mul3A_205, %add3A_308 : i32
        %get3A_310 = arith.constant 1 : i32
        %get3A_311 = arith.index_cast %add3A_309 : i32 to index
        %get3A_312 = arith.index_cast %get3A_310 : i32 to index
        %get3A_313 = arith.index_cast %mul3A_83 : i32 to index
        %get3A_314 = tpu.vector_load %arg7[%get3A_311, %get3A_312, %get3A_313] {strides = array<i32>} : memref<50x8x128xf32, #tpu.memory_space<vmem>>, vector<1x1x16xf32>,
        %get3A_315 = vector.shape_cast %get3A_314 : vector<1x1x16xf32> to vector<16xf32>
        %mul3A_316 = arith.mulf %exp3A_121, %get3A_315 : vector<16xf32>
        %add3A_317 = arith.addf %mul3A_307, %mul3A_316 : vector<16xf32>
        %add3A_318 = arith.constant 1 : i32
        %add3A_319 = arith.addi %mul3A_205, %add3A_318 : i32
        %get3A_320 = arith.constant 2 : i32
        %get3A_321 = arith.index_cast %add3A_319 : i32 to index
        %get3A_322 = arith.index_cast %get3A_320 : i32 to index
        %get3A_323 = arith.index_cast %mul3A_83 : i32 to index
        %get3A_324 = tpu.vector_load %arg7[%get3A_321, %get3A_322, %get3A_323] {strides = array<i32>} : memref<50x8x128xf32, #tpu.memory_space<vmem>>, vector<1x1x16xf32>,
        %get3A_325 = vector.shape_cast %get3A_324 : vector<1x1x16xf32> to vector<16xf32>
        %mul3A_326 = arith.mulf %exp3A_130, %get3A_325 : vector<16xf32>
        %add3A_327 = arith.addf %add3A_317, %mul3A_326 : vector<16xf32>
        %add3A_328 = arith.constant 1 : i32
        %add3A_329 = arith.addi %mul3A_205, %add3A_328 : i32
        %get3A_330 = arith.constant 3 : i32
        %get3A_331 = arith.index_cast %add3A_329 : i32 to index
        %get3A_332 = arith.index_cast %get3A_330 : i32 to index
        %get3A_333 = arith.index_cast %mul3A_83 : i32 to index
        %get3A_334 = tpu.vector_load %arg7[%get3A_331, %get3A_332, %get3A_333] {strides = array<i32>} : memref<50x8x128xf32, #tpu.memory_space<vmem>>, vector<1x1x16xf32>,
        %get3A_335 = vector.shape_cast %get3A_334 : vector<1x1x16xf32> to vector<16xf32>
        %mul3A_336 = arith.mulf %exp3A_139, %get3A_335 : vector<16xf32>
        %add3A_337 = arith.addf %add3A_327, %mul3A_336 : vector<16xf32>
        %add3A_338 = arith.constant 1 : i32
        %add3A_339 = arith.addi %mul3A_205, %add3A_338 : i32
        %get3A_340 = arith.constant 4 : i32
        %get3A_341 = arith.index_cast %add3A_339 : i32 to index
        %get3A_342 = arith.index_cast %get3A_340 : i32 to index
        %get3A_343 = arith.index_cast %mul3A_83 : i32 to index
        %get3A_344 = tpu.vector_load %arg7[%get3A_341, %get3A_342, %get3A_343] {strides = array<i32>} : memref<50x8x128xf32, #tpu.memory_space<vmem>>, vector<1x1x16xf32>,
        %get3A_345 = vector.shape_cast %get3A_344 : vector<1x1x16xf32> to vector<16xf32>
        %mul3A_346 = arith.mulf %exp3A_148, %get3A_345 : vector<16xf32>
        %add3A_347 = arith.addf %add3A_337, %mul3A_346 : vector<16xf32>
        %add3A_348 = arith.constant 1 : i32
        %add3A_349 = arith.addi %mul3A_205, %add3A_348 : i32
        %get3A_350 = arith.constant 5 : i32
        %get3A_351 = arith.index_cast %add3A_349 : i32 to index
        %get3A_352 = arith.index_cast %get3A_350 : i32 to index
        %get3A_353 = arith.index_cast %mul3A_83 : i32 to index
        %get3A_354 = tpu.vector_load %arg7[%get3A_351, %get3A_352, %get3A_353] {strides = array<i32>} : memref<50x8x128xf32, #tpu.memory_space<vmem>>, vector<1x1x16xf32>,
        %get3A_355 = vector.shape_cast %get3A_354 : vector<1x1x16xf32> to vector<16xf32>
        %mul3A_356 = arith.mulf %exp3A_157, %get3A_355 : vector<16xf32>
        %add3A_357 = arith.addf %add3A_347, %mul3A_356 : vector<16xf32>
        %add3A_358 = arith.constant 1 : i32
        %add3A_359 = arith.addi %mul3A_205, %add3A_358 : i32
        %get3A_360 = arith.constant 6 : i32
        %get3A_361 = arith.index_cast %add3A_359 : i32 to index
        %get3A_362 = arith.index_cast %get3A_360 : i32 to index
        %get3A_363 = arith.index_cast %mul3A_83 : i32 to index
        %get3A_364 = tpu.vector_load %arg7[%get3A_361, %get3A_362, %get3A_363] {strides = array<i32>} : memref<50x8x128xf32, #tpu.memory_space<vmem>>, vector<1x1x16xf32>,
        %get3A_365 = vector.shape_cast %get3A_364 : vector<1x1x16xf32> to vector<16xf32>
        %mul3A_366 = arith.mulf %exp3A_166, %get3A_365 : vector<16xf32>
        %add3A_367 = arith.addf %add3A_357, %mul3A_366 : vector<16xf32>
        %add3A_368 = arith.constant 1 : i32
        %add3A_369 = arith.addi %mul3A_205, %add3A_368 : i32
        %get3A_370 = arith.constant 7 : i32
        %get3A_371 = arith.index_cast %add3A_369 : i32 to index
        %get3A_372 = arith.index_cast %get3A_370 : i32 to index
        %get3A_373 = arith.index_cast %mul3A_83 : i32 to index
        %get3A_374 = tpu.vector_load %arg7[%get3A_371, %get3A_372, %get3A_373] {strides = array<i32>} : memref<50x8x128xf32, #tpu.memory_space<vmem>>, vector<1x1x16xf32>,
        %get3A_375 = vector.shape_cast %get3A_374 : vector<1x1x16xf32> to vector<16xf32>
        %mul3A_376 = arith.mulf %exp3A_175, %get3A_375 : vector<16xf32>
        %add3A_377 = arith.addf %add3A_367, %mul3A_376 : vector<16xf32>
        %add3A_378 = arith.constant 1 : i32
        %add3A_379 = arith.addi %mul3A_205, %add3A_378 : i32
        %get3A_380 = arith.index_cast %add3A_379 : i32 to index
        %get3A_381 = arith.index_cast %mul3A_83 : i32 to index
        %get3A_382 = tpu.vector_load %arg8[%get3A_380, %get3A_381] {strides = array<i32>} : memref<64x128xf32, #tpu.memory_space<vmem>>, vector<1x16xf32>,
        %get3A_383 = vector.shape_cast %get3A_382 : vector<1x16xf32> to vector<16xf32>
        %add3A_384 = arith.addf %get3A_383, %add3A_377 : vector<16xf32>
        %add3A_385 = arith.constant 1 : i32
        %add3A_386 = arith.addi %mul3A_205, %add3A_385 : i32
        %swap3A_387 = arith.index_cast %add3A_386 : i32 to index
        %swap3A_388 = arith.index_cast %mul3A_83 : i32 to index
        %swap3A_389 = tpu.vector_load %arg8[%swap3A_387, %swap3A_388] {strides = array<i32>} : memref<64x128xf32, #tpu.memory_space<vmem>>, vector<1x16xf32>,
        %swap3A_390 = vector.shape_cast %swap3A_389 : vector<1x16xf32> to vector<16xf32>
        %swap3A_391 = vector.shape_cast %add3A_384 : vector<16xf32> to vector<1x16xf32>
        tpu.vector_store %arg8[%swap3A_387, %swap3A_388], %swap3A_391 {strides = array<i32>} : memref<64x128xf32, #tpu.memory_space<vmem>>, vector<1x16xf32>,
        %add3A_392 = arith.constant 2 : i32
        %add3A_393 = arith.addi %mul3A_205, %add3A_392 : i32
        %get3A_394 = arith.constant 0 : i32
        %get3A_395 = arith.index_cast %add3A_393 : i32 to index
        %get3A_396 = arith.index_cast %get3A_394 : i32 to index
        %get3A_397 = arith.index_cast %mul3A_83 : i32 to index
        %get3A_398 = tpu.vector_load %arg7[%get3A_395, %get3A_396, %get3A_397] {strides = array<i32>} : memref<50x8x128xf32, #tpu.memory_space<vmem>>, vector<1x1x16xf32>,
        %get3A_399 = vector.shape_cast %get3A_398 : vector<1x1x16xf32> to vector<16xf32>
        %mul3A_400 = arith.mulf %exp3A, %get3A_399 : vector<16xf32>
        %add3A_401 = arith.constant 2 : i32
        %add3A_402 = arith.addi %mul3A_205, %add3A_401 : i32
        %get3A_403 = arith.constant 1 : i32
        %get3A_404 = arith.index_cast %add3A_402 : i32 to index
        %get3A_405 = arith.index_cast %get3A_403 : i32 to index
        %get3A_406 = arith.index_cast %mul3A_83 : i32 to index
        %get3A_407 = tpu.vector_load %arg7[%get3A_404, %get3A_405, %get3A_406] {strides = array<i32>} : memref<50x8x128xf32, #tpu.memory_space<vmem>>, vector<1x1x16xf32>,
        %get3A_408 = vector.shape_cast %get3A_407 : vector<1x1x16xf32> to vector<16xf32>
        %mul3A_409 = arith.mulf %exp3A_121, %get3A_408 : vector<16xf32>
        %add3A_410 = arith.addf %mul3A_400, %mul3A_409 : vector<16xf32>
        %add3A_411 = arith.constant 2 : i32
        %add3A_412 = arith.addi %mul3A_205, %add3A_411 : i32
        %get3A_413 = arith.constant 2 : i32
        %get3A_414 = arith.index_cast %add3A_412 : i32 to index
        %get3A_415 = arith.index_cast %get3A_413 : i32 to index
        %get3A_416 = arith.index_cast %mul3A_83 : i32 to index
        %get3A_417 = tpu.vector_load %arg7[%get3A_414, %get3A_415, %get3A_416] {strides = array<i32>} : memref<50x8x128xf32, #tpu.memory_space<vmem>>, vector<1x1x16xf32>,
        %get3A_418 = vector.shape_cast %get3A_417 : vector<1x1x16xf32> to vector<16xf32>
        %mul3A_419 = arith.mulf %exp3A_130, %get3A_418 : vector<16xf32>
        %add3A_420 = arith.addf %add3A_410, %mul3A_419 : vector<16xf32>
        %add3A_421 = arith.constant 2 : i32
        %add3A_422 = arith.addi %mul3A_205, %add3A_421 : i32
        %get3A_423 = arith.constant 3 : i32
        %get3A_424 = arith.index_cast %add3A_422 : i32 to index
        %get3A_425 = arith.index_cast %get3A_423 : i32 to index
        %get3A_426 = arith.index_cast %mul3A_83 : i32 to index
        %get3A_427 = tpu.vector_load %arg7[%get3A_424, %get3A_425, %get3A_426] {strides = array<i32>} : memref<50x8x128xf32, #tpu.memory_space<vmem>>, vector<1x1x16xf32>,
        %get3A_428 = vector.shape_cast %get3A_427 : vector<1x1x16xf32> to vector<16xf32>
        %mul3A_429 = arith.mulf %exp3A_139, %get3A_428 : vector<16xf32>
        %add3A_430 = arith.addf %add3A_420, %mul3A_429 : vector<16xf32>
        %add3A_431 = arith.constant 2 : i32
        %add3A_432 = arith.addi %mul3A_205, %add3A_431 : i32
        %get3A_433 = arith.constant 4 : i32
        %get3A_434 = arith.index_cast %add3A_432 : i32 to index
        %get3A_435 = arith.index_cast %get3A_433 : i32 to index
        %get3A_436 = arith.index_cast %mul3A_83 : i32 to index
        %get3A_437 = tpu.vector_load %arg7[%get3A_434, %get3A_435, %get3A_436] {strides = array<i32>} : memref<50x8x128xf32, #tpu.memory_space<vmem>>, vector<1x1x16xf32>,
        %get3A_438 = vector.shape_cast %get3A_437 : vector<1x1x16xf32> to vector<16xf32>
        %mul3A_439 = arith.mulf %exp3A_148, %get3A_438 : vector<16xf32>
        %add3A_440 = arith.addf %add3A_430, %mul3A_439 : vector<16xf32>
        %add3A_441 = arith.constant 2 : i32
        %add3A_442 = arith.addi %mul3A_205, %add3A_441 : i32
        %get3A_443 = arith.constant 5 : i32
        %get3A_444 = arith.index_cast %add3A_442 : i32 to index
        %get3A_445 = arith.index_cast %get3A_443 : i32 to index
        %get3A_446 = arith.index_cast %mul3A_83 : i32 to index
        %get3A_447 = tpu.vector_load %arg7[%get3A_444, %get3A_445, %get3A_446] {strides = array<i32>} : memref<50x8x128xf32, #tpu.memory_space<vmem>>, vector<1x1x16xf32>,
        %get3A_448 = vector.shape_cast %get3A_447 : vector<1x1x16xf32> to vector<16xf32>
        %mul3A_449 = arith.mulf %exp3A_157, %get3A_448 : vector<16xf32>
        %add3A_450 = arith.addf %add3A_440, %mul3A_449 : vector<16xf32>
        %add3A_451 = arith.constant 2 : i32
        %add3A_452 = arith.addi %mul3A_205, %add3A_451 : i32
        %get3A_453 = arith.constant 6 : i32
        %get3A_454 = arith.index_cast %add3A_452 : i32 to index
        %get3A_455 = arith.index_cast %get3A_453 : i32 to index
        %get3A_456 = arith.index_cast %mul3A_83 : i32 to index
        %get3A_457 = tpu.vector_load %arg7[%get3A_454, %get3A_455, %get3A_456] {strides = array<i32>} : memref<50x8x128xf32, #tpu.memory_space<vmem>>, vector<1x1x16xf32>,
        %get3A_458 = vector.shape_cast %get3A_457 : vector<1x1x16xf32> to vector<16xf32>
        %mul3A_459 = arith.mulf %exp3A_166, %get3A_458 : vector<16xf32>
        %add3A_460 = arith.addf %add3A_450, %mul3A_459 : vector<16xf32>
        %add3A_461 = arith.constant 2 : i32
        %add3A_462 = arith.addi %mul3A_205, %add3A_461 : i32
        %get3A_463 = arith.constant 7 : i32
        %get3A_464 = arith.index_cast %add3A_462 : i32 to index
        %get3A_465 = arith.index_cast %get3A_463 : i32 to index
        %get3A_466 = arith.index_cast %mul3A_83 : i32 to index
        %get3A_467 = tpu.vector_load %arg7[%get3A_464, %get3A_465, %get3A_466] {strides = array<i32>} : memref<50x8x128xf32, #tpu.memory_space<vmem>>, vector<1x1x16xf32>,
        %get3A_468 = vector.shape_cast %get3A_467 : vector<1x1x16xf32> to vector<16xf32>
        %mul3A_469 = arith.mulf %exp3A_175, %get3A_468 : vector<16xf32>
        %add3A_470 = arith.addf %add3A_460, %mul3A_469 : vector<16xf32>
        %add3A_471 = arith.constant 2 : i32
        %add3A_472 = arith.addi %mul3A_205, %add3A_471 : i32
        %get3A_473 = arith.index_cast %add3A_472 : i32 to index
        %get3A_474 = arith.index_cast %mul3A_83 : i32 to index
        %get3A_475 = tpu.vector_load %arg8[%get3A_473, %get3A_474] {strides = array<i32>} : memref<64x128xf32, #tpu.memory_space<vmem>>, vector<1x16xf32>,
        %get3A_476 = vector.shape_cast %get3A_475 : vector<1x16xf32> to vector<16xf32>
        %add3A_477 = arith.addf %get3A_476, %add3A_470 : vector<16xf32>
        %add3A_478 = arith.constant 2 : i32
        %add3A_479 = arith.addi %mul3A_205, %add3A_478 : i32
        %swap3A_480 = arith.index_cast %add3A_479 : i32 to index
        %swap3A_481 = arith.index_cast %mul3A_83 : i32 to index
        %swap3A_482 = tpu.vector_load %arg8[%swap3A_480, %swap3A_481] {strides = array<i32>} : memref<64x128xf32, #tpu.memory_space<vmem>>, vector<1x16xf32>,
        %swap3A_483 = vector.shape_cast %swap3A_482 : vector<1x16xf32> to vector<16xf32>
        %swap3A_484 = vector.shape_cast %add3A_477 : vector<16xf32> to vector<1x16xf32>
        tpu.vector_store %arg8[%swap3A_480, %swap3A_481], %swap3A_484 {strides = array<i32>} : memref<64x128xf32, #tpu.memory_space<vmem>>, vector<1x16xf32>,
        %add3A_485 = arith.constant 3 : i32
        %add3A_486 = arith.addi %mul3A_205, %add3A_485 : i32
        %get3A_487 = arith.constant 0 : i32
        %get3A_488 = arith.index_cast %add3A_486 : i32 to index
        %get3A_489 = arith.index_cast %get3A_487 : i32 to index
        %get3A_490 = arith.index_cast %mul3A_83 : i32 to index
        %get3A_491 = tpu.vector_load %arg7[%get3A_488, %get3A_489, %get3A_490] {strides = array<i32>} : memref<50x8x128xf32, #tpu.memory_space<vmem>>, vector<1x1x16xf32>,
        %get3A_492 = vector.shape_cast %get3A_491 : vector<1x1x16xf32> to vector<16xf32>
        %mul3A_493 = arith.mulf %exp3A, %get3A_492 : vector<16xf32>
        %add3A_494 = arith.constant 3 : i32
        %add3A_495 = arith.addi %mul3A_205, %add3A_494 : i32
        %get3A_496 = arith.constant 1 : i32
        %get3A_497 = arith.index_cast %add3A_495 : i32 to index
        %get3A_498 = arith.index_cast %get3A_496 : i32 to index
        %get3A_499 = arith.index_cast %mul3A_83 : i32 to index
        %get3A_500 = tpu.vector_load %arg7[%get3A_497, %get3A_498, %get3A_499] {strides = array<i32>} : memref<50x8x128xf32, #tpu.memory_space<vmem>>, vector<1x1x16xf32>,
        %get3A_501 = vector.shape_cast %get3A_500 : vector<1x1x16xf32> to vector<16xf32>
        %mul3A_502 = arith.mulf %exp3A_121, %get3A_501 : vector<16xf32>
        %add3A_503 = arith.addf %mul3A_493, %mul3A_502 : vector<16xf32>
        %add3A_504 = arith.constant 3 : i32
        %add3A_505 = arith.addi %mul3A_205, %add3A_504 : i32
        %get3A_506 = arith.constant 2 : i32
        %get3A_507 = arith.index_cast %add3A_505 : i32 to index
        %get3A_508 = arith.index_cast %get3A_506 : i32 to index
        %get3A_509 = arith.index_cast %mul3A_83 : i32 to index
        %get3A_510 = tpu.vector_load %arg7[%get3A_507, %get3A_508, %get3A_509] {strides = array<i32>} : memref<50x8x128xf32, #tpu.memory_space<vmem>>, vector<1x1x16xf32>,
        %get3A_511 = vector.shape_cast %get3A_510 : vector<1x1x16xf32> to vector<16xf32>
        %mul3A_512 = arith.mulf %exp3A_130, %get3A_511 : vector<16xf32>
        %add3A_513 = arith.addf %add3A_503, %mul3A_512 : vector<16xf32>
        %add3A_514 = arith.constant 3 : i32
        %add3A_515 = arith.addi %mul3A_205, %add3A_514 : i32
        %get3A_516 = arith.constant 3 : i32
        %get3A_517 = arith.index_cast %add3A_515 : i32 to index
        %get3A_518 = arith.index_cast %get3A_516 : i32 to index
        %get3A_519 = arith.index_cast %mul3A_83 : i32 to index
        %get3A_520 = tpu.vector_load %arg7[%get3A_517, %get3A_518, %get3A_519] {strides = array<i32>} : memref<50x8x128xf32, #tpu.memory_space<vmem>>, vector<1x1x16xf32>,
        %get3A_521 = vector.shape_cast %get3A_520 : vector<1x1x16xf32> to vector<16xf32>
        %mul3A_522 = arith.mulf %exp3A_139, %get3A_521 : vector<16xf32>
        %add3A_523 = arith.addf %add3A_513, %mul3A_522 : vector<16xf32>
        %add3A_524 = arith.constant 3 : i32
        %add3A_525 = arith.addi %mul3A_205, %add3A_524 : i32
        %get3A_526 = arith.constant 4 : i32
        %get3A_527 = arith.index_cast %add3A_525 : i32 to index
        %get3A_528 = arith.index_cast %get3A_526 : i32 to index
        %get3A_529 = arith.index_cast %mul3A_83 : i32 to index
        %get3A_530 = tpu.vector_load %arg7[%get3A_527, %get3A_528, %get3A_529] {strides = array<i32>} : memref<50x8x128xf32, #tpu.memory_space<vmem>>, vector<1x1x16xf32>,
        %get3A_531 = vector.shape_cast %get3A_530 : vector<1x1x16xf32> to vector<16xf32>
        %mul3A_532 = arith.mulf %exp3A_148, %get3A_531 : vector<16xf32>
        %add3A_533 = arith.addf %add3A_523, %mul3A_532 : vector<16xf32>
        %add3A_534 = arith.constant 3 : i32
        %add3A_535 = arith.addi %mul3A_205, %add3A_534 : i32
        %get3A_536 = arith.constant 5 : i32
        %get3A_537 = arith.index_cast %add3A_535 : i32 to index
        %get3A_538 = arith.index_cast %get3A_536 : i32 to index
        %get3A_539 = arith.index_cast %mul3A_83 : i32 to index
        %get3A_540 = tpu.vector_load %arg7[%get3A_537, %get3A_538, %get3A_539] {strides = array<i32>} : memref<50x8x128xf32, #tpu.memory_space<vmem>>, vector<1x1x16xf32>,
        %get3A_541 = vector.shape_cast %get3A_540 : vector<1x1x16xf32> to vector<16xf32>
        %mul3A_542 = arith.mulf %exp3A_157, %get3A_541 : vector<16xf32>
        %add3A_543 = arith.addf %add3A_533, %mul3A_542 : vector<16xf32>
        %add3A_544 = arith.constant 3 : i32
        %add3A_545 = arith.addi %mul3A_205, %add3A_544 : i32
        %get3A_546 = arith.constant 6 : i32
        %get3A_547 = arith.index_cast %add3A_545 : i32 to index
        %get3A_548 = arith.index_cast %get3A_546 : i32 to index
        %get3A_549 = arith.index_cast %mul3A_83 : i32 to index
        %get3A_550 = tpu.vector_load %arg7[%get3A_547, %get3A_548, %get3A_549] {strides = array<i32>} : memref<50x8x128xf32, #tpu.memory_space<vmem>>, vector<1x1x16xf32>,
        %get3A_551 = vector.shape_cast %get3A_550 : vector<1x1x16xf32> to vector<16xf32>
        %mul3A_552 = arith.mulf %exp3A_166, %get3A_551 : vector<16xf32>
        %add3A_553 = arith.addf %add3A_543, %mul3A_552 : vector<16xf32>
        %add3A_554 = arith.constant 3 : i32
        %add3A_555 = arith.addi %mul3A_205, %add3A_554 : i32
        %get3A_556 = arith.constant 7 : i32
        %get3A_557 = arith.index_cast %add3A_555 : i32 to index
        %get3A_558 = arith.index_cast %get3A_556 : i32 to index
        %get3A_559 = arith.index_cast %mul3A_83 : i32 to index
        %get3A_560 = tpu.vector_load %arg7[%get3A_557, %get3A_558, %get3A_559] {strides = array<i32>} : memref<50x8x128xf32, #tpu.memory_space<vmem>>, vector<1x1x16xf32>,
        %get3A_561 = vector.shape_cast %get3A_560 : vector<1x1x16xf32> to vector<16xf32>
        %mul3A_562 = arith.mulf %exp3A_175, %get3A_561 : vector<16xf32>
        %add3A_563 = arith.addf %add3A_553, %mul3A_562 : vector<16xf32>
        %add3A_564 = arith.constant 3 : i32
        %add3A_565 = arith.addi %mul3A_205, %add3A_564 : i32
        %get3A_566 = arith.index_cast %add3A_565 : i32 to index
        %get3A_567 = arith.index_cast %mul3A_83 : i32 to index
        %get3A_568 = tpu.vector_load %arg8[%get3A_566, %get3A_567] {strides = array<i32>} : memref<64x128xf32, #tpu.memory_space<vmem>>, vector<1x16xf32>,
        %get3A_569 = vector.shape_cast %get3A_568 : vector<1x16xf32> to vector<16xf32>
        %add3A_570 = arith.addf %get3A_569, %add3A_563 : vector<16xf32>
        %add3A_571 = arith.constant 3 : i32
        %add3A_572 = arith.addi %mul3A_205, %add3A_571 : i32
        %swap3A_573 = arith.index_cast %add3A_572 : i32 to index
        %swap3A_574 = arith.index_cast %mul3A_83 : i32 to index
        %swap3A_575 = tpu.vector_load %arg8[%swap3A_573, %swap3A_574] {strides = array<i32>} : memref<64x128xf32, #tpu.memory_space<vmem>>, vector<1x16xf32>,
        %swap3A_576 = vector.shape_cast %swap3A_575 : vector<1x16xf32> to vector<16xf32>
        %swap3A_577 = vector.shape_cast %add3A_570 : vector<16xf32> to vector<1x16xf32>
        tpu.vector_store %arg8[%swap3A_573, %swap3A_574], %swap3A_577 {strides = array<i32>} : memref<64x128xf32, #tpu.memory_space<vmem>>, vector<1x16xf32>,
        %add3A_578 = arith.constant 4 : i32
        %add3A_579 = arith.addi %mul3A_205, %add3A_578 : i32
        %get3A_580 = arith.constant 0 : i32
        %get3A_581 = arith.index_cast %add3A_579 : i32 to index
        %get3A_582 = arith.index_cast %get3A_580 : i32 to index
        %get3A_583 = arith.index_cast %mul3A_83 : i32 to index
        %get3A_584 = tpu.vector_load %arg7[%get3A_581, %get3A_582, %get3A_583] {strides = array<i32>} : memref<50x8x128xf32, #tpu.memory_space<vmem>>, vector<1x1x16xf32>,
        %get3A_585 = vector.shape_cast %get3A_584 : vector<1x1x16xf32> to vector<16xf32>
        %mul3A_586 = arith.mulf %exp3A, %get3A_585 : vector<16xf32>
        %add3A_587 = arith.constant 4 : i32
        %add3A_588 = arith.addi %mul3A_205, %add3A_587 : i32
        %get3A_589 = arith.constant 1 : i32
        %get3A_590 = arith.index_cast %add3A_588 : i32 to index
        %get3A_591 = arith.index_cast %get3A_589 : i32 to index
        %get3A_592 = arith.index_cast %mul3A_83 : i32 to index
        %get3A_593 = tpu.vector_load %arg7[%get3A_590, %get3A_591, %get3A_592] {strides = array<i32>} : memref<50x8x128xf32, #tpu.memory_space<vmem>>, vector<1x1x16xf32>,
        %get3A_594 = vector.shape_cast %get3A_593 : vector<1x1x16xf32> to vector<16xf32>
        %mul3A_595 = arith.mulf %exp3A_121, %get3A_594 : vector<16xf32>
        %add3A_596 = arith.addf %mul3A_586, %mul3A_595 : vector<16xf32>
        %add3A_597 = arith.constant 4 : i32
        %add3A_598 = arith.addi %mul3A_205, %add3A_597 : i32
        %get3A_599 = arith.constant 2 : i32
        %get3A_600 = arith.index_cast %add3A_598 : i32 to index
        %get3A_601 = arith.index_cast %get3A_599 : i32 to index
        %get3A_602 = arith.index_cast %mul3A_83 : i32 to index
        %get3A_603 = tpu.vector_load %arg7[%get3A_600, %get3A_601, %get3A_602] {strides = array<i32>} : memref<50x8x128xf32, #tpu.memory_space<vmem>>, vector<1x1x16xf32>,
        %get3A_604 = vector.shape_cast %get3A_603 : vector<1x1x16xf32> to vector<16xf32>
        %mul3A_605 = arith.mulf %exp3A_130, %get3A_604 : vector<16xf32>
        %add3A_606 = arith.addf %add3A_596, %mul3A_605 : vector<16xf32>
        %add3A_607 = arith.constant 4 : i32
        %add3A_608 = arith.addi %mul3A_205, %add3A_607 : i32
        %get3A_609 = arith.constant 3 : i32
        %get3A_610 = arith.index_cast %add3A_608 : i32 to index
        %get3A_611 = arith.index_cast %get3A_609 : i32 to index
        %get3A_612 = arith.index_cast %mul3A_83 : i32 to index
        %get3A_613 = tpu.vector_load %arg7[%get3A_610, %get3A_611, %get3A_612] {strides = array<i32>} : memref<50x8x128xf32, #tpu.memory_space<vmem>>, vector<1x1x16xf32>,
        %get3A_614 = vector.shape_cast %get3A_613 : vector<1x1x16xf32> to vector<16xf32>
        %mul3A_615 = arith.mulf %exp3A_139, %get3A_614 : vector<16xf32>
        %add3A_616 = arith.addf %add3A_606, %mul3A_615 : vector<16xf32>
        %add3A_617 = arith.constant 4 : i32
        %add3A_618 = arith.addi %mul3A_205, %add3A_617 : i32
        %get3A_619 = arith.constant 4 : i32
        %get3A_620 = arith.index_cast %add3A_618 : i32 to index
        %get3A_621 = arith.index_cast %get3A_619 : i32 to index
        %get3A_622 = arith.index_cast %mul3A_83 : i32 to index
        %get3A_623 = tpu.vector_load %arg7[%get3A_620, %get3A_621, %get3A_622] {strides = array<i32>} : memref<50x8x128xf32, #tpu.memory_space<vmem>>, vector<1x1x16xf32>,
        %get3A_624 = vector.shape_cast %get3A_623 : vector<1x1x16xf32> to vector<16xf32>
        %mul3A_625 = arith.mulf %exp3A_148, %get3A_624 : vector<16xf32>
        %add3A_626 = arith.addf %add3A_616, %mul3A_625 : vector<16xf32>
        %add3A_627 = arith.constant 4 : i32
        %add3A_628 = arith.addi %mul3A_205, %add3A_627 : i32
        %get3A_629 = arith.constant 5 : i32
        %get3A_630 = arith.index_cast %add3A_628 : i32 to index
        %get3A_631 = arith.index_cast %get3A_629 : i32 to index
        %get3A_632 = arith.index_cast %mul3A_83 : i32 to index
        %get3A_633 = tpu.vector_load %arg7[%get3A_630, %get3A_631, %get3A_632] {strides = array<i32>} : memref<50x8x128xf32, #tpu.memory_space<vmem>>, vector<1x1x16xf32>,
        %get3A_634 = vector.shape_cast %get3A_633 : vector<1x1x16xf32> to vector<16xf32>
        %mul3A_635 = arith.mulf %exp3A_157, %get3A_634 : vector<16xf32>
        %add3A_636 = arith.addf %add3A_626, %mul3A_635 : vector<16xf32>
        %add3A_637 = arith.constant 4 : i32
        %add3A_638 = arith.addi %mul3A_205, %add3A_637 : i32
        %get3A_639 = arith.constant 6 : i32
        %get3A_640 = arith.index_cast %add3A_638 : i32 to index
        %get3A_641 = arith.index_cast %get3A_639 : i32 to index
        %get3A_642 = arith.index_cast %mul3A_83 : i32 to index
        %get3A_643 = tpu.vector_load %arg7[%get3A_640, %get3A_641, %get3A_642] {strides = array<i32>} : memref<50x8x128xf32, #tpu.memory_space<vmem>>, vector<1x1x16xf32>,
        %get3A_644 = vector.shape_cast %get3A_643 : vector<1x1x16xf32> to vector<16xf32>
        %mul3A_645 = arith.mulf %exp3A_166, %get3A_644 : vector<16xf32>
        %add3A_646 = arith.addf %add3A_636, %mul3A_645 : vector<16xf32>
        %add3A_647 = arith.constant 4 : i32
        %add3A_648 = arith.addi %mul3A_205, %add3A_647 : i32
        %get3A_649 = arith.constant 7 : i32
        %get3A_650 = arith.index_cast %add3A_648 : i32 to index
        %get3A_651 = arith.index_cast %get3A_649 : i32 to index
        %get3A_652 = arith.index_cast %mul3A_83 : i32 to index
        %get3A_653 = tpu.vector_load %arg7[%get3A_650, %get3A_651, %get3A_652] {strides = array<i32>} : memref<50x8x128xf32, #tpu.memory_space<vmem>>, vector<1x1x16xf32>,
        %get3A_654 = vector.shape_cast %get3A_653 : vector<1x1x16xf32> to vector<16xf32>
        %mul3A_655 = arith.mulf %exp3A_175, %get3A_654 : vector<16xf32>
        %add3A_656 = arith.addf %add3A_646, %mul3A_655 : vector<16xf32>
        %add3A_657 = arith.constant 4 : i32
        %add3A_658 = arith.addi %mul3A_205, %add3A_657 : i32
        %get3A_659 = arith.index_cast %add3A_658 : i32 to index
        %get3A_660 = arith.index_cast %mul3A_83 : i32 to index
        %get3A_661 = tpu.vector_load %arg8[%get3A_659, %get3A_660] {strides = array<i32>} : memref<64x128xf32, #tpu.memory_space<vmem>>, vector<1x16xf32>,
        %get3A_662 = vector.shape_cast %get3A_661 : vector<1x16xf32> to vector<16xf32>
        %add3A_663 = arith.addf %get3A_662, %add3A_656 : vector<16xf32>
        %add3A_664 = arith.constant 4 : i32
        %add3A_665 = arith.addi %mul3A_205, %add3A_664 : i32
        %swap3A_666 = arith.index_cast %add3A_665 : i32 to index
        %swap3A_667 = arith.index_cast %mul3A_83 : i32 to index
        %swap3A_668 = tpu.vector_load %arg8[%swap3A_666, %swap3A_667] {strides = array<i32>} : memref<64x128xf32, #tpu.memory_space<vmem>>, vector<1x16xf32>,
        %swap3A_669 = vector.shape_cast %swap3A_668 : vector<1x16xf32> to vector<16xf32>
        %swap3A_670 = vector.shape_cast %add3A_663 : vector<16xf32> to vector<1x16xf32>
        tpu.vector_store %arg8[%swap3A_666, %swap3A_667], %swap3A_670 {strides = array<i32>} : memref<64x128xf32, #tpu.memory_space<vmem>>, vector<1x16xf32>,
        %scan3A_671 = arith.constant 0 : i32
        scf.yield %scan3A_671 : i32
      }
      %scan3A_200 = arith.constant 10 : i32
      %scan3A_201 = arith.constant 0 : i32
      scf.yield %scan3A_201 : i32
    }
    %scan3A_47 = arith.constant 8 : i32
    %dma_start3A_48 = arith.constant 0 : i32
    %dma_start3A_49 = arith.constant 24 : i32
    %dma_start3A_50 = tpu.memref_slice %arg2[%dma_start3A_48, %dma_start3A_49, %mul3A_2] : memref<50x32x10000xf32, #tpu.memory_space<hbm>> -> memref<50x8x128xf32, #tpu.memory_space<hbm>>
    %dma_start3A_51 = arith.constant 0 : i32
    %dma_start3A_52 = arith.constant 24 : i32
    %dma_start3A_53 = tpu.memref_slice %arg2[%dma_start3A_51, %dma_start3A_52, %mul3A_2] : memref<50x32x10000xf32, #tpu.memory_space<hbm>> -> memref<50x8x128xf32, #tpu.memory_space<hbm>>
    tpu.enqueue_dma source(%dma_start3A_53 : memref<50x8x128xf32, #tpu.memory_space<hbm>>) target(%arg7 : memref<50x8x128xf32, #tpu.memory_space<vmem>>) target_semaphore(%arg12 : memref<!tpu.dma_semaphore, #tpu.memory_space<semaphore_mem>>)
    %dma_wait3A_54 = arith.constant 0 : i32
    %dma_wait3A_55 = arith.constant 16 : i32
    %dma_wait3A_56 = tpu.memref_slice %arg2[%dma_wait3A_54, %dma_wait3A_55, %mul3A_2] : memref<50x32x10000xf32, #tpu.memory_space<hbm>> -> memref<50x8x128xf32, #tpu.memory_space<hbm>>
    %dma_wait3A_57 = arith.constant 0 : i32
    %dma_wait3A_58 = arith.constant 16 : i32
    %dma_wait3A_59 = tpu.memref_slice %arg2[%dma_wait3A_57, %dma_wait3A_58, %mul3A_2] : memref<50x32x10000xf32, #tpu.memory_space<hbm>> -> memref<50x8x128xf32, #tpu.memory_space<hbm>>
    tpu.wait_dma2 semaphore(%arg11 : memref<!tpu.dma_semaphore, #tpu.memory_space<semaphore_mem>>) src(%dma_wait3A_59 : memref<50x8x128xf32, #tpu.memory_space<hbm>>) dst(%arg6 : memref<50x8x128xf32, #tpu.memory_space<vmem>>)
    %scan3A_60 = arith.constant 0 : i32
    %scan3A_61 = arith.constant 0 : i32
    %scan3A_62 = arith.constant 8 : i32
    %scan3A_63 = arith.addi %scan3A_61, %scan3A_62 : i32
    %scan3A_64 = arith.constant 1 : i32
    %scan3A_65 = scf.for %scan3A_80 = %scan3A_61 to %scan3A_63 step %scan3A_64 iter_args(%scan3A_81 = %scan3A_60) -> (i32)  : i32 {
      %mul3A_82 = arith.constant 16 : i32
      %mul3A_83 = arith.muli %scan3A_80, %mul3A_82 : i32
      %get3A = arith.index_cast %mul3A_83 : i32 to index
      %get3A_84 = tpu.vector_load %arg9[%get3A] {strides = array<i32>} : memref<128xf32, #tpu.memory_space<vmem>>, vector<16xf32>,
      %get3A_85 = vector.shape_cast %get3A_84 : vector<16xf32> to vector<16xf32>
      %broadcast_in_dim3A = arith.constant 0.000000e+00 : f32
      %broadcast_in_dim3A_86 = vector.broadcast %broadcast_in_dim3A : f32 to vector<16xf32>
      %broadcast_in_dim3A_87 = arith.constant 0.000000e+00 : f32
      %broadcast_in_dim3A_88 = vector.broadcast %broadcast_in_dim3A_87 : f32 to vector<16xf32>
      %broadcast_in_dim3A_89 = arith.constant 0.000000e+00 : f32
      %broadcast_in_dim3A_90 = vector.broadcast %broadcast_in_dim3A_89 : f32 to vector<16xf32>
      %broadcast_in_dim3A_91 = arith.constant 0.000000e+00 : f32
      %broadcast_in_dim3A_92 = vector.broadcast %broadcast_in_dim3A_91 : f32 to vector<16xf32>
      %broadcast_in_dim3A_93 = arith.constant 0.000000e+00 : f32
      %broadcast_in_dim3A_94 = vector.broadcast %broadcast_in_dim3A_93 : f32 to vector<16xf32>
      %broadcast_in_dim3A_95 = arith.constant 0.000000e+00 : f32
      %broadcast_in_dim3A_96 = vector.broadcast %broadcast_in_dim3A_95 : f32 to vector<16xf32>
      %broadcast_in_dim3A_97 = arith.constant 0.000000e+00 : f32
      %broadcast_in_dim3A_98 = vector.broadcast %broadcast_in_dim3A_97 : f32 to vector<16xf32>
      %broadcast_in_dim3A_99 = arith.constant 0.000000e+00 : f32
      %broadcast_in_dim3A_100 = vector.broadcast %broadcast_in_dim3A_99 : f32 to vector<16xf32>
      %scan3A_101 = arith.constant 0 : i32
      %scan3A_102 = arith.constant 10 : i32
      %scan3A_103 = arith.addi %scan3A_101, %scan3A_102 : i32
      %scan3A_104 = arith.constant 1 : i32
      %scan3A_105:8 = scf.for %scan3A_202 = %scan3A_101 to %scan3A_103 step %scan3A_104 iter_args(%scan3A_203 = %broadcast_in_dim3A_86, %scan3A_204 = %broadcast_in_dim3A_88, %scan3A_205 = %broadcast_in_dim3A_90, %scan3A_206 = %broadcast_in_dim3A_92, %scan3A_207 = %broadcast_in_dim3A_94, %scan3A_208 = %broadcast_in_dim3A_96, %scan3A_209 = %broadcast_in_dim3A_98, %scan3A_210 = %broadcast_in_dim3A_100) -> (vector<16xf32>, vector<16xf32>, vector<16xf32>, vector<16xf32>, vector<16xf32>, vector<16xf32>, vector<16xf32>, vector<16xf32>)  : i32 {
        %mul3A_211 = arith.constant 5 : i32
        %mul3A_212 = arith.muli %scan3A_202, %mul3A_211 : i32
        %add3A_213 = arith.constant 0 : i32
        %add3A_214 = arith.addi %mul3A_212, %add3A_213 : i32
        %get3A_215 = arith.index_cast %add3A_214 : i32 to index
        %get3A_216 = arith.constant 0 : index
        %get3A_217 = tpu.vector_load %arg10[%get3A_215, %get3A_216] {strides = array<i32>} : memref<64x16xf32, #tpu.memory_space<vmem>>, vector<1x16xf32>,
        %get3A_218 = vector.shape_cast %get3A_217 : vector<1x16xf32> to vector<16xf32>
        %add3A_219 = arith.constant 0 : i32
        %add3A_220 = arith.addi %mul3A_212, %add3A_219 : i32
        %get3A_221 = arith.constant 0 : i32
        %get3A_222 = arith.index_cast %add3A_220 : i32 to index
        %get3A_223 = arith.index_cast %get3A_221 : i32 to index
        %get3A_224 = arith.index_cast %mul3A_83 : i32 to index
        %get3A_225 = tpu.vector_load %arg6[%get3A_222, %get3A_223, %get3A_224] {strides = array<i32>} : memref<50x8x128xf32, #tpu.memory_space<vmem>>, vector<1x1x16xf32>,
        %get3A_226 = vector.shape_cast %get3A_225 : vector<1x1x16xf32> to vector<16xf32>
        %mul3A_227 = arith.mulf %get3A_226, %get3A_218 : vector<16xf32>
        %add3A_228 = arith.addf %scan3A_203, %mul3A_227 : vector<16xf32>
        %add3A_229 = arith.constant 0 : i32
        %add3A_230 = arith.addi %mul3A_212, %add3A_229 : i32
        %get3A_231 = arith.constant 1 : i32
        %get3A_232 = arith.index_cast %add3A_230 : i32 to index
        %get3A_233 = arith.index_cast %get3A_231 : i32 to index
        %get3A_234 = arith.index_cast %mul3A_83 : i32 to index
        %get3A_235 = tpu.vector_load %arg6[%get3A_232, %get3A_233, %get3A_234] {strides = array<i32>} : memref<50x8x128xf32, #tpu.memory_space<vmem>>, vector<1x1x16xf32>,
        %get3A_236 = vector.shape_cast %get3A_235 : vector<1x1x16xf32> to vector<16xf32>
        %mul3A_237 = arith.mulf %get3A_236, %get3A_218 : vector<16xf32>
        %add3A_238 = arith.addf %scan3A_204, %mul3A_237 : vector<16xf32>
        %add3A_239 = arith.constant 0 : i32
        %add3A_240 = arith.addi %mul3A_212, %add3A_239 : i32
        %get3A_241 = arith.constant 2 : i32
        %get3A_242 = arith.index_cast %add3A_240 : i32 to index
        %get3A_243 = arith.index_cast %get3A_241 : i32 to index
        %get3A_244 = arith.index_cast %mul3A_83 : i32 to index
        %get3A_245 = tpu.vector_load %arg6[%get3A_242, %get3A_243, %get3A_244] {strides = array<i32>} : memref<50x8x128xf32, #tpu.memory_space<vmem>>, vector<1x1x16xf32>,
        %get3A_246 = vector.shape_cast %get3A_245 : vector<1x1x16xf32> to vector<16xf32>
        %mul3A_247 = arith.mulf %get3A_246, %get3A_218 : vector<16xf32>
        %add3A_248 = arith.addf %scan3A_205, %mul3A_247 : vector<16xf32>
        %add3A_249 = arith.constant 0 : i32
        %add3A_250 = arith.addi %mul3A_212, %add3A_249 : i32
        %get3A_251 = arith.constant 3 : i32
        %get3A_252 = arith.index_cast %add3A_250 : i32 to index
        %get3A_253 = arith.index_cast %get3A_251 : i32 to index
        %get3A_254 = arith.index_cast %mul3A_83 : i32 to index
        %get3A_255 = tpu.vector_load %arg6[%get3A_252, %get3A_253, %get3A_254] {strides = array<i32>} : memref<50x8x128xf32, #tpu.memory_space<vmem>>, vector<1x1x16xf32>,
        %get3A_256 = vector.shape_cast %get3A_255 : vector<1x1x16xf32> to vector<16xf32>
        %mul3A_257 = arith.mulf %get3A_256, %get3A_218 : vector<16xf32>
        %add3A_258 = arith.addf %scan3A_206, %mul3A_257 : vector<16xf32>
        %add3A_259 = arith.constant 0 : i32
        %add3A_260 = arith.addi %mul3A_212, %add3A_259 : i32
        %get3A_261 = arith.constant 4 : i32
        %get3A_262 = arith.index_cast %add3A_260 : i32 to index
        %get3A_263 = arith.index_cast %get3A_261 : i32 to index
        %get3A_264 = arith.index_cast %mul3A_83 : i32 to index
        %get3A_265 = tpu.vector_load %arg6[%get3A_262, %get3A_263, %get3A_264] {strides = array<i32>} : memref<50x8x128xf32, #tpu.memory_space<vmem>>, vector<1x1x16xf32>,
        %get3A_266 = vector.shape_cast %get3A_265 : vector<1x1x16xf32> to vector<16xf32>
        %mul3A_267 = arith.mulf %get3A_266, %get3A_218 : vector<16xf32>
        %add3A_268 = arith.addf %scan3A_207, %mul3A_267 : vector<16xf32>
        %add3A_269 = arith.constant 0 : i32
        %add3A_270 = arith.addi %mul3A_212, %add3A_269 : i32
        %get3A_271 = arith.constant 5 : i32
        %get3A_272 = arith.index_cast %add3A_270 : i32 to index
        %get3A_273 = arith.index_cast %get3A_271 : i32 to index
        %get3A_274 = arith.index_cast %mul3A_83 : i32 to index
        %get3A_275 = tpu.vector_load %arg6[%get3A_272, %get3A_273, %get3A_274] {strides = array<i32>} : memref<50x8x128xf32, #tpu.memory_space<vmem>>, vector<1x1x16xf32>,
        %get3A_276 = vector.shape_cast %get3A_275 : vector<1x1x16xf32> to vector<16xf32>
        %mul3A_277 = arith.mulf %get3A_276, %get3A_218 : vector<16xf32>
        %add3A_278 = arith.addf %scan3A_208, %mul3A_277 : vector<16xf32>
        %add3A_279 = arith.constant 0 : i32
        %add3A_280 = arith.addi %mul3A_212, %add3A_279 : i32
        %get3A_281 = arith.constant 6 : i32
        %get3A_282 = arith.index_cast %add3A_280 : i32 to index
        %get3A_283 = arith.index_cast %get3A_281 : i32 to index
        %get3A_284 = arith.index_cast %mul3A_83 : i32 to index
        %get3A_285 = tpu.vector_load %arg6[%get3A_282, %get3A_283, %get3A_284] {strides = array<i32>} : memref<50x8x128xf32, #tpu.memory_space<vmem>>, vector<1x1x16xf32>,
        %get3A_286 = vector.shape_cast %get3A_285 : vector<1x1x16xf32> to vector<16xf32>
        %mul3A_287 = arith.mulf %get3A_286, %get3A_218 : vector<16xf32>
        %add3A_288 = arith.addf %scan3A_209, %mul3A_287 : vector<16xf32>
        %add3A_289 = arith.constant 0 : i32
        %add3A_290 = arith.addi %mul3A_212, %add3A_289 : i32
        %get3A_291 = arith.constant 7 : i32
        %get3A_292 = arith.index_cast %add3A_290 : i32 to index
        %get3A_293 = arith.index_cast %get3A_291 : i32 to index
        %get3A_294 = arith.index_cast %mul3A_83 : i32 to index
        %get3A_295 = tpu.vector_load %arg6[%get3A_292, %get3A_293, %get3A_294] {strides = array<i32>} : memref<50x8x128xf32, #tpu.memory_space<vmem>>, vector<1x1x16xf32>,
        %get3A_296 = vector.shape_cast %get3A_295 : vector<1x1x16xf32> to vector<16xf32>
        %mul3A_297 = arith.mulf %get3A_296, %get3A_218 : vector<16xf32>
        %add3A_298 = arith.addf %scan3A_210, %mul3A_297 : vector<16xf32>
        %add3A_299 = arith.constant 1 : i32
        %add3A_300 = arith.addi %mul3A_212, %add3A_299 : i32
        %get3A_301 = arith.index_cast %add3A_300 : i32 to index
        %get3A_302 = arith.constant 0 : index
        %get3A_303 = tpu.vector_load %arg10[%get3A_301, %get3A_302] {strides = array<i32>} : memref<64x16xf32, #tpu.memory_space<vmem>>, vector<1x16xf32>,
        %get3A_304 = vector.shape_cast %get3A_303 : vector<1x16xf32> to vector<16xf32>
        %add3A_305 = arith.constant 1 : i32
        %add3A_306 = arith.addi %mul3A_212, %add3A_305 : i32
        %get3A_307 = arith.constant 0 : i32
        %get3A_308 = arith.index_cast %add3A_306 : i32 to index
        %get3A_309 = arith.index_cast %get3A_307 : i32 to index
        %get3A_310 = arith.index_cast %mul3A_83 : i32 to index
        %get3A_311 = tpu.vector_load %arg6[%get3A_308, %get3A_309, %get3A_310] {strides = array<i32>} : memref<50x8x128xf32, #tpu.memory_space<vmem>>, vector<1x1x16xf32>,
        %get3A_312 = vector.shape_cast %get3A_311 : vector<1x1x16xf32> to vector<16xf32>
        %mul3A_313 = arith.mulf %get3A_312, %get3A_304 : vector<16xf32>
        %add3A_314 = arith.addf %add3A_228, %mul3A_313 : vector<16xf32>
        %add3A_315 = arith.constant 1 : i32
        %add3A_316 = arith.addi %mul3A_212, %add3A_315 : i32
        %get3A_317 = arith.constant 1 : i32
        %get3A_318 = arith.index_cast %add3A_316 : i32 to index
        %get3A_319 = arith.index_cast %get3A_317 : i32 to index
        %get3A_320 = arith.index_cast %mul3A_83 : i32 to index
        %get3A_321 = tpu.vector_load %arg6[%get3A_318, %get3A_319, %get3A_320] {strides = array<i32>} : memref<50x8x128xf32, #tpu.memory_space<vmem>>, vector<1x1x16xf32>,
        %get3A_322 = vector.shape_cast %get3A_321 : vector<1x1x16xf32> to vector<16xf32>
        %mul3A_323 = arith.mulf %get3A_322, %get3A_304 : vector<16xf32>
        %add3A_324 = arith.addf %add3A_238, %mul3A_323 : vector<16xf32>
        %add3A_325 = arith.constant 1 : i32
        %add3A_326 = arith.addi %mul3A_212, %add3A_325 : i32
        %get3A_327 = arith.constant 2 : i32
        %get3A_328 = arith.index_cast %add3A_326 : i32 to index
        %get3A_329 = arith.index_cast %get3A_327 : i32 to index
        %get3A_330 = arith.index_cast %mul3A_83 : i32 to index
        %get3A_331 = tpu.vector_load %arg6[%get3A_328, %get3A_329, %get3A_330] {strides = array<i32>} : memref<50x8x128xf32, #tpu.memory_space<vmem>>, vector<1x1x16xf32>,
        %get3A_332 = vector.shape_cast %get3A_331 : vector<1x1x16xf32> to vector<16xf32>
        %mul3A_333 = arith.mulf %get3A_332, %get3A_304 : vector<16xf32>
        %add3A_334 = arith.addf %add3A_248, %mul3A_333 : vector<16xf32>
        %add3A_335 = arith.constant 1 : i32
        %add3A_336 = arith.addi %mul3A_212, %add3A_335 : i32
        %get3A_337 = arith.constant 3 : i32
        %get3A_338 = arith.index_cast %add3A_336 : i32 to index
        %get3A_339 = arith.index_cast %get3A_337 : i32 to index
        %get3A_340 = arith.index_cast %mul3A_83 : i32 to index
        %get3A_341 = tpu.vector_load %arg6[%get3A_338, %get3A_339, %get3A_340] {strides = array<i32>} : memref<50x8x128xf32, #tpu.memory_space<vmem>>, vector<1x1x16xf32>,
        %get3A_342 = vector.shape_cast %get3A_341 : vector<1x1x16xf32> to vector<16xf32>
        %mul3A_343 = arith.mulf %get3A_342, %get3A_304 : vector<16xf32>
        %add3A_344 = arith.addf %add3A_258, %mul3A_343 : vector<16xf32>
        %add3A_345 = arith.constant 1 : i32
        %add3A_346 = arith.addi %mul3A_212, %add3A_345 : i32
        %get3A_347 = arith.constant 4 : i32
        %get3A_348 = arith.index_cast %add3A_346 : i32 to index
        %get3A_349 = arith.index_cast %get3A_347 : i32 to index
        %get3A_350 = arith.index_cast %mul3A_83 : i32 to index
        %get3A_351 = tpu.vector_load %arg6[%get3A_348, %get3A_349, %get3A_350] {strides = array<i32>} : memref<50x8x128xf32, #tpu.memory_space<vmem>>, vector<1x1x16xf32>,
        %get3A_352 = vector.shape_cast %get3A_351 : vector<1x1x16xf32> to vector<16xf32>
        %mul3A_353 = arith.mulf %get3A_352, %get3A_304 : vector<16xf32>
        %add3A_354 = arith.addf %add3A_268, %mul3A_353 : vector<16xf32>
        %add3A_355 = arith.constant 1 : i32
        %add3A_356 = arith.addi %mul3A_212, %add3A_355 : i32
        %get3A_357 = arith.constant 5 : i32
        %get3A_358 = arith.index_cast %add3A_356 : i32 to index
        %get3A_359 = arith.index_cast %get3A_357 : i32 to index
        %get3A_360 = arith.index_cast %mul3A_83 : i32 to index
        %get3A_361 = tpu.vector_load %arg6[%get3A_358, %get3A_359, %get3A_360] {strides = array<i32>} : memref<50x8x128xf32, #tpu.memory_space<vmem>>, vector<1x1x16xf32>,
        %get3A_362 = vector.shape_cast %get3A_361 : vector<1x1x16xf32> to vector<16xf32>
        %mul3A_363 = arith.mulf %get3A_362, %get3A_304 : vector<16xf32>
        %add3A_364 = arith.addf %add3A_278, %mul3A_363 : vector<16xf32>
        %add3A_365 = arith.constant 1 : i32
        %add3A_366 = arith.addi %mul3A_212, %add3A_365 : i32
        %get3A_367 = arith.constant 6 : i32
        %get3A_368 = arith.index_cast %add3A_366 : i32 to index
        %get3A_369 = arith.index_cast %get3A_367 : i32 to index
        %get3A_370 = arith.index_cast %mul3A_83 : i32 to index
        %get3A_371 = tpu.vector_load %arg6[%get3A_368, %get3A_369, %get3A_370] {strides = array<i32>} : memref<50x8x128xf32, #tpu.memory_space<vmem>>, vector<1x1x16xf32>,
        %get3A_372 = vector.shape_cast %get3A_371 : vector<1x1x16xf32> to vector<16xf32>
        %mul3A_373 = arith.mulf %get3A_372, %get3A_304 : vector<16xf32>
        %add3A_374 = arith.addf %add3A_288, %mul3A_373 : vector<16xf32>
        %add3A_375 = arith.constant 1 : i32
        %add3A_376 = arith.addi %mul3A_212, %add3A_375 : i32
        %get3A_377 = arith.constant 7 : i32
        %get3A_378 = arith.index_cast %add3A_376 : i32 to index
        %get3A_379 = arith.index_cast %get3A_377 : i32 to index
        %get3A_380 = arith.index_cast %mul3A_83 : i32 to index
        %get3A_381 = tpu.vector_load %arg6[%get3A_378, %get3A_379, %get3A_380] {strides = array<i32>} : memref<50x8x128xf32, #tpu.memory_space<vmem>>, vector<1x1x16xf32>,
        %get3A_382 = vector.shape_cast %get3A_381 : vector<1x1x16xf32> to vector<16xf32>
        %mul3A_383 = arith.mulf %get3A_382, %get3A_304 : vector<16xf32>
        %add3A_384 = arith.addf %add3A_298, %mul3A_383 : vector<16xf32>
        %add3A_385 = arith.constant 2 : i32
        %add3A_386 = arith.addi %mul3A_212, %add3A_385 : i32
        %get3A_387 = arith.index_cast %add3A_386 : i32 to index
        %get3A_388 = arith.constant 0 : index
        %get3A_389 = tpu.vector_load %arg10[%get3A_387, %get3A_388] {strides = array<i32>} : memref<64x16xf32, #tpu.memory_space<vmem>>, vector<1x16xf32>,
        %get3A_390 = vector.shape_cast %get3A_389 : vector<1x16xf32> to vector<16xf32>
        %add3A_391 = arith.constant 2 : i32
        %add3A_392 = arith.addi %mul3A_212, %add3A_391 : i32
        %get3A_393 = arith.constant 0 : i32
        %get3A_394 = arith.index_cast %add3A_392 : i32 to index
        %get3A_395 = arith.index_cast %get3A_393 : i32 to index
        %get3A_396 = arith.index_cast %mul3A_83 : i32 to index
        %get3A_397 = tpu.vector_load %arg6[%get3A_394, %get3A_395, %get3A_396] {strides = array<i32>} : memref<50x8x128xf32, #tpu.memory_space<vmem>>, vector<1x1x16xf32>,
        %get3A_398 = vector.shape_cast %get3A_397 : vector<1x1x16xf32> to vector<16xf32>
        %mul3A_399 = arith.mulf %get3A_398, %get3A_390 : vector<16xf32>
        %add3A_400 = arith.addf %add3A_314, %mul3A_399 : vector<16xf32>
        %add3A_401 = arith.constant 2 : i32
        %add3A_402 = arith.addi %mul3A_212, %add3A_401 : i32
        %get3A_403 = arith.constant 1 : i32
        %get3A_404 = arith.index_cast %add3A_402 : i32 to index
        %get3A_405 = arith.index_cast %get3A_403 : i32 to index
        %get3A_406 = arith.index_cast %mul3A_83 : i32 to index
        %get3A_407 = tpu.vector_load %arg6[%get3A_404, %get3A_405, %get3A_406] {strides = array<i32>} : memref<50x8x128xf32, #tpu.memory_space<vmem>>, vector<1x1x16xf32>,
        %get3A_408 = vector.shape_cast %get3A_407 : vector<1x1x16xf32> to vector<16xf32>
        %mul3A_409 = arith.mulf %get3A_408, %get3A_390 : vector<16xf32>
        %add3A_410 = arith.addf %add3A_324, %mul3A_409 : vector<16xf32>
        %add3A_411 = arith.constant 2 : i32
        %add3A_412 = arith.addi %mul3A_212, %add3A_411 : i32
        %get3A_413 = arith.constant 2 : i32
        %get3A_414 = arith.index_cast %add3A_412 : i32 to index
        %get3A_415 = arith.index_cast %get3A_413 : i32 to index
        %get3A_416 = arith.index_cast %mul3A_83 : i32 to index
        %get3A_417 = tpu.vector_load %arg6[%get3A_414, %get3A_415, %get3A_416] {strides = array<i32>} : memref<50x8x128xf32, #tpu.memory_space<vmem>>, vector<1x1x16xf32>,
        %get3A_418 = vector.shape_cast %get3A_417 : vector<1x1x16xf32> to vector<16xf32>
        %mul3A_419 = arith.mulf %get3A_418, %get3A_390 : vector<16xf32>
        %add3A_420 = arith.addf %add3A_334, %mul3A_419 : vector<16xf32>
        %add3A_421 = arith.constant 2 : i32
        %add3A_422 = arith.addi %mul3A_212, %add3A_421 : i32
        %get3A_423 = arith.constant 3 : i32
        %get3A_424 = arith.index_cast %add3A_422 : i32 to index
        %get3A_425 = arith.index_cast %get3A_423 : i32 to index
        %get3A_426 = arith.index_cast %mul3A_83 : i32 to index
        %get3A_427 = tpu.vector_load %arg6[%get3A_424, %get3A_425, %get3A_426] {strides = array<i32>} : memref<50x8x128xf32, #tpu.memory_space<vmem>>, vector<1x1x16xf32>,
        %get3A_428 = vector.shape_cast %get3A_427 : vector<1x1x16xf32> to vector<16xf32>
        %mul3A_429 = arith.mulf %get3A_428, %get3A_390 : vector<16xf32>
        %add3A_430 = arith.addf %add3A_344, %mul3A_429 : vector<16xf32>
        %add3A_431 = arith.constant 2 : i32
        %add3A_432 = arith.addi %mul3A_212, %add3A_431 : i32
        %get3A_433 = arith.constant 4 : i32
        %get3A_434 = arith.index_cast %add3A_432 : i32 to index
        %get3A_435 = arith.index_cast %get3A_433 : i32 to index
        %get3A_436 = arith.index_cast %mul3A_83 : i32 to index
        %get3A_437 = tpu.vector_load %arg6[%get3A_434, %get3A_435, %get3A_436] {strides = array<i32>} : memref<50x8x128xf32, #tpu.memory_space<vmem>>, vector<1x1x16xf32>,
        %get3A_438 = vector.shape_cast %get3A_437 : vector<1x1x16xf32> to vector<16xf32>
        %mul3A_439 = arith.mulf %get3A_438, %get3A_390 : vector<16xf32>
        %add3A_440 = arith.addf %add3A_354, %mul3A_439 : vector<16xf32>
        %add3A_441 = arith.constant 2 : i32
        %add3A_442 = arith.addi %mul3A_212, %add3A_441 : i32
        %get3A_443 = arith.constant 5 : i32
        %get3A_444 = arith.index_cast %add3A_442 : i32 to index
        %get3A_445 = arith.index_cast %get3A_443 : i32 to index
        %get3A_446 = arith.index_cast %mul3A_83 : i32 to index
        %get3A_447 = tpu.vector_load %arg6[%get3A_444, %get3A_445, %get3A_446] {strides = array<i32>} : memref<50x8x128xf32, #tpu.memory_space<vmem>>, vector<1x1x16xf32>,
        %get3A_448 = vector.shape_cast %get3A_447 : vector<1x1x16xf32> to vector<16xf32>
        %mul3A_449 = arith.mulf %get3A_448, %get3A_390 : vector<16xf32>
        %add3A_450 = arith.addf %add3A_364, %mul3A_449 : vector<16xf32>
        %add3A_451 = arith.constant 2 : i32
        %add3A_452 = arith.addi %mul3A_212, %add3A_451 : i32
        %get3A_453 = arith.constant 6 : i32
        %get3A_454 = arith.index_cast %add3A_452 : i32 to index
        %get3A_455 = arith.index_cast %get3A_453 : i32 to index
        %get3A_456 = arith.index_cast %mul3A_83 : i32 to index
        %get3A_457 = tpu.vector_load %arg6[%get3A_454, %get3A_455, %get3A_456] {strides = array<i32>} : memref<50x8x128xf32, #tpu.memory_space<vmem>>, vector<1x1x16xf32>,
        %get3A_458 = vector.shape_cast %get3A_457 : vector<1x1x16xf32> to vector<16xf32>
        %mul3A_459 = arith.mulf %get3A_458, %get3A_390 : vector<16xf32>
        %add3A_460 = arith.addf %add3A_374, %mul3A_459 : vector<16xf32>
        %add3A_461 = arith.constant 2 : i32
        %add3A_462 = arith.addi %mul3A_212, %add3A_461 : i32
        %get3A_463 = arith.constant 7 : i32
        %get3A_464 = arith.index_cast %add3A_462 : i32 to index
        %get3A_465 = arith.index_cast %get3A_463 : i32 to index
        %get3A_466 = arith.index_cast %mul3A_83 : i32 to index
        %get3A_467 = tpu.vector_load %arg6[%get3A_464, %get3A_465, %get3A_466] {strides = array<i32>} : memref<50x8x128xf32, #tpu.memory_space<vmem>>, vector<1x1x16xf32>,
        %get3A_468 = vector.shape_cast %get3A_467 : vector<1x1x16xf32> to vector<16xf32>
        %mul3A_469 = arith.mulf %get3A_468, %get3A_390 : vector<16xf32>
        %add3A_470 = arith.addf %add3A_384, %mul3A_469 : vector<16xf32>
        %add3A_471 = arith.constant 3 : i32
        %add3A_472 = arith.addi %mul3A_212, %add3A_471 : i32
        %get3A_473 = arith.index_cast %add3A_472 : i32 to index
        %get3A_474 = arith.constant 0 : index
        %get3A_475 = tpu.vector_load %arg10[%get3A_473, %get3A_474] {strides = array<i32>} : memref<64x16xf32, #tpu.memory_space<vmem>>, vector<1x16xf32>,
        %get3A_476 = vector.shape_cast %get3A_475 : vector<1x16xf32> to vector<16xf32>
        %add3A_477 = arith.constant 3 : i32
        %add3A_478 = arith.addi %mul3A_212, %add3A_477 : i32
        %get3A_479 = arith.constant 0 : i32
        %get3A_480 = arith.index_cast %add3A_478 : i32 to index
        %get3A_481 = arith.index_cast %get3A_479 : i32 to index
        %get3A_482 = arith.index_cast %mul3A_83 : i32 to index
        %get3A_483 = tpu.vector_load %arg6[%get3A_480, %get3A_481, %get3A_482] {strides = array<i32>} : memref<50x8x128xf32, #tpu.memory_space<vmem>>, vector<1x1x16xf32>,
        %get3A_484 = vector.shape_cast %get3A_483 : vector<1x1x16xf32> to vector<16xf32>
        %mul3A_485 = arith.mulf %get3A_484, %get3A_476 : vector<16xf32>
        %add3A_486 = arith.addf %add3A_400, %mul3A_485 : vector<16xf32>
        %add3A_487 = arith.constant 3 : i32
        %add3A_488 = arith.addi %mul3A_212, %add3A_487 : i32
        %get3A_489 = arith.constant 1 : i32
        %get3A_490 = arith.index_cast %add3A_488 : i32 to index
        %get3A_491 = arith.index_cast %get3A_489 : i32 to index
        %get3A_492 = arith.index_cast %mul3A_83 : i32 to index
        %get3A_493 = tpu.vector_load %arg6[%get3A_490, %get3A_491, %get3A_492] {strides = array<i32>} : memref<50x8x128xf32, #tpu.memory_space<vmem>>, vector<1x1x16xf32>,
        %get3A_494 = vector.shape_cast %get3A_493 : vector<1x1x16xf32> to vector<16xf32>
        %mul3A_495 = arith.mulf %get3A_494, %get3A_476 : vector<16xf32>
        %add3A_496 = arith.addf %add3A_410, %mul3A_495 : vector<16xf32>
        %add3A_497 = arith.constant 3 : i32
        %add3A_498 = arith.addi %mul3A_212, %add3A_497 : i32
        %get3A_499 = arith.constant 2 : i32
        %get3A_500 = arith.index_cast %add3A_498 : i32 to index
        %get3A_501 = arith.index_cast %get3A_499 : i32 to index
        %get3A_502 = arith.index_cast %mul3A_83 : i32 to index
        %get3A_503 = tpu.vector_load %arg6[%get3A_500, %get3A_501, %get3A_502] {strides = array<i32>} : memref<50x8x128xf32, #tpu.memory_space<vmem>>, vector<1x1x16xf32>,
        %get3A_504 = vector.shape_cast %get3A_503 : vector<1x1x16xf32> to vector<16xf32>
        %mul3A_505 = arith.mulf %get3A_504, %get3A_476 : vector<16xf32>
        %add3A_506 = arith.addf %add3A_420, %mul3A_505 : vector<16xf32>
        %add3A_507 = arith.constant 3 : i32
        %add3A_508 = arith.addi %mul3A_212, %add3A_507 : i32
        %get3A_509 = arith.constant 3 : i32
        %get3A_510 = arith.index_cast %add3A_508 : i32 to index
        %get3A_511 = arith.index_cast %get3A_509 : i32 to index
        %get3A_512 = arith.index_cast %mul3A_83 : i32 to index
        %get3A_513 = tpu.vector_load %arg6[%get3A_510, %get3A_511, %get3A_512] {strides = array<i32>} : memref<50x8x128xf32, #tpu.memory_space<vmem>>, vector<1x1x16xf32>,
        %get3A_514 = vector.shape_cast %get3A_513 : vector<1x1x16xf32> to vector<16xf32>
        %mul3A_515 = arith.mulf %get3A_514, %get3A_476 : vector<16xf32>
        %add3A_516 = arith.addf %add3A_430, %mul3A_515 : vector<16xf32>
        %add3A_517 = arith.constant 3 : i32
        %add3A_518 = arith.addi %mul3A_212, %add3A_517 : i32
        %get3A_519 = arith.constant 4 : i32
        %get3A_520 = arith.index_cast %add3A_518 : i32 to index
        %get3A_521 = arith.index_cast %get3A_519 : i32 to index
        %get3A_522 = arith.index_cast %mul3A_83 : i32 to index
        %get3A_523 = tpu.vector_load %arg6[%get3A_520, %get3A_521, %get3A_522] {strides = array<i32>} : memref<50x8x128xf32, #tpu.memory_space<vmem>>, vector<1x1x16xf32>,
        %get3A_524 = vector.shape_cast %get3A_523 : vector<1x1x16xf32> to vector<16xf32>
        %mul3A_525 = arith.mulf %get3A_524, %get3A_476 : vector<16xf32>
        %add3A_526 = arith.addf %add3A_440, %mul3A_525 : vector<16xf32>
        %add3A_527 = arith.constant 3 : i32
        %add3A_528 = arith.addi %mul3A_212, %add3A_527 : i32
        %get3A_529 = arith.constant 5 : i32
        %get3A_530 = arith.index_cast %add3A_528 : i32 to index
        %get3A_531 = arith.index_cast %get3A_529 : i32 to index
        %get3A_532 = arith.index_cast %mul3A_83 : i32 to index
        %get3A_533 = tpu.vector_load %arg6[%get3A_530, %get3A_531, %get3A_532] {strides = array<i32>} : memref<50x8x128xf32, #tpu.memory_space<vmem>>, vector<1x1x16xf32>,
        %get3A_534 = vector.shape_cast %get3A_533 : vector<1x1x16xf32> to vector<16xf32>
        %mul3A_535 = arith.mulf %get3A_534, %get3A_476 : vector<16xf32>
        %add3A_536 = arith.addf %add3A_450, %mul3A_535 : vector<16xf32>
        %add3A_537 = arith.constant 3 : i32
        %add3A_538 = arith.addi %mul3A_212, %add3A_537 : i32
        %get3A_539 = arith.constant 6 : i32
        %get3A_540 = arith.index_cast %add3A_538 : i32 to index
        %get3A_541 = arith.index_cast %get3A_539 : i32 to index
        %get3A_542 = arith.index_cast %mul3A_83 : i32 to index
        %get3A_543 = tpu.vector_load %arg6[%get3A_540, %get3A_541, %get3A_542] {strides = array<i32>} : memref<50x8x128xf32, #tpu.memory_space<vmem>>, vector<1x1x16xf32>,
        %get3A_544 = vector.shape_cast %get3A_543 : vector<1x1x16xf32> to vector<16xf32>
        %mul3A_545 = arith.mulf %get3A_544, %get3A_476 : vector<16xf32>
        %add3A_546 = arith.addf %add3A_460, %mul3A_545 : vector<16xf32>
        %add3A_547 = arith.constant 3 : i32
        %add3A_548 = arith.addi %mul3A_212, %add3A_547 : i32
        %get3A_549 = arith.constant 7 : i32
        %get3A_550 = arith.index_cast %add3A_548 : i32 to index
        %get3A_551 = arith.index_cast %get3A_549 : i32 to index
        %get3A_552 = arith.index_cast %mul3A_83 : i32 to index
        %get3A_553 = tpu.vector_load %arg6[%get3A_550, %get3A_551, %get3A_552] {strides = array<i32>} : memref<50x8x128xf32, #tpu.memory_space<vmem>>, vector<1x1x16xf32>,
        %get3A_554 = vector.shape_cast %get3A_553 : vector<1x1x16xf32> to vector<16xf32>
        %mul3A_555 = arith.mulf %get3A_554, %get3A_476 : vector<16xf32>
        %add3A_556 = arith.addf %add3A_470, %mul3A_555 : vector<16xf32>
        %add3A_557 = arith.constant 4 : i32
        %add3A_558 = arith.addi %mul3A_212, %add3A_557 : i32
        %get3A_559 = arith.index_cast %add3A_558 : i32 to index
        %get3A_560 = arith.constant 0 : index
        %get3A_561 = tpu.vector_load %arg10[%get3A_559, %get3A_560] {strides = array<i32>} : memref<64x16xf32, #tpu.memory_space<vmem>>, vector<1x16xf32>,
        %get3A_562 = vector.shape_cast %get3A_561 : vector<1x16xf32> to vector<16xf32>
        %add3A_563 = arith.constant 4 : i32
        %add3A_564 = arith.addi %mul3A_212, %add3A_563 : i32
        %get3A_565 = arith.constant 0 : i32
        %get3A_566 = arith.index_cast %add3A_564 : i32 to index
        %get3A_567 = arith.index_cast %get3A_565 : i32 to index
        %get3A_568 = arith.index_cast %mul3A_83 : i32 to index
        %get3A_569 = tpu.vector_load %arg6[%get3A_566, %get3A_567, %get3A_568] {strides = array<i32>} : memref<50x8x128xf32, #tpu.memory_space<vmem>>, vector<1x1x16xf32>,
        %get3A_570 = vector.shape_cast %get3A_569 : vector<1x1x16xf32> to vector<16xf32>
        %mul3A_571 = arith.mulf %get3A_570, %get3A_562 : vector<16xf32>
        %add3A_572 = arith.addf %add3A_486, %mul3A_571 : vector<16xf32>
        %add3A_573 = arith.constant 4 : i32
        %add3A_574 = arith.addi %mul3A_212, %add3A_573 : i32
        %get3A_575 = arith.constant 1 : i32
        %get3A_576 = arith.index_cast %add3A_574 : i32 to index
        %get3A_577 = arith.index_cast %get3A_575 : i32 to index
        %get3A_578 = arith.index_cast %mul3A_83 : i32 to index
        %get3A_579 = tpu.vector_load %arg6[%get3A_576, %get3A_577, %get3A_578] {strides = array<i32>} : memref<50x8x128xf32, #tpu.memory_space<vmem>>, vector<1x1x16xf32>,
        %get3A_580 = vector.shape_cast %get3A_579 : vector<1x1x16xf32> to vector<16xf32>
        %mul3A_581 = arith.mulf %get3A_580, %get3A_562 : vector<16xf32>
        %add3A_582 = arith.addf %add3A_496, %mul3A_581 : vector<16xf32>
        %add3A_583 = arith.constant 4 : i32
        %add3A_584 = arith.addi %mul3A_212, %add3A_583 : i32
        %get3A_585 = arith.constant 2 : i32
        %get3A_586 = arith.index_cast %add3A_584 : i32 to index
        %get3A_587 = arith.index_cast %get3A_585 : i32 to index
        %get3A_588 = arith.index_cast %mul3A_83 : i32 to index
        %get3A_589 = tpu.vector_load %arg6[%get3A_586, %get3A_587, %get3A_588] {strides = array<i32>} : memref<50x8x128xf32, #tpu.memory_space<vmem>>, vector<1x1x16xf32>,
        %get3A_590 = vector.shape_cast %get3A_589 : vector<1x1x16xf32> to vector<16xf32>
        %mul3A_591 = arith.mulf %get3A_590, %get3A_562 : vector<16xf32>
        %add3A_592 = arith.addf %add3A_506, %mul3A_591 : vector<16xf32>
        %add3A_593 = arith.constant 4 : i32
        %add3A_594 = arith.addi %mul3A_212, %add3A_593 : i32
        %get3A_595 = arith.constant 3 : i32
        %get3A_596 = arith.index_cast %add3A_594 : i32 to index
        %get3A_597 = arith.index_cast %get3A_595 : i32 to index
        %get3A_598 = arith.index_cast %mul3A_83 : i32 to index
        %get3A_599 = tpu.vector_load %arg6[%get3A_596, %get3A_597, %get3A_598] {strides = array<i32>} : memref<50x8x128xf32, #tpu.memory_space<vmem>>, vector<1x1x16xf32>,
        %get3A_600 = vector.shape_cast %get3A_599 : vector<1x1x16xf32> to vector<16xf32>
        %mul3A_601 = arith.mulf %get3A_600, %get3A_562 : vector<16xf32>
        %add3A_602 = arith.addf %add3A_516, %mul3A_601 : vector<16xf32>
        %add3A_603 = arith.constant 4 : i32
        %add3A_604 = arith.addi %mul3A_212, %add3A_603 : i32
        %get3A_605 = arith.constant 4 : i32
        %get3A_606 = arith.index_cast %add3A_604 : i32 to index
        %get3A_607 = arith.index_cast %get3A_605 : i32 to index
        %get3A_608 = arith.index_cast %mul3A_83 : i32 to index
        %get3A_609 = tpu.vector_load %arg6[%get3A_606, %get3A_607, %get3A_608] {strides = array<i32>} : memref<50x8x128xf32, #tpu.memory_space<vmem>>, vector<1x1x16xf32>,
        %get3A_610 = vector.shape_cast %get3A_609 : vector<1x1x16xf32> to vector<16xf32>
        %mul3A_611 = arith.mulf %get3A_610, %get3A_562 : vector<16xf32>
        %add3A_612 = arith.addf %add3A_526, %mul3A_611 : vector<16xf32>
        %add3A_613 = arith.constant 4 : i32
        %add3A_614 = arith.addi %mul3A_212, %add3A_613 : i32
        %get3A_615 = arith.constant 5 : i32
        %get3A_616 = arith.index_cast %add3A_614 : i32 to index
        %get3A_617 = arith.index_cast %get3A_615 : i32 to index
        %get3A_618 = arith.index_cast %mul3A_83 : i32 to index
        %get3A_619 = tpu.vector_load %arg6[%get3A_616, %get3A_617, %get3A_618] {strides = array<i32>} : memref<50x8x128xf32, #tpu.memory_space<vmem>>, vector<1x1x16xf32>,
        %get3A_620 = vector.shape_cast %get3A_619 : vector<1x1x16xf32> to vector<16xf32>
        %mul3A_621 = arith.mulf %get3A_620, %get3A_562 : vector<16xf32>
        %add3A_622 = arith.addf %add3A_536, %mul3A_621 : vector<16xf32>
        %add3A_623 = arith.constant 4 : i32
        %add3A_624 = arith.addi %mul3A_212, %add3A_623 : i32
        %get3A_625 = arith.constant 6 : i32
        %get3A_626 = arith.index_cast %add3A_624 : i32 to index
        %get3A_627 = arith.index_cast %get3A_625 : i32 to index
        %get3A_628 = arith.index_cast %mul3A_83 : i32 to index
        %get3A_629 = tpu.vector_load %arg6[%get3A_626, %get3A_627, %get3A_628] {strides = array<i32>} : memref<50x8x128xf32, #tpu.memory_space<vmem>>, vector<1x1x16xf32>,
        %get3A_630 = vector.shape_cast %get3A_629 : vector<1x1x16xf32> to vector<16xf32>
        %mul3A_631 = arith.mulf %get3A_630, %get3A_562 : vector<16xf32>
        %add3A_632 = arith.addf %add3A_546, %mul3A_631 : vector<16xf32>
        %add3A_633 = arith.constant 4 : i32
        %add3A_634 = arith.addi %mul3A_212, %add3A_633 : i32
        %get3A_635 = arith.constant 7 : i32
        %get3A_636 = arith.index_cast %add3A_634 : i32 to index
        %get3A_637 = arith.index_cast %get3A_635 : i32 to index
        %get3A_638 = arith.index_cast %mul3A_83 : i32 to index
        %get3A_639 = tpu.vector_load %arg6[%get3A_636, %get3A_637, %get3A_638] {strides = array<i32>} : memref<50x8x128xf32, #tpu.memory_space<vmem>>, vector<1x1x16xf32>,
        %get3A_640 = vector.shape_cast %get3A_639 : vector<1x1x16xf32> to vector<16xf32>
        %mul3A_641 = arith.mulf %get3A_640, %get3A_562 : vector<16xf32>
        %add3A_642 = arith.addf %add3A_556, %mul3A_641 : vector<16xf32>
        scf.yield %add3A_572, %add3A_582, %add3A_592, %add3A_602, %add3A_612, %add3A_622, %add3A_632, %add3A_642 : vector<16xf32>, vector<16xf32>, vector<16xf32>, vector<16xf32>, vector<16xf32>, vector<16xf32>, vector<16xf32>, vector<16xf32>
      }
      %scan3A_106 = arith.constant 10 : i32
      %add3A_107 = arith.addf %scan3A_105#0, %get3A_85 : vector<16xf32>
      %gt3A = arith.constant 0.000000e+00 : f32
      %gt3A_108 = vector.broadcast %gt3A : f32 to vector<16xf32>
      %gt3A_109 = arith.cmpf ogt, %add3A_107, %gt3A_108 : vector<16xf32>
      %mul3A_110 = arith.constant 2.000000e-01 : f32
      %mul3A_111 = vector.broadcast %mul3A_110 : f32 to vector<16xf32>
      %mul3A_112 = arith.mulf %mul3A_111, %add3A_107 : vector<16xf32>
      %select_n3A = arith.select %gt3A_109, %add3A_107, %mul3A_112 : vector<16xi1>, vector<16xf32>
      %exp3A = math.exp %select_n3A : vector<16xf32>
      %add3A_113 = arith.addf %scan3A_105#1, %get3A_85 : vector<16xf32>
      %gt3A_114 = arith.constant 0.000000e+00 : f32
      %gt3A_115 = vector.broadcast %gt3A_114 : f32 to vector<16xf32>
      %gt3A_116 = arith.cmpf ogt, %add3A_113, %gt3A_115 : vector<16xf32>
      %mul3A_117 = arith.constant 2.000000e-01 : f32
      %mul3A_118 = vector.broadcast %mul3A_117 : f32 to vector<16xf32>
      %mul3A_119 = arith.mulf %mul3A_118, %add3A_113 : vector<16xf32>
      %select_n3A_120 = arith.select %gt3A_116, %add3A_113, %mul3A_119 : vector<16xi1>, vector<16xf32>
      %exp3A_121 = math.exp %select_n3A_120 : vector<16xf32>
      %add3A_122 = arith.addf %scan3A_105#2, %get3A_85 : vector<16xf32>
      %gt3A_123 = arith.constant 0.000000e+00 : f32
      %gt3A_124 = vector.broadcast %gt3A_123 : f32 to vector<16xf32>
      %gt3A_125 = arith.cmpf ogt, %add3A_122, %gt3A_124 : vector<16xf32>
      %mul3A_126 = arith.constant 2.000000e-01 : f32
      %mul3A_127 = vector.broadcast %mul3A_126 : f32 to vector<16xf32>
      %mul3A_128 = arith.mulf %mul3A_127, %add3A_122 : vector<16xf32>
      %select_n3A_129 = arith.select %gt3A_125, %add3A_122, %mul3A_128 : vector<16xi1>, vector<16xf32>
      %exp3A_130 = math.exp %select_n3A_129 : vector<16xf32>
      %add3A_131 = arith.addf %scan3A_105#3, %get3A_85 : vector<16xf32>
      %gt3A_132 = arith.constant 0.000000e+00 : f32
      %gt3A_133 = vector.broadcast %gt3A_132 : f32 to vector<16xf32>
      %gt3A_134 = arith.cmpf ogt, %add3A_131, %gt3A_133 : vector<16xf32>
      %mul3A_135 = arith.constant 2.000000e-01 : f32
      %mul3A_136 = vector.broadcast %mul3A_135 : f32 to vector<16xf32>
      %mul3A_137 = arith.mulf %mul3A_136, %add3A_131 : vector<16xf32>
      %select_n3A_138 = arith.select %gt3A_134, %add3A_131, %mul3A_137 : vector<16xi1>, vector<16xf32>
      %exp3A_139 = math.exp %select_n3A_138 : vector<16xf32>
      %add3A_140 = arith.addf %scan3A_105#4, %get3A_85 : vector<16xf32>
      %gt3A_141 = arith.constant 0.000000e+00 : f32
      %gt3A_142 = vector.broadcast %gt3A_141 : f32 to vector<16xf32>
      %gt3A_143 = arith.cmpf ogt, %add3A_140, %gt3A_142 : vector<16xf32>
      %mul3A_144 = arith.constant 2.000000e-01 : f32
      %mul3A_145 = vector.broadcast %mul3A_144 : f32 to vector<16xf32>
      %mul3A_146 = arith.mulf %mul3A_145, %add3A_140 : vector<16xf32>
      %select_n3A_147 = arith.select %gt3A_143, %add3A_140, %mul3A_146 : vector<16xi1>, vector<16xf32>
      %exp3A_148 = math.exp %select_n3A_147 : vector<16xf32>
      %add3A_149 = arith.addf %scan3A_105#5, %get3A_85 : vector<16xf32>
      %gt3A_150 = arith.constant 0.000000e+00 : f32
      %gt3A_151 = vector.broadcast %gt3A_150 : f32 to vector<16xf32>
      %gt3A_152 = arith.cmpf ogt, %add3A_149, %gt3A_151 : vector<16xf32>
      %mul3A_153 = arith.constant 2.000000e-01 : f32
      %mul3A_154 = vector.broadcast %mul3A_153 : f32 to vector<16xf32>
      %mul3A_155 = arith.mulf %mul3A_154, %add3A_149 : vector<16xf32>
      %select_n3A_156 = arith.select %gt3A_152, %add3A_149, %mul3A_155 : vector<16xi1>, vector<16xf32>
      %exp3A_157 = math.exp %select_n3A_156 : vector<16xf32>
      %add3A_158 = arith.addf %scan3A_105#6, %get3A_85 : vector<16xf32>
      %gt3A_159 = arith.constant 0.000000e+00 : f32
      %gt3A_160 = vector.broadcast %gt3A_159 : f32 to vector<16xf32>
      %gt3A_161 = arith.cmpf ogt, %add3A_158, %gt3A_160 : vector<16xf32>
      %mul3A_162 = arith.constant 2.000000e-01 : f32
      %mul3A_163 = vector.broadcast %mul3A_162 : f32 to vector<16xf32>
      %mul3A_164 = arith.mulf %mul3A_163, %add3A_158 : vector<16xf32>
      %select_n3A_165 = arith.select %gt3A_161, %add3A_158, %mul3A_164 : vector<16xi1>, vector<16xf32>
      %exp3A_166 = math.exp %select_n3A_165 : vector<16xf32>
      %add3A_167 = arith.addf %scan3A_105#7, %get3A_85 : vector<16xf32>
      %gt3A_168 = arith.constant 0.000000e+00 : f32
      %gt3A_169 = vector.broadcast %gt3A_168 : f32 to vector<16xf32>
      %gt3A_170 = arith.cmpf ogt, %add3A_167, %gt3A_169 : vector<16xf32>
      %mul3A_171 = arith.constant 2.000000e-01 : f32
      %mul3A_172 = vector.broadcast %mul3A_171 : f32 to vector<16xf32>
      %mul3A_173 = arith.mulf %mul3A_172, %add3A_167 : vector<16xf32>
      %select_n3A_174 = arith.select %gt3A_170, %add3A_167, %mul3A_173 : vector<16xi1>, vector<16xf32>
      %exp3A_175 = math.exp %select_n3A_174 : vector<16xf32>
      %add3A_176 = arith.addf %exp3A, %exp3A_121 : vector<16xf32>
      %add3A_177 = arith.addf %add3A_176, %exp3A_130 : vector<16xf32>
      %add3A_178 = arith.addf %add3A_177, %exp3A_139 : vector<16xf32>
      %add3A_179 = arith.addf %add3A_178, %exp3A_148 : vector<16xf32>
      %add3A_180 = arith.addf %add3A_179, %exp3A_157 : vector<16xf32>
      %add3A_181 = arith.addf %add3A_180, %exp3A_166 : vector<16xf32>
      %add3A_182 = arith.addf %add3A_181, %exp3A_175 : vector<16xf32>
      %get3A_183 = arith.constant 63 : i32
      %get3A_184 = arith.index_cast %get3A_183 : i32 to index
      %get3A_185 = arith.index_cast %mul3A_83 : i32 to index
      %get3A_186 = tpu.vector_load %arg8[%get3A_184, %get3A_185] {strides = array<i32>} : memref<64x128xf32, #tpu.memory_space<vmem>>, vector<1x16xf32>,
      %get3A_187 = vector.shape_cast %get3A_186 : vector<1x16xf32> to vector<16xf32>
      %add3A_188 = arith.addf %get3A_187, %add3A_182 : vector<16xf32>
      %swap3A = arith.constant 63 : i32
      %swap3A_189 = arith.index_cast %swap3A : i32 to index
      %swap3A_190 = arith.index_cast %mul3A_83 : i32 to index
      %swap3A_191 = tpu.vector_load %arg8[%swap3A_189, %swap3A_190] {strides = array<i32>} : memref<64x128xf32, #tpu.memory_space<vmem>>, vector<1x16xf32>,
      %swap3A_192 = vector.shape_cast %swap3A_191 : vector<1x16xf32> to vector<16xf32>
      %swap3A_193 = vector.shape_cast %add3A_188 : vector<16xf32> to vector<1x16xf32>
      tpu.vector_store %arg8[%swap3A_189, %swap3A_190], %swap3A_193 {strides = array<i32>} : memref<64x128xf32, #tpu.memory_space<vmem>>, vector<1x16xf32>,
      %scan3A_194 = arith.constant 0 : i32
      %scan3A_195 = arith.constant 0 : i32
      %scan3A_196 = arith.constant 10 : i32
      %scan3A_197 = arith.addi %scan3A_195, %scan3A_196 : i32
      %scan3A_198 = arith.constant 1 : i32
      %scan3A_199 = scf.for %scan3A_202 = %scan3A_195 to %scan3A_197 step %scan3A_198 iter_args(%scan3A_203 = %scan3A_194) -> (i32)  : i32 {
        %mul3A_204 = arith.constant 5 : i32
        %mul3A_205 = arith.muli %scan3A_202, %mul3A_204 : i32
        %add3A_206 = arith.constant 0 : i32
        %add3A_207 = arith.addi %mul3A_205, %add3A_206 : i32
        %get3A_208 = arith.constant 0 : i32
        %get3A_209 = arith.index_cast %add3A_207 : i32 to index
        %get3A_210 = arith.index_cast %get3A_208 : i32 to index
        %get3A_211 = arith.index_cast %mul3A_83 : i32 to index
        %get3A_212 = tpu.vector_load %arg6[%get3A_209, %get3A_210, %get3A_211] {strides = array<i32>} : memref<50x8x128xf32, #tpu.memory_space<vmem>>, vector<1x1x16xf32>,
        %get3A_213 = vector.shape_cast %get3A_212 : vector<1x1x16xf32> to vector<16xf32>
        %mul3A_214 = arith.mulf %exp3A, %get3A_213 : vector<16xf32>
        %add3A_215 = arith.constant 0 : i32
        %add3A_216 = arith.addi %mul3A_205, %add3A_215 : i32
        %get3A_217 = arith.constant 1 : i32
        %get3A_218 = arith.index_cast %add3A_216 : i32 to index
        %get3A_219 = arith.index_cast %get3A_217 : i32 to index
        %get3A_220 = arith.index_cast %mul3A_83 : i32 to index
        %get3A_221 = tpu.vector_load %arg6[%get3A_218, %get3A_219, %get3A_220] {strides = array<i32>} : memref<50x8x128xf32, #tpu.memory_space<vmem>>, vector<1x1x16xf32>,
        %get3A_222 = vector.shape_cast %get3A_221 : vector<1x1x16xf32> to vector<16xf32>
        %mul3A_223 = arith.mulf %exp3A_121, %get3A_222 : vector<16xf32>
        %add3A_224 = arith.addf %mul3A_214, %mul3A_223 : vector<16xf32>
        %add3A_225 = arith.constant 0 : i32
        %add3A_226 = arith.addi %mul3A_205, %add3A_225 : i32
        %get3A_227 = arith.constant 2 : i32
        %get3A_228 = arith.index_cast %add3A_226 : i32 to index
        %get3A_229 = arith.index_cast %get3A_227 : i32 to index
        %get3A_230 = arith.index_cast %mul3A_83 : i32 to index
        %get3A_231 = tpu.vector_load %arg6[%get3A_228, %get3A_229, %get3A_230] {strides = array<i32>} : memref<50x8x128xf32, #tpu.memory_space<vmem>>, vector<1x1x16xf32>,
        %get3A_232 = vector.shape_cast %get3A_231 : vector<1x1x16xf32> to vector<16xf32>
        %mul3A_233 = arith.mulf %exp3A_130, %get3A_232 : vector<16xf32>
        %add3A_234 = arith.addf %add3A_224, %mul3A_233 : vector<16xf32>
        %add3A_235 = arith.constant 0 : i32
        %add3A_236 = arith.addi %mul3A_205, %add3A_235 : i32
        %get3A_237 = arith.constant 3 : i32
        %get3A_238 = arith.index_cast %add3A_236 : i32 to index
        %get3A_239 = arith.index_cast %get3A_237 : i32 to index
        %get3A_240 = arith.index_cast %mul3A_83 : i32 to index
        %get3A_241 = tpu.vector_load %arg6[%get3A_238, %get3A_239, %get3A_240] {strides = array<i32>} : memref<50x8x128xf32, #tpu.memory_space<vmem>>, vector<1x1x16xf32>,
        %get3A_242 = vector.shape_cast %get3A_241 : vector<1x1x16xf32> to vector<16xf32>
        %mul3A_243 = arith.mulf %exp3A_139, %get3A_242 : vector<16xf32>
        %add3A_244 = arith.addf %add3A_234, %mul3A_243 : vector<16xf32>
        %add3A_245 = arith.constant 0 : i32
        %add3A_246 = arith.addi %mul3A_205, %add3A_245 : i32
        %get3A_247 = arith.constant 4 : i32
        %get3A_248 = arith.index_cast %add3A_246 : i32 to index
        %get3A_249 = arith.index_cast %get3A_247 : i32 to index
        %get3A_250 = arith.index_cast %mul3A_83 : i32 to index
        %get3A_251 = tpu.vector_load %arg6[%get3A_248, %get3A_249, %get3A_250] {strides = array<i32>} : memref<50x8x128xf32, #tpu.memory_space<vmem>>, vector<1x1x16xf32>,
        %get3A_252 = vector.shape_cast %get3A_251 : vector<1x1x16xf32> to vector<16xf32>
        %mul3A_253 = arith.mulf %exp3A_148, %get3A_252 : vector<16xf32>
        %add3A_254 = arith.addf %add3A_244, %mul3A_253 : vector<16xf32>
        %add3A_255 = arith.constant 0 : i32
        %add3A_256 = arith.addi %mul3A_205, %add3A_255 : i32
        %get3A_257 = arith.constant 5 : i32
        %get3A_258 = arith.index_cast %add3A_256 : i32 to index
        %get3A_259 = arith.index_cast %get3A_257 : i32 to index
        %get3A_260 = arith.index_cast %mul3A_83 : i32 to index
        %get3A_261 = tpu.vector_load %arg6[%get3A_258, %get3A_259, %get3A_260] {strides = array<i32>} : memref<50x8x128xf32, #tpu.memory_space<vmem>>, vector<1x1x16xf32>,
        %get3A_262 = vector.shape_cast %get3A_261 : vector<1x1x16xf32> to vector<16xf32>
        %mul3A_263 = arith.mulf %exp3A_157, %get3A_262 : vector<16xf32>
        %add3A_264 = arith.addf %add3A_254, %mul3A_263 : vector<16xf32>
        %add3A_265 = arith.constant 0 : i32
        %add3A_266 = arith.addi %mul3A_205, %add3A_265 : i32
        %get3A_267 = arith.constant 6 : i32
        %get3A_268 = arith.index_cast %add3A_266 : i32 to index
        %get3A_269 = arith.index_cast %get3A_267 : i32 to index
        %get3A_270 = arith.index_cast %mul3A_83 : i32 to index
        %get3A_271 = tpu.vector_load %arg6[%get3A_268, %get3A_269, %get3A_270] {strides = array<i32>} : memref<50x8x128xf32, #tpu.memory_space<vmem>>, vector<1x1x16xf32>,
        %get3A_272 = vector.shape_cast %get3A_271 : vector<1x1x16xf32> to vector<16xf32>
        %mul3A_273 = arith.mulf %exp3A_166, %get3A_272 : vector<16xf32>
        %add3A_274 = arith.addf %add3A_264, %mul3A_273 : vector<16xf32>
        %add3A_275 = arith.constant 0 : i32
        %add3A_276 = arith.addi %mul3A_205, %add3A_275 : i32
        %get3A_277 = arith.constant 7 : i32
        %get3A_278 = arith.index_cast %add3A_276 : i32 to index
        %get3A_279 = arith.index_cast %get3A_277 : i32 to index
        %get3A_280 = arith.index_cast %mul3A_83 : i32 to index
        %get3A_281 = tpu.vector_load %arg6[%get3A_278, %get3A_279, %get3A_280] {strides = array<i32>} : memref<50x8x128xf32, #tpu.memory_space<vmem>>, vector<1x1x16xf32>,
        %get3A_282 = vector.shape_cast %get3A_281 : vector<1x1x16xf32> to vector<16xf32>
        %mul3A_283 = arith.mulf %exp3A_175, %get3A_282 : vector<16xf32>
        %add3A_284 = arith.addf %add3A_274, %mul3A_283 : vector<16xf32>
        %add3A_285 = arith.constant 0 : i32
        %add3A_286 = arith.addi %mul3A_205, %add3A_285 : i32
        %get3A_287 = arith.index_cast %add3A_286 : i32 to index
        %get3A_288 = arith.index_cast %mul3A_83 : i32 to index
        %get3A_289 = tpu.vector_load %arg8[%get3A_287, %get3A_288] {strides = array<i32>} : memref<64x128xf32, #tpu.memory_space<vmem>>, vector<1x16xf32>,
        %get3A_290 = vector.shape_cast %get3A_289 : vector<1x16xf32> to vector<16xf32>
        %add3A_291 = arith.addf %get3A_290, %add3A_284 : vector<16xf32>
        %add3A_292 = arith.constant 0 : i32
        %add3A_293 = arith.addi %mul3A_205, %add3A_292 : i32
        %swap3A_294 = arith.index_cast %add3A_293 : i32 to index
        %swap3A_295 = arith.index_cast %mul3A_83 : i32 to index
        %swap3A_296 = tpu.vector_load %arg8[%swap3A_294, %swap3A_295] {strides = array<i32>} : memref<64x128xf32, #tpu.memory_space<vmem>>, vector<1x16xf32>,
        %swap3A_297 = vector.shape_cast %swap3A_296 : vector<1x16xf32> to vector<16xf32>
        %swap3A_298 = vector.shape_cast %add3A_291 : vector<16xf32> to vector<1x16xf32>
        tpu.vector_store %arg8[%swap3A_294, %swap3A_295], %swap3A_298 {strides = array<i32>} : memref<64x128xf32, #tpu.memory_space<vmem>>, vector<1x16xf32>,
        %add3A_299 = arith.constant 1 : i32
        %add3A_300 = arith.addi %mul3A_205, %add3A_299 : i32
        %get3A_301 = arith.constant 0 : i32
        %get3A_302 = arith.index_cast %add3A_300 : i32 to index
        %get3A_303 = arith.index_cast %get3A_301 : i32 to index
        %get3A_304 = arith.index_cast %mul3A_83 : i32 to index
        %get3A_305 = tpu.vector_load %arg6[%get3A_302, %get3A_303, %get3A_304] {strides = array<i32>} : memref<50x8x128xf32, #tpu.memory_space<vmem>>, vector<1x1x16xf32>,
        %get3A_306 = vector.shape_cast %get3A_305 : vector<1x1x16xf32> to vector<16xf32>
        %mul3A_307 = arith.mulf %exp3A, %get3A_306 : vector<16xf32>
        %add3A_308 = arith.constant 1 : i32
        %add3A_309 = arith.addi %mul3A_205, %add3A_308 : i32
        %get3A_310 = arith.constant 1 : i32
        %get3A_311 = arith.index_cast %add3A_309 : i32 to index
        %get3A_312 = arith.index_cast %get3A_310 : i32 to index
        %get3A_313 = arith.index_cast %mul3A_83 : i32 to index
        %get3A_314 = tpu.vector_load %arg6[%get3A_311, %get3A_312, %get3A_313] {strides = array<i32>} : memref<50x8x128xf32, #tpu.memory_space<vmem>>, vector<1x1x16xf32>,
        %get3A_315 = vector.shape_cast %get3A_314 : vector<1x1x16xf32> to vector<16xf32>
        %mul3A_316 = arith.mulf %exp3A_121, %get3A_315 : vector<16xf32>
        %add3A_317 = arith.addf %mul3A_307, %mul3A_316 : vector<16xf32>
        %add3A_318 = arith.constant 1 : i32
        %add3A_319 = arith.addi %mul3A_205, %add3A_318 : i32
        %get3A_320 = arith.constant 2 : i32
        %get3A_321 = arith.index_cast %add3A_319 : i32 to index
        %get3A_322 = arith.index_cast %get3A_320 : i32 to index
        %get3A_323 = arith.index_cast %mul3A_83 : i32 to index
        %get3A_324 = tpu.vector_load %arg6[%get3A_321, %get3A_322, %get3A_323] {strides = array<i32>} : memref<50x8x128xf32, #tpu.memory_space<vmem>>, vector<1x1x16xf32>,
        %get3A_325 = vector.shape_cast %get3A_324 : vector<1x1x16xf32> to vector<16xf32>
        %mul3A_326 = arith.mulf %exp3A_130, %get3A_325 : vector<16xf32>
        %add3A_327 = arith.addf %add3A_317, %mul3A_326 : vector<16xf32>
        %add3A_328 = arith.constant 1 : i32
        %add3A_329 = arith.addi %mul3A_205, %add3A_328 : i32
        %get3A_330 = arith.constant 3 : i32
        %get3A_331 = arith.index_cast %add3A_329 : i32 to index
        %get3A_332 = arith.index_cast %get3A_330 : i32 to index
        %get3A_333 = arith.index_cast %mul3A_83 : i32 to index
        %get3A_334 = tpu.vector_load %arg6[%get3A_331, %get3A_332, %get3A_333] {strides = array<i32>} : memref<50x8x128xf32, #tpu.memory_space<vmem>>, vector<1x1x16xf32>,
        %get3A_335 = vector.shape_cast %get3A_334 : vector<1x1x16xf32> to vector<16xf32>
        %mul3A_336 = arith.mulf %exp3A_139, %get3A_335 : vector<16xf32>
        %add3A_337 = arith.addf %add3A_327, %mul3A_336 : vector<16xf32>
        %add3A_338 = arith.constant 1 : i32
        %add3A_339 = arith.addi %mul3A_205, %add3A_338 : i32
        %get3A_340 = arith.constant 4 : i32
        %get3A_341 = arith.index_cast %add3A_339 : i32 to index
        %get3A_342 = arith.index_cast %get3A_340 : i32 to index
        %get3A_343 = arith.index_cast %mul3A_83 : i32 to index
        %get3A_344 = tpu.vector_load %arg6[%get3A_341, %get3A_342, %get3A_343] {strides = array<i32>} : memref<50x8x128xf32, #tpu.memory_space<vmem>>, vector<1x1x16xf32>,
        %get3A_345 = vector.shape_cast %get3A_344 : vector<1x1x16xf32> to vector<16xf32>
        %mul3A_346 = arith.mulf %exp3A_148, %get3A_345 : vector<16xf32>
        %add3A_347 = arith.addf %add3A_337, %mul3A_346 : vector<16xf32>
        %add3A_348 = arith.constant 1 : i32
        %add3A_349 = arith.addi %mul3A_205, %add3A_348 : i32
        %get3A_350 = arith.constant 5 : i32
        %get3A_351 = arith.index_cast %add3A_349 : i32 to index
        %get3A_352 = arith.index_cast %get3A_350 : i32 to index
        %get3A_353 = arith.index_cast %mul3A_83 : i32 to index
        %get3A_354 = tpu.vector_load %arg6[%get3A_351, %get3A_352, %get3A_353] {strides = array<i32>} : memref<50x8x128xf32, #tpu.memory_space<vmem>>, vector<1x1x16xf32>,
        %get3A_355 = vector.shape_cast %get3A_354 : vector<1x1x16xf32> to vector<16xf32>
        %mul3A_356 = arith.mulf %exp3A_157, %get3A_355 : vector<16xf32>
        %add3A_357 = arith.addf %add3A_347, %mul3A_356 : vector<16xf32>
        %add3A_358 = arith.constant 1 : i32
        %add3A_359 = arith.addi %mul3A_205, %add3A_358 : i32
        %get3A_360 = arith.constant 6 : i32
        %get3A_361 = arith.index_cast %add3A_359 : i32 to index
        %get3A_362 = arith.index_cast %get3A_360 : i32 to index
        %get3A_363 = arith.index_cast %mul3A_83 : i32 to index
        %get3A_364 = tpu.vector_load %arg6[%get3A_361, %get3A_362, %get3A_363] {strides = array<i32>} : memref<50x8x128xf32, #tpu.memory_space<vmem>>, vector<1x1x16xf32>,
        %get3A_365 = vector.shape_cast %get3A_364 : vector<1x1x16xf32> to vector<16xf32>
        %mul3A_366 = arith.mulf %exp3A_166, %get3A_365 : vector<16xf32>
        %add3A_367 = arith.addf %add3A_357, %mul3A_366 : vector<16xf32>
        %add3A_368 = arith.constant 1 : i32
        %add3A_369 = arith.addi %mul3A_205, %add3A_368 : i32
        %get3A_370 = arith.constant 7 : i32
        %get3A_371 = arith.index_cast %add3A_369 : i32 to index
        %get3A_372 = arith.index_cast %get3A_370 : i32 to index
        %get3A_373 = arith.index_cast %mul3A_83 : i32 to index
        %get3A_374 = tpu.vector_load %arg6[%get3A_371, %get3A_372, %get3A_373] {strides = array<i32>} : memref<50x8x128xf32, #tpu.memory_space<vmem>>, vector<1x1x16xf32>,
        %get3A_375 = vector.shape_cast %get3A_374 : vector<1x1x16xf32> to vector<16xf32>
        %mul3A_376 = arith.mulf %exp3A_175, %get3A_375 : vector<16xf32>
        %add3A_377 = arith.addf %add3A_367, %mul3A_376 : vector<16xf32>
        %add3A_378 = arith.constant 1 : i32
        %add3A_379 = arith.addi %mul3A_205, %add3A_378 : i32
        %get3A_380 = arith.index_cast %add3A_379 : i32 to index
        %get3A_381 = arith.index_cast %mul3A_83 : i32 to index
        %get3A_382 = tpu.vector_load %arg8[%get3A_380, %get3A_381] {strides = array<i32>} : memref<64x128xf32, #tpu.memory_space<vmem>>, vector<1x16xf32>,
        %get3A_383 = vector.shape_cast %get3A_382 : vector<1x16xf32> to vector<16xf32>
        %add3A_384 = arith.addf %get3A_383, %add3A_377 : vector<16xf32>
        %add3A_385 = arith.constant 1 : i32
        %add3A_386 = arith.addi %mul3A_205, %add3A_385 : i32
        %swap3A_387 = arith.index_cast %add3A_386 : i32 to index
        %swap3A_388 = arith.index_cast %mul3A_83 : i32 to index
        %swap3A_389 = tpu.vector_load %arg8[%swap3A_387, %swap3A_388] {strides = array<i32>} : memref<64x128xf32, #tpu.memory_space<vmem>>, vector<1x16xf32>,
        %swap3A_390 = vector.shape_cast %swap3A_389 : vector<1x16xf32> to vector<16xf32>
        %swap3A_391 = vector.shape_cast %add3A_384 : vector<16xf32> to vector<1x16xf32>
        tpu.vector_store %arg8[%swap3A_387, %swap3A_388], %swap3A_391 {strides = array<i32>} : memref<64x128xf32, #tpu.memory_space<vmem>>, vector<1x16xf32>,
        %add3A_392 = arith.constant 2 : i32
        %add3A_393 = arith.addi %mul3A_205, %add3A_392 : i32
        %get3A_394 = arith.constant 0 : i32
        %get3A_395 = arith.index_cast %add3A_393 : i32 to index
        %get3A_396 = arith.index_cast %get3A_394 : i32 to index
        %get3A_397 = arith.index_cast %mul3A_83 : i32 to index
        %get3A_398 = tpu.vector_load %arg6[%get3A_395, %get3A_396, %get3A_397] {strides = array<i32>} : memref<50x8x128xf32, #tpu.memory_space<vmem>>, vector<1x1x16xf32>,
        %get3A_399 = vector.shape_cast %get3A_398 : vector<1x1x16xf32> to vector<16xf32>
        %mul3A_400 = arith.mulf %exp3A, %get3A_399 : vector<16xf32>
        %add3A_401 = arith.constant 2 : i32
        %add3A_402 = arith.addi %mul3A_205, %add3A_401 : i32
        %get3A_403 = arith.constant 1 : i32
        %get3A_404 = arith.index_cast %add3A_402 : i32 to index
        %get3A_405 = arith.index_cast %get3A_403 : i32 to index
        %get3A_406 = arith.index_cast %mul3A_83 : i32 to index
        %get3A_407 = tpu.vector_load %arg6[%get3A_404, %get3A_405, %get3A_406] {strides = array<i32>} : memref<50x8x128xf32, #tpu.memory_space<vmem>>, vector<1x1x16xf32>,
        %get3A_408 = vector.shape_cast %get3A_407 : vector<1x1x16xf32> to vector<16xf32>
        %mul3A_409 = arith.mulf %exp3A_121, %get3A_408 : vector<16xf32>
        %add3A_410 = arith.addf %mul3A_400, %mul3A_409 : vector<16xf32>
        %add3A_411 = arith.constant 2 : i32
        %add3A_412 = arith.addi %mul3A_205, %add3A_411 : i32
        %get3A_413 = arith.constant 2 : i32
        %get3A_414 = arith.index_cast %add3A_412 : i32 to index
        %get3A_415 = arith.index_cast %get3A_413 : i32 to index
        %get3A_416 = arith.index_cast %mul3A_83 : i32 to index
        %get3A_417 = tpu.vector_load %arg6[%get3A_414, %get3A_415, %get3A_416] {strides = array<i32>} : memref<50x8x128xf32, #tpu.memory_space<vmem>>, vector<1x1x16xf32>,
        %get3A_418 = vector.shape_cast %get3A_417 : vector<1x1x16xf32> to vector<16xf32>
        %mul3A_419 = arith.mulf %exp3A_130, %get3A_418 : vector<16xf32>
        %add3A_420 = arith.addf %add3A_410, %mul3A_419 : vector<16xf32>
        %add3A_421 = arith.constant 2 : i32
        %add3A_422 = arith.addi %mul3A_205, %add3A_421 : i32
        %get3A_423 = arith.constant 3 : i32
        %get3A_424 = arith.index_cast %add3A_422 : i32 to index
        %get3A_425 = arith.index_cast %get3A_423 : i32 to index
        %get3A_426 = arith.index_cast %mul3A_83 : i32 to index
        %get3A_427 = tpu.vector_load %arg6[%get3A_424, %get3A_425, %get3A_426] {strides = array<i32>} : memref<50x8x128xf32, #tpu.memory_space<vmem>>, vector<1x1x16xf32>,
        %get3A_428 = vector.shape_cast %get3A_427 : vector<1x1x16xf32> to vector<16xf32>
        %mul3A_429 = arith.mulf %exp3A_139, %get3A_428 : vector<16xf32>
        %add3A_430 = arith.addf %add3A_420, %mul3A_429 : vector<16xf32>
        %add3A_431 = arith.constant 2 : i32
        %add3A_432 = arith.addi %mul3A_205, %add3A_431 : i32
        %get3A_433 = arith.constant 4 : i32
        %get3A_434 = arith.index_cast %add3A_432 : i32 to index
        %get3A_435 = arith.index_cast %get3A_433 : i32 to index
        %get3A_436 = arith.index_cast %mul3A_83 : i32 to index
        %get3A_437 = tpu.vector_load %arg6[%get3A_434, %get3A_435, %get3A_436] {strides = array<i32>} : memref<50x8x128xf32, #tpu.memory_space<vmem>>, vector<1x1x16xf32>,
        %get3A_438 = vector.shape_cast %get3A_437 : vector<1x1x16xf32> to vector<16xf32>
        %mul3A_439 = arith.mulf %exp3A_148, %get3A_438 : vector<16xf32>
        %add3A_440 = arith.addf %add3A_430, %mul3A_439 : vector<16xf32>
        %add3A_441 = arith.constant 2 : i32
        %add3A_442 = arith.addi %mul3A_205, %add3A_441 : i32
        %get3A_443 = arith.constant 5 : i32
        %get3A_444 = arith.index_cast %add3A_442 : i32 to index
        %get3A_445 = arith.index_cast %get3A_443 : i32 to index
        %get3A_446 = arith.index_cast %mul3A_83 : i32 to index
        %get3A_447 = tpu.vector_load %arg6[%get3A_444, %get3A_445, %get3A_446] {strides = array<i32>} : memref<50x8x128xf32, #tpu.memory_space<vmem>>, vector<1x1x16xf32>,
        %get3A_448 = vector.shape_cast %get3A_447 : vector<1x1x16xf32> to vector<16xf32>
        %mul3A_449 = arith.mulf %exp3A_157, %get3A_448 : vector<16xf32>
        %add3A_450 = arith.addf %add3A_440, %mul3A_449 : vector<16xf32>
        %add3A_451 = arith.constant 2 : i32
        %add3A_452 = arith.addi %mul3A_205, %add3A_451 : i32
        %get3A_453 = arith.constant 6 : i32
        %get3A_454 = arith.index_cast %add3A_452 : i32 to index
        %get3A_455 = arith.index_cast %get3A_453 : i32 to index
        %get3A_456 = arith.index_cast %mul3A_83 : i32 to index
        %get3A_457 = tpu.vector_load %arg6[%get3A_454, %get3A_455, %get3A_456] {strides = array<i32>} : memref<50x8x128xf32, #tpu.memory_space<vmem>>, vector<1x1x16xf32>,
        %get3A_458 = vector.shape_cast %get3A_457 : vector<1x1x16xf32> to vector<16xf32>
        %mul3A_459 = arith.mulf %exp3A_166, %get3A_458 : vector<16xf32>
        %add3A_460 = arith.addf %add3A_450, %mul3A_459 : vector<16xf32>
        %add3A_461 = arith.constant 2 : i32
        %add3A_462 = arith.addi %mul3A_205, %add3A_461 : i32
        %get3A_463 = arith.constant 7 : i32
        %get3A_464 = arith.index_cast %add3A_462 : i32 to index
        %get3A_465 = arith.index_cast %get3A_463 : i32 to index
        %get3A_466 = arith.index_cast %mul3A_83 : i32 to index
        %get3A_467 = tpu.vector_load %arg6[%get3A_464, %get3A_465, %get3A_466] {strides = array<i32>} : memref<50x8x128xf32, #tpu.memory_space<vmem>>, vector<1x1x16xf32>,
        %get3A_468 = vector.shape_cast %get3A_467 : vector<1x1x16xf32> to vector<16xf32>
        %mul3A_469 = arith.mulf %exp3A_175, %get3A_468 : vector<16xf32>
        %add3A_470 = arith.addf %add3A_460, %mul3A_469 : vector<16xf32>
        %add3A_471 = arith.constant 2 : i32
        %add3A_472 = arith.addi %mul3A_205, %add3A_471 : i32
        %get3A_473 = arith.index_cast %add3A_472 : i32 to index
        %get3A_474 = arith.index_cast %mul3A_83 : i32 to index
        %get3A_475 = tpu.vector_load %arg8[%get3A_473, %get3A_474] {strides = array<i32>} : memref<64x128xf32, #tpu.memory_space<vmem>>, vector<1x16xf32>,
        %get3A_476 = vector.shape_cast %get3A_475 : vector<1x16xf32> to vector<16xf32>
        %add3A_477 = arith.addf %get3A_476, %add3A_470 : vector<16xf32>
        %add3A_478 = arith.constant 2 : i32
        %add3A_479 = arith.addi %mul3A_205, %add3A_478 : i32
        %swap3A_480 = arith.index_cast %add3A_479 : i32 to index
        %swap3A_481 = arith.index_cast %mul3A_83 : i32 to index
        %swap3A_482 = tpu.vector_load %arg8[%swap3A_480, %swap3A_481] {strides = array<i32>} : memref<64x128xf32, #tpu.memory_space<vmem>>, vector<1x16xf32>,
        %swap3A_483 = vector.shape_cast %swap3A_482 : vector<1x16xf32> to vector<16xf32>
        %swap3A_484 = vector.shape_cast %add3A_477 : vector<16xf32> to vector<1x16xf32>
        tpu.vector_store %arg8[%swap3A_480, %swap3A_481], %swap3A_484 {strides = array<i32>} : memref<64x128xf32, #tpu.memory_space<vmem>>, vector<1x16xf32>,
        %add3A_485 = arith.constant 3 : i32
        %add3A_486 = arith.addi %mul3A_205, %add3A_485 : i32
        %get3A_487 = arith.constant 0 : i32
        %get3A_488 = arith.index_cast %add3A_486 : i32 to index
        %get3A_489 = arith.index_cast %get3A_487 : i32 to index
        %get3A_490 = arith.index_cast %mul3A_83 : i32 to index
        %get3A_491 = tpu.vector_load %arg6[%get3A_488, %get3A_489, %get3A_490] {strides = array<i32>} : memref<50x8x128xf32, #tpu.memory_space<vmem>>, vector<1x1x16xf32>,
        %get3A_492 = vector.shape_cast %get3A_491 : vector<1x1x16xf32> to vector<16xf32>
        %mul3A_493 = arith.mulf %exp3A, %get3A_492 : vector<16xf32>
        %add3A_494 = arith.constant 3 : i32
        %add3A_495 = arith.addi %mul3A_205, %add3A_494 : i32
        %get3A_496 = arith.constant 1 : i32
        %get3A_497 = arith.index_cast %add3A_495 : i32 to index
        %get3A_498 = arith.index_cast %get3A_496 : i32 to index
        %get3A_499 = arith.index_cast %mul3A_83 : i32 to index
        %get3A_500 = tpu.vector_load %arg6[%get3A_497, %get3A_498, %get3A_499] {strides = array<i32>} : memref<50x8x128xf32, #tpu.memory_space<vmem>>, vector<1x1x16xf32>,
        %get3A_501 = vector.shape_cast %get3A_500 : vector<1x1x16xf32> to vector<16xf32>
        %mul3A_502 = arith.mulf %exp3A_121, %get3A_501 : vector<16xf32>
        %add3A_503 = arith.addf %mul3A_493, %mul3A_502 : vector<16xf32>
        %add3A_504 = arith.constant 3 : i32
        %add3A_505 = arith.addi %mul3A_205, %add3A_504 : i32
        %get3A_506 = arith.constant 2 : i32
        %get3A_507 = arith.index_cast %add3A_505 : i32 to index
        %get3A_508 = arith.index_cast %get3A_506 : i32 to index
        %get3A_509 = arith.index_cast %mul3A_83 : i32 to index
        %get3A_510 = tpu.vector_load %arg6[%get3A_507, %get3A_508, %get3A_509] {strides = array<i32>} : memref<50x8x128xf32, #tpu.memory_space<vmem>>, vector<1x1x16xf32>,
        %get3A_511 = vector.shape_cast %get3A_510 : vector<1x1x16xf32> to vector<16xf32>
        %mul3A_512 = arith.mulf %exp3A_130, %get3A_511 : vector<16xf32>
        %add3A_513 = arith.addf %add3A_503, %mul3A_512 : vector<16xf32>
        %add3A_514 = arith.constant 3 : i32
        %add3A_515 = arith.addi %mul3A_205, %add3A_514 : i32
        %get3A_516 = arith.constant 3 : i32
        %get3A_517 = arith.index_cast %add3A_515 : i32 to index
        %get3A_518 = arith.index_cast %get3A_516 : i32 to index
        %get3A_519 = arith.index_cast %mul3A_83 : i32 to index
        %get3A_520 = tpu.vector_load %arg6[%get3A_517, %get3A_518, %get3A_519] {strides = array<i32>} : memref<50x8x128xf32, #tpu.memory_space<vmem>>, vector<1x1x16xf32>,
        %get3A_521 = vector.shape_cast %get3A_520 : vector<1x1x16xf32> to vector<16xf32>
        %mul3A_522 = arith.mulf %exp3A_139, %get3A_521 : vector<16xf32>
        %add3A_523 = arith.addf %add3A_513, %mul3A_522 : vector<16xf32>
        %add3A_524 = arith.constant 3 : i32
        %add3A_525 = arith.addi %mul3A_205, %add3A_524 : i32
        %get3A_526 = arith.constant 4 : i32
        %get3A_527 = arith.index_cast %add3A_525 : i32 to index
        %get3A_528 = arith.index_cast %get3A_526 : i32 to index
        %get3A_529 = arith.index_cast %mul3A_83 : i32 to index
        %get3A_530 = tpu.vector_load %arg6[%get3A_527, %get3A_528, %get3A_529] {strides = array<i32>} : memref<50x8x128xf32, #tpu.memory_space<vmem>>, vector<1x1x16xf32>,
        %get3A_531 = vector.shape_cast %get3A_530 : vector<1x1x16xf32> to vector<16xf32>
        %mul3A_532 = arith.mulf %exp3A_148, %get3A_531 : vector<16xf32>
        %add3A_533 = arith.addf %add3A_523, %mul3A_532 : vector<16xf32>
        %add3A_534 = arith.constant 3 : i32
        %add3A_535 = arith.addi %mul3A_205, %add3A_534 : i32
        %get3A_536 = arith.constant 5 : i32
        %get3A_537 = arith.index_cast %add3A_535 : i32 to index
        %get3A_538 = arith.index_cast %get3A_536 : i32 to index
        %get3A_539 = arith.index_cast %mul3A_83 : i32 to index
        %get3A_540 = tpu.vector_load %arg6[%get3A_537, %get3A_538, %get3A_539] {strides = array<i32>} : memref<50x8x128xf32, #tpu.memory_space<vmem>>, vector<1x1x16xf32>,
        %get3A_541 = vector.shape_cast %get3A_540 : vector<1x1x16xf32> to vector<16xf32>
        %mul3A_542 = arith.mulf %exp3A_157, %get3A_541 : vector<16xf32>
        %add3A_543 = arith.addf %add3A_533, %mul3A_542 : vector<16xf32>
        %add3A_544 = arith.constant 3 : i32
        %add3A_545 = arith.addi %mul3A_205, %add3A_544 : i32
        %get3A_546 = arith.constant 6 : i32
        %get3A_547 = arith.index_cast %add3A_545 : i32 to index
        %get3A_548 = arith.index_cast %get3A_546 : i32 to index
        %get3A_549 = arith.index_cast %mul3A_83 : i32 to index
        %get3A_550 = tpu.vector_load %arg6[%get3A_547, %get3A_548, %get3A_549] {strides = array<i32>} : memref<50x8x128xf32, #tpu.memory_space<vmem>>, vector<1x1x16xf32>,
        %get3A_551 = vector.shape_cast %get3A_550 : vector<1x1x16xf32> to vector<16xf32>
        %mul3A_552 = arith.mulf %exp3A_166, %get3A_551 : vector<16xf32>
        %add3A_553 = arith.addf %add3A_543, %mul3A_552 : vector<16xf32>
        %add3A_554 = arith.constant 3 : i32
        %add3A_555 = arith.addi %mul3A_205, %add3A_554 : i32
        %get3A_556 = arith.constant 7 : i32
        %get3A_557 = arith.index_cast %add3A_555 : i32 to index
        %get3A_558 = arith.index_cast %get3A_556 : i32 to index
        %get3A_559 = arith.index_cast %mul3A_83 : i32 to index
        %get3A_560 = tpu.vector_load %arg6[%get3A_557, %get3A_558, %get3A_559] {strides = array<i32>} : memref<50x8x128xf32, #tpu.memory_space<vmem>>, vector<1x1x16xf32>,
        %get3A_561 = vector.shape_cast %get3A_560 : vector<1x1x16xf32> to vector<16xf32>
        %mul3A_562 = arith.mulf %exp3A_175, %get3A_561 : vector<16xf32>
        %add3A_563 = arith.addf %add3A_553, %mul3A_562 : vector<16xf32>
        %add3A_564 = arith.constant 3 : i32
        %add3A_565 = arith.addi %mul3A_205, %add3A_564 : i32
        %get3A_566 = arith.index_cast %add3A_565 : i32 to index
        %get3A_567 = arith.index_cast %mul3A_83 : i32 to index
        %get3A_568 = tpu.vector_load %arg8[%get3A_566, %get3A_567] {strides = array<i32>} : memref<64x128xf32, #tpu.memory_space<vmem>>, vector<1x16xf32>,
        %get3A_569 = vector.shape_cast %get3A_568 : vector<1x16xf32> to vector<16xf32>
        %add3A_570 = arith.addf %get3A_569, %add3A_563 : vector<16xf32>
        %add3A_571 = arith.constant 3 : i32
        %add3A_572 = arith.addi %mul3A_205, %add3A_571 : i32
        %swap3A_573 = arith.index_cast %add3A_572 : i32 to index
        %swap3A_574 = arith.index_cast %mul3A_83 : i32 to index
        %swap3A_575 = tpu.vector_load %arg8[%swap3A_573, %swap3A_574] {strides = array<i32>} : memref<64x128xf32, #tpu.memory_space<vmem>>, vector<1x16xf32>,
        %swap3A_576 = vector.shape_cast %swap3A_575 : vector<1x16xf32> to vector<16xf32>
        %swap3A_577 = vector.shape_cast %add3A_570 : vector<16xf32> to vector<1x16xf32>
        tpu.vector_store %arg8[%swap3A_573, %swap3A_574], %swap3A_577 {strides = array<i32>} : memref<64x128xf32, #tpu.memory_space<vmem>>, vector<1x16xf32>,
        %add3A_578 = arith.constant 4 : i32
        %add3A_579 = arith.addi %mul3A_205, %add3A_578 : i32
        %get3A_580 = arith.constant 0 : i32
        %get3A_581 = arith.index_cast %add3A_579 : i32 to index
        %get3A_582 = arith.index_cast %get3A_580 : i32 to index
        %get3A_583 = arith.index_cast %mul3A_83 : i32 to index
        %get3A_584 = tpu.vector_load %arg6[%get3A_581, %get3A_582, %get3A_583] {strides = array<i32>} : memref<50x8x128xf32, #tpu.memory_space<vmem>>, vector<1x1x16xf32>,
        %get3A_585 = vector.shape_cast %get3A_584 : vector<1x1x16xf32> to vector<16xf32>
        %mul3A_586 = arith.mulf %exp3A, %get3A_585 : vector<16xf32>
        %add3A_587 = arith.constant 4 : i32
        %add3A_588 = arith.addi %mul3A_205, %add3A_587 : i32
        %get3A_589 = arith.constant 1 : i32
        %get3A_590 = arith.index_cast %add3A_588 : i32 to index
        %get3A_591 = arith.index_cast %get3A_589 : i32 to index
        %get3A_592 = arith.index_cast %mul3A_83 : i32 to index
        %get3A_593 = tpu.vector_load %arg6[%get3A_590, %get3A_591, %get3A_592] {strides = array<i32>} : memref<50x8x128xf32, #tpu.memory_space<vmem>>, vector<1x1x16xf32>,
        %get3A_594 = vector.shape_cast %get3A_593 : vector<1x1x16xf32> to vector<16xf32>
        %mul3A_595 = arith.mulf %exp3A_121, %get3A_594 : vector<16xf32>
        %add3A_596 = arith.addf %mul3A_586, %mul3A_595 : vector<16xf32>
        %add3A_597 = arith.constant 4 : i32
        %add3A_598 = arith.addi %mul3A_205, %add3A_597 : i32
        %get3A_599 = arith.constant 2 : i32
        %get3A_600 = arith.index_cast %add3A_598 : i32 to index
        %get3A_601 = arith.index_cast %get3A_599 : i32 to index
        %get3A_602 = arith.index_cast %mul3A_83 : i32 to index
        %get3A_603 = tpu.vector_load %arg6[%get3A_600, %get3A_601, %get3A_602] {strides = array<i32>} : memref<50x8x128xf32, #tpu.memory_space<vmem>>, vector<1x1x16xf32>,
        %get3A_604 = vector.shape_cast %get3A_603 : vector<1x1x16xf32> to vector<16xf32>
        %mul3A_605 = arith.mulf %exp3A_130, %get3A_604 : vector<16xf32>
        %add3A_606 = arith.addf %add3A_596, %mul3A_605 : vector<16xf32>
        %add3A_607 = arith.constant 4 : i32
        %add3A_608 = arith.addi %mul3A_205, %add3A_607 : i32
        %get3A_609 = arith.constant 3 : i32
        %get3A_610 = arith.index_cast %add3A_608 : i32 to index
        %get3A_611 = arith.index_cast %get3A_609 : i32 to index
        %get3A_612 = arith.index_cast %mul3A_83 : i32 to index
        %get3A_613 = tpu.vector_load %arg6[%get3A_610, %get3A_611, %get3A_612] {strides = array<i32>} : memref<50x8x128xf32, #tpu.memory_space<vmem>>, vector<1x1x16xf32>,
        %get3A_614 = vector.shape_cast %get3A_613 : vector<1x1x16xf32> to vector<16xf32>
        %mul3A_615 = arith.mulf %exp3A_139, %get3A_614 : vector<16xf32>
        %add3A_616 = arith.addf %add3A_606, %mul3A_615 : vector<16xf32>
        %add3A_617 = arith.constant 4 : i32
        %add3A_618 = arith.addi %mul3A_205, %add3A_617 : i32
        %get3A_619 = arith.constant 4 : i32
        %get3A_620 = arith.index_cast %add3A_618 : i32 to index
        %get3A_621 = arith.index_cast %get3A_619 : i32 to index
        %get3A_622 = arith.index_cast %mul3A_83 : i32 to index
        %get3A_623 = tpu.vector_load %arg6[%get3A_620, %get3A_621, %get3A_622] {strides = array<i32>} : memref<50x8x128xf32, #tpu.memory_space<vmem>>, vector<1x1x16xf32>,
        %get3A_624 = vector.shape_cast %get3A_623 : vector<1x1x16xf32> to vector<16xf32>
        %mul3A_625 = arith.mulf %exp3A_148, %get3A_624 : vector<16xf32>
        %add3A_626 = arith.addf %add3A_616, %mul3A_625 : vector<16xf32>
        %add3A_627 = arith.constant 4 : i32
        %add3A_628 = arith.addi %mul3A_205, %add3A_627 : i32
        %get3A_629 = arith.constant 5 : i32
        %get3A_630 = arith.index_cast %add3A_628 : i32 to index
        %get3A_631 = arith.index_cast %get3A_629 : i32 to index
        %get3A_632 = arith.index_cast %mul3A_83 : i32 to index
        %get3A_633 = tpu.vector_load %arg6[%get3A_630, %get3A_631, %get3A_632] {strides = array<i32>} : memref<50x8x128xf32, #tpu.memory_space<vmem>>, vector<1x1x16xf32>,
        %get3A_634 = vector.shape_cast %get3A_633 : vector<1x1x16xf32> to vector<16xf32>
        %mul3A_635 = arith.mulf %exp3A_157, %get3A_634 : vector<16xf32>
        %add3A_636 = arith.addf %add3A_626, %mul3A_635 : vector<16xf32>
        %add3A_637 = arith.constant 4 : i32
        %add3A_638 = arith.addi %mul3A_205, %add3A_637 : i32
        %get3A_639 = arith.constant 6 : i32
        %get3A_640 = arith.index_cast %add3A_638 : i32 to index
        %get3A_641 = arith.index_cast %get3A_639 : i32 to index
        %get3A_642 = arith.index_cast %mul3A_83 : i32 to index
        %get3A_643 = tpu.vector_load %arg6[%get3A_640, %get3A_641, %get3A_642] {strides = array<i32>} : memref<50x8x128xf32, #tpu.memory_space<vmem>>, vector<1x1x16xf32>,
        %get3A_644 = vector.shape_cast %get3A_643 : vector<1x1x16xf32> to vector<16xf32>
        %mul3A_645 = arith.mulf %exp3A_166, %get3A_644 : vector<16xf32>
        %add3A_646 = arith.addf %add3A_636, %mul3A_645 : vector<16xf32>
        %add3A_647 = arith.constant 4 : i32
        %add3A_648 = arith.addi %mul3A_205, %add3A_647 : i32
        %get3A_649 = arith.constant 7 : i32
        %get3A_650 = arith.index_cast %add3A_648 : i32 to index
        %get3A_651 = arith.index_cast %get3A_649 : i32 to index
        %get3A_652 = arith.index_cast %mul3A_83 : i32 to index
        %get3A_653 = tpu.vector_load %arg6[%get3A_650, %get3A_651, %get3A_652] {strides = array<i32>} : memref<50x8x128xf32, #tpu.memory_space<vmem>>, vector<1x1x16xf32>,
        %get3A_654 = vector.shape_cast %get3A_653 : vector<1x1x16xf32> to vector<16xf32>
        %mul3A_655 = arith.mulf %exp3A_175, %get3A_654 : vector<16xf32>
        %add3A_656 = arith.addf %add3A_646, %mul3A_655 : vector<16xf32>
        %add3A_657 = arith.constant 4 : i32
        %add3A_658 = arith.addi %mul3A_205, %add3A_657 : i32
        %get3A_659 = arith.index_cast %add3A_658 : i32 to index
        %get3A_660 = arith.index_cast %mul3A_83 : i32 to index
        %get3A_661 = tpu.vector_load %arg8[%get3A_659, %get3A_660] {strides = array<i32>} : memref<64x128xf32, #tpu.memory_space<vmem>>, vector<1x16xf32>,
        %get3A_662 = vector.shape_cast %get3A_661 : vector<1x16xf32> to vector<16xf32>
        %add3A_663 = arith.addf %get3A_662, %add3A_656 : vector<16xf32>
        %add3A_664 = arith.constant 4 : i32
        %add3A_665 = arith.addi %mul3A_205, %add3A_664 : i32
        %swap3A_666 = arith.index_cast %add3A_665 : i32 to index
        %swap3A_667 = arith.index_cast %mul3A_83 : i32 to index
        %swap3A_668 = tpu.vector_load %arg8[%swap3A_666, %swap3A_667] {strides = array<i32>} : memref<64x128xf32, #tpu.memory_space<vmem>>, vector<1x16xf32>,
        %swap3A_669 = vector.shape_cast %swap3A_668 : vector<1x16xf32> to vector<16xf32>
        %swap3A_670 = vector.shape_cast %add3A_663 : vector<16xf32> to vector<1x16xf32>
        tpu.vector_store %arg8[%swap3A_666, %swap3A_667], %swap3A_670 {strides = array<i32>} : memref<64x128xf32, #tpu.memory_space<vmem>>, vector<1x16xf32>,
        %scan3A_671 = arith.constant 0 : i32
        scf.yield %scan3A_671 : i32
      }
      %scan3A_200 = arith.constant 10 : i32
      %scan3A_201 = arith.constant 0 : i32
      scf.yield %scan3A_201 : i32
    }
    %scan3A_66 = arith.constant 8 : i32
    %dma_wait3A_67 = arith.constant 0 : i32
    %dma_wait3A_68 = arith.constant 24 : i32
    %dma_wait3A_69 = tpu.memref_slice %arg2[%dma_wait3A_67, %dma_wait3A_68, %mul3A_2] : memref<50x32x10000xf32, #tpu.memory_space<hbm>> -> memref<50x8x128xf32, #tpu.memory_space<hbm>>
    %dma_wait3A_70 = arith.constant 0 : i32
    %dma_wait3A_71 = arith.constant 24 : i32
    %dma_wait3A_72 = tpu.memref_slice %arg2[%dma_wait3A_70, %dma_wait3A_71, %mul3A_2] : memref<50x32x10000xf32, #tpu.memory_space<hbm>> -> memref<50x8x128xf32, #tpu.memory_space<hbm>>
    tpu.wait_dma2 semaphore(%arg12 : memref<!tpu.dma_semaphore, #tpu.memory_space<semaphore_mem>>) src(%dma_wait3A_72 : memref<50x8x128xf32, #tpu.memory_space<hbm>>) dst(%arg7 : memref<50x8x128xf32, #tpu.memory_space<vmem>>)
    %scan3A_73 = arith.constant 0 : i32
    %scan3A_74 = arith.constant 0 : i32
    %scan3A_75 = arith.constant 8 : i32
    %scan3A_76 = arith.addi %scan3A_74, %scan3A_75 : i32
    %scan3A_77 = arith.constant 1 : i32
    %scan3A_78 = scf.for %scan3A_80 = %scan3A_74 to %scan3A_76 step %scan3A_77 iter_args(%scan3A_81 = %scan3A_73) -> (i32)  : i32 {
      %mul3A_82 = arith.constant 16 : i32
      %mul3A_83 = arith.muli %scan3A_80, %mul3A_82 : i32
      %get3A = arith.index_cast %mul3A_83 : i32 to index
      %get3A_84 = tpu.vector_load %arg9[%get3A] {strides = array<i32>} : memref<128xf32, #tpu.memory_space<vmem>>, vector<16xf32>,
      %get3A_85 = vector.shape_cast %get3A_84 : vector<16xf32> to vector<16xf32>
      %broadcast_in_dim3A = arith.constant 0.000000e+00 : f32
      %broadcast_in_dim3A_86 = vector.broadcast %broadcast_in_dim3A : f32 to vector<16xf32>
      %broadcast_in_dim3A_87 = arith.constant 0.000000e+00 : f32
      %broadcast_in_dim3A_88 = vector.broadcast %broadcast_in_dim3A_87 : f32 to vector<16xf32>
      %broadcast_in_dim3A_89 = arith.constant 0.000000e+00 : f32
      %broadcast_in_dim3A_90 = vector.broadcast %broadcast_in_dim3A_89 : f32 to vector<16xf32>
      %broadcast_in_dim3A_91 = arith.constant 0.000000e+00 : f32
      %broadcast_in_dim3A_92 = vector.broadcast %broadcast_in_dim3A_91 : f32 to vector<16xf32>
      %broadcast_in_dim3A_93 = arith.constant 0.000000e+00 : f32
      %broadcast_in_dim3A_94 = vector.broadcast %broadcast_in_dim3A_93 : f32 to vector<16xf32>
      %broadcast_in_dim3A_95 = arith.constant 0.000000e+00 : f32
      %broadcast_in_dim3A_96 = vector.broadcast %broadcast_in_dim3A_95 : f32 to vector<16xf32>
      %broadcast_in_dim3A_97 = arith.constant 0.000000e+00 : f32
      %broadcast_in_dim3A_98 = vector.broadcast %broadcast_in_dim3A_97 : f32 to vector<16xf32>
      %broadcast_in_dim3A_99 = arith.constant 0.000000e+00 : f32
      %broadcast_in_dim3A_100 = vector.broadcast %broadcast_in_dim3A_99 : f32 to vector<16xf32>
      %scan3A_101 = arith.constant 0 : i32
      %scan3A_102 = arith.constant 10 : i32
      %scan3A_103 = arith.addi %scan3A_101, %scan3A_102 : i32
      %scan3A_104 = arith.constant 1 : i32
      %scan3A_105:8 = scf.for %scan3A_202 = %scan3A_101 to %scan3A_103 step %scan3A_104 iter_args(%scan3A_203 = %broadcast_in_dim3A_86, %scan3A_204 = %broadcast_in_dim3A_88, %scan3A_205 = %broadcast_in_dim3A_90, %scan3A_206 = %broadcast_in_dim3A_92, %scan3A_207 = %broadcast_in_dim3A_94, %scan3A_208 = %broadcast_in_dim3A_96, %scan3A_209 = %broadcast_in_dim3A_98, %scan3A_210 = %broadcast_in_dim3A_100) -> (vector<16xf32>, vector<16xf32>, vector<16xf32>, vector<16xf32>, vector<16xf32>, vector<16xf32>, vector<16xf32>, vector<16xf32>)  : i32 {
        %mul3A_211 = arith.constant 5 : i32
        %mul3A_212 = arith.muli %scan3A_202, %mul3A_211 : i32
        %add3A_213 = arith.constant 0 : i32
        %add3A_214 = arith.addi %mul3A_212, %add3A_213 : i32
        %get3A_215 = arith.index_cast %add3A_214 : i32 to index
        %get3A_216 = arith.constant 0 : index
        %get3A_217 = tpu.vector_load %arg10[%get3A_215, %get3A_216] {strides = array<i32>} : memref<64x16xf32, #tpu.memory_space<vmem>>, vector<1x16xf32>,
        %get3A_218 = vector.shape_cast %get3A_217 : vector<1x16xf32> to vector<16xf32>
        %add3A_219 = arith.constant 0 : i32
        %add3A_220 = arith.addi %mul3A_212, %add3A_219 : i32
        %get3A_221 = arith.constant 0 : i32
        %get3A_222 = arith.index_cast %add3A_220 : i32 to index
        %get3A_223 = arith.index_cast %get3A_221 : i32 to index
        %get3A_224 = arith.index_cast %mul3A_83 : i32 to index
        %get3A_225 = tpu.vector_load %arg7[%get3A_222, %get3A_223, %get3A_224] {strides = array<i32>} : memref<50x8x128xf32, #tpu.memory_space<vmem>>, vector<1x1x16xf32>,
        %get3A_226 = vector.shape_cast %get3A_225 : vector<1x1x16xf32> to vector<16xf32>
        %mul3A_227 = arith.mulf %get3A_226, %get3A_218 : vector<16xf32>
        %add3A_228 = arith.addf %scan3A_203, %mul3A_227 : vector<16xf32>
        %add3A_229 = arith.constant 0 : i32
        %add3A_230 = arith.addi %mul3A_212, %add3A_229 : i32
        %get3A_231 = arith.constant 1 : i32
        %get3A_232 = arith.index_cast %add3A_230 : i32 to index
        %get3A_233 = arith.index_cast %get3A_231 : i32 to index
        %get3A_234 = arith.index_cast %mul3A_83 : i32 to index
        %get3A_235 = tpu.vector_load %arg7[%get3A_232, %get3A_233, %get3A_234] {strides = array<i32>} : memref<50x8x128xf32, #tpu.memory_space<vmem>>, vector<1x1x16xf32>,
        %get3A_236 = vector.shape_cast %get3A_235 : vector<1x1x16xf32> to vector<16xf32>
        %mul3A_237 = arith.mulf %get3A_236, %get3A_218 : vector<16xf32>
        %add3A_238 = arith.addf %scan3A_204, %mul3A_237 : vector<16xf32>
        %add3A_239 = arith.constant 0 : i32
        %add3A_240 = arith.addi %mul3A_212, %add3A_239 : i32
        %get3A_241 = arith.constant 2 : i32
        %get3A_242 = arith.index_cast %add3A_240 : i32 to index
        %get3A_243 = arith.index_cast %get3A_241 : i32 to index
        %get3A_244 = arith.index_cast %mul3A_83 : i32 to index
        %get3A_245 = tpu.vector_load %arg7[%get3A_242, %get3A_243, %get3A_244] {strides = array<i32>} : memref<50x8x128xf32, #tpu.memory_space<vmem>>, vector<1x1x16xf32>,
        %get3A_246 = vector.shape_cast %get3A_245 : vector<1x1x16xf32> to vector<16xf32>
        %mul3A_247 = arith.mulf %get3A_246, %get3A_218 : vector<16xf32>
        %add3A_248 = arith.addf %scan3A_205, %mul3A_247 : vector<16xf32>
        %add3A_249 = arith.constant 0 : i32
        %add3A_250 = arith.addi %mul3A_212, %add3A_249 : i32
        %get3A_251 = arith.constant 3 : i32
        %get3A_252 = arith.index_cast %add3A_250 : i32 to index
        %get3A_253 = arith.index_cast %get3A_251 : i32 to index
        %get3A_254 = arith.index_cast %mul3A_83 : i32 to index
        %get3A_255 = tpu.vector_load %arg7[%get3A_252, %get3A_253, %get3A_254] {strides = array<i32>} : memref<50x8x128xf32, #tpu.memory_space<vmem>>, vector<1x1x16xf32>,
        %get3A_256 = vector.shape_cast %get3A_255 : vector<1x1x16xf32> to vector<16xf32>
        %mul3A_257 = arith.mulf %get3A_256, %get3A_218 : vector<16xf32>
        %add3A_258 = arith.addf %scan3A_206, %mul3A_257 : vector<16xf32>
        %add3A_259 = arith.constant 0 : i32
        %add3A_260 = arith.addi %mul3A_212, %add3A_259 : i32
        %get3A_261 = arith.constant 4 : i32
        %get3A_262 = arith.index_cast %add3A_260 : i32 to index
        %get3A_263 = arith.index_cast %get3A_261 : i32 to index
        %get3A_264 = arith.index_cast %mul3A_83 : i32 to index
        %get3A_265 = tpu.vector_load %arg7[%get3A_262, %get3A_263, %get3A_264] {strides = array<i32>} : memref<50x8x128xf32, #tpu.memory_space<vmem>>, vector<1x1x16xf32>,
        %get3A_266 = vector.shape_cast %get3A_265 : vector<1x1x16xf32> to vector<16xf32>
        %mul3A_267 = arith.mulf %get3A_266, %get3A_218 : vector<16xf32>
        %add3A_268 = arith.addf %scan3A_207, %mul3A_267 : vector<16xf32>
        %add3A_269 = arith.constant 0 : i32
        %add3A_270 = arith.addi %mul3A_212, %add3A_269 : i32
        %get3A_271 = arith.constant 5 : i32
        %get3A_272 = arith.index_cast %add3A_270 : i32 to index
        %get3A_273 = arith.index_cast %get3A_271 : i32 to index
        %get3A_274 = arith.index_cast %mul3A_83 : i32 to index
        %get3A_275 = tpu.vector_load %arg7[%get3A_272, %get3A_273, %get3A_274] {strides = array<i32>} : memref<50x8x128xf32, #tpu.memory_space<vmem>>, vector<1x1x16xf32>,
        %get3A_276 = vector.shape_cast %get3A_275 : vector<1x1x16xf32> to vector<16xf32>
        %mul3A_277 = arith.mulf %get3A_276, %get3A_218 : vector<16xf32>
        %add3A_278 = arith.addf %scan3A_208, %mul3A_277 : vector<16xf32>
        %add3A_279 = arith.constant 0 : i32
        %add3A_280 = arith.addi %mul3A_212, %add3A_279 : i32
        %get3A_281 = arith.constant 6 : i32
        %get3A_282 = arith.index_cast %add3A_280 : i32 to index
        %get3A_283 = arith.index_cast %get3A_281 : i32 to index
        %get3A_284 = arith.index_cast %mul3A_83 : i32 to index
        %get3A_285 = tpu.vector_load %arg7[%get3A_282, %get3A_283, %get3A_284] {strides = array<i32>} : memref<50x8x128xf32, #tpu.memory_space<vmem>>, vector<1x1x16xf32>,
        %get3A_286 = vector.shape_cast %get3A_285 : vector<1x1x16xf32> to vector<16xf32>
        %mul3A_287 = arith.mulf %get3A_286, %get3A_218 : vector<16xf32>
        %add3A_288 = arith.addf %scan3A_209, %mul3A_287 : vector<16xf32>
        %add3A_289 = arith.constant 0 : i32
        %add3A_290 = arith.addi %mul3A_212, %add3A_289 : i32
        %get3A_291 = arith.constant 7 : i32
        %get3A_292 = arith.index_cast %add3A_290 : i32 to index
        %get3A_293 = arith.index_cast %get3A_291 : i32 to index
        %get3A_294 = arith.index_cast %mul3A_83 : i32 to index
        %get3A_295 = tpu.vector_load %arg7[%get3A_292, %get3A_293, %get3A_294] {strides = array<i32>} : memref<50x8x128xf32, #tpu.memory_space<vmem>>, vector<1x1x16xf32>,
        %get3A_296 = vector.shape_cast %get3A_295 : vector<1x1x16xf32> to vector<16xf32>
        %mul3A_297 = arith.mulf %get3A_296, %get3A_218 : vector<16xf32>
        %add3A_298 = arith.addf %scan3A_210, %mul3A_297 : vector<16xf32>
        %add3A_299 = arith.constant 1 : i32
        %add3A_300 = arith.addi %mul3A_212, %add3A_299 : i32
        %get3A_301 = arith.index_cast %add3A_300 : i32 to index
        %get3A_302 = arith.constant 0 : index
        %get3A_303 = tpu.vector_load %arg10[%get3A_301, %get3A_302] {strides = array<i32>} : memref<64x16xf32, #tpu.memory_space<vmem>>, vector<1x16xf32>,
        %get3A_304 = vector.shape_cast %get3A_303 : vector<1x16xf32> to vector<16xf32>
        %add3A_305 = arith.constant 1 : i32
        %add3A_306 = arith.addi %mul3A_212, %add3A_305 : i32
        %get3A_307 = arith.constant 0 : i32
        %get3A_308 = arith.index_cast %add3A_306 : i32 to index
        %get3A_309 = arith.index_cast %get3A_307 : i32 to index
        %get3A_310 = arith.index_cast %mul3A_83 : i32 to index
        %get3A_311 = tpu.vector_load %arg7[%get3A_308, %get3A_309, %get3A_310] {strides = array<i32>} : memref<50x8x128xf32, #tpu.memory_space<vmem>>, vector<1x1x16xf32>,
        %get3A_312 = vector.shape_cast %get3A_311 : vector<1x1x16xf32> to vector<16xf32>
        %mul3A_313 = arith.mulf %get3A_312, %get3A_304 : vector<16xf32>
        %add3A_314 = arith.addf %add3A_228, %mul3A_313 : vector<16xf32>
        %add3A_315 = arith.constant 1 : i32
        %add3A_316 = arith.addi %mul3A_212, %add3A_315 : i32
        %get3A_317 = arith.constant 1 : i32
        %get3A_318 = arith.index_cast %add3A_316 : i32 to index
        %get3A_319 = arith.index_cast %get3A_317 : i32 to index
        %get3A_320 = arith.index_cast %mul3A_83 : i32 to index
        %get3A_321 = tpu.vector_load %arg7[%get3A_318, %get3A_319, %get3A_320] {strides = array<i32>} : memref<50x8x128xf32, #tpu.memory_space<vmem>>, vector<1x1x16xf32>,
        %get3A_322 = vector.shape_cast %get3A_321 : vector<1x1x16xf32> to vector<16xf32>
        %mul3A_323 = arith.mulf %get3A_322, %get3A_304 : vector<16xf32>
        %add3A_324 = arith.addf %add3A_238, %mul3A_323 : vector<16xf32>
        %add3A_325 = arith.constant 1 : i32
        %add3A_326 = arith.addi %mul3A_212, %add3A_325 : i32
        %get3A_327 = arith.constant 2 : i32
        %get3A_328 = arith.index_cast %add3A_326 : i32 to index
        %get3A_329 = arith.index_cast %get3A_327 : i32 to index
        %get3A_330 = arith.index_cast %mul3A_83 : i32 to index
        %get3A_331 = tpu.vector_load %arg7[%get3A_328, %get3A_329, %get3A_330] {strides = array<i32>} : memref<50x8x128xf32, #tpu.memory_space<vmem>>, vector<1x1x16xf32>,
        %get3A_332 = vector.shape_cast %get3A_331 : vector<1x1x16xf32> to vector<16xf32>
        %mul3A_333 = arith.mulf %get3A_332, %get3A_304 : vector<16xf32>
        %add3A_334 = arith.addf %add3A_248, %mul3A_333 : vector<16xf32>
        %add3A_335 = arith.constant 1 : i32
        %add3A_336 = arith.addi %mul3A_212, %add3A_335 : i32
        %get3A_337 = arith.constant 3 : i32
        %get3A_338 = arith.index_cast %add3A_336 : i32 to index
        %get3A_339 = arith.index_cast %get3A_337 : i32 to index
        %get3A_340 = arith.index_cast %mul3A_83 : i32 to index
        %get3A_341 = tpu.vector_load %arg7[%get3A_338, %get3A_339, %get3A_340] {strides = array<i32>} : memref<50x8x128xf32, #tpu.memory_space<vmem>>, vector<1x1x16xf32>,
        %get3A_342 = vector.shape_cast %get3A_341 : vector<1x1x16xf32> to vector<16xf32>
        %mul3A_343 = arith.mulf %get3A_342, %get3A_304 : vector<16xf32>
        %add3A_344 = arith.addf %add3A_258, %mul3A_343 : vector<16xf32>
        %add3A_345 = arith.constant 1 : i32
        %add3A_346 = arith.addi %mul3A_212, %add3A_345 : i32
        %get3A_347 = arith.constant 4 : i32
        %get3A_348 = arith.index_cast %add3A_346 : i32 to index
        %get3A_349 = arith.index_cast %get3A_347 : i32 to index
        %get3A_350 = arith.index_cast %mul3A_83 : i32 to index
        %get3A_351 = tpu.vector_load %arg7[%get3A_348, %get3A_349, %get3A_350] {strides = array<i32>} : memref<50x8x128xf32, #tpu.memory_space<vmem>>, vector<1x1x16xf32>,
        %get3A_352 = vector.shape_cast %get3A_351 : vector<1x1x16xf32> to vector<16xf32>
        %mul3A_353 = arith.mulf %get3A_352, %get3A_304 : vector<16xf32>
        %add3A_354 = arith.addf %add3A_268, %mul3A_353 : vector<16xf32>
        %add3A_355 = arith.constant 1 : i32
        %add3A_356 = arith.addi %mul3A_212, %add3A_355 : i32
        %get3A_357 = arith.constant 5 : i32
        %get3A_358 = arith.index_cast %add3A_356 : i32 to index
        %get3A_359 = arith.index_cast %get3A_357 : i32 to index
        %get3A_360 = arith.index_cast %mul3A_83 : i32 to index
        %get3A_361 = tpu.vector_load %arg7[%get3A_358, %get3A_359, %get3A_360] {strides = array<i32>} : memref<50x8x128xf32, #tpu.memory_space<vmem>>, vector<1x1x16xf32>,
        %get3A_362 = vector.shape_cast %get3A_361 : vector<1x1x16xf32> to vector<16xf32>
        %mul3A_363 = arith.mulf %get3A_362, %get3A_304 : vector<16xf32>
        %add3A_364 = arith.addf %add3A_278, %mul3A_363 : vector<16xf32>
        %add3A_365 = arith.constant 1 : i32
        %add3A_366 = arith.addi %mul3A_212, %add3A_365 : i32
        %get3A_367 = arith.constant 6 : i32
        %get3A_368 = arith.index_cast %add3A_366 : i32 to index
        %get3A_369 = arith.index_cast %get3A_367 : i32 to index
        %get3A_370 = arith.index_cast %mul3A_83 : i32 to index
        %get3A_371 = tpu.vector_load %arg7[%get3A_368, %get3A_369, %get3A_370] {strides = array<i32>} : memref<50x8x128xf32, #tpu.memory_space<vmem>>, vector<1x1x16xf32>,
        %get3A_372 = vector.shape_cast %get3A_371 : vector<1x1x16xf32> to vector<16xf32>
        %mul3A_373 = arith.mulf %get3A_372, %get3A_304 : vector<16xf32>
        %add3A_374 = arith.addf %add3A_288, %mul3A_373 : vector<16xf32>
        %add3A_375 = arith.constant 1 : i32
        %add3A_376 = arith.addi %mul3A_212, %add3A_375 : i32
        %get3A_377 = arith.constant 7 : i32
        %get3A_378 = arith.index_cast %add3A_376 : i32 to index
        %get3A_379 = arith.index_cast %get3A_377 : i32 to index
        %get3A_380 = arith.index_cast %mul3A_83 : i32 to index
        %get3A_381 = tpu.vector_load %arg7[%get3A_378, %get3A_379, %get3A_380] {strides = array<i32>} : memref<50x8x128xf32, #tpu.memory_space<vmem>>, vector<1x1x16xf32>,
        %get3A_382 = vector.shape_cast %get3A_381 : vector<1x1x16xf32> to vector<16xf32>
        %mul3A_383 = arith.mulf %get3A_382, %get3A_304 : vector<16xf32>
        %add3A_384 = arith.addf %add3A_298, %mul3A_383 : vector<16xf32>
        %add3A_385 = arith.constant 2 : i32
        %add3A_386 = arith.addi %mul3A_212, %add3A_385 : i32
        %get3A_387 = arith.index_cast %add3A_386 : i32 to index
        %get3A_388 = arith.constant 0 : index
        %get3A_389 = tpu.vector_load %arg10[%get3A_387, %get3A_388] {strides = array<i32>} : memref<64x16xf32, #tpu.memory_space<vmem>>, vector<1x16xf32>,
        %get3A_390 = vector.shape_cast %get3A_389 : vector<1x16xf32> to vector<16xf32>
        %add3A_391 = arith.constant 2 : i32
        %add3A_392 = arith.addi %mul3A_212, %add3A_391 : i32
        %get3A_393 = arith.constant 0 : i32
        %get3A_394 = arith.index_cast %add3A_392 : i32 to index
        %get3A_395 = arith.index_cast %get3A_393 : i32 to index
        %get3A_396 = arith.index_cast %mul3A_83 : i32 to index
        %get3A_397 = tpu.vector_load %arg7[%get3A_394, %get3A_395, %get3A_396] {strides = array<i32>} : memref<50x8x128xf32, #tpu.memory_space<vmem>>, vector<1x1x16xf32>,
        %get3A_398 = vector.shape_cast %get3A_397 : vector<1x1x16xf32> to vector<16xf32>
        %mul3A_399 = arith.mulf %get3A_398, %get3A_390 : vector<16xf32>
        %add3A_400 = arith.addf %add3A_314, %mul3A_399 : vector<16xf32>
        %add3A_401 = arith.constant 2 : i32
        %add3A_402 = arith.addi %mul3A_212, %add3A_401 : i32
        %get3A_403 = arith.constant 1 : i32
        %get3A_404 = arith.index_cast %add3A_402 : i32 to index
        %get3A_405 = arith.index_cast %get3A_403 : i32 to index
        %get3A_406 = arith.index_cast %mul3A_83 : i32 to index
        %get3A_407 = tpu.vector_load %arg7[%get3A_404, %get3A_405, %get3A_406] {strides = array<i32>} : memref<50x8x128xf32, #tpu.memory_space<vmem>>, vector<1x1x16xf32>,
        %get3A_408 = vector.shape_cast %get3A_407 : vector<1x1x16xf32> to vector<16xf32>
        %mul3A_409 = arith.mulf %get3A_408, %get3A_390 : vector<16xf32>
        %add3A_410 = arith.addf %add3A_324, %mul3A_409 : vector<16xf32>
        %add3A_411 = arith.constant 2 : i32
        %add3A_412 = arith.addi %mul3A_212, %add3A_411 : i32
        %get3A_413 = arith.constant 2 : i32
        %get3A_414 = arith.index_cast %add3A_412 : i32 to index
        %get3A_415 = arith.index_cast %get3A_413 : i32 to index
        %get3A_416 = arith.index_cast %mul3A_83 : i32 to index
        %get3A_417 = tpu.vector_load %arg7[%get3A_414, %get3A_415, %get3A_416] {strides = array<i32>} : memref<50x8x128xf32, #tpu.memory_space<vmem>>, vector<1x1x16xf32>,
        %get3A_418 = vector.shape_cast %get3A_417 : vector<1x1x16xf32> to vector<16xf32>
        %mul3A_419 = arith.mulf %get3A_418, %get3A_390 : vector<16xf32>
        %add3A_420 = arith.addf %add3A_334, %mul3A_419 : vector<16xf32>
        %add3A_421 = arith.constant 2 : i32
        %add3A_422 = arith.addi %mul3A_212, %add3A_421 : i32
        %get3A_423 = arith.constant 3 : i32
        %get3A_424 = arith.index_cast %add3A_422 : i32 to index
        %get3A_425 = arith.index_cast %get3A_423 : i32 to index
        %get3A_426 = arith.index_cast %mul3A_83 : i32 to index
        %get3A_427 = tpu.vector_load %arg7[%get3A_424, %get3A_425, %get3A_426] {strides = array<i32>} : memref<50x8x128xf32, #tpu.memory_space<vmem>>, vector<1x1x16xf32>,
        %get3A_428 = vector.shape_cast %get3A_427 : vector<1x1x16xf32> to vector<16xf32>
        %mul3A_429 = arith.mulf %get3A_428, %get3A_390 : vector<16xf32>
        %add3A_430 = arith.addf %add3A_344, %mul3A_429 : vector<16xf32>
        %add3A_431 = arith.constant 2 : i32
        %add3A_432 = arith.addi %mul3A_212, %add3A_431 : i32
        %get3A_433 = arith.constant 4 : i32
        %get3A_434 = arith.index_cast %add3A_432 : i32 to index
        %get3A_435 = arith.index_cast %get3A_433 : i32 to index
        %get3A_436 = arith.index_cast %mul3A_83 : i32 to index
        %get3A_437 = tpu.vector_load %arg7[%get3A_434, %get3A_435, %get3A_436] {strides = array<i32>} : memref<50x8x128xf32, #tpu.memory_space<vmem>>, vector<1x1x16xf32>,
        %get3A_438 = vector.shape_cast %get3A_437 : vector<1x1x16xf32> to vector<16xf32>
        %mul3A_439 = arith.mulf %get3A_438, %get3A_390 : vector<16xf32>
        %add3A_440 = arith.addf %add3A_354, %mul3A_439 : vector<16xf32>
        %add3A_441 = arith.constant 2 : i32
        %add3A_442 = arith.addi %mul3A_212, %add3A_441 : i32
        %get3A_443 = arith.constant 5 : i32
        %get3A_444 = arith.index_cast %add3A_442 : i32 to index
        %get3A_445 = arith.index_cast %get3A_443 : i32 to index
        %get3A_446 = arith.index_cast %mul3A_83 : i32 to index
        %get3A_447 = tpu.vector_load %arg7[%get3A_444, %get3A_445, %get3A_446] {strides = array<i32>} : memref<50x8x128xf32, #tpu.memory_space<vmem>>, vector<1x1x16xf32>,
        %get3A_448 = vector.shape_cast %get3A_447 : vector<1x1x16xf32> to vector<16xf32>
        %mul3A_449 = arith.mulf %get3A_448, %get3A_390 : vector<16xf32>
        %add3A_450 = arith.addf %add3A_364, %mul3A_449 : vector<16xf32>
        %add3A_451 = arith.constant 2 : i32
        %add3A_452 = arith.addi %mul3A_212, %add3A_451 : i32
        %get3A_453 = arith.constant 6 : i32
        %get3A_454 = arith.index_cast %add3A_452 : i32 to index
        %get3A_455 = arith.index_cast %get3A_453 : i32 to index
        %get3A_456 = arith.index_cast %mul3A_83 : i32 to index
        %get3A_457 = tpu.vector_load %arg7[%get3A_454, %get3A_455, %get3A_456] {strides = array<i32>} : memref<50x8x128xf32, #tpu.memory_space<vmem>>, vector<1x1x16xf32>,
        %get3A_458 = vector.shape_cast %get3A_457 : vector<1x1x16xf32> to vector<16xf32>
        %mul3A_459 = arith.mulf %get3A_458, %get3A_390 : vector<16xf32>
        %add3A_460 = arith.addf %add3A_374, %mul3A_459 : vector<16xf32>
        %add3A_461 = arith.constant 2 : i32
        %add3A_462 = arith.addi %mul3A_212, %add3A_461 : i32
        %get3A_463 = arith.constant 7 : i32
        %get3A_464 = arith.index_cast %add3A_462 : i32 to index
        %get3A_465 = arith.index_cast %get3A_463 : i32 to index
        %get3A_466 = arith.index_cast %mul3A_83 : i32 to index
        %get3A_467 = tpu.vector_load %arg7[%get3A_464, %get3A_465, %get3A_466] {strides = array<i32>} : memref<50x8x128xf32, #tpu.memory_space<vmem>>, vector<1x1x16xf32>,
        %get3A_468 = vector.shape_cast %get3A_467 : vector<1x1x16xf32> to vector<16xf32>
        %mul3A_469 = arith.mulf %get3A_468, %get3A_390 : vector<16xf32>
        %add3A_470 = arith.addf %add3A_384, %mul3A_469 : vector<16xf32>
        %add3A_471 = arith.constant 3 : i32
        %add3A_472 = arith.addi %mul3A_212, %add3A_471 : i32
        %get3A_473 = arith.index_cast %add3A_472 : i32 to index
        %get3A_474 = arith.constant 0 : index
        %get3A_475 = tpu.vector_load %arg10[%get3A_473, %get3A_474] {strides = array<i32>} : memref<64x16xf32, #tpu.memory_space<vmem>>, vector<1x16xf32>,
        %get3A_476 = vector.shape_cast %get3A_475 : vector<1x16xf32> to vector<16xf32>
        %add3A_477 = arith.constant 3 : i32
        %add3A_478 = arith.addi %mul3A_212, %add3A_477 : i32
        %get3A_479 = arith.constant 0 : i32
        %get3A_480 = arith.index_cast %add3A_478 : i32 to index
        %get3A_481 = arith.index_cast %get3A_479 : i32 to index
        %get3A_482 = arith.index_cast %mul3A_83 : i32 to index
        %get3A_483 = tpu.vector_load %arg7[%get3A_480, %get3A_481, %get3A_482] {strides = array<i32>} : memref<50x8x128xf32, #tpu.memory_space<vmem>>, vector<1x1x16xf32>,
        %get3A_484 = vector.shape_cast %get3A_483 : vector<1x1x16xf32> to vector<16xf32>
        %mul3A_485 = arith.mulf %get3A_484, %get3A_476 : vector<16xf32>
        %add3A_486 = arith.addf %add3A_400, %mul3A_485 : vector<16xf32>
        %add3A_487 = arith.constant 3 : i32
        %add3A_488 = arith.addi %mul3A_212, %add3A_487 : i32
        %get3A_489 = arith.constant 1 : i32
        %get3A_490 = arith.index_cast %add3A_488 : i32 to index
        %get3A_491 = arith.index_cast %get3A_489 : i32 to index
        %get3A_492 = arith.index_cast %mul3A_83 : i32 to index
        %get3A_493 = tpu.vector_load %arg7[%get3A_490, %get3A_491, %get3A_492] {strides = array<i32>} : memref<50x8x128xf32, #tpu.memory_space<vmem>>, vector<1x1x16xf32>,
        %get3A_494 = vector.shape_cast %get3A_493 : vector<1x1x16xf32> to vector<16xf32>
        %mul3A_495 = arith.mulf %get3A_494, %get3A_476 : vector<16xf32>
        %add3A_496 = arith.addf %add3A_410, %mul3A_495 : vector<16xf32>
        %add3A_497 = arith.constant 3 : i32
        %add3A_498 = arith.addi %mul3A_212, %add3A_497 : i32
        %get3A_499 = arith.constant 2 : i32
        %get3A_500 = arith.index_cast %add3A_498 : i32 to index
        %get3A_501 = arith.index_cast %get3A_499 : i32 to index
        %get3A_502 = arith.index_cast %mul3A_83 : i32 to index
        %get3A_503 = tpu.vector_load %arg7[%get3A_500, %get3A_501, %get3A_502] {strides = array<i32>} : memref<50x8x128xf32, #tpu.memory_space<vmem>>, vector<1x1x16xf32>,
        %get3A_504 = vector.shape_cast %get3A_503 : vector<1x1x16xf32> to vector<16xf32>
        %mul3A_505 = arith.mulf %get3A_504, %get3A_476 : vector<16xf32>
        %add3A_506 = arith.addf %add3A_420, %mul3A_505 : vector<16xf32>
        %add3A_507 = arith.constant 3 : i32
        %add3A_508 = arith.addi %mul3A_212, %add3A_507 : i32
        %get3A_509 = arith.constant 3 : i32
        %get3A_510 = arith.index_cast %add3A_508 : i32 to index
        %get3A_511 = arith.index_cast %get3A_509 : i32 to index
        %get3A_512 = arith.index_cast %mul3A_83 : i32 to index
        %get3A_513 = tpu.vector_load %arg7[%get3A_510, %get3A_511, %get3A_512] {strides = array<i32>} : memref<50x8x128xf32, #tpu.memory_space<vmem>>, vector<1x1x16xf32>,
        %get3A_514 = vector.shape_cast %get3A_513 : vector<1x1x16xf32> to vector<16xf32>
        %mul3A_515 = arith.mulf %get3A_514, %get3A_476 : vector<16xf32>
        %add3A_516 = arith.addf %add3A_430, %mul3A_515 : vector<16xf32>
        %add3A_517 = arith.constant 3 : i32
        %add3A_518 = arith.addi %mul3A_212, %add3A_517 : i32
        %get3A_519 = arith.constant 4 : i32
        %get3A_520 = arith.index_cast %add3A_518 : i32 to index
        %get3A_521 = arith.index_cast %get3A_519 : i32 to index
        %get3A_522 = arith.index_cast %mul3A_83 : i32 to index
        %get3A_523 = tpu.vector_load %arg7[%get3A_520, %get3A_521, %get3A_522] {strides = array<i32>} : memref<50x8x128xf32, #tpu.memory_space<vmem>>, vector<1x1x16xf32>,
        %get3A_524 = vector.shape_cast %get3A_523 : vector<1x1x16xf32> to vector<16xf32>
        %mul3A_525 = arith.mulf %get3A_524, %get3A_476 : vector<16xf32>
        %add3A_526 = arith.addf %add3A_440, %mul3A_525 : vector<16xf32>
        %add3A_527 = arith.constant 3 : i32
        %add3A_528 = arith.addi %mul3A_212, %add3A_527 : i32
        %get3A_529 = arith.constant 5 : i32
        %get3A_530 = arith.index_cast %add3A_528 : i32 to index
        %get3A_531 = arith.index_cast %get3A_529 : i32 to index
        %get3A_532 = arith.index_cast %mul3A_83 : i32 to index
        %get3A_533 = tpu.vector_load %arg7[%get3A_530, %get3A_531, %get3A_532] {strides = array<i32>} : memref<50x8x128xf32, #tpu.memory_space<vmem>>, vector<1x1x16xf32>,
        %get3A_534 = vector.shape_cast %get3A_533 : vector<1x1x16xf32> to vector<16xf32>
        %mul3A_535 = arith.mulf %get3A_534, %get3A_476 : vector<16xf32>
        %add3A_536 = arith.addf %add3A_450, %mul3A_535 : vector<16xf32>
        %add3A_537 = arith.constant 3 : i32
        %add3A_538 = arith.addi %mul3A_212, %add3A_537 : i32
        %get3A_539 = arith.constant 6 : i32
        %get3A_540 = arith.index_cast %add3A_538 : i32 to index
        %get3A_541 = arith.index_cast %get3A_539 : i32 to index
        %get3A_542 = arith.index_cast %mul3A_83 : i32 to index
        %get3A_543 = tpu.vector_load %arg7[%get3A_540, %get3A_541, %get3A_542] {strides = array<i32>} : memref<50x8x128xf32, #tpu.memory_space<vmem>>, vector<1x1x16xf32>,
        %get3A_544 = vector.shape_cast %get3A_543 : vector<1x1x16xf32> to vector<16xf32>
        %mul3A_545 = arith.mulf %get3A_544, %get3A_476 : vector<16xf32>
        %add3A_546 = arith.addf %add3A_460, %mul3A_545 : vector<16xf32>
        %add3A_547 = arith.constant 3 : i32
        %add3A_548 = arith.addi %mul3A_212, %add3A_547 : i32
        %get3A_549 = arith.constant 7 : i32
        %get3A_550 = arith.index_cast %add3A_548 : i32 to index
        %get3A_551 = arith.index_cast %get3A_549 : i32 to index
        %get3A_552 = arith.index_cast %mul3A_83 : i32 to index
        %get3A_553 = tpu.vector_load %arg7[%get3A_550, %get3A_551, %get3A_552] {strides = array<i32>} : memref<50x8x128xf32, #tpu.memory_space<vmem>>, vector<1x1x16xf32>,
        %get3A_554 = vector.shape_cast %get3A_553 : vector<1x1x16xf32> to vector<16xf32>
        %mul3A_555 = arith.mulf %get3A_554, %get3A_476 : vector<16xf32>
        %add3A_556 = arith.addf %add3A_470, %mul3A_555 : vector<16xf32>
        %add3A_557 = arith.constant 4 : i32
        %add3A_558 = arith.addi %mul3A_212, %add3A_557 : i32
        %get3A_559 = arith.index_cast %add3A_558 : i32 to index
        %get3A_560 = arith.constant 0 : index
        %get3A_561 = tpu.vector_load %arg10[%get3A_559, %get3A_560] {strides = array<i32>} : memref<64x16xf32, #tpu.memory_space<vmem>>, vector<1x16xf32>,
        %get3A_562 = vector.shape_cast %get3A_561 : vector<1x16xf32> to vector<16xf32>
        %add3A_563 = arith.constant 4 : i32
        %add3A_564 = arith.addi %mul3A_212, %add3A_563 : i32
        %get3A_565 = arith.constant 0 : i32
        %get3A_566 = arith.index_cast %add3A_564 : i32 to index
        %get3A_567 = arith.index_cast %get3A_565 : i32 to index
        %get3A_568 = arith.index_cast %mul3A_83 : i32 to index
        %get3A_569 = tpu.vector_load %arg7[%get3A_566, %get3A_567, %get3A_568] {strides = array<i32>} : memref<50x8x128xf32, #tpu.memory_space<vmem>>, vector<1x1x16xf32>,
        %get3A_570 = vector.shape_cast %get3A_569 : vector<1x1x16xf32> to vector<16xf32>
        %mul3A_571 = arith.mulf %get3A_570, %get3A_562 : vector<16xf32>
        %add3A_572 = arith.addf %add3A_486, %mul3A_571 : vector<16xf32>
        %add3A_573 = arith.constant 4 : i32
        %add3A_574 = arith.addi %mul3A_212, %add3A_573 : i32
        %get3A_575 = arith.constant 1 : i32
        %get3A_576 = arith.index_cast %add3A_574 : i32 to index
        %get3A_577 = arith.index_cast %get3A_575 : i32 to index
        %get3A_578 = arith.index_cast %mul3A_83 : i32 to index
        %get3A_579 = tpu.vector_load %arg7[%get3A_576, %get3A_577, %get3A_578] {strides = array<i32>} : memref<50x8x128xf32, #tpu.memory_space<vmem>>, vector<1x1x16xf32>,
        %get3A_580 = vector.shape_cast %get3A_579 : vector<1x1x16xf32> to vector<16xf32>
        %mul3A_581 = arith.mulf %get3A_580, %get3A_562 : vector<16xf32>
        %add3A_582 = arith.addf %add3A_496, %mul3A_581 : vector<16xf32>
        %add3A_583 = arith.constant 4 : i32
        %add3A_584 = arith.addi %mul3A_212, %add3A_583 : i32
        %get3A_585 = arith.constant 2 : i32
        %get3A_586 = arith.index_cast %add3A_584 : i32 to index
        %get3A_587 = arith.index_cast %get3A_585 : i32 to index
        %get3A_588 = arith.index_cast %mul3A_83 : i32 to index
        %get3A_589 = tpu.vector_load %arg7[%get3A_586, %get3A_587, %get3A_588] {strides = array<i32>} : memref<50x8x128xf32, #tpu.memory_space<vmem>>, vector<1x1x16xf32>,
        %get3A_590 = vector.shape_cast %get3A_589 : vector<1x1x16xf32> to vector<16xf32>
        %mul3A_591 = arith.mulf %get3A_590, %get3A_562 : vector<16xf32>
        %add3A_592 = arith.addf %add3A_506, %mul3A_591 : vector<16xf32>
        %add3A_593 = arith.constant 4 : i32
        %add3A_594 = arith.addi %mul3A_212, %add3A_593 : i32
        %get3A_595 = arith.constant 3 : i32
        %get3A_596 = arith.index_cast %add3A_594 : i32 to index
        %get3A_597 = arith.index_cast %get3A_595 : i32 to index
        %get3A_598 = arith.index_cast %mul3A_83 : i32 to index
        %get3A_599 = tpu.vector_load %arg7[%get3A_596, %get3A_597, %get3A_598] {strides = array<i32>} : memref<50x8x128xf32, #tpu.memory_space<vmem>>, vector<1x1x16xf32>,
        %get3A_600 = vector.shape_cast %get3A_599 : vector<1x1x16xf32> to vector<16xf32>
        %mul3A_601 = arith.mulf %get3A_600, %get3A_562 : vector<16xf32>
        %add3A_602 = arith.addf %add3A_516, %mul3A_601 : vector<16xf32>
        %add3A_603 = arith.constant 4 : i32
        %add3A_604 = arith.addi %mul3A_212, %add3A_603 : i32
        %get3A_605 = arith.constant 4 : i32
        %get3A_606 = arith.index_cast %add3A_604 : i32 to index
        %get3A_607 = arith.index_cast %get3A_605 : i32 to index
        %get3A_608 = arith.index_cast %mul3A_83 : i32 to index
        %get3A_609 = tpu.vector_load %arg7[%get3A_606, %get3A_607, %get3A_608] {strides = array<i32>} : memref<50x8x128xf32, #tpu.memory_space<vmem>>, vector<1x1x16xf32>,
        %get3A_610 = vector.shape_cast %get3A_609 : vector<1x1x16xf32> to vector<16xf32>
        %mul3A_611 = arith.mulf %get3A_610, %get3A_562 : vector<16xf32>
        %add3A_612 = arith.addf %add3A_526, %mul3A_611 : vector<16xf32>
        %add3A_613 = arith.constant 4 : i32
        %add3A_614 = arith.addi %mul3A_212, %add3A_613 : i32
        %get3A_615 = arith.constant 5 : i32
        %get3A_616 = arith.index_cast %add3A_614 : i32 to index
        %get3A_617 = arith.index_cast %get3A_615 : i32 to index
        %get3A_618 = arith.index_cast %mul3A_83 : i32 to index
        %get3A_619 = tpu.vector_load %arg7[%get3A_616, %get3A_617, %get3A_618] {strides = array<i32>} : memref<50x8x128xf32, #tpu.memory_space<vmem>>, vector<1x1x16xf32>,
        %get3A_620 = vector.shape_cast %get3A_619 : vector<1x1x16xf32> to vector<16xf32>
        %mul3A_621 = arith.mulf %get3A_620, %get3A_562 : vector<16xf32>
        %add3A_622 = arith.addf %add3A_536, %mul3A_621 : vector<16xf32>
        %add3A_623 = arith.constant 4 : i32
        %add3A_624 = arith.addi %mul3A_212, %add3A_623 : i32
        %get3A_625 = arith.constant 6 : i32
        %get3A_626 = arith.index_cast %add3A_624 : i32 to index
        %get3A_627 = arith.index_cast %get3A_625 : i32 to index
        %get3A_628 = arith.index_cast %mul3A_83 : i32 to index
        %get3A_629 = tpu.vector_load %arg7[%get3A_626, %get3A_627, %get3A_628] {strides = array<i32>} : memref<50x8x128xf32, #tpu.memory_space<vmem>>, vector<1x1x16xf32>,
        %get3A_630 = vector.shape_cast %get3A_629 : vector<1x1x16xf32> to vector<16xf32>
        %mul3A_631 = arith.mulf %get3A_630, %get3A_562 : vector<16xf32>
        %add3A_632 = arith.addf %add3A_546, %mul3A_631 : vector<16xf32>
        %add3A_633 = arith.constant 4 : i32
        %add3A_634 = arith.addi %mul3A_212, %add3A_633 : i32
        %get3A_635 = arith.constant 7 : i32
        %get3A_636 = arith.index_cast %add3A_634 : i32 to index
        %get3A_637 = arith.index_cast %get3A_635 : i32 to index
        %get3A_638 = arith.index_cast %mul3A_83 : i32 to index
        %get3A_639 = tpu.vector_load %arg7[%get3A_636, %get3A_637, %get3A_638] {strides = array<i32>} : memref<50x8x128xf32, #tpu.memory_space<vmem>>, vector<1x1x16xf32>,
        %get3A_640 = vector.shape_cast %get3A_639 : vector<1x1x16xf32> to vector<16xf32>
        %mul3A_641 = arith.mulf %get3A_640, %get3A_562 : vector<16xf32>
        %add3A_642 = arith.addf %add3A_556, %mul3A_641 : vector<16xf32>
        scf.yield %add3A_572, %add3A_582, %add3A_592, %add3A_602, %add3A_612, %add3A_622, %add3A_632, %add3A_642 : vector<16xf32>, vector<16xf32>, vector<16xf32>, vector<16xf32>, vector<16xf32>, vector<16xf32>, vector<16xf32>, vector<16xf32>
      }
      %scan3A_106 = arith.constant 10 : i32
      %add3A_107 = arith.addf %scan3A_105#0, %get3A_85 : vector<16xf32>
      %gt3A = arith.constant 0.000000e+00 : f32
      %gt3A_108 = vector.broadcast %gt3A : f32 to vector<16xf32>
      %gt3A_109 = arith.cmpf ogt, %add3A_107, %gt3A_108 : vector<16xf32>
      %mul3A_110 = arith.constant 2.000000e-01 : f32
      %mul3A_111 = vector.broadcast %mul3A_110 : f32 to vector<16xf32>
      %mul3A_112 = arith.mulf %mul3A_111, %add3A_107 : vector<16xf32>
      %select_n3A = arith.select %gt3A_109, %add3A_107, %mul3A_112 : vector<16xi1>, vector<16xf32>
      %exp3A = math.exp %select_n3A : vector<16xf32>
      %add3A_113 = arith.addf %scan3A_105#1, %get3A_85 : vector<16xf32>
      %gt3A_114 = arith.constant 0.000000e+00 : f32
      %gt3A_115 = vector.broadcast %gt3A_114 : f32 to vector<16xf32>
      %gt3A_116 = arith.cmpf ogt, %add3A_113, %gt3A_115 : vector<16xf32>
      %mul3A_117 = arith.constant 2.000000e-01 : f32
      %mul3A_118 = vector.broadcast %mul3A_117 : f32 to vector<16xf32>
      %mul3A_119 = arith.mulf %mul3A_118, %add3A_113 : vector<16xf32>
      %select_n3A_120 = arith.select %gt3A_116, %add3A_113, %mul3A_119 : vector<16xi1>, vector<16xf32>
      %exp3A_121 = math.exp %select_n3A_120 : vector<16xf32>
      %add3A_122 = arith.addf %scan3A_105#2, %get3A_85 : vector<16xf32>
      %gt3A_123 = arith.constant 0.000000e+00 : f32
      %gt3A_124 = vector.broadcast %gt3A_123 : f32 to vector<16xf32>
      %gt3A_125 = arith.cmpf ogt, %add3A_122, %gt3A_124 : vector<16xf32>
      %mul3A_126 = arith.constant 2.000000e-01 : f32
      %mul3A_127 = vector.broadcast %mul3A_126 : f32 to vector<16xf32>
      %mul3A_128 = arith.mulf %mul3A_127, %add3A_122 : vector<16xf32>
      %select_n3A_129 = arith.select %gt3A_125, %add3A_122, %mul3A_128 : vector<16xi1>, vector<16xf32>
      %exp3A_130 = math.exp %select_n3A_129 : vector<16xf32>
      %add3A_131 = arith.addf %scan3A_105#3, %get3A_85 : vector<16xf32>
      %gt3A_132 = arith.constant 0.000000e+00 : f32
      %gt3A_133 = vector.broadcast %gt3A_132 : f32 to vector<16xf32>
      %gt3A_134 = arith.cmpf ogt, %add3A_131, %gt3A_133 : vector<16xf32>
      %mul3A_135 = arith.constant 2.000000e-01 : f32
      %mul3A_136 = vector.broadcast %mul3A_135 : f32 to vector<16xf32>
      %mul3A_137 = arith.mulf %mul3A_136, %add3A_131 : vector<16xf32>
      %select_n3A_138 = arith.select %gt3A_134, %add3A_131, %mul3A_137 : vector<16xi1>, vector<16xf32>
      %exp3A_139 = math.exp %select_n3A_138 : vector<16xf32>
      %add3A_140 = arith.addf %scan3A_105#4, %get3A_85 : vector<16xf32>
      %gt3A_141 = arith.constant 0.000000e+00 : f32
      %gt3A_142 = vector.broadcast %gt3A_141 : f32 to vector<16xf32>
      %gt3A_143 = arith.cmpf ogt, %add3A_140, %gt3A_142 : vector<16xf32>
      %mul3A_144 = arith.constant 2.000000e-01 : f32
      %mul3A_145 = vector.broadcast %mul3A_144 : f32 to vector<16xf32>
      %mul3A_146 = arith.mulf %mul3A_145, %add3A_140 : vector<16xf32>
      %select_n3A_147 = arith.select %gt3A_143, %add3A_140, %mul3A_146 : vector<16xi1>, vector<16xf32>
      %exp3A_148 = math.exp %select_n3A_147 : vector<16xf32>
      %add3A_149 = arith.addf %scan3A_105#5, %get3A_85 : vector<16xf32>
      %gt3A_150 = arith.constant 0.000000e+00 : f32
      %gt3A_151 = vector.broadcast %gt3A_150 : f32 to vector<16xf32>
      %gt3A_152 = arith.cmpf ogt, %add3A_149, %gt3A_151 : vector<16xf32>
      %mul3A_153 = arith.constant 2.000000e-01 : f32
      %mul3A_154 = vector.broadcast %mul3A_153 : f32 to vector<16xf32>
      %mul3A_155 = arith.mulf %mul3A_154, %add3A_149 : vector<16xf32>
      %select_n3A_156 = arith.select %gt3A_152, %add3A_149, %mul3A_155 : vector<16xi1>, vector<16xf32>
      %exp3A_157 = math.exp %select_n3A_156 : vector<16xf32>
      %add3A_158 = arith.addf %scan3A_105#6, %get3A_85 : vector<16xf32>
      %gt3A_159 = arith.constant 0.000000e+00 : f32
      %gt3A_160 = vector.broadcast %gt3A_159 : f32 to vector<16xf32>
      %gt3A_161 = arith.cmpf ogt, %add3A_158, %gt3A_160 : vector<16xf32>
      %mul3A_162 = arith.constant 2.000000e-01 : f32
      %mul3A_163 = vector.broadcast %mul3A_162 : f32 to vector<16xf32>
      %mul3A_164 = arith.mulf %mul3A_163, %add3A_158 : vector<16xf32>
      %select_n3A_165 = arith.select %gt3A_161, %add3A_158, %mul3A_164 : vector<16xi1>, vector<16xf32>
      %exp3A_166 = math.exp %select_n3A_165 : vector<16xf32>
      %add3A_167 = arith.addf %scan3A_105#7, %get3A_85 : vector<16xf32>
      %gt3A_168 = arith.constant 0.000000e+00 : f32
      %gt3A_169 = vector.broadcast %gt3A_168 : f32 to vector<16xf32>
      %gt3A_170 = arith.cmpf ogt, %add3A_167, %gt3A_169 : vector<16xf32>
      %mul3A_171 = arith.constant 2.000000e-01 : f32
      %mul3A_172 = vector.broadcast %mul3A_171 : f32 to vector<16xf32>
      %mul3A_173 = arith.mulf %mul3A_172, %add3A_167 : vector<16xf32>
      %select_n3A_174 = arith.select %gt3A_170, %add3A_167, %mul3A_173 : vector<16xi1>, vector<16xf32>
      %exp3A_175 = math.exp %select_n3A_174 : vector<16xf32>
      %add3A_176 = arith.addf %exp3A, %exp3A_121 : vector<16xf32>
      %add3A_177 = arith.addf %add3A_176, %exp3A_130 : vector<16xf32>
      %add3A_178 = arith.addf %add3A_177, %exp3A_139 : vector<16xf32>
      %add3A_179 = arith.addf %add3A_178, %exp3A_148 : vector<16xf32>
      %add3A_180 = arith.addf %add3A_179, %exp3A_157 : vector<16xf32>
      %add3A_181 = arith.addf %add3A_180, %exp3A_166 : vector<16xf32>
      %add3A_182 = arith.addf %add3A_181, %exp3A_175 : vector<16xf32>
      %get3A_183 = arith.constant 63 : i32
      %get3A_184 = arith.index_cast %get3A_183 : i32 to index
      %get3A_185 = arith.index_cast %mul3A_83 : i32 to index
      %get3A_186 = tpu.vector_load %arg8[%get3A_184, %get3A_185] {strides = array<i32>} : memref<64x128xf32, #tpu.memory_space<vmem>>, vector<1x16xf32>,
      %get3A_187 = vector.shape_cast %get3A_186 : vector<1x16xf32> to vector<16xf32>
      %add3A_188 = arith.addf %get3A_187, %add3A_182 : vector<16xf32>
      %swap3A = arith.constant 63 : i32
      %swap3A_189 = arith.index_cast %swap3A : i32 to index
      %swap3A_190 = arith.index_cast %mul3A_83 : i32 to index
      %swap3A_191 = tpu.vector_load %arg8[%swap3A_189, %swap3A_190] {strides = array<i32>} : memref<64x128xf32, #tpu.memory_space<vmem>>, vector<1x16xf32>,
      %swap3A_192 = vector.shape_cast %swap3A_191 : vector<1x16xf32> to vector<16xf32>
      %swap3A_193 = vector.shape_cast %add3A_188 : vector<16xf32> to vector<1x16xf32>
      tpu.vector_store %arg8[%swap3A_189, %swap3A_190], %swap3A_193 {strides = array<i32>} : memref<64x128xf32, #tpu.memory_space<vmem>>, vector<1x16xf32>,
      %scan3A_194 = arith.constant 0 : i32
      %scan3A_195 = arith.constant 0 : i32
      %scan3A_196 = arith.constant 10 : i32
      %scan3A_197 = arith.addi %scan3A_195, %scan3A_196 : i32
      %scan3A_198 = arith.constant 1 : i32
      %scan3A_199 = scf.for %scan3A_202 = %scan3A_195 to %scan3A_197 step %scan3A_198 iter_args(%scan3A_203 = %scan3A_194) -> (i32)  : i32 {
        %mul3A_204 = arith.constant 5 : i32
        %mul3A_205 = arith.muli %scan3A_202, %mul3A_204 : i32
        %add3A_206 = arith.constant 0 : i32
        %add3A_207 = arith.addi %mul3A_205, %add3A_206 : i32
        %get3A_208 = arith.constant 0 : i32
        %get3A_209 = arith.index_cast %add3A_207 : i32 to index
        %get3A_210 = arith.index_cast %get3A_208 : i32 to index
        %get3A_211 = arith.index_cast %mul3A_83 : i32 to index
        %get3A_212 = tpu.vector_load %arg7[%get3A_209, %get3A_210, %get3A_211] {strides = array<i32>} : memref<50x8x128xf32, #tpu.memory_space<vmem>>, vector<1x1x16xf32>,
        %get3A_213 = vector.shape_cast %get3A_212 : vector<1x1x16xf32> to vector<16xf32>
        %mul3A_214 = arith.mulf %exp3A, %get3A_213 : vector<16xf32>
        %add3A_215 = arith.constant 0 : i32
        %add3A_216 = arith.addi %mul3A_205, %add3A_215 : i32
        %get3A_217 = arith.constant 1 : i32
        %get3A_218 = arith.index_cast %add3A_216 : i32 to index
        %get3A_219 = arith.index_cast %get3A_217 : i32 to index
        %get3A_220 = arith.index_cast %mul3A_83 : i32 to index
        %get3A_221 = tpu.vector_load %arg7[%get3A_218, %get3A_219, %get3A_220] {strides = array<i32>} : memref<50x8x128xf32, #tpu.memory_space<vmem>>, vector<1x1x16xf32>,
        %get3A_222 = vector.shape_cast %get3A_221 : vector<1x1x16xf32> to vector<16xf32>
        %mul3A_223 = arith.mulf %exp3A_121, %get3A_222 : vector<16xf32>
        %add3A_224 = arith.addf %mul3A_214, %mul3A_223 : vector<16xf32>
        %add3A_225 = arith.constant 0 : i32
        %add3A_226 = arith.addi %mul3A_205, %add3A_225 : i32
        %get3A_227 = arith.constant 2 : i32
        %get3A_228 = arith.index_cast %add3A_226 : i32 to index
        %get3A_229 = arith.index_cast %get3A_227 : i32 to index
        %get3A_230 = arith.index_cast %mul3A_83 : i32 to index
        %get3A_231 = tpu.vector_load %arg7[%get3A_228, %get3A_229, %get3A_230] {strides = array<i32>} : memref<50x8x128xf32, #tpu.memory_space<vmem>>, vector<1x1x16xf32>,
        %get3A_232 = vector.shape_cast %get3A_231 : vector<1x1x16xf32> to vector<16xf32>
        %mul3A_233 = arith.mulf %exp3A_130, %get3A_232 : vector<16xf32>
        %add3A_234 = arith.addf %add3A_224, %mul3A_233 : vector<16xf32>
        %add3A_235 = arith.constant 0 : i32
        %add3A_236 = arith.addi %mul3A_205, %add3A_235 : i32
        %get3A_237 = arith.constant 3 : i32
        %get3A_238 = arith.index_cast %add3A_236 : i32 to index
        %get3A_239 = arith.index_cast %get3A_237 : i32 to index
        %get3A_240 = arith.index_cast %mul3A_83 : i32 to index
        %get3A_241 = tpu.vector_load %arg7[%get3A_238, %get3A_239, %get3A_240] {strides = array<i32>} : memref<50x8x128xf32, #tpu.memory_space<vmem>>, vector<1x1x16xf32>,
        %get3A_242 = vector.shape_cast %get3A_241 : vector<1x1x16xf32> to vector<16xf32>
        %mul3A_243 = arith.mulf %exp3A_139, %get3A_242 : vector<16xf32>
        %add3A_244 = arith.addf %add3A_234, %mul3A_243 : vector<16xf32>
        %add3A_245 = arith.constant 0 : i32
        %add3A_246 = arith.addi %mul3A_205, %add3A_245 : i32
        %get3A_247 = arith.constant 4 : i32
        %get3A_248 = arith.index_cast %add3A_246 : i32 to index
        %get3A_249 = arith.index_cast %get3A_247 : i32 to index
        %get3A_250 = arith.index_cast %mul3A_83 : i32 to index
        %get3A_251 = tpu.vector_load %arg7[%get3A_248, %get3A_249, %get3A_250] {strides = array<i32>} : memref<50x8x128xf32, #tpu.memory_space<vmem>>, vector<1x1x16xf32>,
        %get3A_252 = vector.shape_cast %get3A_251 : vector<1x1x16xf32> to vector<16xf32>
        %mul3A_253 = arith.mulf %exp3A_148, %get3A_252 : vector<16xf32>
        %add3A_254 = arith.addf %add3A_244, %mul3A_253 : vector<16xf32>
        %add3A_255 = arith.constant 0 : i32
        %add3A_256 = arith.addi %mul3A_205, %add3A_255 : i32
        %get3A_257 = arith.constant 5 : i32
        %get3A_258 = arith.index_cast %add3A_256 : i32 to index
        %get3A_259 = arith.index_cast %get3A_257 : i32 to index
        %get3A_260 = arith.index_cast %mul3A_83 : i32 to index
        %get3A_261 = tpu.vector_load %arg7[%get3A_258, %get3A_259, %get3A_260] {strides = array<i32>} : memref<50x8x128xf32, #tpu.memory_space<vmem>>, vector<1x1x16xf32>,
        %get3A_262 = vector.shape_cast %get3A_261 : vector<1x1x16xf32> to vector<16xf32>
        %mul3A_263 = arith.mulf %exp3A_157, %get3A_262 : vector<16xf32>
        %add3A_264 = arith.addf %add3A_254, %mul3A_263 : vector<16xf32>
        %add3A_265 = arith.constant 0 : i32
        %add3A_266 = arith.addi %mul3A_205, %add3A_265 : i32
        %get3A_267 = arith.constant 6 : i32
        %get3A_268 = arith.index_cast %add3A_266 : i32 to index
        %get3A_269 = arith.index_cast %get3A_267 : i32 to index
        %get3A_270 = arith.index_cast %mul3A_83 : i32 to index
        %get3A_271 = tpu.vector_load %arg7[%get3A_268, %get3A_269, %get3A_270] {strides = array<i32>} : memref<50x8x128xf32, #tpu.memory_space<vmem>>, vector<1x1x16xf32>,
        %get3A_272 = vector.shape_cast %get3A_271 : vector<1x1x16xf32> to vector<16xf32>
        %mul3A_273 = arith.mulf %exp3A_166, %get3A_272 : vector<16xf32>
        %add3A_274 = arith.addf %add3A_264, %mul3A_273 : vector<16xf32>
        %add3A_275 = arith.constant 0 : i32
        %add3A_276 = arith.addi %mul3A_205, %add3A_275 : i32
        %get3A_277 = arith.constant 7 : i32
        %get3A_278 = arith.index_cast %add3A_276 : i32 to index
        %get3A_279 = arith.index_cast %get3A_277 : i32 to index
        %get3A_280 = arith.index_cast %mul3A_83 : i32 to index
        %get3A_281 = tpu.vector_load %arg7[%get3A_278, %get3A_279, %get3A_280] {strides = array<i32>} : memref<50x8x128xf32, #tpu.memory_space<vmem>>, vector<1x1x16xf32>,
        %get3A_282 = vector.shape_cast %get3A_281 : vector<1x1x16xf32> to vector<16xf32>
        %mul3A_283 = arith.mulf %exp3A_175, %get3A_282 : vector<16xf32>
        %add3A_284 = arith.addf %add3A_274, %mul3A_283 : vector<16xf32>
        %add3A_285 = arith.constant 0 : i32
        %add3A_286 = arith.addi %mul3A_205, %add3A_285 : i32
        %get3A_287 = arith.index_cast %add3A_286 : i32 to index
        %get3A_288 = arith.index_cast %mul3A_83 : i32 to index
        %get3A_289 = tpu.vector_load %arg8[%get3A_287, %get3A_288] {strides = array<i32>} : memref<64x128xf32, #tpu.memory_space<vmem>>, vector<1x16xf32>,
        %get3A_290 = vector.shape_cast %get3A_289 : vector<1x16xf32> to vector<16xf32>
        %add3A_291 = arith.addf %get3A_290, %add3A_284 : vector<16xf32>
        %add3A_292 = arith.constant 0 : i32
        %add3A_293 = arith.addi %mul3A_205, %add3A_292 : i32
        %swap3A_294 = arith.index_cast %add3A_293 : i32 to index
        %swap3A_295 = arith.index_cast %mul3A_83 : i32 to index
        %swap3A_296 = tpu.vector_load %arg8[%swap3A_294, %swap3A_295] {strides = array<i32>} : memref<64x128xf32, #tpu.memory_space<vmem>>, vector<1x16xf32>,
        %swap3A_297 = vector.shape_cast %swap3A_296 : vector<1x16xf32> to vector<16xf32>
        %swap3A_298 = vector.shape_cast %add3A_291 : vector<16xf32> to vector<1x16xf32>
        tpu.vector_store %arg8[%swap3A_294, %swap3A_295], %swap3A_298 {strides = array<i32>} : memref<64x128xf32, #tpu.memory_space<vmem>>, vector<1x16xf32>,
        %add3A_299 = arith.constant 1 : i32
        %add3A_300 = arith.addi %mul3A_205, %add3A_299 : i32
        %get3A_301 = arith.constant 0 : i32
        %get3A_302 = arith.index_cast %add3A_300 : i32 to index
        %get3A_303 = arith.index_cast %get3A_301 : i32 to index
        %get3A_304 = arith.index_cast %mul3A_83 : i32 to index
        %get3A_305 = tpu.vector_load %arg7[%get3A_302, %get3A_303, %get3A_304] {strides = array<i32>} : memref<50x8x128xf32, #tpu.memory_space<vmem>>, vector<1x1x16xf32>,
        %get3A_306 = vector.shape_cast %get3A_305 : vector<1x1x16xf32> to vector<16xf32>
        %mul3A_307 = arith.mulf %exp3A, %get3A_306 : vector<16xf32>
        %add3A_308 = arith.constant 1 : i32
        %add3A_309 = arith.addi %mul3A_205, %add3A_308 : i32
        %get3A_310 = arith.constant 1 : i32
        %get3A_311 = arith.index_cast %add3A_309 : i32 to index
        %get3A_312 = arith.index_cast %get3A_310 : i32 to index
        %get3A_313 = arith.index_cast %mul3A_83 : i32 to index
        %get3A_314 = tpu.vector_load %arg7[%get3A_311, %get3A_312, %get3A_313] {strides = array<i32>} : memref<50x8x128xf32, #tpu.memory_space<vmem>>, vector<1x1x16xf32>,
        %get3A_315 = vector.shape_cast %get3A_314 : vector<1x1x16xf32> to vector<16xf32>
        %mul3A_316 = arith.mulf %exp3A_121, %get3A_315 : vector<16xf32>
        %add3A_317 = arith.addf %mul3A_307, %mul3A_316 : vector<16xf32>
        %add3A_318 = arith.constant 1 : i32
        %add3A_319 = arith.addi %mul3A_205, %add3A_318 : i32
        %get3A_320 = arith.constant 2 : i32
        %get3A_321 = arith.index_cast %add3A_319 : i32 to index
        %get3A_322 = arith.index_cast %get3A_320 : i32 to index
        %get3A_323 = arith.index_cast %mul3A_83 : i32 to index
        %get3A_324 = tpu.vector_load %arg7[%get3A_321, %get3A_322, %get3A_323] {strides = array<i32>} : memref<50x8x128xf32, #tpu.memory_space<vmem>>, vector<1x1x16xf32>,
        %get3A_325 = vector.shape_cast %get3A_324 : vector<1x1x16xf32> to vector<16xf32>
        %mul3A_326 = arith.mulf %exp3A_130, %get3A_325 : vector<16xf32>
        %add3A_327 = arith.addf %add3A_317, %mul3A_326 : vector<16xf32>
        %add3A_328 = arith.constant 1 : i32
        %add3A_329 = arith.addi %mul3A_205, %add3A_328 : i32
        %get3A_330 = arith.constant 3 : i32
        %get3A_331 = arith.index_cast %add3A_329 : i32 to index
        %get3A_332 = arith.index_cast %get3A_330 : i32 to index
        %get3A_333 = arith.index_cast %mul3A_83 : i32 to index
        %get3A_334 = tpu.vector_load %arg7[%get3A_331, %get3A_332, %get3A_333] {strides = array<i32>} : memref<50x8x128xf32, #tpu.memory_space<vmem>>, vector<1x1x16xf32>,
        %get3A_335 = vector.shape_cast %get3A_334 : vector<1x1x16xf32> to vector<16xf32>
        %mul3A_336 = arith.mulf %exp3A_139, %get3A_335 : vector<16xf32>
        %add3A_337 = arith.addf %add3A_327, %mul3A_336 : vector<16xf32>
        %add3A_338 = arith.constant 1 : i32
        %add3A_339 = arith.addi %mul3A_205, %add3A_338 : i32
        %get3A_340 = arith.constant 4 : i32
        %get3A_341 = arith.index_cast %add3A_339 : i32 to index
        %get3A_342 = arith.index_cast %get3A_340 : i32 to index
        %get3A_343 = arith.index_cast %mul3A_83 : i32 to index
        %get3A_344 = tpu.vector_load %arg7[%get3A_341, %get3A_342, %get3A_343] {strides = array<i32>} : memref<50x8x128xf32, #tpu.memory_space<vmem>>, vector<1x1x16xf32>,
        %get3A_345 = vector.shape_cast %get3A_344 : vector<1x1x16xf32> to vector<16xf32>
        %mul3A_346 = arith.mulf %exp3A_148, %get3A_345 : vector<16xf32>
        %add3A_347 = arith.addf %add3A_337, %mul3A_346 : vector<16xf32>
        %add3A_348 = arith.constant 1 : i32
        %add3A_349 = arith.addi %mul3A_205, %add3A_348 : i32
        %get3A_350 = arith.constant 5 : i32
        %get3A_351 = arith.index_cast %add3A_349 : i32 to index
        %get3A_352 = arith.index_cast %get3A_350 : i32 to index
        %get3A_353 = arith.index_cast %mul3A_83 : i32 to index
        %get3A_354 = tpu.vector_load %arg7[%get3A_351, %get3A_352, %get3A_353] {strides = array<i32>} : memref<50x8x128xf32, #tpu.memory_space<vmem>>, vector<1x1x16xf32>,
        %get3A_355 = vector.shape_cast %get3A_354 : vector<1x1x16xf32> to vector<16xf32>
        %mul3A_356 = arith.mulf %exp3A_157, %get3A_355 : vector<16xf32>
        %add3A_357 = arith.addf %add3A_347, %mul3A_356 : vector<16xf32>
        %add3A_358 = arith.constant 1 : i32
        %add3A_359 = arith.addi %mul3A_205, %add3A_358 : i32
        %get3A_360 = arith.constant 6 : i32
        %get3A_361 = arith.index_cast %add3A_359 : i32 to index
        %get3A_362 = arith.index_cast %get3A_360 : i32 to index
        %get3A_363 = arith.index_cast %mul3A_83 : i32 to index
        %get3A_364 = tpu.vector_load %arg7[%get3A_361, %get3A_362, %get3A_363] {strides = array<i32>} : memref<50x8x128xf32, #tpu.memory_space<vmem>>, vector<1x1x16xf32>,
        %get3A_365 = vector.shape_cast %get3A_364 : vector<1x1x16xf32> to vector<16xf32>
        %mul3A_366 = arith.mulf %exp3A_166, %get3A_365 : vector<16xf32>
        %add3A_367 = arith.addf %add3A_357, %mul3A_366 : vector<16xf32>
        %add3A_368 = arith.constant 1 : i32
        %add3A_369 = arith.addi %mul3A_205, %add3A_368 : i32
        %get3A_370 = arith.constant 7 : i32
        %get3A_371 = arith.index_cast %add3A_369 : i32 to index
        %get3A_372 = arith.index_cast %get3A_370 : i32 to index
        %get3A_373 = arith.index_cast %mul3A_83 : i32 to index
        %get3A_374 = tpu.vector_load %arg7[%get3A_371, %get3A_372, %get3A_373] {strides = array<i32>} : memref<50x8x128xf32, #tpu.memory_space<vmem>>, vector<1x1x16xf32>,
        %get3A_375 = vector.shape_cast %get3A_374 : vector<1x1x16xf32> to vector<16xf32>
        %mul3A_376 = arith.mulf %exp3A_175, %get3A_375 : vector<16xf32>
        %add3A_377 = arith.addf %add3A_367, %mul3A_376 : vector<16xf32>
        %add3A_378 = arith.constant 1 : i32
        %add3A_379 = arith.addi %mul3A_205, %add3A_378 : i32
        %get3A_380 = arith.index_cast %add3A_379 : i32 to index
        %get3A_381 = arith.index_cast %mul3A_83 : i32 to index
        %get3A_382 = tpu.vector_load %arg8[%get3A_380, %get3A_381] {strides = array<i32>} : memref<64x128xf32, #tpu.memory_space<vmem>>, vector<1x16xf32>,
        %get3A_383 = vector.shape_cast %get3A_382 : vector<1x16xf32> to vector<16xf32>
        %add3A_384 = arith.addf %get3A_383, %add3A_377 : vector<16xf32>
        %add3A_385 = arith.constant 1 : i32
        %add3A_386 = arith.addi %mul3A_205, %add3A_385 : i32
        %swap3A_387 = arith.index_cast %add3A_386 : i32 to index
        %swap3A_388 = arith.index_cast %mul3A_83 : i32 to index
        %swap3A_389 = tpu.vector_load %arg8[%swap3A_387, %swap3A_388] {strides = array<i32>} : memref<64x128xf32, #tpu.memory_space<vmem>>, vector<1x16xf32>,
        %swap3A_390 = vector.shape_cast %swap3A_389 : vector<1x16xf32> to vector<16xf32>
        %swap3A_391 = vector.shape_cast %add3A_384 : vector<16xf32> to vector<1x16xf32>
        tpu.vector_store %arg8[%swap3A_387, %swap3A_388], %swap3A_391 {strides = array<i32>} : memref<64x128xf32, #tpu.memory_space<vmem>>, vector<1x16xf32>,
        %add3A_392 = arith.constant 2 : i32
        %add3A_393 = arith.addi %mul3A_205, %add3A_392 : i32
        %get3A_394 = arith.constant 0 : i32
        %get3A_395 = arith.index_cast %add3A_393 : i32 to index
        %get3A_396 = arith.index_cast %get3A_394 : i32 to index
        %get3A_397 = arith.index_cast %mul3A_83 : i32 to index
        %get3A_398 = tpu.vector_load %arg7[%get3A_395, %get3A_396, %get3A_397] {strides = array<i32>} : memref<50x8x128xf32, #tpu.memory_space<vmem>>, vector<1x1x16xf32>,
        %get3A_399 = vector.shape_cast %get3A_398 : vector<1x1x16xf32> to vector<16xf32>
        %mul3A_400 = arith.mulf %exp3A, %get3A_399 : vector<16xf32>
        %add3A_401 = arith.constant 2 : i32
        %add3A_402 = arith.addi %mul3A_205, %add3A_401 : i32
        %get3A_403 = arith.constant 1 : i32
        %get3A_404 = arith.index_cast %add3A_402 : i32 to index
        %get3A_405 = arith.index_cast %get3A_403 : i32 to index
        %get3A_406 = arith.index_cast %mul3A_83 : i32 to index
        %get3A_407 = tpu.vector_load %arg7[%get3A_404, %get3A_405, %get3A_406] {strides = array<i32>} : memref<50x8x128xf32, #tpu.memory_space<vmem>>, vector<1x1x16xf32>,
        %get3A_408 = vector.shape_cast %get3A_407 : vector<1x1x16xf32> to vector<16xf32>
        %mul3A_409 = arith.mulf %exp3A_121, %get3A_408 : vector<16xf32>
        %add3A_410 = arith.addf %mul3A_400, %mul3A_409 : vector<16xf32>
        %add3A_411 = arith.constant 2 : i32
        %add3A_412 = arith.addi %mul3A_205, %add3A_411 : i32
        %get3A_413 = arith.constant 2 : i32
        %get3A_414 = arith.index_cast %add3A_412 : i32 to index
        %get3A_415 = arith.index_cast %get3A_413 : i32 to index
        %get3A_416 = arith.index_cast %mul3A_83 : i32 to index
        %get3A_417 = tpu.vector_load %arg7[%get3A_414, %get3A_415, %get3A_416] {strides = array<i32>} : memref<50x8x128xf32, #tpu.memory_space<vmem>>, vector<1x1x16xf32>,
        %get3A_418 = vector.shape_cast %get3A_417 : vector<1x1x16xf32> to vector<16xf32>
        %mul3A_419 = arith.mulf %exp3A_130, %get3A_418 : vector<16xf32>
        %add3A_420 = arith.addf %add3A_410, %mul3A_419 : vector<16xf32>
        %add3A_421 = arith.constant 2 : i32
        %add3A_422 = arith.addi %mul3A_205, %add3A_421 : i32
        %get3A_423 = arith.constant 3 : i32
        %get3A_424 = arith.index_cast %add3A_422 : i32 to index
        %get3A_425 = arith.index_cast %get3A_423 : i32 to index
        %get3A_426 = arith.index_cast %mul3A_83 : i32 to index
        %get3A_427 = tpu.vector_load %arg7[%get3A_424, %get3A_425, %get3A_426] {strides = array<i32>} : memref<50x8x128xf32, #tpu.memory_space<vmem>>, vector<1x1x16xf32>,
        %get3A_428 = vector.shape_cast %get3A_427 : vector<1x1x16xf32> to vector<16xf32>
        %mul3A_429 = arith.mulf %exp3A_139, %get3A_428 : vector<16xf32>
        %add3A_430 = arith.addf %add3A_420, %mul3A_429 : vector<16xf32>
        %add3A_431 = arith.constant 2 : i32
        %add3A_432 = arith.addi %mul3A_205, %add3A_431 : i32
        %get3A_433 = arith.constant 4 : i32
        %get3A_434 = arith.index_cast %add3A_432 : i32 to index
        %get3A_435 = arith.index_cast %get3A_433 : i32 to index
        %get3A_436 = arith.index_cast %mul3A_83 : i32 to index
        %get3A_437 = tpu.vector_load %arg7[%get3A_434, %get3A_435, %get3A_436] {strides = array<i32>} : memref<50x8x128xf32, #tpu.memory_space<vmem>>, vector<1x1x16xf32>,
        %get3A_438 = vector.shape_cast %get3A_437 : vector<1x1x16xf32> to vector<16xf32>
        %mul3A_439 = arith.mulf %exp3A_148, %get3A_438 : vector<16xf32>
        %add3A_440 = arith.addf %add3A_430, %mul3A_439 : vector<16xf32>
        %add3A_441 = arith.constant 2 : i32
        %add3A_442 = arith.addi %mul3A_205, %add3A_441 : i32
        %get3A_443 = arith.constant 5 : i32
        %get3A_444 = arith.index_cast %add3A_442 : i32 to index
        %get3A_445 = arith.index_cast %get3A_443 : i32 to index
        %get3A_446 = arith.index_cast %mul3A_83 : i32 to index
        %get3A_447 = tpu.vector_load %arg7[%get3A_444, %get3A_445, %get3A_446] {strides = array<i32>} : memref<50x8x128xf32, #tpu.memory_space<vmem>>, vector<1x1x16xf32>,
        %get3A_448 = vector.shape_cast %get3A_447 : vector<1x1x16xf32> to vector<16xf32>
        %mul3A_449 = arith.mulf %exp3A_157, %get3A_448 : vector<16xf32>
        %add3A_450 = arith.addf %add3A_440, %mul3A_449 : vector<16xf32>
        %add3A_451 = arith.constant 2 : i32
        %add3A_452 = arith.addi %mul3A_205, %add3A_451 : i32
        %get3A_453 = arith.constant 6 : i32
        %get3A_454 = arith.index_cast %add3A_452 : i32 to index
        %get3A_455 = arith.index_cast %get3A_453 : i32 to index
        %get3A_456 = arith.index_cast %mul3A_83 : i32 to index
        %get3A_457 = tpu.vector_load %arg7[%get3A_454, %get3A_455, %get3A_456] {strides = array<i32>} : memref<50x8x128xf32, #tpu.memory_space<vmem>>, vector<1x1x16xf32>,
        %get3A_458 = vector.shape_cast %get3A_457 : vector<1x1x16xf32> to vector<16xf32>
        %mul3A_459 = arith.mulf %exp3A_166, %get3A_458 : vector<16xf32>
        %add3A_460 = arith.addf %add3A_450, %mul3A_459 : vector<16xf32>
        %add3A_461 = arith.constant 2 : i32
        %add3A_462 = arith.addi %mul3A_205, %add3A_461 : i32
        %get3A_463 = arith.constant 7 : i32
        %get3A_464 = arith.index_cast %add3A_462 : i32 to index
        %get3A_465 = arith.index_cast %get3A_463 : i32 to index
        %get3A_466 = arith.index_cast %mul3A_83 : i32 to index
        %get3A_467 = tpu.vector_load %arg7[%get3A_464, %get3A_465, %get3A_466] {strides = array<i32>} : memref<50x8x128xf32, #tpu.memory_space<vmem>>, vector<1x1x16xf32>,
        %get3A_468 = vector.shape_cast %get3A_467 : vector<1x1x16xf32> to vector<16xf32>
        %mul3A_469 = arith.mulf %exp3A_175, %get3A_468 : vector<16xf32>
        %add3A_470 = arith.addf %add3A_460, %mul3A_469 : vector<16xf32>
        %add3A_471 = arith.constant 2 : i32
        %add3A_472 = arith.addi %mul3A_205, %add3A_471 : i32
        %get3A_473 = arith.index_cast %add3A_472 : i32 to index
        %get3A_474 = arith.index_cast %mul3A_83 : i32 to index
        %get3A_475 = tpu.vector_load %arg8[%get3A_473, %get3A_474] {strides = array<i32>} : memref<64x128xf32, #tpu.memory_space<vmem>>, vector<1x16xf32>,
        %get3A_476 = vector.shape_cast %get3A_475 : vector<1x16xf32> to vector<16xf32>
        %add3A_477 = arith.addf %get3A_476, %add3A_470 : vector<16xf32>
        %add3A_478 = arith.constant 2 : i32
        %add3A_479 = arith.addi %mul3A_205, %add3A_478 : i32
        %swap3A_480 = arith.index_cast %add3A_479 : i32 to index
        %swap3A_481 = arith.index_cast %mul3A_83 : i32 to index
        %swap3A_482 = tpu.vector_load %arg8[%swap3A_480, %swap3A_481] {strides = array<i32>} : memref<64x128xf32, #tpu.memory_space<vmem>>, vector<1x16xf32>,
        %swap3A_483 = vector.shape_cast %swap3A_482 : vector<1x16xf32> to vector<16xf32>
        %swap3A_484 = vector.shape_cast %add3A_477 : vector<16xf32> to vector<1x16xf32>
        tpu.vector_store %arg8[%swap3A_480, %swap3A_481], %swap3A_484 {strides = array<i32>} : memref<64x128xf32, #tpu.memory_space<vmem>>, vector<1x16xf32>,
        %add3A_485 = arith.constant 3 : i32
        %add3A_486 = arith.addi %mul3A_205, %add3A_485 : i32
        %get3A_487 = arith.constant 0 : i32
        %get3A_488 = arith.index_cast %add3A_486 : i32 to index
        %get3A_489 = arith.index_cast %get3A_487 : i32 to index
        %get3A_490 = arith.index_cast %mul3A_83 : i32 to index
        %get3A_491 = tpu.vector_load %arg7[%get3A_488, %get3A_489, %get3A_490] {strides = array<i32>} : memref<50x8x128xf32, #tpu.memory_space<vmem>>, vector<1x1x16xf32>,
        %get3A_492 = vector.shape_cast %get3A_491 : vector<1x1x16xf32> to vector<16xf32>
        %mul3A_493 = arith.mulf %exp3A, %get3A_492 : vector<16xf32>
        %add3A_494 = arith.constant 3 : i32
        %add3A_495 = arith.addi %mul3A_205, %add3A_494 : i32
        %get3A_496 = arith.constant 1 : i32
        %get3A_497 = arith.index_cast %add3A_495 : i32 to index
        %get3A_498 = arith.index_cast %get3A_496 : i32 to index
        %get3A_499 = arith.index_cast %mul3A_83 : i32 to index
        %get3A_500 = tpu.vector_load %arg7[%get3A_497, %get3A_498, %get3A_499] {strides = array<i32>} : memref<50x8x128xf32, #tpu.memory_space<vmem>>, vector<1x1x16xf32>,
        %get3A_501 = vector.shape_cast %get3A_500 : vector<1x1x16xf32> to vector<16xf32>
        %mul3A_502 = arith.mulf %exp3A_121, %get3A_501 : vector<16xf32>
        %add3A_503 = arith.addf %mul3A_493, %mul3A_502 : vector<16xf32>
        %add3A_504 = arith.constant 3 : i32
        %add3A_505 = arith.addi %mul3A_205, %add3A_504 : i32
        %get3A_506 = arith.constant 2 : i32
        %get3A_507 = arith.index_cast %add3A_505 : i32 to index
        %get3A_508 = arith.index_cast %get3A_506 : i32 to index
        %get3A_509 = arith.index_cast %mul3A_83 : i32 to index
        %get3A_510 = tpu.vector_load %arg7[%get3A_507, %get3A_508, %get3A_509] {strides = array<i32>} : memref<50x8x128xf32, #tpu.memory_space<vmem>>, vector<1x1x16xf32>,
        %get3A_511 = vector.shape_cast %get3A_510 : vector<1x1x16xf32> to vector<16xf32>
        %mul3A_512 = arith.mulf %exp3A_130, %get3A_511 : vector<16xf32>
        %add3A_513 = arith.addf %add3A_503, %mul3A_512 : vector<16xf32>
        %add3A_514 = arith.constant 3 : i32
        %add3A_515 = arith.addi %mul3A_205, %add3A_514 : i32
        %get3A_516 = arith.constant 3 : i32
        %get3A_517 = arith.index_cast %add3A_515 : i32 to index
        %get3A_518 = arith.index_cast %get3A_516 : i32 to index
        %get3A_519 = arith.index_cast %mul3A_83 : i32 to index
        %get3A_520 = tpu.vector_load %arg7[%get3A_517, %get3A_518, %get3A_519] {strides = array<i32>} : memref<50x8x128xf32, #tpu.memory_space<vmem>>, vector<1x1x16xf32>,
        %get3A_521 = vector.shape_cast %get3A_520 : vector<1x1x16xf32> to vector<16xf32>
        %mul3A_522 = arith.mulf %exp3A_139, %get3A_521 : vector<16xf32>
        %add3A_523 = arith.addf %add3A_513, %mul3A_522 : vector<16xf32>
        %add3A_524 = arith.constant 3 : i32
        %add3A_525 = arith.addi %mul3A_205, %add3A_524 : i32
        %get3A_526 = arith.constant 4 : i32
        %get3A_527 = arith.index_cast %add3A_525 : i32 to index
        %get3A_528 = arith.index_cast %get3A_526 : i32 to index
        %get3A_529 = arith.index_cast %mul3A_83 : i32 to index
        %get3A_530 = tpu.vector_load %arg7[%get3A_527, %get3A_528, %get3A_529] {strides = array<i32>} : memref<50x8x128xf32, #tpu.memory_space<vmem>>, vector<1x1x16xf32>,
        %get3A_531 = vector.shape_cast %get3A_530 : vector<1x1x16xf32> to vector<16xf32>
        %mul3A_532 = arith.mulf %exp3A_148, %get3A_531 : vector<16xf32>
        %add3A_533 = arith.addf %add3A_523, %mul3A_532 : vector<16xf32>
        %add3A_534 = arith.constant 3 : i32
        %add3A_535 = arith.addi %mul3A_205, %add3A_534 : i32
        %get3A_536 = arith.constant 5 : i32
        %get3A_537 = arith.index_cast %add3A_535 : i32 to index
        %get3A_538 = arith.index_cast %get3A_536 : i32 to index
        %get3A_539 = arith.index_cast %mul3A_83 : i32 to index
        %get3A_540 = tpu.vector_load %arg7[%get3A_537, %get3A_538, %get3A_539] {strides = array<i32>} : memref<50x8x128xf32, #tpu.memory_space<vmem>>, vector<1x1x16xf32>,
        %get3A_541 = vector.shape_cast %get3A_540 : vector<1x1x16xf32> to vector<16xf32>
        %mul3A_542 = arith.mulf %exp3A_157, %get3A_541 : vector<16xf32>
        %add3A_543 = arith.addf %add3A_533, %mul3A_542 : vector<16xf32>
        %add3A_544 = arith.constant 3 : i32
        %add3A_545 = arith.addi %mul3A_205, %add3A_544 : i32
        %get3A_546 = arith.constant 6 : i32
        %get3A_547 = arith.index_cast %add3A_545 : i32 to index
        %get3A_548 = arith.index_cast %get3A_546 : i32 to index
        %get3A_549 = arith.index_cast %mul3A_83 : i32 to index
        %get3A_550 = tpu.vector_load %arg7[%get3A_547, %get3A_548, %get3A_549] {strides = array<i32>} : memref<50x8x128xf32, #tpu.memory_space<vmem>>, vector<1x1x16xf32>,
        %get3A_551 = vector.shape_cast %get3A_550 : vector<1x1x16xf32> to vector<16xf32>
        %mul3A_552 = arith.mulf %exp3A_166, %get3A_551 : vector<16xf32>
        %add3A_553 = arith.addf %add3A_543, %mul3A_552 : vector<16xf32>
        %add3A_554 = arith.constant 3 : i32
        %add3A_555 = arith.addi %mul3A_205, %add3A_554 : i32
        %get3A_556 = arith.constant 7 : i32
        %get3A_557 = arith.index_cast %add3A_555 : i32 to index
        %get3A_558 = arith.index_cast %get3A_556 : i32 to index
        %get3A_559 = arith.index_cast %mul3A_83 : i32 to index
        %get3A_560 = tpu.vector_load %arg7[%get3A_557, %get3A_558, %get3A_559] {strides = array<i32>} : memref<50x8x128xf32, #tpu.memory_space<vmem>>, vector<1x1x16xf32>,
        %get3A_561 = vector.shape_cast %get3A_560 : vector<1x1x16xf32> to vector<16xf32>
        %mul3A_562 = arith.mulf %exp3A_175, %get3A_561 : vector<16xf32>
        %add3A_563 = arith.addf %add3A_553, %mul3A_562 : vector<16xf32>
        %add3A_564 = arith.constant 3 : i32
        %add3A_565 = arith.addi %mul3A_205, %add3A_564 : i32
        %get3A_566 = arith.index_cast %add3A_565 : i32 to index
        %get3A_567 = arith.index_cast %mul3A_83 : i32 to index
        %get3A_568 = tpu.vector_load %arg8[%get3A_566, %get3A_567] {strides = array<i32>} : memref<64x128xf32, #tpu.memory_space<vmem>>, vector<1x16xf32>,
        %get3A_569 = vector.shape_cast %get3A_568 : vector<1x16xf32> to vector<16xf32>
        %add3A_570 = arith.addf %get3A_569, %add3A_563 : vector<16xf32>
        %add3A_571 = arith.constant 3 : i32
        %add3A_572 = arith.addi %mul3A_205, %add3A_571 : i32
        %swap3A_573 = arith.index_cast %add3A_572 : i32 to index
        %swap3A_574 = arith.index_cast %mul3A_83 : i32 to index
        %swap3A_575 = tpu.vector_load %arg8[%swap3A_573, %swap3A_574] {strides = array<i32>} : memref<64x128xf32, #tpu.memory_space<vmem>>, vector<1x16xf32>,
        %swap3A_576 = vector.shape_cast %swap3A_575 : vector<1x16xf32> to vector<16xf32>
        %swap3A_577 = vector.shape_cast %add3A_570 : vector<16xf32> to vector<1x16xf32>
        tpu.vector_store %arg8[%swap3A_573, %swap3A_574], %swap3A_577 {strides = array<i32>} : memref<64x128xf32, #tpu.memory_space<vmem>>, vector<1x16xf32>,
        %add3A_578 = arith.constant 4 : i32
        %add3A_579 = arith.addi %mul3A_205, %add3A_578 : i32
        %get3A_580 = arith.constant 0 : i32
        %get3A_581 = arith.index_cast %add3A_579 : i32 to index
        %get3A_582 = arith.index_cast %get3A_580 : i32 to index
        %get3A_583 = arith.index_cast %mul3A_83 : i32 to index
        %get3A_584 = tpu.vector_load %arg7[%get3A_581, %get3A_582, %get3A_583] {strides = array<i32>} : memref<50x8x128xf32, #tpu.memory_space<vmem>>, vector<1x1x16xf32>,
        %get3A_585 = vector.shape_cast %get3A_584 : vector<1x1x16xf32> to vector<16xf32>
        %mul3A_586 = arith.mulf %exp3A, %get3A_585 : vector<16xf32>
        %add3A_587 = arith.constant 4 : i32
        %add3A_588 = arith.addi %mul3A_205, %add3A_587 : i32
        %get3A_589 = arith.constant 1 : i32
        %get3A_590 = arith.index_cast %add3A_588 : i32 to index
        %get3A_591 = arith.index_cast %get3A_589 : i32 to index
        %get3A_592 = arith.index_cast %mul3A_83 : i32 to index
        %get3A_593 = tpu.vector_load %arg7[%get3A_590, %get3A_591, %get3A_592] {strides = array<i32>} : memref<50x8x128xf32, #tpu.memory_space<vmem>>, vector<1x1x16xf32>,
        %get3A_594 = vector.shape_cast %get3A_593 : vector<1x1x16xf32> to vector<16xf32>
        %mul3A_595 = arith.mulf %exp3A_121, %get3A_594 : vector<16xf32>
        %add3A_596 = arith.addf %mul3A_586, %mul3A_595 : vector<16xf32>
        %add3A_597 = arith.constant 4 : i32
        %add3A_598 = arith.addi %mul3A_205, %add3A_597 : i32
        %get3A_599 = arith.constant 2 : i32
        %get3A_600 = arith.index_cast %add3A_598 : i32 to index
        %get3A_601 = arith.index_cast %get3A_599 : i32 to index
        %get3A_602 = arith.index_cast %mul3A_83 : i32 to index
        %get3A_603 = tpu.vector_load %arg7[%get3A_600, %get3A_601, %get3A_602] {strides = array<i32>} : memref<50x8x128xf32, #tpu.memory_space<vmem>>, vector<1x1x16xf32>,
        %get3A_604 = vector.shape_cast %get3A_603 : vector<1x1x16xf32> to vector<16xf32>
        %mul3A_605 = arith.mulf %exp3A_130, %get3A_604 : vector<16xf32>
        %add3A_606 = arith.addf %add3A_596, %mul3A_605 : vector<16xf32>
        %add3A_607 = arith.constant 4 : i32
        %add3A_608 = arith.addi %mul3A_205, %add3A_607 : i32
        %get3A_609 = arith.constant 3 : i32
        %get3A_610 = arith.index_cast %add3A_608 : i32 to index
        %get3A_611 = arith.index_cast %get3A_609 : i32 to index
        %get3A_612 = arith.index_cast %mul3A_83 : i32 to index
        %get3A_613 = tpu.vector_load %arg7[%get3A_610, %get3A_611, %get3A_612] {strides = array<i32>} : memref<50x8x128xf32, #tpu.memory_space<vmem>>, vector<1x1x16xf32>,
        %get3A_614 = vector.shape_cast %get3A_613 : vector<1x1x16xf32> to vector<16xf32>
        %mul3A_615 = arith.mulf %exp3A_139, %get3A_614 : vector<16xf32>
        %add3A_616 = arith.addf %add3A_606, %mul3A_615 : vector<16xf32>
        %add3A_617 = arith.constant 4 : i32
        %add3A_618 = arith.addi %mul3A_205, %add3A_617 : i32
        %get3A_619 = arith.constant 4 : i32
        %get3A_620 = arith.index_cast %add3A_618 : i32 to index
        %get3A_621 = arith.index_cast %get3A_619 : i32 to index
        %get3A_622 = arith.index_cast %mul3A_83 : i32 to index
        %get3A_623 = tpu.vector_load %arg7[%get3A_620, %get3A_621, %get3A_622] {strides = array<i32>} : memref<50x8x128xf32, #tpu.memory_space<vmem>>, vector<1x1x16xf32>,
        %get3A_624 = vector.shape_cast %get3A_623 : vector<1x1x16xf32> to vector<16xf32>
        %mul3A_625 = arith.mulf %exp3A_148, %get3A_624 : vector<16xf32>
        %add3A_626 = arith.addf %add3A_616, %mul3A_625 : vector<16xf32>
        %add3A_627 = arith.constant 4 : i32
        %add3A_628 = arith.addi %mul3A_205, %add3A_627 : i32
        %get3A_629 = arith.constant 5 : i32
        %get3A_630 = arith.index_cast %add3A_628 : i32 to index
        %get3A_631 = arith.index_cast %get3A_629 : i32 to index
        %get3A_632 = arith.index_cast %mul3A_83 : i32 to index
        %get3A_633 = tpu.vector_load %arg7[%get3A_630, %get3A_631, %get3A_632] {strides = array<i32>} : memref<50x8x128xf32, #tpu.memory_space<vmem>>, vector<1x1x16xf32>,
        %get3A_634 = vector.shape_cast %get3A_633 : vector<1x1x16xf32> to vector<16xf32>
        %mul3A_635 = arith.mulf %exp3A_157, %get3A_634 : vector<16xf32>
        %add3A_636 = arith.addf %add3A_626, %mul3A_635 : vector<16xf32>
        %add3A_637 = arith.constant 4 : i32
        %add3A_638 = arith.addi %mul3A_205, %add3A_637 : i32
        %get3A_639 = arith.constant 6 : i32
        %get3A_640 = arith.index_cast %add3A_638 : i32 to index
        %get3A_641 = arith.index_cast %get3A_639 : i32 to index
        %get3A_642 = arith.index_cast %mul3A_83 : i32 to index
        %get3A_643 = tpu.vector_load %arg7[%get3A_640, %get3A_641, %get3A_642] {strides = array<i32>} : memref<50x8x128xf32, #tpu.memory_space<vmem>>, vector<1x1x16xf32>,
        %get3A_644 = vector.shape_cast %get3A_643 : vector<1x1x16xf32> to vector<16xf32>
        %mul3A_645 = arith.mulf %exp3A_166, %get3A_644 : vector<16xf32>
        %add3A_646 = arith.addf %add3A_636, %mul3A_645 : vector<16xf32>
        %add3A_647 = arith.constant 4 : i32
        %add3A_648 = arith.addi %mul3A_205, %add3A_647 : i32
        %get3A_649 = arith.constant 7 : i32
        %get3A_650 = arith.index_cast %add3A_648 : i32 to index
        %get3A_651 = arith.index_cast %get3A_649 : i32 to index
        %get3A_652 = arith.index_cast %mul3A_83 : i32 to index
        %get3A_653 = tpu.vector_load %arg7[%get3A_650, %get3A_651, %get3A_652] {strides = array<i32>} : memref<50x8x128xf32, #tpu.memory_space<vmem>>, vector<1x1x16xf32>,
        %get3A_654 = vector.shape_cast %get3A_653 : vector<1x1x16xf32> to vector<16xf32>
        %mul3A_655 = arith.mulf %exp3A_175, %get3A_654 : vector<16xf32>
        %add3A_656 = arith.addf %add3A_646, %mul3A_655 : vector<16xf32>
        %add3A_657 = arith.constant 4 : i32
        %add3A_658 = arith.addi %mul3A_205, %add3A_657 : i32
        %get3A_659 = arith.index_cast %add3A_658 : i32 to index
        %get3A_660 = arith.index_cast %mul3A_83 : i32 to index
        %get3A_661 = tpu.vector_load %arg8[%get3A_659, %get3A_660] {strides = array<i32>} : memref<64x128xf32, #tpu.memory_space<vmem>>, vector<1x16xf32>,
        %get3A_662 = vector.shape_cast %get3A_661 : vector<1x16xf32> to vector<16xf32>
        %add3A_663 = arith.addf %get3A_662, %add3A_656 : vector<16xf32>
        %add3A_664 = arith.constant 4 : i32
        %add3A_665 = arith.addi %mul3A_205, %add3A_664 : i32
        %swap3A_666 = arith.index_cast %add3A_665 : i32 to index
        %swap3A_667 = arith.index_cast %mul3A_83 : i32 to index
        %swap3A_668 = tpu.vector_load %arg8[%swap3A_666, %swap3A_667] {strides = array<i32>} : memref<64x128xf32, #tpu.memory_space<vmem>>, vector<1x16xf32>,
        %swap3A_669 = vector.shape_cast %swap3A_668 : vector<1x16xf32> to vector<16xf32>
        %swap3A_670 = vector.shape_cast %add3A_663 : vector<16xf32> to vector<1x16xf32>
        tpu.vector_store %arg8[%swap3A_666, %swap3A_667], %swap3A_670 {strides = array<i32>} : memref<64x128xf32, #tpu.memory_space<vmem>>, vector<1x16xf32>,
        %scan3A_671 = arith.constant 0 : i32
        scf.yield %scan3A_671 : i32
      }
      %scan3A_200 = arith.constant 10 : i32
      %scan3A_201 = arith.constant 0 : i32
      scf.yield %scan3A_201 : i32
    }
    %scan3A_79 = arith.constant 8 : i32
    "tpu.region"() ({
      %run_scoped3A = tpu.sem_alloc : memref<!tpu.dma_semaphore, #tpu.memory_space<semaphore_mem>>
      %dma_start3A_80 = arith.constant 0 : i32
      %dma_start3A_81 = tpu.memref_slice %arg5[%dma_start3A_80, %mul3A_2] : memref<64x4096xf32, #tpu.memory_space<hbm>> -> memref<64x128xf32, #tpu.memory_space<hbm>>
      %dma_start3A_82 = arith.constant 0 : i32
      %dma_start3A_83 = tpu.memref_slice %arg5[%dma_start3A_82, %mul3A_2] : memref<64x4096xf32, #tpu.memory_space<hbm>> -> memref<64x128xf32, #tpu.memory_space<hbm>>
      tpu.enqueue_dma source(%arg8 : memref<64x128xf32, #tpu.memory_space<vmem>>) target(%dma_start3A_83 : memref<64x128xf32, #tpu.memory_space<hbm>>) target_semaphore(%run_scoped3A : memref<!tpu.dma_semaphore, #tpu.memory_space<semaphore_mem>>)
      %dma_wait3A_84 = arith.constant 0 : i32
      %dma_wait3A_85 = tpu.memref_slice %arg5[%dma_wait3A_84, %mul3A_2] : memref<64x4096xf32, #tpu.memory_space<hbm>> -> memref<64x128xf32, #tpu.memory_space<hbm>>
      %dma_wait3A_86 = arith.constant 0 : i32
      %dma_wait3A_87 = tpu.memref_slice %arg5[%dma_wait3A_86, %mul3A_2] : memref<64x4096xf32, #tpu.memory_space<hbm>> -> memref<64x128xf32, #tpu.memory_space<hbm>>
      tpu.wait_dma2 semaphore(%run_scoped3A : memref<!tpu.dma_semaphore, #tpu.memory_space<semaphore_mem>>) src(%arg8 : memref<64x128xf32, #tpu.memory_space<vmem>>) dst(%dma_wait3A_87 : memref<64x128xf32, #tpu.memory_space<hbm>>)
      tpu.yield
    }) : () -> ()
    return
  }
}

module attributes {stable_mosaic.version = 14 : i64} {
  func.func @_tc1_body(%arg0: i32, %arg1: memref<50x1024xf32, #tpu.memory_space<vmem>>, %arg2: memref<300x1024xf32, #tpu.memory_space<vmem>>, %arg3: memref<50x50xf32, #tpu.memory_space<vmem>>, %arg4: memref<50x300xf32, #tpu.memory_space<vmem>>, %arg5: memref<50x1xf32, #tpu.memory_space<vmem>>, %arg6: memref<1x1xf32, #tpu.memory_space<vmem>>, %arg7: memref<1x1024xf32, #tpu.memory_space<vmem>>) attributes {dimension_semantics = [#tpu.dimension_semantics<arbitrary>], iteration_bounds = array<i64: 4>, scalar_prefetch = 0 : i64, scratch_operands = 0 : i64, tpu.core_type = #tpu.core_type<tc>, window_params = [{transform_indices = @transform_0, window_bounds = array<i64: 50, 1024>}, {transform_indices = @transform_1, window_bounds = array<i64: 300, 1024>}, {pipeline_mode = #tpu.pipeline_mode<synchronous>, transform_indices = @transform_2, window_bounds = array<i64: 50, 50>}, {pipeline_mode = #tpu.pipeline_mode<synchronous>, transform_indices = @transform_3, window_bounds = array<i64: 50, 300>}, {pipeline_mode = #tpu.pipeline_mode<synchronous>, transform_indices = @transform_4, window_bounds = array<i64: 50, 1>}, {pipeline_mode = #tpu.pipeline_mode<synchronous>, transform_indices = @transform_5, window_bounds = array<i64: 1, 1>}, {transform_indices = @transform_6, window_bounds = array<i64: 1, 1024>}]} {
    %get3A = arith.constant 0 : index
    %get3A_0 = arith.constant 0 : index
    %get3A_1 = vector.load %arg4[%get3A, %get3A_0] : memref<50x300xf32, #tpu.memory_space<vmem>>, vector<50x300xf32>
    %get3A_2 = arith.constant 0 : index
    %get3A_3 = arith.constant 0 : index
    %get3A_4 = vector.load %arg2[%get3A_2, %get3A_3] : memref<300x1024xf32, #tpu.memory_space<vmem>>, vector<300x1024xf32>
    %dot_general3A = arith.constant dense<0.000000e+00> : vector<50x1024xf32>
    %dot_general3A_5 = tpu.matmul %get3A_1, %get3A_4, %dot_general3A {dimension_numbers = #tpu.dot_dimension_numbers<[1], [0], [0], [1], [0, 0, 1, 1], [], []>, transpose_lhs_hint = false} : vector<50x300xf32>, vector<300x1024xf32>, vector<50x1024xf32> -> vector<50x1024xf32>
    %get3A_6 = arith.constant 0 : index
    %get3A_7 = arith.constant 0 : index
    %get3A_8 = vector.load %arg5[%get3A_6, %get3A_7] : memref<50x1xf32, #tpu.memory_space<vmem>>, vector<50x1xf32>
    %add3A = vector.broadcast %get3A_8 : vector<50x1xf32> to vector<50x1024xf32>
    %add3A_9 = arith.addf %dot_general3A_5, %add3A : vector<50x1024xf32>
    %get3A_10 = arith.constant 0 : index
    %get3A_11 = arith.constant 0 : index
    %get3A_12 = vector.load %arg3[%get3A_10, %get3A_11] : memref<50x50xf32, #tpu.memory_space<vmem>>, vector<50x50xf32>
    %get3A_13 = arith.constant 0 : index
    %get3A_14 = arith.constant 0 : index
    %get3A_15 = vector.load %arg1[%get3A_13, %get3A_14] : memref<50x1024xf32, #tpu.memory_space<vmem>>, vector<50x1024xf32>
    %dot_general3A_16 = arith.constant dense<0.000000e+00> : vector<50x1024xf32>
    %dot_general3A_17 = tpu.matmul %get3A_12, %get3A_15, %dot_general3A_16 {dimension_numbers = #tpu.dot_dimension_numbers<[1], [0], [0], [1], [0, 0, 1, 1], [], []>, transpose_lhs_hint = false} : vector<50x50xf32>, vector<50x1024xf32>, vector<50x1024xf32> -> vector<50x1024xf32>
    %mul3A = arith.mulf %dot_general3A_17, %add3A_9 : vector<50x1024xf32>
    %reduce_sum3A = arith.constant dense<0.000000e+00> : vector<1024xf32>
    %reduce_sum3A_18 = vector.multi_reduction <add>, %mul3A, %reduce_sum3A [0] : vector<50x1024xf32> to vector<1024xf32>
    %broadcast_in_dim3A = vector.shape_cast %reduce_sum3A_18 : vector<1024xf32> to vector<1x1024xf32>
    %get3A_19 = arith.constant 0 : index
    %get3A_20 = arith.constant 0 : index
    %get3A_21 = vector.load %arg6[%get3A_19, %get3A_20] : memref<1x1xf32, #tpu.memory_space<vmem>>, vector<1x1xf32>
    %get3A_22 = vector.extract %get3A_21[0, 0] : f32 from vector<1x1xf32>
    %add3A_23 = vector.broadcast %get3A_22 : f32 to vector<1x1024xf32>
    %add3A_24 = arith.addf %broadcast_in_dim3A, %add3A_23 : vector<1x1024xf32>
    %swap3A = arith.constant 0 : index
    %swap3A_25 = arith.constant 0 : index
    %swap3A_26 = vector.load %arg7[%swap3A, %swap3A_25] : memref<1x1024xf32, #tpu.memory_space<vmem>>, vector<1x1024xf32>
    tpu.vector_store %arg7[%swap3A, %swap3A_25], %add3A_24 {strides = array<i32>} : memref<1x1024xf32, #tpu.memory_space<vmem>>, vector<1x1024xf32>,
    return
  }
  func.func @transform_0(%arg0: i32) -> (i32, i32) {
    %c0_i32 = arith.constant 0 : i32
    %c0_i32_0 = arith.constant 0 : i32
    return %c0_i32, %arg0 : i32, i32
  }
  func.func @transform_1(%arg0: i32) -> (i32, i32) {
    %c0_i32 = arith.constant 0 : i32
    %c0_i32_0 = arith.constant 0 : i32
    return %c0_i32, %arg0 : i32, i32
  }
  func.func @transform_2(%arg0: i32) -> (i32, i32) {
    %c0_i32 = arith.constant 0 : i32
    %c0_i32_0 = arith.constant 0 : i32
    %c0_i32_1 = arith.constant 0 : i32
    return %c0_i32, %c0_i32_0 : i32, i32
  }
  func.func @transform_3(%arg0: i32) -> (i32, i32) {
    %c0_i32 = arith.constant 0 : i32
    %c0_i32_0 = arith.constant 0 : i32
    %c0_i32_1 = arith.constant 0 : i32
    return %c0_i32, %c0_i32_0 : i32, i32
  }
  func.func @transform_4(%arg0: i32) -> (i32, i32) {
    %c0_i32 = arith.constant 0 : i32
    %c0_i32_0 = arith.constant 0 : i32
    %c0_i32_1 = arith.constant 0 : i32
    return %c0_i32, %c0_i32_0 : i32, i32
  }
  func.func @transform_5(%arg0: i32) -> (i32, i32) {
    %c0_i32 = arith.constant 0 : i32
    %c0_i32_0 = arith.constant 0 : i32
    %c0_i32_1 = arith.constant 0 : i32
    return %c0_i32, %c0_i32_0 : i32, i32
  }
  func.func @transform_6(%arg0: i32) -> (i32, i32) {
    %c0_i32 = arith.constant 0 : i32
    %c0_i32_0 = arith.constant 0 : i32
    return %c0_i32, %arg0 : i32, i32
  }
}

module attributes {stable_mosaic.version = 14 : i64} {
  func.func @_tc_full_body(%arg0: i32, %arg1: memref<50x1024xf32, #tpu.memory_space<vmem>>, %arg2: memref<300x1024xf32, #tpu.memory_space<vmem>>, %arg3: memref<50x32x1024xf32, #tpu.memory_space<vmem>>, %arg4: memref<50x50xf32, #tpu.memory_space<vmem>>, %arg5: memref<50x1x1xf32, #tpu.memory_space<vmem>>, %arg6: memref<50x300xf32, #tpu.memory_space<vmem>>, %arg7: memref<50x1xf32, #tpu.memory_space<vmem>>, %arg8: memref<50x50xf32, #tpu.memory_space<vmem>>, %arg9: memref<50x1xf32, #tpu.memory_space<vmem>>, %arg10: memref<1x50xf32, #tpu.memory_space<vmem>>, %arg11: memref<1x1xf32, #tpu.memory_space<vmem>>, %arg12: memref<1x1xf32, #tpu.memory_space<vmem>>, %arg13: memref<1x1024xf32, #tpu.memory_space<vmem>>) attributes {dimension_semantics = [#tpu.dimension_semantics<arbitrary>], iteration_bounds = array<i64: 6>, scalar_prefetch = 0 : i64, scratch_operands = 0 : i64, tpu.core_type = #tpu.core_type<tc>, window_params = [{transform_indices = @transform_0, window_bounds = array<i64: 50, 1024>}, {transform_indices = @transform_1, window_bounds = array<i64: 300, 1024>}, {transform_indices = @transform_2, window_bounds = array<i64: 50, 32, 1024>}, {pipeline_mode = #tpu.pipeline_mode<synchronous>, transform_indices = @transform_3, window_bounds = array<i64: 50, 50>}, {pipeline_mode = #tpu.pipeline_mode<synchronous>, transform_indices = @transform_4, window_bounds = array<i64: 50, 1, 1>}, {pipeline_mode = #tpu.pipeline_mode<synchronous>, transform_indices = @transform_5, window_bounds = array<i64: 50, 300>}, {pipeline_mode = #tpu.pipeline_mode<synchronous>, transform_indices = @transform_6, window_bounds = array<i64: 50, 1>}, {pipeline_mode = #tpu.pipeline_mode<synchronous>, transform_indices = @transform_7, window_bounds = array<i64: 50, 50>}, {pipeline_mode = #tpu.pipeline_mode<synchronous>, transform_indices = @transform_8, window_bounds = array<i64: 50, 1>}, {pipeline_mode = #tpu.pipeline_mode<synchronous>, transform_indices = @transform_9, window_bounds = array<i64: 1, 50>}, {pipeline_mode = #tpu.pipeline_mode<synchronous>, transform_indices = @transform_10, window_bounds = array<i64: 1, 1>}, {pipeline_mode = #tpu.pipeline_mode<synchronous>, transform_indices = @transform_11, window_bounds = array<i64: 1, 1>}, {transform_indices = @transform_12, window_bounds = array<i64: 1, 1024>}]} {
    %get3A = arith.constant 0 : index
    %get3A_0 = arith.constant 0 : index
    %get3A_1 = vector.load %arg6[%get3A, %get3A_0] : memref<50x300xf32, #tpu.memory_space<vmem>>, vector<50x300xf32>
    %get3A_2 = arith.constant 0 : index
    %get3A_3 = arith.constant 0 : index
    %get3A_4 = vector.load %arg2[%get3A_2, %get3A_3] : memref<300x1024xf32, #tpu.memory_space<vmem>>, vector<300x1024xf32>
    %dot_general3A = arith.constant dense<0.000000e+00> : vector<50x1024xf32>
    %dot_general3A_5 = tpu.matmul %get3A_1, %get3A_4, %dot_general3A {dimension_numbers = #tpu.dot_dimension_numbers<[1], [0], [0], [1], [0, 0, 1, 1], [], []>, transpose_lhs_hint = false} : vector<50x300xf32>, vector<300x1024xf32>, vector<50x1024xf32> -> vector<50x1024xf32>
    %get3A_6 = arith.constant 0 : index
    %get3A_7 = arith.constant 0 : index
    %get3A_8 = vector.load %arg7[%get3A_6, %get3A_7] : memref<50x1xf32, #tpu.memory_space<vmem>>, vector<50x1xf32>
    %add3A = vector.broadcast %get3A_8 : vector<50x1xf32> to vector<50x1024xf32>
    %add3A_9 = arith.addf %dot_general3A_5, %add3A : vector<50x1024xf32>
    %get3A_10 = arith.constant 0 : index
    %get3A_11 = arith.constant 0 : index
    %get3A_12 = vector.load %arg4[%get3A_10, %get3A_11] : memref<50x50xf32, #tpu.memory_space<vmem>>, vector<50x50xf32>
    %get3A_13 = arith.constant 0 : index
    %get3A_14 = arith.constant 0 : index
    %get3A_15 = vector.load %arg1[%get3A_13, %get3A_14] : memref<50x1024xf32, #tpu.memory_space<vmem>>, vector<50x1024xf32>
    %dot_general3A_16 = arith.constant dense<0.000000e+00> : vector<50x1024xf32>
    %dot_general3A_17 = tpu.matmul %get3A_12, %get3A_15, %dot_general3A_16 {dimension_numbers = #tpu.dot_dimension_numbers<[1], [0], [0], [1], [0, 0, 1, 1], [], []>, transpose_lhs_hint = false} : vector<50x50xf32>, vector<50x1024xf32>, vector<50x1024xf32> -> vector<50x1024xf32>
    %mul3A = arith.mulf %dot_general3A_17, %add3A_9 : vector<50x1024xf32>
    %reduce_sum3A = arith.constant dense<0.000000e+00> : vector<1024xf32>
    %reduce_sum3A_18 = vector.multi_reduction <add>, %mul3A, %reduce_sum3A [0] : vector<50x1024xf32> to vector<1024xf32>
    %broadcast_in_dim3A = vector.shape_cast %reduce_sum3A_18 : vector<1024xf32> to vector<1x1024xf32>
    %get3A_19 = arith.constant 0 : index
    %get3A_20 = arith.constant 0 : index
    %get3A_21 = vector.load %arg12[%get3A_19, %get3A_20] : memref<1x1xf32, #tpu.memory_space<vmem>>, vector<1x1xf32>
    %get3A_22 = vector.extract %get3A_21[0, 0] : f32 from vector<1x1xf32>
    %add3A_23 = vector.broadcast %get3A_22 : f32 to vector<1x1024xf32>
    %add3A_24 = arith.addf %broadcast_in_dim3A, %add3A_23 : vector<1x1024xf32>
    %get3A_25 = arith.constant 0 : index
    %get3A_26 = arith.constant 0 : index
    %get3A_27 = arith.constant 0 : index
    %get3A_28 = vector.load %arg3[%get3A_25, %get3A_26, %get3A_27] : memref<50x32x1024xf32, #tpu.memory_space<vmem>>, vector<50x32x1024xf32>
    %get3A_29 = arith.constant 0 : index
    %get3A_30 = arith.constant 0 : index
    %get3A_31 = arith.constant 0 : index
    %get3A_32 = vector.load %arg5[%get3A_29, %get3A_30, %get3A_31] : memref<50x1x1xf32, #tpu.memory_space<vmem>>, vector<50x1x1xf32>
    %mul3A_33 = vector.broadcast %get3A_32 : vector<50x1x1xf32> to vector<50x32x1024xf32>
    %mul3A_34 = arith.mulf %get3A_28, %mul3A_33 : vector<50x32x1024xf32>
    %reduce_sum3A_35 = arith.constant dense<0.000000e+00> : vector<32x1024xf32>
    %reduce_sum3A_36 = vector.multi_reduction <add>, %mul3A_34, %reduce_sum3A_35 [0] : vector<50x32x1024xf32> to vector<32x1024xf32>
    %add3A_37 = vector.broadcast %add3A_24 : vector<1x1024xf32> to vector<32x1024xf32>
    %add3A_38 = arith.addf %reduce_sum3A_36, %add3A_37 : vector<32x1024xf32>
    %gt3A = arith.constant 0.000000e+00 : f32
    %gt3A_39 = vector.broadcast %gt3A : f32 to vector<32x1024xf32>
    %gt3A_40 = arith.cmpf ogt, %add3A_38, %gt3A_39 : vector<32x1024xf32>
    %mul3A_41 = arith.constant 2.000000e-01 : f32
    %mul3A_42 = vector.broadcast %mul3A_41 : f32 to vector<32x1024xf32>
    %mul3A_43 = arith.mulf %mul3A_42, %add3A_38 : vector<32x1024xf32>
    %select_n3A = arith.select %gt3A_40, %add3A_38, %mul3A_43 : vector<32x1024xi1>, vector<32x1024xf32>
    %exp3A = math.exp %select_n3A : vector<32x1024xf32>
    %reduce_sum3A_44 = arith.constant dense<0.000000e+00> : vector<1024xf32>
    %reduce_sum3A_45 = vector.multi_reduction <add>, %exp3A, %reduce_sum3A_44 [0] : vector<32x1024xf32> to vector<1024xf32>
    %broadcast_in_dim3A_46 = vector.shape_cast %reduce_sum3A_45 : vector<1024xf32> to vector<1x1024xf32>
    %add3A_47 = arith.constant 1.000000e-16 : f32
    %add3A_48 = vector.broadcast %add3A_47 : f32 to vector<1x1024xf32>
    %add3A_49 = arith.addf %broadcast_in_dim3A_46, %add3A_48 : vector<1x1024xf32>
    %div3A = vector.broadcast %add3A_49 : vector<1x1024xf32> to vector<32x1024xf32>
    %div3A_50 = arith.divf %exp3A, %div3A : vector<32x1024xf32>
    %broadcast_in_dim3A_51 = vector.shape_cast %div3A_50 : vector<32x1024xf32> to vector<1x32x1024xf32>
    %mul3A_52 = vector.broadcast %broadcast_in_dim3A_51 : vector<1x32x1024xf32> to vector<50x32x1024xf32>
    %mul3A_53 = arith.mulf %get3A_28, %mul3A_52 : vector<50x32x1024xf32>
    %reduce_sum3A_54 = arith.constant dense<0.000000e+00> : vector<50x1024xf32>
    %reduce_sum3A_55 = vector.multi_reduction <add>, %mul3A_53, %reduce_sum3A_54 [1] : vector<50x32x1024xf32> to vector<50x1024xf32>
    %get3A_56 = arith.constant 0 : index
    %get3A_57 = arith.constant 0 : index
    %get3A_58 = vector.load %arg8[%get3A_56, %get3A_57] : memref<50x50xf32, #tpu.memory_space<vmem>>, vector<50x50xf32>
    %dot_general3A_59 = arith.constant dense<0.000000e+00> : vector<50x1024xf32>
    %dot_general3A_60 = tpu.matmul %get3A_58, %reduce_sum3A_55, %dot_general3A_59 {dimension_numbers = #tpu.dot_dimension_numbers<[1], [0], [0], [1], [0, 0, 1, 1], [], []>, transpose_lhs_hint = false} : vector<50x50xf32>, vector<50x1024xf32>, vector<50x1024xf32> -> vector<50x1024xf32>
    %get3A_61 = arith.constant 0 : index
    %get3A_62 = arith.constant 0 : index
    %get3A_63 = vector.load %arg9[%get3A_61, %get3A_62] : memref<50x1xf32, #tpu.memory_space<vmem>>, vector<50x1xf32>
    %add3A_64 = vector.broadcast %get3A_63 : vector<50x1xf32> to vector<50x1024xf32>
    %add3A_65 = arith.addf %dot_general3A_60, %add3A_64 : vector<50x1024xf32>
    %gt3A_66 = arith.constant 0.000000e+00 : f32
    %gt3A_67 = vector.broadcast %gt3A_66 : f32 to vector<50x1024xf32>
    %gt3A_68 = arith.cmpf ogt, %add3A_65, %gt3A_67 : vector<50x1024xf32>
    %min3A = arith.constant 0.000000e+00 : f32
    %min3A_69 = vector.broadcast %min3A : f32 to vector<50x1024xf32>
    %min3A_70 = arith.minimumf %add3A_65, %min3A_69 : vector<50x1024xf32>
    %exp3A_71 = math.exp %min3A_70 : vector<50x1024xf32>
    %sub3A = arith.constant 1.000000e+00 : f32
    %sub3A_72 = vector.broadcast %sub3A : f32 to vector<50x1024xf32>
    %sub3A_73 = arith.subf %exp3A_71, %sub3A_72 : vector<50x1024xf32>
    %select_n3A_74 = arith.select %gt3A_68, %add3A_65, %sub3A_73 : vector<50x1024xi1>, vector<50x1024xf32>
    %get3A_75 = arith.constant 0 : index
    %get3A_76 = arith.constant 0 : index
    %get3A_77 = vector.load %arg10[%get3A_75, %get3A_76] : memref<1x50xf32, #tpu.memory_space<vmem>>, vector<1x50xf32>
    %dot_general3A_78 = arith.constant dense<0.000000e+00> : vector<1x1024xf32>
    %dot_general3A_79 = tpu.matmul %get3A_77, %select_n3A_74, %dot_general3A_78 {dimension_numbers = #tpu.dot_dimension_numbers<[1], [0], [0], [1], [0, 0, 1, 1], [], []>, transpose_lhs_hint = false} : vector<1x50xf32>, vector<50x1024xf32>, vector<1x1024xf32> -> vector<1x1024xf32>
    %get3A_80 = arith.constant 0 : index
    %get3A_81 = arith.constant 0 : index
    %get3A_82 = vector.load %arg11[%get3A_80, %get3A_81] : memref<1x1xf32, #tpu.memory_space<vmem>>, vector<1x1xf32>
    %add3A_83 = vector.broadcast %get3A_82 : vector<1x1xf32> to vector<1x1024xf32>
    %add3A_84 = arith.addf %dot_general3A_79, %add3A_83 : vector<1x1024xf32>
    %swap3A = arith.constant 0 : index
    %swap3A_85 = arith.constant 0 : index
    %swap3A_86 = vector.load %arg13[%swap3A, %swap3A_85] : memref<1x1024xf32, #tpu.memory_space<vmem>>, vector<1x1024xf32>
    tpu.vector_store %arg13[%swap3A, %swap3A_85], %add3A_84 {strides = array<i32>} : memref<1x1024xf32, #tpu.memory_space<vmem>>, vector<1x1024xf32>,
    return
  }
  func.func @transform_0(%arg0: i32) -> (i32, i32) {
    %add3A = arith.constant 4 : i32
    %add3A_0 = arith.addi %arg0, %add3A : i32
    %c0_i32 = arith.constant 0 : i32
    %c0_i32_1 = arith.constant 0 : i32
    return %c0_i32, %add3A_0 : i32, i32
  }
  func.func @transform_1(%arg0: i32) -> (i32, i32) {
    %add3A = arith.constant 4 : i32
    %add3A_0 = arith.addi %arg0, %add3A : i32
    %c0_i32 = arith.constant 0 : i32
    %c0_i32_1 = arith.constant 0 : i32
    return %c0_i32, %add3A_0 : i32, i32
  }
  func.func @transform_2(%arg0: i32) -> (i32, i32, i32) {
    %add3A = arith.constant 4 : i32
    %add3A_0 = arith.addi %arg0, %add3A : i32
    %c0_i32 = arith.constant 0 : i32
    %c0_i32_1 = arith.constant 0 : i32
    %c0_i32_2 = arith.constant 0 : i32
    return %c0_i32, %c0_i32_1, %add3A_0 : i32, i32, i32
  }
  func.func @transform_3(%arg0: i32) -> (i32, i32) {
    %c0_i32 = arith.constant 0 : i32
    %c0_i32_0 = arith.constant 0 : i32
    %c0_i32_1 = arith.constant 0 : i32
    return %c0_i32, %c0_i32_0 : i32, i32
  }
  func.func @transform_4(%arg0: i32) -> (i32, i32, i32) {
    %c0_i32 = arith.constant 0 : i32
    %c0_i32_0 = arith.constant 0 : i32
    %c0_i32_1 = arith.constant 0 : i32
    %c0_i32_2 = arith.constant 0 : i32
    return %c0_i32, %c0_i32_0, %c0_i32_1 : i32, i32, i32
  }
  func.func @transform_5(%arg0: i32) -> (i32, i32) {
    %c0_i32 = arith.constant 0 : i32
    %c0_i32_0 = arith.constant 0 : i32
    %c0_i32_1 = arith.constant 0 : i32
    return %c0_i32, %c0_i32_0 : i32, i32
  }
  func.func @transform_6(%arg0: i32) -> (i32, i32) {
    %c0_i32 = arith.constant 0 : i32
    %c0_i32_0 = arith.constant 0 : i32
    %c0_i32_1 = arith.constant 0 : i32
    return %c0_i32, %c0_i32_0 : i32, i32
  }
  func.func @transform_7(%arg0: i32) -> (i32, i32) {
    %c0_i32 = arith.constant 0 : i32
    %c0_i32_0 = arith.constant 0 : i32
    %c0_i32_1 = arith.constant 0 : i32
    return %c0_i32, %c0_i32_0 : i32, i32
  }
  func.func @transform_8(%arg0: i32) -> (i32, i32) {
    %c0_i32 = arith.constant 0 : i32
    %c0_i32_0 = arith.constant 0 : i32
    %c0_i32_1 = arith.constant 0 : i32
    return %c0_i32, %c0_i32_0 : i32, i32
  }
  func.func @transform_9(%arg0: i32) -> (i32, i32) {
    %c0_i32 = arith.constant 0 : i32
    %c0_i32_0 = arith.constant 0 : i32
    %c0_i32_1 = arith.constant 0 : i32
    return %c0_i32, %c0_i32_0 : i32, i32
  }
  func.func @transform_10(%arg0: i32) -> (i32, i32) {
    %c0_i32 = arith.constant 0 : i32
    %c0_i32_0 = arith.constant 0 : i32
    %c0_i32_1 = arith.constant 0 : i32
    return %c0_i32, %c0_i32_0 : i32, i32
  }
  func.func @transform_11(%arg0: i32) -> (i32, i32) {
    %c0_i32 = arith.constant 0 : i32
    %c0_i32_0 = arith.constant 0 : i32
    %c0_i32_1 = arith.constant 0 : i32
    return %c0_i32, %c0_i32_0 : i32, i32
  }
  func.func @transform_12(%arg0: i32) -> (i32, i32) {
    %c0_i32 = arith.constant 0 : i32
    %c0_i32_0 = arith.constant 0 : i32
    return %c0_i32, %arg0 : i32, i32
  }
}

module attributes {stable_mosaic.version = 14 : i64} {
  func.func @_tc2_body(%arg0: i32, %arg1: memref<64x1024xf32, #tpu.memory_space<vmem>>, %arg2: memref<50x50xf32, #tpu.memory_space<vmem>>, %arg3: memref<50x1xf32, #tpu.memory_space<vmem>>, %arg4: memref<1x50xf32, #tpu.memory_space<vmem>>, %arg5: memref<1x1xf32, #tpu.memory_space<vmem>>, %arg6: memref<1x1024xf32, #tpu.memory_space<vmem>>) attributes {dimension_semantics = [#tpu.dimension_semantics<arbitrary>], iteration_bounds = array<i64: 4>, scalar_prefetch = 0 : i64, scratch_operands = 0 : i64, tpu.core_type = #tpu.core_type<tc>, window_params = [{transform_indices = @transform_0, window_bounds = array<i64: 64, 1024>}, {pipeline_mode = #tpu.pipeline_mode<synchronous>, transform_indices = @transform_1, window_bounds = array<i64: 50, 50>}, {pipeline_mode = #tpu.pipeline_mode<synchronous>, transform_indices = @transform_2, window_bounds = array<i64: 50, 1>}, {pipeline_mode = #tpu.pipeline_mode<synchronous>, transform_indices = @transform_3, window_bounds = array<i64: 1, 50>}, {pipeline_mode = #tpu.pipeline_mode<synchronous>, transform_indices = @transform_4, window_bounds = array<i64: 1, 1>}, {transform_indices = @transform_5, window_bounds = array<i64: 1, 1024>}]} {
    %get3A = arith.constant 0 : index
    %get3A_0 = arith.constant 0 : index
    %get3A_1 = vector.load %arg1[%get3A, %get3A_0] : memref<64x1024xf32, #tpu.memory_space<vmem>>, vector<64x1024xf32>
    %slice3A = vector.extract_strided_slice %get3A_1 {offsets = [0, 0], sizes = [50, 1024], strides = [1, 1]} : vector<64x1024xf32> to vector<50x1024xf32>
    %slice3A_2 = vector.extract_strided_slice %get3A_1 {offsets = [63, 0], sizes = [1, 1024], strides = [1, 1]} : vector<64x1024xf32> to vector<1x1024xf32>
    %add3A = arith.constant 1.000000e-16 : f32
    %add3A_3 = vector.broadcast %add3A : f32 to vector<1x1024xf32>
    %add3A_4 = arith.addf %slice3A_2, %add3A_3 : vector<1x1024xf32>
    %div3A = vector.broadcast %add3A_4 : vector<1x1024xf32> to vector<50x1024xf32>
    %div3A_5 = arith.divf %slice3A, %div3A : vector<50x1024xf32>
    %get3A_6 = arith.constant 0 : index
    %get3A_7 = arith.constant 0 : index
    %get3A_8 = vector.load %arg2[%get3A_6, %get3A_7] : memref<50x50xf32, #tpu.memory_space<vmem>>, vector<50x50xf32>
    %dot_general3A = arith.constant dense<0.000000e+00> : vector<50x1024xf32>
    %dot_general3A_9 = tpu.matmul %get3A_8, %div3A_5, %dot_general3A {dimension_numbers = #tpu.dot_dimension_numbers<[1], [0], [0], [1], [0, 0, 1, 1], [], []>, transpose_lhs_hint = false} : vector<50x50xf32>, vector<50x1024xf32>, vector<50x1024xf32> -> vector<50x1024xf32>
    %get3A_10 = arith.constant 0 : index
    %get3A_11 = arith.constant 0 : index
    %get3A_12 = vector.load %arg3[%get3A_10, %get3A_11] : memref<50x1xf32, #tpu.memory_space<vmem>>, vector<50x1xf32>
    %add3A_13 = vector.broadcast %get3A_12 : vector<50x1xf32> to vector<50x1024xf32>
    %add3A_14 = arith.addf %dot_general3A_9, %add3A_13 : vector<50x1024xf32>
    %gt3A = arith.constant 0.000000e+00 : f32
    %gt3A_15 = vector.broadcast %gt3A : f32 to vector<50x1024xf32>
    %gt3A_16 = arith.cmpf ogt, %add3A_14, %gt3A_15 : vector<50x1024xf32>
    %min3A = arith.constant 0.000000e+00 : f32
    %min3A_17 = vector.broadcast %min3A : f32 to vector<50x1024xf32>
    %min3A_18 = arith.minimumf %add3A_14, %min3A_17 : vector<50x1024xf32>
    %exp3A = math.exp %min3A_18 : vector<50x1024xf32>
    %sub3A = arith.constant 1.000000e+00 : f32
    %sub3A_19 = vector.broadcast %sub3A : f32 to vector<50x1024xf32>
    %sub3A_20 = arith.subf %exp3A, %sub3A_19 : vector<50x1024xf32>
    %select_n3A = arith.select %gt3A_16, %add3A_14, %sub3A_20 : vector<50x1024xi1>, vector<50x1024xf32>
    %get3A_21 = arith.constant 0 : index
    %get3A_22 = arith.constant 0 : index
    %get3A_23 = vector.load %arg4[%get3A_21, %get3A_22] : memref<1x50xf32, #tpu.memory_space<vmem>>, vector<1x50xf32>
    %dot_general3A_24 = arith.constant dense<0.000000e+00> : vector<1x1024xf32>
    %dot_general3A_25 = tpu.matmul %get3A_23, %select_n3A, %dot_general3A_24 {dimension_numbers = #tpu.dot_dimension_numbers<[1], [0], [0], [1], [0, 0, 1, 1], [], []>, transpose_lhs_hint = false} : vector<1x50xf32>, vector<50x1024xf32>, vector<1x1024xf32> -> vector<1x1024xf32>
    %get3A_26 = arith.constant 0 : index
    %get3A_27 = arith.constant 0 : index
    %get3A_28 = vector.load %arg5[%get3A_26, %get3A_27] : memref<1x1xf32, #tpu.memory_space<vmem>>, vector<1x1xf32>
    %add3A_29 = vector.broadcast %get3A_28 : vector<1x1xf32> to vector<1x1024xf32>
    %add3A_30 = arith.addf %dot_general3A_25, %add3A_29 : vector<1x1024xf32>
    %swap3A = arith.constant 0 : index
    %swap3A_31 = arith.constant 0 : index
    %swap3A_32 = vector.load %arg6[%swap3A, %swap3A_31] : memref<1x1024xf32, #tpu.memory_space<vmem>>, vector<1x1024xf32>
    tpu.vector_store %arg6[%swap3A, %swap3A_31], %add3A_30 {strides = array<i32>} : memref<1x1024xf32, #tpu.memory_space<vmem>>, vector<1x1024xf32>,
    return
  }
  func.func @transform_0(%arg0: i32) -> (i32, i32) {
    %c0_i32 = arith.constant 0 : i32
    %c0_i32_0 = arith.constant 0 : i32
    return %c0_i32, %arg0 : i32, i32
  }
  func.func @transform_1(%arg0: i32) -> (i32, i32) {
    %c0_i32 = arith.constant 0 : i32
    %c0_i32_0 = arith.constant 0 : i32
    %c0_i32_1 = arith.constant 0 : i32
    return %c0_i32, %c0_i32_0 : i32, i32
  }
  func.func @transform_2(%arg0: i32) -> (i32, i32) {
    %c0_i32 = arith.constant 0 : i32
    %c0_i32_0 = arith.constant 0 : i32
    %c0_i32_1 = arith.constant 0 : i32
    return %c0_i32, %c0_i32_0 : i32, i32
  }
  func.func @transform_3(%arg0: i32) -> (i32, i32) {
    %c0_i32 = arith.constant 0 : i32
    %c0_i32_0 = arith.constant 0 : i32
    %c0_i32_1 = arith.constant 0 : i32
    return %c0_i32, %c0_i32_0 : i32, i32
  }
  func.func @transform_4(%arg0: i32) -> (i32, i32) {
    %c0_i32 = arith.constant 0 : i32
    %c0_i32_0 = arith.constant 0 : i32
    %c0_i32_1 = arith.constant 0 : i32
    return %c0_i32, %c0_i32_0 : i32, i32
  }
  func.func @transform_5(%arg0: i32) -> (i32, i32) {
    %c0_i32 = arith.constant 0 : i32
    %c0_i32_0 = arith.constant 0 : i32
    return %c0_i32, %arg0 : i32, i32
  }
}

</mosaic_0001>

<sc_bundles>
// kernel: kernel.6.cloned.1.call-start
scs
__scs_entry_jumppad:
0x0: {  	(pc) =	sbr.rel $0x88, $3  }
0x1: {  	(tag) =	ssettag $0x0;
	lr =	simm.s32 $0x1  }
0x2: {  	[smem:$0x3F94] =	sst lr;
	_ =	strace $0xD0000000  }
0x3: {  	_ = 	snop  }
0x4: {  	_ = 	snop  }
0x5: {  	_ = 	snop  }
0x6: {  	_ = 	snop  }
0x7: {  	_ = 	snop  }
__scs_overlays_trampoline_lowered:
0x8: {  	[smem:$0x3FA3] =	sst s0  }
0x9: {  	[smem:$0x3FA4] =	sst s1  }
0xa: {  	[smem:$0x3FA5] =	sst s2  }
0xb: {  	[smem:$0x3FA6] =	sst s3  }
0xc: {  	[smem:$0x3FA7] =	sst s4  }
0xd: {  	[smem:$0x3FA8] =	sst s5  }
0xe: {  	[smem:$0x3FA9] =	sst s6  }
0xf: {  	[smem:$0x3FAA] =	sst s7  }
0x10: {  	[smem:$0x3FAB] =	sst s8  }
0x11: {  	[smem:$0x3FAC] =	sst s9;
	s0 =	simm.s32 @!p0 $0x0  }
0x12: {  	s1 =	sld [smem:$0x3F92];
	s0 =	simm.s32 @p0 $0x1  }
0x13: {  	[smem:$0x3FAD] =	sst s0;
	s0 =	simm.s32 @!p1 $0x0  }
0x14: {  	s2 =	sld [smem:$0x3F91];
	s0 =	simm.s32 @p1 $0x1  }
0x15: {  	[smem:$0x3FAE] =	sst s0;
	s0 =	simm.s32 @!p2 $0x0  }
0x16: {  	s3 =	sld [smem:$0x3FDB];
	s0 =	simm.s32 @p2 $0x1  }
0x17: {  	s4 =	simm.s32 $0x1BF5;
	[smem:$0x3FB0] =	sst s0  }
0x18: {  	s0 =	sld [smem:$0x3F93];
	_ =	swait.ge [sflag:s4], $0x0  }
0x19: {  	s7 =	sld [smem:$0x3F94]  }
0x1a: {  	s8 =	sadd.s32 $0xFFFFE003, lr  }
0x1b: {  	s9 =	sadd.s32 $0xFFFFFEF7, lr;
	s5 =	simm.s32 $0xFFFFFFFF;
	p2 =	slt.u32 s8, $0xFFFFF086  }
0x1c: {  	p1 =	slt.u32 s9, $0xF7A;
	s5 =	simm.s32 @!p2 $0x0  }
0x1d: {  	s5 =	simm.s32 @p1 $0x1;
	p0 =	seq.s32 s7, s2  }
0x1e: {  	s7 =	smul.u32 @!p0 $0xF7A, s2;
	p2 =	seq.s32 @!p0 s5, $0x0  }
0x1f: {  	s9 =	smul.u32 $0xF7A, s1;
	s8 =	simm.s32 @!p0 $0x1BF5;
	p2 =	por !p2, p0  }
0x20: {  	[sflag:s8] =	ssyncset.s32 @!p0 $0xFFFFF086;
	s6 =	sadd.s32 @!p0 s3, s7;
	s7 =	simm.s32 @!p0 $0x108  }
0x21: {  	s3 =	sadd.s32 s3, s9;
	s6 =	sadd.s32 @!p0 $0x88, s6;
	s7 =	simm.s32 @p2 $0x1082  }
0x22: {  	[simem:s7], [sflag:s8] =	dma.local @!p0 [hbm:s6], $0xF7A  }
0x23: {  	s9 =	sor.u32 $0xD0000000, s2;
	s6 =	simm.s32 $0x108;
	_ =	swait.ge @!p0 [sflag:s8], $0x0  }
0x24: {  	s3 =	sadd.s32 $0x88, s3;
	s6 =	simm.s32 @!p1 $0x1082;
	[sflag:s4] =	ssyncset.s32 $0xFFFFF086  }
0x25: {  	[simem:s6], [sflag:s4] =	dma.local [hbm:s3], $0xF7A  }
0x26: {  	[smem:$0x3F94] =	sst s1;
	(tag) =	ssettag s2;
	_ =	strace s9  }
0x27: {  	s1 =	sld [smem:$0x3FA4]  }
0x28: {  	s2 =	sld [smem:$0x3FA5]  }
0x29: {  	s4 =	sld [smem:$0x3FA7]  }
0x2a: {  	p0 =	seq.s32 s5, $0x0;
	s5 =	sld [smem:$0x3FA8]  }
0x2b: {  	s6 =	sld [smem:$0x3FA9]  }
0x2c: {  	s7 =	sld [smem:$0x3FAA]  }
0x2d: {  	s3 =	simm.s32 $0x108;
	s8 =	sld [smem:$0x3FAB]  }
0x2e: {  	s3 =	simm.s32 @!p0 $0x1082;
	s9 =	sld [smem:$0x3FAC]  }
0x2f: {  	lr =	sadd.s32 s0, s3;
	s0 =	sld [smem:$0x3FA3]  }
0x30: {  	s3 =	sld [smem:$0x3FA6]  }
0x31: {  	[smem:$0x3FAF] =	sst s10  }
0x32: {  	s10 =	sld [smem:$0x3FAD];
	_ =	sdelay $0x3  }
0x33: {  	p0 =	seq.s32 s10, $0x1;
	s10 =	sld [smem:$0x3FAF];
	_ =	sdelay $0x3  }
0x34: {  	[smem:$0x3FAF] =	sst s10  }
0x35: {  	s10 =	sld [smem:$0x3FAE];
	_ =	sdelay $0x3  }
0x36: {  	p1 =	seq.s32 s10, $0x1;
	s10 =	sld [smem:$0x3FAF];
	_ =	sdelay $0x3  }
0x37: {  	[smem:$0x3FAF] =	sst s10  }
0x38: {  	s10 =	sld [smem:$0x3FB0]  }
0x39: {  	_ = 	snop;
	(pc) =	sbr.ind lr, $3  }
0x3a: {  	_ = 	snop  }
0x3b: {  	_ = 	snop  }
0x3c: {  	p2 =	seq.s32 s10, $0x1;
	s10 =	sld [smem:$0x3FAF]  }
0x3d: {  	_ =	shalt  }
0x3e: {  	_ =	shalt  }
0x3f: {  	_ =	shalt  }
0x40: {  	_ =	shalt  }
0x41: {  	_ =	shalt  }
0x42: {  	_ =	shalt  }
0x43: {  	_ =	shalt  }
0x44: {  	_ =	shalt  }
0x45: {  	_ =	shalt  }
0x46: {  	_ =	shalt  }
0x47: {  	_ =	shalt  }
0x48: {  	_ =	shalt  }
0x49: {  	_ =	shalt  }
0x4a: {  	_ =	shalt  }
0x4b: {  	_ =	shalt  }
0x4c: {  	_ =	shalt  }
0x4d: {  	_ =	shalt  }
0x4e: {  	_ =	shalt  }
0x4f: {  	_ =	shalt  }
0x50: {  	_ =	shalt  }
0x51: {  	_ =	shalt  }
0x52: {  	_ =	shalt  }
0x53: {  	_ =	shalt  }
0x54: {  	_ =	shalt  }
0x55: {  	_ =	shalt  }
0x56: {  	_ =	shalt  }
0x57: {  	_ =	shalt  }
0x58: {  	_ =	shalt  }
0x59: {  	_ =	shalt  }
0x5a: {  	_ =	shalt  }
0x5b: {  	_ =	shalt  }
0x5c: {  	_ =	shalt  }
0x5d: {  	_ =	shalt  }
0x5e: {  	_ =	shalt  }
0x5f: {  	_ =	shalt  }
0x60: {  	_ =	shalt  }
0x61: {  	_ =	shalt  }
0x62: {  	_ =	shalt  }
0x63: {  	_ =	shalt  }
0x64: {  	_ =	shalt  }
0x65: {  	_ =	shalt  }
0x66: {  	_ =	shalt  }
0x67: {  	_ =	shalt  }
0x68: {  	_ =	shalt  }
0x69: {  	_ =	shalt  }
0x6a: {  	_ =	shalt  }
0x6b: {  	_ =	shalt  }
0x6c: {  	_ =	shalt  }
0x6d: {  	_ =	shalt  }
0x6e: {  	_ =	shalt  }
0x6f: {  	_ =	shalt  }
0x70: {  	_ =	shalt  }
0x71: {  	_ =	shalt  }
0x72: {  	_ =	shalt  }
0x73: {  	_ =	shalt  }
0x74: {  	_ =	shalt  }
0x75: {  	_ =	shalt  }
0x76: {  	_ =	shalt  }
0x77: {  	_ =	shalt  }
0x78: {  	_ =	shalt  }
0x79: {  	_ =	shalt  }
0x7a: {  	_ =	shalt  }
0x7b: {  	_ =	shalt  }
0x7c: {  	_ =	shalt  }
0x7d: {  	_ =	shalt  }
0x7e: {  	_ =	shalt  }
0x7f: {  	_ =	shalt  }
0x80: {  	_ =	shalt  }
0x81: {  	_ =	shalt  }
0x82: {  	_ =	shalt  }
0x83: {  	_ =	shalt  }
0x84: {  	_ =	shalt  }
0x85: {  	_ =	shalt  }
0x86: {  	_ =	shalt  }
0x87: {  	_ =	shalt  }
.Lfunc_end0:
.L_simem_size_0:
called_computation_lowered:
.L_overlay_start_0:
0x88: {  	s2 =	sld [smem:$0x3FD9]  }
0x89: {  	s3 =	sld [smem:$0x3FFE];
	_ =	sdelay $0x1  }
0x8a: {  	s1 =	srdreg.scid  }
0x8b: {  	s0 =	sand.u32 $0x1, s1  }
0x8c: {  	s17 =	sshll.u32 s0, $0xA;
	s2 =	sadd.s32 s3, s2  }
0x8d: {  	s2 =	sadd.s32 s2, s17  }
0x8e: {  	[smem:$0x3FBB] =	sst s2  }
0x8f: {  	_ = 	snop  }
0x90: {  	s2 =	sld [smem:$0x3FC7]  }
0x91: {  	s18 =	sld [smem:$0x3FD0];
	(tm) =	ssettm $0x1  }
0x92: {  	s4 =	sld [smem:$0x3FFB];
	_ =	sdelay $0x3  }
0x93: {  	_ =	strace s4  }
0x94: {  	s4 =	sld [smem:$0x3FFC];
	_ =	sdelay $0x3  }
0x95: {  	_ =	strace s4  }
0x96: {  	s4 =	sld [smem:$0x3FFD];
	_ =	sdelay $0x3  }
0x97: {  	_ =	strace s4  }
0x98: {  	_ =	strace $0x8FFFFFFF  }
0x99: {  	s19 =	sld [smem:$0x3FDB];
	_ =	sdelay $0x1  }
0x9a: {  	s5 =	simm.s32 $_scs_section_size  }
0x9b: {  	s6 =	simm.s32 $_size__tile_overlayer_lowered;
	s7 =	simm.s32 $_tile_overlayer_lowered  }
0x9c: {  	s22 =	simm.s32 $0x1BFF;
	s21 =	sshll.u32 s7, $0x1;
	s4 =	sadd.s32 s5, s19  }
0x9d: {  	s8 =	simm.s32 $0x0;
	s20 =	sshll.u32 s6, $0x1;
	s6 =	sadd.s32 s21, s4  }
0x9e: {  	[timem:s8], [sflag:s22] =	dma.local [hbm:s6], s20  }
0x9f: {  	_ =	swait.ge [sflag:s22], s20  }
0xa0: {  	s5 =	ssub.s32 $0x0, s20;
	[sflag:s22] =	ssyncset.done $0x0  }
0xa1: {  	[sflag:s22] =	ssyncadd.s32 s5;
	_ =	sdelay $0x1  }
0xa2: {  	s23 =	simm.s32 $0x1B8B  }
0xa3: {  	_ =	swait.ge [sflag:s23], $0x1  }
0xa4: {  	[sflag:s23] =	ssyncset.done $0x0  }
0xa5: {  	s25 =	simm.s32 $0x1B8E;
	s24 =	sld [smem:$0x3FFE];
	[sflag:s23] =	ssyncadd.s32 $0xFFFFFFFF  }
0xa6: {  	s26 =	simm.s32 $execute0_lowered;
	[smem:$0x3FD2] =	sst s25  }
0xa7: {  	s6 =	sshll.u32 s26, $0x1;
	_ =	strace $0x80000046;
	[dreg:$0x1] =	wrdreg $0xFFFFFFFF  }
0xa8: {  	s28 =	simm.s32 $_size_execute0_lowered;
	s4 =	sadd.s32 s4, s6;
	[dreg:$0x0] =	wrdreg $0x0  }
0xa9: {  	s6 =	sshll.u32 s28, $0x1;
	[dreg:$0x2] =	wrdreg s4  }
0xaa: {  	[dreg:$0x3] =	wrdreg s6  }
0xab: {  	[dreg:$0x4] =	wrdreg $0xC0  }
0xac: {  	_ =	task [dreg:s8], $0x5FFFF  }
0xad: {  	[dreg:$0x1] =	wrdreg $0xFFFFFFFF  }
0xae: {  	[dreg:$0x0] =	wrdreg $0x60  }
0xaf: {  	[dreg:$0x2] =	wrdreg s2  }
0xb0: {  	[dreg:$0x3] =	wrdreg s24  }
0xb1: {  	[dreg:$0x4] =	wrdreg s18  }
0xb2: {  	[dreg:$0x5] =	wrdreg $0x9  }
0xb3: {  	_ =	task.clear_ibuf [dreg:s8], $0x6FFFF;
	_ =	strace $0x90000046  }
0xb4: {  	s29 =	simm.s32 $0x9;
	_ =	strace $0x80000048  }
0xb5: {  	_ =	swait.ge [sflag:s29], $0x1  }
0xb6: {  	[sflag:s29] =	ssyncadd.s32 $0xFFFFFFFF  }
0xb7: {  	_ =	strace $0x90000048  }
0xb8: {  	_ =	sfence  }
0xb9: {  	s30 =	sld [smem:$0x0];
	_ =	sdelay $0x2  }
0xba: {  	s31 =	sshll.u32 s1, $0xD;
	s1 =	sshrl.u32 s1, $0x2  }
0xbb: {  	s3 =	sand.u32 $0x4000, s31;
	s1 =	sadd.s32 s1, s30  }
0xbc: {  	s0 =	sor.u32 s3, s0;
	s1 =	sshll.u32 s1, $0x11  }
0xbd: {  	s0 =	sor.u32 s1, s0  }
0xbe: {  	s0 =	sadd.s32 $0x8F2B, s0  }
0xbf: {  	[sflag:s0] =	ssyncadd.remote.s32 $0x1  }
0xc0: {  	_ =	sfence.sel $0xFFFF  }
0xc1: {  	[dreg:$0x0] =	wrdreg $0xFFFFFFFF;
	(pc) =	sbr.abs _section_cstart, $3  }
0xc2: {  	[dreg:$0x1] =	wrdreg $0xFFFFFFFF  }
0xc3: {  	_ =	task.clear_ibuf [dreg:s8], $0x2FFFF;
	_ =	strace $0x9FFFFFFF  }
0xc4: {  	(tm) =	ssettm $0x7FFFFFFF  }
0xc5: {  	_ =	shalt  }
tec
execute0_lowered:
.L_overlay_start_1:
0x0: {  	(tag) =	ssettag $0x1  }
0x1: {  	s4 =	rddreg [dreg:$0x0]  }
0x2: {  	s5 =	rddreg [dreg:$0x1]  }
0x3: {  	s2 =	rddreg [dreg:$0x2]  }
0x4: {  	s0 =	rddreg [dreg:$0x3];
	s6 =	srdreg.scid  }
0x5: {  	s1 =	stileid.u32;
	s3 =	simm.s32 $0x0;
	s12 =	simm.s32 $0x1B000  }
0x6: {  	s13 =	simm.s32 $0x400;
	s14 =	simm.s32 $0x4F000;
	s15 =	simm.s32 $0x3  }
0x7: {  	s16 =	simm.s32 $0xC800;
	s17 =	simm.s32 $0x1;
	s18 =	simm.s32 $0x2  }
0x8: {  	s19 =	simm.s32 $0x8000;
	s20 =	simm.s32 $0x19000;
	s21 =	simm.s32 $0x4  }
0x9: {  	s6 =	sand.u32 $0x1, s6;
	s7 =	sshll.u32 s1, $0x1;
	[smem:$0x7FF] =	sst s3  }
0xa: {  	s22 =	simm.s32 $0x0;
	s7 =	sor.u32 s6, s7;
	_ =	strace $0x80000047  }
0xb: {  	s6 =	ssub.s32 $0x2, s6;
	s8 =	sshll.u32 s7, $0x4;
	s7 =	sshll.u32 s7, $0x7  }
0xc: {  	s9 =	sshrl.u32 s6, $0x1;
	s8 =	sadd.s32 s8, s5;
	s10 =	sadd.s32 s7, s5  }
0xd: {  	s11 =	ssub.s32 s6, s9;
	s4 =	sadd.s32 s4, s7;
	s5 =	sadd.s32 $0x2600, s8  }
0xe: {  	s6 =	sadd.s32 $0x2780, s4;
	s7 =	sadd.s32 $0x4F00, s4;
	s8 =	sadd.s32 $0x7680, s4  }
0xf: {  	s9 =	sadd.s32 $0x2800, s10;
	s10 =	smax.u32 s11, $0x1;
	s11 =	simm.s32 $0x1B080  }
.LBB2_1:
0x10: {  	[tilespmem:s11], [sflag:$0x3] =	stream.linear.gather [hbm4b:s2+s3], $0x2000, $0x38;
	[tilespmem:$0x1D080] =	vst v63  }
0x11: {  	_ = 	snop  }
0x12: {  	[tilespmem:s12], [sflag:$0x3] =	stream.linear.gather [hbm4b:s5+s3], $0x80, $0x38;
	[tilespmem:$0x1D080] =	vst v63  }
0x13: {  	_ = 	snop  }
0x14: {  	[tilespmem:s3], [sflag:$0x1] =	stream.strided.gather [hbm4b:s4+s13], $0xC800, s14, s13, $0x38;
	[tilespmem:$0x1D080] =	vst v63  }
0x15: {  	_ =	swait.ge [sflag:s15], $0x2000  }
0x16: {  	[sflag:s15] =	ssyncset.done $0x0  }
0x17: {  	[sflag:s15] =	ssyncadd.s32 $0xFFFFE000  }
0x18: {  	_ =	swait.ge [sflag:s15], $0x80  }
0x19: {  	[sflag:s15] =	ssyncset.done $0x0  }
0x1a: {  	[sflag:s15] =	ssyncadd.s32 $0xFFFFFF80  }
0x1b: {  	[tilespmem:s16], [sflag:$0x2] =	stream.strided.gather [hbm4b:s6+s13], $0xC800, s14, s13, $0x38;
	[tilespmem:$0x1D080] =	vst v63  }
0x1c: {  	_ =	swait.ge [sflag:s17], $0xC800  }
0x1d: {  	s23 =	simm.s32 $0xA00;
	[sflag:s17] =	ssyncset.done $0x0  }
0x1e: {  	s24 =	simm.s32 $0x19000;
	s25 =	simm.s32 $0x0;
	[sflag:s17] =	ssyncadd.s32 $0xFFFF3800  }
.LBB2_2:
0x1f: {  	v0 =	vld [tilespmem:s23+$0x600]  }
0x20: {  	v3 =	vld [tilespmem:s23+$0x680]  }
0x21: {  	v4 =	vld [tilespmem:s23+$0x700]  }
0x22: {  	v6 =	vld [tilespmem:s23+$0x780]  }
0x23: {  	v7 =	vld [tilespmem:s23+$0x800]  }
0x24: {  	v9 =	vld [tilespmem:s23+$0x880]  }
0x25: {  	v11 =	vld [tilespmem:s23+$0x200]  }
0x26: {  	v12 =	vld [tilespmem:s23+$0x280]  }
0x27: {  	v16 =	vld [tilespmem:s23+$0x300]  }
0x28: {  	v18 =	vld [tilespmem:s23+$0x380]  }
0x29: {  	v19 =	vld [tilespmem:s23+$0x400]  }
0x2a: {  	v20 =	vld [tilespmem:s23+$0x480]  }
0x2b: {  	v21 =	vld [tilespmem:s23+$0xFFFFFE00]  }
0x2c: {  	v26 =	vld [tilespmem:s23+$0xFFFFFE80]  }
0x2d: {  	v27 =	vld [tilespmem:s23+$0xFFFFFF00]  }
0x2e: {  	v28 =	vld [tilespmem:s23+$0xFFFFFF80]  }
0x2f: {  	s26 =	simm.s32 $0x200;
	v32 =	vld [tilespmem:s23+$0xFFFFFA00]  }
0x30: {  	v1 =	vld [tilespmem:s26+$0x1B080]  }
0x31: {  	v33 =	vld [tilespmem:s23+$0xFFFFFA80]  }
0x32: {  	v34 =	vld [tilespmem:s23+$0xFFFFF680]  }
0x33: {  	v2 =	vld [tilespmem:s26+$0x1B000]  }
0x34: {  	v35 =	vld [tilespmem:s23+$0xFFFFF700]  }
0x35: {  	v5 =	vld [tilespmem:s26+$0x1AF80];
	v15 =	vmul.f32 v0, v1  }
0x36: {  	v8 =	vld [tilespmem:s26+$0x1AF00];
	v13 =	vmul.f32 v3, v1;
	v14 =	vmul.f32 v4, v1  }
0x37: {  	v17 =	vld [tilespmem:s26+$0x1AE80];
	v10 =	vmul.f32 v6, v1;
	v4 =	vmul.f32 v7, v1  }
0x38: {  	v0 =	vld [tilespmem:s23+$0xFFFFF600];
	v3 =	vmul.f32 v9, v1;
	v25 =	vmul.f32 v11, v2  }
0x39: {  	v23 =	vmul.f32 v12, v2;
	v24 =	vmul.f32 v16, v2;
	v11 =	vld [tilespmem:s23+$0xFFFFF780]  }
0x3a: {  	v22 =	vmul.f32 v18, v2;
	v6 =	vmul.f32 v19, v2;
	v12 =	vld [tilespmem:s23+$0xFFFFFB00]  }
0x3b: {  	v7 =	vmul.f32 v20, v2;
	v31 =	vmul.f32 v21, v5;
	v16 =	vld [tilespmem:s23+$0xFFFFFB80]  }
0x3c: {  	v29 =	vmul.f32 v26, v5;
	v26 =	vld [tilespmem:s23+$0x0];
	v21 =	vmul.f32 v34, v17  }
0x3d: {  	v30 =	vmul.f32 v27, v5;
	v28 =	vmul.f32 v28, v5;
	v27 =	vld [tilespmem:s23+$0x80];
	v9 =	vimm.f32 $0.0e+00  }
0x3e: {  	v19 =	vmul.f32 v33, v8;
	v62 =	vmul.f32 v35, v17;
	v21 =	vadd.f32 v21, v9  }
0x3f: {  	v18 =	vmul.f32 v32, v8;
	v32 =	vld [tilespmem:s23+$0xFFFFFC00];
	v20 =	vmul.f32 v0, v17  }
0x40: {  	v33 =	vld [tilespmem:s23+$0xFFFFFC80];
	v34 =	vadd.f32 v62, v9;
	v21 =	vadd.f32 v19, v21;
	v11 =	vmul.f32 v11, v17  }
0x41: {  	v19 =	vld [tilespmem:s23+$0xFFFFF900];
	v12 =	vmul.f32 v12, v8;
	v16 =	vmul.f32 v16, v8;
	v63 =	vadd.f32 v20, v9  }
0x42: {  	v26 =	vmul.f32 v26, v5;
	v27 =	vmul.f32 v27, v5;
	v11 =	vadd.f32 v11, v9;
	v20 =	vld [tilespmem:s23+$0xFFFFF800]  }
0x43: {  	s26 =	sshll.u32 s25, $0x4;
	v36 =	vadd.f32 v12, v34;
	v12 =	vimm.f32 $0.0e+00;
	v35 =	vadd.f32 v18, v63;
	v18 =	vld [tilespmem:s23+$0xFFFFF880]  }
0x44: {  	s29 =	simm.s32 $0x1200;
	s28 =	smov.u32 s23;
	v0 =	vld [tilespmem:s26+$0x1B000];
	v34 =	vadd.f32 v16, v11;
	v16 =	vimm.f32 $0.0e+00;
	v11 =	vimm.f32 $0.0e+00  }
.LBB2_3:
0x45: {  	p0 =	sne.s32 s29, $0x6200;
	v37 =	vld [tilespmem:s28+$0xFFFFF980];
	v32 =	vmul.f32 v32, v8;
	v31 =	vadd.f32 v31, v35;
	v21 =	vadd.f32 v29, v21  }
0x46: {  	v29 =	vmul.f32 v33, v8;
	v33 =	vld [tilespmem:s28+$0xFFFFFD00];
	v30 =	vadd.f32 v30, v36;
	v28 =	vadd.f32 v28, v34  }
0x47: {  	v34 =	vmul.f32 v20, v17;
	v35 =	vld [tilespmem:s28+$0xFFFFFD80];
	v20 =	vadd.f32 v25, v31;
	v21 =	vadd.f32 v23, v21  }
0x48: {  	v23 =	vmul.f32 v18, v17;
	v25 =	vld [tilespmem:s28+$0x100];
	v24 =	vadd.f32 v24, v30;
	v22 =	vadd.f32 v22, v28  }
0x49: {  	v28 =	vmul.f32 v19, v17;
	v30 =	vld [tilespmem:s28+$0x180];
	v18 =	vadd.f32 v15, v20;
	v19 =	vadd.f32 v13, v21  }
0x4a: {  	v13 =	vmul.f32 v37, v17;
	v15 =	vld [tilespmem:s28+$0x500];
	v20 =	vadd.f32 v14, v24;
	v21 =	vadd.f32 v10, v22  }
0x4b: {  	v9 =	vadd.f32 v34, v9;
	v10 =	vadd.f32 v23, v16;
	v14 =	vmul.f32 v33, v8;
	v16 =	vld [tilespmem:s28+$0x580]  }
0x4c: {  	v11 =	vadd.f32 v28, v11;
	v12 =	vadd.f32 v13, v12;
	v8 =	vmul.f32 v35, v8;
	v13 =	vld [tilespmem:s28+$0x900]  }
0x4d: {  	v9 =	vadd.f32 v32, v9;
	v10 =	vadd.f32 v29, v10;
	v17 =	vmul.f32 v25, v5;
	v22 =	vld [tilespmem:s28+$0x980];
	s28 =	sadd.s32 $0x1400, s28  }
0x4e: {  	v11 =	vadd.f32 v14, v11;
	v23 =	vld [tilespmem:s28+$0x600];
	v8 =	vadd.f32 v8, v12;
	v5 =	vmul.f32 v30, v5  }
0x4f: {  	v9 =	vadd.f32 v26, v9;
	v10 =	vadd.f32 v27, v10;
	v14 =	vld [tilespmem:s28+$0x680];
	v12 =	vmul.f32 v15, v2  }
0x50: {  	v11 =	vadd.f32 v17, v11;
	v24 =	vld [tilespmem:s28+$0x700];
	v5 =	vadd.f32 v5, v8;
	v2 =	vmul.f32 v16, v2  }
0x51: {  	v6 =	vadd.f32 v6, v9;
	v7 =	vadd.f32 v7, v10;
	v17 =	vld [tilespmem:s28+$0x780];
	v8 =	vmul.f32 v13, v1  }
0x52: {  	v10 =	vadd.f32 v12, v11;
	v25 =	vld [tilespmem:s28+$0x800];
	v2 =	vadd.f32 v2, v5;
	v5 =	vmul.f32 v22, v1  }
0x53: {  	s30 =	sshra.s32 s29, $0x2;
	v9 =	vadd.f32 v4, v6;
	v16 =	vadd.f32 v3, v7;
	v22 =	vld [tilespmem:s28+$0x880]  }
0x54: {  	v11 =	vadd.f32 v8, v10;
	v1 =	vld [tilespmem:s30+$0x1B080];
	v12 =	vadd.f32 v5, v2  }
0x55: {  	v6 =	vld [tilespmem:s28+$0x200]  }
0x56: {  	v7 =	vld [tilespmem:s28+$0x280]  }
0x57: {  	v26 =	vld [tilespmem:s28+$0x300]  }
0x58: {  	v27 =	vld [tilespmem:s28+$0x380]  }
0x59: {  	v28 =	vld [tilespmem:s28+$0x400]  }
0x5a: {  	v29 =	vld [tilespmem:s28+$0x480]  }
0x5b: {  	v2 =	vld [tilespmem:s30+$0x1B000]  }
0x5c: {  	v30 =	vld [tilespmem:s28+$0xFFFFFE00]  }
0x5d: {  	v32 =	vld [tilespmem:s28+$0xFFFFFE80]  }
0x5e: {  	v33 =	vld [tilespmem:s28+$0xFFFFFF00]  }
0x5f: {  	v34 =	vld [tilespmem:s28+$0xFFFFFF80]  }
0x60: {  	v5 =	vld [tilespmem:s30+$0x1AF80]  }
0x61: {  	v35 =	vld [tilespmem:s28+$0xFFFFFA00]  }
0x62: {  	v36 =	vld [tilespmem:s28+$0xFFFFFA80]  }
0x63: {  	v15 =	vmul.f32 v23, v1;
	v13 =	vmul.f32 v14, v1;
	v8 =	vld [tilespmem:s30+$0x1AF00]  }
0x64: {  	v14 =	vmul.f32 v24, v1;
	v10 =	vmul.f32 v17, v1;
	v37 =	vld [tilespmem:s28+$0xFFFFF600]  }
0x65: {  	v4 =	vmul.f32 v25, v1;
	v3 =	vmul.f32 v22, v1;
	v38 =	vld [tilespmem:s28+$0xFFFFF680]  }
0x66: {  	v25 =	vmul.f32 v6, v2;
	v23 =	vmul.f32 v7, v2;
	v39 =	vld [tilespmem:s28+$0xFFFFF700]  }
0x67: {  	v24 =	vmul.f32 v26, v2;
	v22 =	vmul.f32 v27, v2;
	v17 =	vld [tilespmem:s30+$0x1AE80]  }
0x68: {  	v6 =	vmul.f32 v28, v2;
	v7 =	vmul.f32 v29, v2;
	v26 =	vld [tilespmem:s28+$0xFFFFF780]  }
0x69: {  	v31 =	vmul.f32 v30, v5;
	v29 =	vmul.f32 v32, v5;
	v27 =	vld [tilespmem:s28+$0xFFFFFB00]  }
0x6a: {  	v30 =	vmul.f32 v33, v5;
	v28 =	vmul.f32 v34, v5;
	v40 =	vld [tilespmem:s28+$0xFFFFFB80]  }
0x6b: {  	v34 =	vmul.f32 v35, v8;
	v36 =	vmul.f32 v36, v8;
	v41 =	vld [tilespmem:s28+$0x0]  }
0x6c: {  	v33 =	vmul.f32 v37, v17;
	v35 =	vmul.f32 v38, v17;
	v37 =	vld [tilespmem:s28+$0x80]  }
.Ltmp0:
0x6d: {  	v38 =	vmul.f32 v39, v17;
	v26 =	vmul.f32 v26, v17;
	v32 =	vld [tilespmem:s28+$0xFFFFFC00];
	(pc) =	sbr.rel @p0 .LBB2_3-.Ltmp0, $4  }
0x6e: {  	v39 =	vadd.f32 v33, v18;
	v19 =	vadd.f32 v35, v19;
	v27 =	vmul.f32 v27, v8;
	v33 =	vld [tilespmem:s28+$0xFFFFFC80]  }
0x6f: {  	v38 =	vadd.f32 v38, v20;
	v42 =	vadd.f32 v26, v21;
	v20 =	vld [tilespmem:s28+$0xFFFFF800];
	v40 =	vmul.f32 v40, v8  }
0x70: {  	v18 =	vld [tilespmem:s28+$0xFFFFF880];
	v35 =	vadd.f32 v34, v39;
	v21 =	vadd.f32 v36, v19;
	v26 =	vmul.f32 v41, v5  }
0x71: {  	s29 =	sadd.s32 $0xA00, s29;
	v36 =	vadd.f32 v27, v38;
	v19 =	vld [tilespmem:s28+$0xFFFFF900];
	v34 =	vadd.f32 v40, v42;
	v27 =	vmul.f32 v37, v5  }
0x72: {  	v31 =	vadd.f32 v31, v35  }
0x73: {  	v59 =	vld [tilespmem:s28+$0xFFFFF980];
	v32 =	vmul.f32 v32, v8;
	v21 =	vadd.f32 v29, v21;
	v60 =	vadd.f32 v30, v36  }
0x74: {  	v62 =	vld [tilespmem:s28+$0xFFFFFD00];
	v61 =	vmul.f32 v33, v8;
	v28 =	vadd.f32 v28, v34;
	v25 =	vadd.f32 v25, v31  }
0x75: {  	v63 =	vld [tilespmem:s28+$0xFFFFFD80];
	v20 =	vmul.f32 v20, v17;
	v21 =	vadd.f32 v23, v21;
	v29 =	vadd.f32 v24, v60  }
0x76: {  	v34 =	vld [tilespmem:s28+$0x100];
	v18 =	vmul.f32 v18, v17;
	v22 =	vadd.f32 v22, v28;
	v15 =	vadd.f32 v15, v25  }
0x77: {  	v38 =	vld [tilespmem:s28+$0x500];
	v19 =	vmul.f32 v19, v17;
	v13 =	vadd.f32 v13, v21;
	v9 =	vadd.f32 v20, v9  }
0x78: {  	v36 =	vld [tilespmem:s28+$0x180];
	v14 =	vadd.f32 v14, v29;
	v37 =	vmul.f32 v59, v17;
	v10 =	vadd.f32 v10, v22  }
0x79: {  	v40 =	vld [tilespmem:s28+$0x580];
	v16 =	vadd.f32 v18, v16;
	v39 =	vmul.f32 v62, v8;
	v11 =	vadd.f32 v19, v11  }
0x7a: {  	v41 =	vld [tilespmem:s28+$0x900];
	v8 =	vmul.f32 v63, v8;
	v9 =	vadd.f32 v32, v9;
	v12 =	vadd.f32 v37, v12  }
0x7b: {  	v43 =	vld [tilespmem:s28+$0x980];
	v42 =	vmul.f32 v34, v5;
	v16 =	vadd.f32 v61, v16;
	v11 =	vadd.f32 v39, v11  }
0x7c: {  	v45 =	vmul.f32 v38, v2;
	v9 =	vadd.f32 v26, v9;
	v8 =	vadd.f32 v8, v12  }
0x7d: {  	v5 =	vmul.f32 v36, v5;
	v44 =	vadd.f32 v27, v16;
	v11 =	vadd.f32 v42, v11  }
0x7e: {  	v2 =	vmul.f32 v40, v2;
	v6 =	vadd.f32 v6, v9;
	v9 =	vadd.f32 v15, v0  }
0x7f: {  	v5 =	vadd.f32 v5, v8;
	v7 =	vadd.f32 v7, v44;
	v8 =	vmul.f32 v41, v1  }
0x80: {  	v1 =	vmul.f32 v43, v1;
	v11 =	vadd.f32 v45, v11;
	v4 =	vadd.f32 v4, v6  }
0x81: {  	v6 =	vadd.f32 v13, v0;
	v2 =	vadd.f32 v2, v5;
	v5 =	vmul.f32 $2.000000030e-01, v9  }
0x82: {  	vm0 =	vgt.f32 v9, $0.0e+00;
	v3 =	vadd.f32 v3, v7;
	v7 =	vadd.f32 v8, v11  }
0x83: {  	v8 =	vmul.f32 $2.000000030e-01, v6;
	v5 =	vsel vm0, v9, v5;
	v9 =	vadd.f32 v14, v0  }
0x84: {  	vm9 =	vgt.f32 v6, $0.0e+00;
	v1 =	vadd.f32 v1, v2;
	v2 =	vmul.f32 $1.442695020e+00, v5  }
0x85: {  	v5 =	vsel vm9, v6, v8;
	v8 =	vadd.f32 v10, v0;
	v6 =	vmul.f32 $2.000000030e-01, v9  }
0x86: {  	vm10 =	vgt.f32 v9, $0.0e+00;
	(erf) = vpow2.f32 v2;
	v2 =	vmul.f32 $1.442695020e+00, v5  }
0x87: {  	v4 =	vadd.f32 v4, v0;
	v5 =	vsel vm10, v9, v6;
	v6 =	vmul.f32 $2.000000030e-01, v8  }
0x88: {  	vm11 =	vgt.f32 v8, $0.0e+00;
	(erf) = vpow2.f32 v2;
	v2 =	vmul.f32 $1.442695020e+00, v5  }
0x89: {  	v3 =	vadd.f32 v3, v0;
	v5 =	vsel vm11, v8, v6;
	v6 =	vmul.f32 $2.000000030e-01, v4  }
0x8a: {  	vm12 =	vgt.f32 v4, $0.0e+00;
	(erf) = vpow2.f32 v2;
	v2 =	vmul.f32 $1.442695020e+00, v5  }
0x8b: {  	v5 =	vmul.f32 $2.000000030e-01, v3;
	v4 =	vsel vm12, v4, v6;
	v6 =	vadd.f32 v7, v0  }
0x8c: {  	vm13 =	vgt.f32 v3, $0.0e+00;
	(erf) = vpow2.f32 v2;
	v2 =	vmul.f32 $1.442695020e+00, v4  }
0x8d: {  	v3 =	vsel vm13, v3, v5;
	v5 =	vadd.f32 v1, v0;
	v4 =	vmul.f32 $2.000000030e-01, v6  }
0x8e: {  	v1 =	vmul.f32 $1.442695020e+00, v3;
	vm14 =	vgt.f32 v6, $0.0e+00  }
0x8f: {  	(erf) = vpow2.f32 v2;
	v3 =	vmul.f32 $2.000000030e-01, v5;
	v2 =	vsel vm14, v6, v4  }
0x90: {  	vm15 =	vgt.f32 v5, $0.0e+00;
	v2 =	vmul.f32 $1.442695020e+00, v2  }
0x91: {  	v0 =	vpop (erf);
	v3 =	vsel vm15, v5, v3  }
0x92: {  	(erf) = vpow2.f32 v1;
	v1 =	vpop (erf);
	v3 =	vmul.f32 $1.442695020e+00, v3  }
0x93: {  	v4 =	vadd.f32 v1, v0  }
0x94: {  	(erf) = vpow2.f32 v2;
	v2 =	vpop (erf)  }
0x95: {  	v4 =	vadd.f32 v2, v4  }
0x96: {  	(erf) = vpow2.f32 v3;
	v3 =	vpop (erf)  }
0x97: {  	v5 =	vadd.f32 v3, v4;
	_ =	sdelay $0x1  }
0x98: {  	v4 =	vpop (erf)  }
0x99: {  	v6 =	vadd.f32 v4, v5  }
0x9a: {  	v5 =	vpop (erf)  }
0x9b: {  	v7 =	vadd.f32 v5, v6;
	_ =	sdelay $0x1  }
0x9c: {  	v6 =	vpop (erf)  }
0x9d: {  	v8 =	vadd.f32 v6, v7  }
0x9e: {  	v7 =	vpop (erf)  }
0x9f: {  	v8 =	vadd.f32 v7, v8;
	_ =	sdelay $0x1  }
0xa0: {  	[tilespmem:s26+$0x1AF80] =	vst v8  }
0xa1: {  	v8 =	vld [tilespmem:s23+$0xFFFFF680]  }
0xa2: {  	v9 =	vld [tilespmem:s23+$0xFFFFF600];
	_ =	sdelay $0x1  }
0xa3: {  	v10 =	vld [tilespmem:s23+$0xFFFFF700];
	_ =	sdelay $0x1  }
0xa4: {  	v11 =	vld [tilespmem:s23+$0xFFFFF780]  }
0xa5: {  	v9 =	vmul.f32 v9, v0;
	v8 =	vmul.f32 v8, v1  }
0xa6: {  	v46 =	vld [tilespmem:s23+$0xFFFFF800]  }
0xa7: {  	v8 =	vadd.f32 v8, v9;
	v9 =	vmul.f32 v10, v2  }
0xa8: {  	v10 =	vld [tilespmem:s23+$0xFFFFF880]  }
0xa9: {  	v8 =	vadd.f32 v9, v8;
	v9 =	vmul.f32 v11, v3  }
0xaa: {  	v11 =	vld [tilespmem:s23+$0xFFFFF900]  }
0xab: {  	v8 =	vadd.f32 v9, v8;
	v9 =	vmul.f32 v46, v4  }
0xac: {  	v47 =	vld [tilespmem:s23+$0xFFFFF980]  }
0xad: {  	v8 =	vadd.f32 v9, v8;
	v9 =	vmul.f32 v10, v5;
	_ =	sdelay $0x1  }
0xae: {  	v10 =	vmul.f32 v11, v6;
	v9 =	vadd.f32 v9, v8  }
0xaf: {  	v8 =	vmov s24  }
0xb0: {  	v9 =	vadd.f32 v10, v9;
	v10 =	vmul.f32 v47, v7;
	_ =	sdelay $0x1  }
0xb1: {  	v9 =	vadd.f32 v10, v9  }
0xb2: {  	s26 =	simm.s32 $0x200  }
0xb3: {  	[tilespmem:v8+s26+$0xFFFFFE00 ss:$0x1] =	vst.idx.msk $0xffff, v9  }
0xb4: {  	v9 =	vld [tilespmem:s23+$0xFFFFFA00]  }
0xb5: {  	v10 =	vld [tilespmem:s23+$0xFFFFFA80];
	_ =	sdelay $0x1  }
0xb6: {  	v11 =	vld [tilespmem:s23+$0xFFFFFB00];
	_ =	sdelay $0x1  }
0xb7: {  	v48 =	vld [tilespmem:s23+$0xFFFFFB80]  }
0xb8: {  	v9 =	vmul.f32 v9, v0;
	v10 =	vmul.f32 v10, v1  }
0xb9: {  	v49 =	vld [tilespmem:s23+$0xFFFFFC00]  }
0xba: {  	v9 =	vadd.f32 v10, v9;
	v10 =	vmul.f32 v11, v2  }
0xbb: {  	v11 =	vld [tilespmem:s23+$0xFFFFFC80]  }
0xbc: {  	v9 =	vadd.f32 v10, v9;
	v10 =	vmul.f32 v48, v3  }
0xbd: {  	v50 =	vld [tilespmem:s23+$0xFFFFFD00]  }
0xbe: {  	v9 =	vadd.f32 v10, v9;
	v10 =	vmul.f32 v49, v4  }
0xbf: {  	v51 =	vld [tilespmem:s23+$0xFFFFFD80]  }
0xc0: {  	v9 =	vadd.f32 v10, v9;
	v10 =	vmul.f32 v11, v5;
	_ =	sdelay $0x1  }
0xc1: {  	v9 =	vadd.f32 v10, v9;
	v10 =	vmul.f32 v50, v6;
	_ =	sdelay $0x1  }
0xc2: {  	v9 =	vadd.f32 v10, v9;
	v10 =	vmul.f32 v51, v7;
	_ =	sdelay $0x1  }
0xc3: {  	v9 =	vadd.f32 v10, v9;
	_ =	sdelay $0x1  }
0xc4: {  	[tilespmem:v8+s26+$0xFFFFFE80 ss:$0x1] =	vst.idx.msk $0xffff, v9  }
0xc5: {  	v9 =	vld [tilespmem:s23+$0xFFFFFE00]  }
0xc6: {  	v10 =	vld [tilespmem:s23+$0xFFFFFE80];
	_ =	sdelay $0x1  }
0xc7: {  	v11 =	vld [tilespmem:s23+$0xFFFFFF00];
	_ =	sdelay $0x1  }
0xc8: {  	v52 =	vld [tilespmem:s23+$0xFFFFFF80]  }
0xc9: {  	v9 =	vmul.f32 v9, v0;
	v10 =	vmul.f32 v10, v1  }
0xca: {  	v53 =	vld [tilespmem:s23+$0x0]  }
0xcb: {  	v9 =	vadd.f32 v10, v9;
	v10 =	vmul.f32 v11, v2  }
0xcc: {  	v11 =	vld [tilespmem:s23+$0x80]  }
0xcd: {  	v9 =	vadd.f32 v10, v9;
	v10 =	vmul.f32 v52, v3  }
0xce: {  	v54 =	vld [tilespmem:s23+$0x100]  }
0xcf: {  	v9 =	vadd.f32 v10, v9;
	v10 =	vmul.f32 v53, v4  }
0xd0: {  	v55 =	vld [tilespmem:s23+$0x180]  }
0xd1: {  	v9 =	vadd.f32 v10, v9;
	v10 =	vmul.f32 v11, v5;
	_ =	sdelay $0x1  }
0xd2: {  	v9 =	vadd.f32 v10, v9;
	v10 =	vmul.f32 v54, v6;
	_ =	sdelay $0x1  }
0xd3: {  	v9 =	vadd.f32 v10, v9;
	v10 =	vmul.f32 v55, v7;
	_ =	sdelay $0x1  }
0xd4: {  	v9 =	vadd.f32 v10, v9;
	_ =	sdelay $0x1  }
0xd5: {  	[tilespmem:v8+s26+$0xFFFFFF00 ss:$0x1] =	vst.idx.msk $0xffff, v9  }
0xd6: {  	v9 =	vld [tilespmem:s23+$0x200]  }
0xd7: {  	v10 =	vld [tilespmem:s23+$0x280];
	_ =	sdelay $0x1  }
0xd8: {  	v11 =	vld [tilespmem:s23+$0x300];
	_ =	sdelay $0x1  }
0xd9: {  	v56 =	vld [tilespmem:s23+$0x380]  }
0xda: {  	v9 =	vmul.f32 v9, v0;
	v10 =	vmul.f32 v10, v1  }
0xdb: {  	v57 =	vld [tilespmem:s23+$0x400]  }
0xdc: {  	v9 =	vadd.f32 v10, v9;
	v10 =	vmul.f32 v11, v2  }
0xdd: {  	v11 =	vld [tilespmem:s23+$0x480]  }
0xde: {  	v9 =	vadd.f32 v10, v9;
	v10 =	vmul.f32 v56, v3  }
0xdf: {  	v58 =	vld [tilespmem:s23+$0x500]  }
0xe0: {  	v9 =	vadd.f32 v10, v9;
	v10 =	vmul.f32 v57, v4  }
0xe1: {  	v59 =	vld [tilespmem:s23+$0x580]  }
0xe2: {  	v9 =	vadd.f32 v10, v9;
	v10 =	vmul.f32 v11, v5;
	_ =	sdelay $0x1  }
0xe3: {  	v9 =	vadd.f32 v10, v9;
	v10 =	vmul.f32 v58, v6;
	_ =	sdelay $0x1  }
0xe4: {  	v9 =	vadd.f32 v10, v9;
	v10 =	vmul.f32 v59, v7;
	_ =	sdelay $0x1  }
0xe5: {  	v9 =	vadd.f32 v10, v9;
	_ =	sdelay $0x1  }
0xe6: {  	[tilespmem:v8+s26+$0xFFFFFF80 ss:$0x1] =	vst.idx.msk $0xffff, v9  }
0xe7: {  	v9 =	vld [tilespmem:s23+$0x600]  }
0xe8: {  	v10 =	vld [tilespmem:s23+$0x680];
	_ =	sdelay $0x1  }
0xe9: {  	v11 =	vld [tilespmem:s23+$0x700];
	_ =	sdelay $0x1  }
0xea: {  	v60 =	vld [tilespmem:s23+$0x780]  }
0xeb: {  	v9 =	vmul.f32 v9, v0;
	v10 =	vmul.f32 v10, v1  }
0xec: {  	v61 =	vld [tilespmem:s23+$0x800]  }
0xed: {  	v11 =	vmul.f32 v11, v2;
	v9 =	vadd.f32 v10, v9  }
0xee: {  	v10 =	vld [tilespmem:s23+$0x880]  }
0xef: {  	v62 =	vld [tilespmem:s23+$0x900];
	v12 =	vmul.f32 v60, v3;
	v9 =	vadd.f32 v11, v9  }
0xf0: {  	v11 =	vld [tilespmem:s23+$0x980]  }
0xf1: {  	v13 =	vmul.f32 v61, v4;
	v9 =	vadd.f32 v12, v9;
	_ =	sdelay $0x1  }
0xf2: {  	v63 =	vmul.f32 v10, v5;
	v13 =	vadd.f32 v13, v9;
	_ =	sdelay $0x1  }
0xf3: {  	s29 =	smov.u32 s23;
	s28 =	simm.s32 $0x1200;
	v10 =	vmul.f32 v62, v6;
	v9 =	vmul.f32 v11, v7;
	v11 =	vadd.f32 v63, v13  }
.LBB2_5:
0xf4: {  	p0 =	sne.s32 s28, $0x6200  }
0xf5: {  	s29 =	sadd.s32 $0x1400, s29;
	s30 =	smov.u32 s28;
	s28 =	sadd.s32 $0xA00, s28  }
0xf6: {  	v10 =	vadd.f32 v10, v11;
	_ =	sdelay $0x1  }
0xf7: {  	v9 =	vadd.f32 v9, v10;
	_ =	sdelay $0x1  }
0xf8: {  	[tilespmem:v8+s26+$0x0 ss:$0x1] =	vst.idx.msk $0xffff, v9  }
0xf9: {  	v9 =	vld [tilespmem:s29+$0xFFFFF680]  }
0xfa: {  	v10 =	vld [tilespmem:s29+$0xFFFFF600];
	_ =	sdelay $0x1  }
0xfb: {  	v11 =	vld [tilespmem:s29+$0xFFFFF700];
	_ =	sdelay $0x1  }
0xfc: {  	v12 =	vld [tilespmem:s29+$0xFFFFF780]  }
0xfd: {  	v9 =	vmul.f32 v9, v1;
	v10 =	vmul.f32 v10, v0  }
0xfe: {  	v13 =	vld [tilespmem:s29+$0xFFFFF800]  }
0xff: {  	v9 =	vadd.f32 v9, v10;
	v10 =	vmul.f32 v11, v2  }
0x100: {  	v11 =	vld [tilespmem:s29+$0xFFFFF880]  }
0x101: {  	v9 =	vadd.f32 v10, v9;
	v10 =	vmul.f32 v12, v3  }
0x102: {  	v12 =	vld [tilespmem:s29+$0xFFFFF900]  }
0x103: {  	v9 =	vadd.f32 v10, v9;
	v10 =	vmul.f32 v13, v4  }
0x104: {  	v13 =	vld [tilespmem:s29+$0xFFFFF980]  }
0x105: {  	v9 =	vadd.f32 v10, v9;
	v10 =	vmul.f32 v11, v5;
	_ =	sdelay $0x1  }
0x106: {  	v9 =	vadd.f32 v10, v9;
	v10 =	vmul.f32 v12, v6;
	_ =	sdelay $0x1  }
0x107: {  	v9 =	vadd.f32 v10, v9;
	v10 =	vmul.f32 v13, v7;
	_ =	sdelay $0x1  }
0x108: {  	v9 =	vadd.f32 v10, v9  }
0x109: {  	s26 =	sshra.s32 s30, $0x2  }
0x10a: {  	[tilespmem:v8+s26+$0xFFFFFE00 ss:$0x1] =	vst.idx.msk $0xffff, v9  }
0x10b: {  	v9 =	vld [tilespmem:s29+$0xFFFFFA00]  }
0x10c: {  	v10 =	vld [tilespmem:s29+$0xFFFFFA80];
	_ =	sdelay $0x1  }
0x10d: {  	v11 =	vld [tilespmem:s29+$0xFFFFFB00];
	_ =	sdelay $0x1  }
0x10e: {  	v12 =	vld [tilespmem:s29+$0xFFFFFB80]  }
0x10f: {  	v9 =	vmul.f32 v9, v0;
	v10 =	vmul.f32 v10, v1  }
0x110: {  	v13 =	vld [tilespmem:s29+$0xFFFFFC00]  }
0x111: {  	v9 =	vadd.f32 v10, v9;
	v10 =	vmul.f32 v11, v2  }
0x112: {  	v11 =	vld [tilespmem:s29+$0xFFFFFC80]  }
0x113: {  	v9 =	vadd.f32 v10, v9;
	v10 =	vmul.f32 v12, v3  }
0x114: {  	v12 =	vld [tilespmem:s29+$0xFFFFFD00]  }
0x115: {  	v9 =	vadd.f32 v10, v9;
	v10 =	vmul.f32 v13, v4  }
0x116: {  	v13 =	vld [tilespmem:s29+$0xFFFFFD80]  }
0x117: {  	v9 =	vadd.f32 v10, v9;
	v10 =	vmul.f32 v11, v5;
	_ =	sdelay $0x1  }
0x118: {  	v9 =	vadd.f32 v10, v9;
	v10 =	vmul.f32 v12, v6;
	_ =	sdelay $0x1  }
0x119: {  	v9 =	vadd.f32 v10, v9;
	v10 =	vmul.f32 v13, v7;
	_ =	sdelay $0x1  }
0x11a: {  	v9 =	vadd.f32 v10, v9;
	_ =	sdelay $0x1  }
0x11b: {  	[tilespmem:v8+s26+$0xFFFFFE80 ss:$0x1] =	vst.idx.msk $0xffff, v9  }
0x11c: {  	v9 =	vld [tilespmem:s29+$0xFFFFFE00]  }
0x11d: {  	v10 =	vld [tilespmem:s29+$0xFFFFFE80];
	_ =	sdelay $0x1  }
0x11e: {  	v11 =	vld [tilespmem:s29+$0xFFFFFF00];
	_ =	sdelay $0x1  }
0x11f: {  	v9 =	vmul.f32 v9, v0;
	v12 =	vld [tilespmem:s29+$0xFFFFFF80]  }
0x120: {  	v10 =	vmul.f32 v10, v1  }
0x121: {  	v13 =	vld [tilespmem:s29+$0x0]  }
0x122: {  	v9 =	vadd.f32 v10, v9;
	v10 =	vmul.f32 v11, v2  }
0x123: {  	v11 =	vld [tilespmem:s29+$0x80]  }
0x124: {  	v9 =	vadd.f32 v10, v9;
	v10 =	vmul.f32 v12, v3  }
0x125: {  	v12 =	vld [tilespmem:s29+$0x100]  }
0x126: {  	v9 =	vadd.f32 v10, v9;
	v10 =	vmul.f32 v13, v4  }
0x127: {  	v13 =	vld [tilespmem:s29+$0x180]  }
0x128: {  	v9 =	vadd.f32 v10, v9;
	v10 =	vmul.f32 v11, v5;
	_ =	sdelay $0x1  }
0x129: {  	v9 =	vadd.f32 v10, v9;
	v10 =	vmul.f32 v12, v6;
	_ =	sdelay $0x1  }
0x12a: {  	v9 =	vadd.f32 v10, v9;
	v10 =	vmul.f32 v13, v7;
	_ =	sdelay $0x1  }
0x12b: {  	v9 =	vadd.f32 v10, v9;
	_ =	sdelay $0x1  }
0x12c: {  	[tilespmem:v8+s26+$0xFFFFFF00 ss:$0x1] =	vst.idx.msk $0xffff, v9  }
0x12d: {  	v9 =	vld [tilespmem:s29+$0x200]  }
0x12e: {  	v10 =	vld [tilespmem:s29+$0x280]  }
0x12f: {  	v11 =	vld [tilespmem:s29+$0x300]  }
0x130: {  	v12 =	vld [tilespmem:s29+$0x380]  }
0x131: {  	v13 =	vld [tilespmem:s29+$0x400]  }
0x132: {  	v14 =	vld [tilespmem:s29+$0x480]  }
0x133: {  	v9 =	vmul.f32 v9, v0;
	v10 =	vmul.f32 v10, v1;
	v15 =	vld [tilespmem:s29+$0x500]  }
0x134: {  	v16 =	vld [tilespmem:s29+$0x580]  }
0x135: {  	v9 =	vadd.f32 v10, v9;
	v10 =	vmul.f32 v11, v2;
	_ =	sdelay $0x1  }
0x136: {  	v9 =	vadd.f32 v10, v9;
	v10 =	vmul.f32 v12, v3;
	_ =	sdelay $0x1  }
0x137: {  	v9 =	vadd.f32 v10, v9;
	v10 =	vmul.f32 v13, v4;
	_ =	sdelay $0x1  }
0x138: {  	v9 =	vadd.f32 v10, v9;
	v10 =	vmul.f32 v14, v5;
	_ =	sdelay $0x1  }
0x139: {  	v9 =	vadd.f32 v10, v9;
	v10 =	vmul.f32 v15, v6;
	_ =	sdelay $0x1  }
0x13a: {  	v9 =	vadd.f32 v10, v9;
	v10 =	vmul.f32 v16, v7;
	_ =	sdelay $0x1  }
0x13b: {  	v9 =	vadd.f32 v10, v9;
	_ =	sdelay $0x1  }
0x13c: {  	[tilespmem:v8+s26+$0xFFFFFF80 ss:$0x1] =	vst.idx.msk $0xffff, v9  }
0x13d: {  	v9 =	vld [tilespmem:s29+$0x600]  }
0x13e: {  	v10 =	vld [tilespmem:s29+$0x680]  }
0x13f: {  	v11 =	vld [tilespmem:s29+$0x700]  }
0x140: {  	v12 =	vld [tilespmem:s29+$0x780]  }
0x141: {  	v13 =	vld [tilespmem:s29+$0x800]  }
0x142: {  	v14 =	vld [tilespmem:s29+$0x880]  }
0x143: {  	v9 =	vmul.f32 v9, v0;
	v10 =	vmul.f32 v10, v1;
	v15 =	vld [tilespmem:s29+$0x900]  }
0x144: {  	v11 =	vmul.f32 v11, v2;
	v16 =	vld [tilespmem:s29+$0x980]  }
0x145: {  	v9 =	vadd.f32 v10, v9  }
0x146: {  	v10 =	vmul.f32 v12, v3  }
0x147: {  	v9 =	vadd.f32 v11, v9  }
0x148: {  	v11 =	vmul.f32 v13, v4  }
.Ltmp1:
0x149: {  	v10 =	vadd.f32 v10, v9;
	v9 =	vmul.f32 v16, v7;
	(pc) =	sbr.rel @p0 .LBB2_5-.Ltmp1, $4  }
0x14a: {  	v12 =	vmul.f32 v14, v5  }
0x14b: {  	v11 =	vadd.f32 v11, v10  }
0x14c: {  	v10 =	vmul.f32 v15, v6  }
0x14d: {  	v11 =	vadd.f32 v12, v11  }
0x14e: {  	s25 =	sadd.s32 $0x1, s25  }
0x14f: {  	p0 =	sne.s32 s25, $0x8  }
.Ltmp2:
0x150: {  	v0 =	vadd.f32 v10, v11;
	(pc) =	sbr.rel @p0 .LBB2_2-.Ltmp2, $3  }
0x151: {  	_ = 	snop  }
0x152: {  	v0 =	vadd.f32 v9, v0;
	_ =	sdelay $0x1  }
0x153: {  	s23 =	sadd.s32 $0x10, s23;
	s24 =	sadd.s32 $0x10, s24;
	[tilespmem:v8+s26+$0x0 ss:$0x1] =	vst.idx.msk $0xffff, v0  }
0x154: {  	s23 =	simm.s32 $0x0  }
0x155: {  	[tilespmem:s23], [sflag:$0x1] =	stream.strided.gather [hbm4b:s7+s13], $0xC800, s14, s13, $0x38;
	[tilespmem:$0x1D080] =	vst v63  }
0x156: {  	_ =	swait.ge [sflag:s18], $0xC800  }
0x157: {  	[sflag:s18] =	ssyncset.done $0x0  }
0x158: {  	s24 =	simm.s32 $0xD200;
	s25 =	simm.s32 $0x19000;
	[sflag:s18] =	ssyncadd.s32 $0xFFFF3800  }
.LBB2_8:
0x159: {  	v0 =	vld [tilespmem:s24+$0x600]  }
0x15a: {  	v3 =	vld [tilespmem:s24+$0x680]  }
0x15b: {  	v4 =	vld [tilespmem:s24+$0x700]  }
0x15c: {  	v6 =	vld [tilespmem:s24+$0x780]  }
0x15d: {  	v7 =	vld [tilespmem:s24+$0x800]  }
0x15e: {  	v9 =	vld [tilespmem:s24+$0x880]  }
0x15f: {  	v11 =	vld [tilespmem:s24+$0x200]  }
0x160: {  	v12 =	vld [tilespmem:s24+$0x280]  }
0x161: {  	v16 =	vld [tilespmem:s24+$0x300]  }
0x162: {  	v18 =	vld [tilespmem:s24+$0x380]  }
0x163: {  	v19 =	vld [tilespmem:s24+$0x400]  }
0x164: {  	v20 =	vld [tilespmem:s24+$0x480]  }
0x165: {  	v21 =	vld [tilespmem:s24+$0xFFFFFE00]  }
0x166: {  	v26 =	vld [tilespmem:s24+$0xFFFFFE80]  }
0x167: {  	v27 =	vld [tilespmem:s24+$0xFFFFFF00]  }
0x168: {  	v28 =	vld [tilespmem:s24+$0xFFFFFF80]  }
0x169: {  	s26 =	simm.s32 $0x200;
	v32 =	vld [tilespmem:s24+$0xFFFFFA00]  }
0x16a: {  	v1 =	vld [tilespmem:s26+$0x1B080]  }
0x16b: {  	v33 =	vld [tilespmem:s24+$0xFFFFFA80]  }
0x16c: {  	v34 =	vld [tilespmem:s24+$0xFFFFF680]  }
0x16d: {  	v2 =	vld [tilespmem:s26+$0x1B000]  }
0x16e: {  	v35 =	vld [tilespmem:s24+$0xFFFFF700]  }
0x16f: {  	v5 =	vld [tilespmem:s26+$0x1AF80];
	v15 =	vmul.f32 v0, v1  }
0x170: {  	v8 =	vld [tilespmem:s26+$0x1AF00];
	v13 =	vmul.f32 v3, v1;
	v14 =	vmul.f32 v4, v1  }
0x171: {  	v17 =	vld [tilespmem:s26+$0x1AE80];
	v10 =	vmul.f32 v6, v1;
	v4 =	vmul.f32 v7, v1  }
0x172: {  	v0 =	vld [tilespmem:s24+$0xFFFFF600];
	v3 =	vmul.f32 v9, v1;
	v25 =	vmul.f32 v11, v2  }
0x173: {  	v23 =	vmul.f32 v12, v2;
	v24 =	vmul.f32 v16, v2;
	v11 =	vld [tilespmem:s24+$0xFFFFF780]  }
0x174: {  	v22 =	vmul.f32 v18, v2;
	v6 =	vmul.f32 v19, v2;
	v12 =	vld [tilespmem:s24+$0xFFFFFB00]  }
0x175: {  	v7 =	vmul.f32 v20, v2;
	v31 =	vmul.f32 v21, v5;
	v16 =	vld [tilespmem:s24+$0xFFFFFB80]  }
0x176: {  	v29 =	vmul.f32 v26, v5;
	v26 =	vld [tilespmem:s24+$0x0];
	v21 =	vmul.f32 v34, v17  }
0x177: {  	v30 =	vmul.f32 v27, v5;
	v28 =	vmul.f32 v28, v5;
	v27 =	vld [tilespmem:s24+$0x80];
	v9 =	vimm.f32 $0.0e+00  }
0x178: {  	v19 =	vmul.f32 v33, v8;
	v62 =	vmul.f32 v35, v17;
	v21 =	vadd.f32 v21, v9  }
0x179: {  	v18 =	vmul.f32 v32, v8;
	v32 =	vld [tilespmem:s24+$0xFFFFFC00];
	v20 =	vmul.f32 v0, v17  }
0x17a: {  	v33 =	vld [tilespmem:s24+$0xFFFFFC80];
	v34 =	vadd.f32 v62, v9;
	v21 =	vadd.f32 v19, v21;
	v11 =	vmul.f32 v11, v17  }
0x17b: {  	v19 =	vld [tilespmem:s24+$0xFFFFF900];
	v12 =	vmul.f32 v12, v8;
	v16 =	vmul.f32 v16, v8;
	v63 =	vadd.f32 v20, v9  }
0x17c: {  	v26 =	vmul.f32 v26, v5;
	v27 =	vmul.f32 v27, v5;
	v11 =	vadd.f32 v11, v9;
	v20 =	vld [tilespmem:s24+$0xFFFFF800]  }
0x17d: {  	s26 =	sshll.u32 s23, $0x4;
	v36 =	vadd.f32 v12, v34;
	v12 =	vimm.f32 $0.0e+00;
	v35 =	vadd.f32 v18, v63;
	v18 =	vld [tilespmem:s24+$0xFFFFF880]  }
0x17e: {  	s29 =	simm.s32 $0x1200;
	s28 =	smov.u32 s24;
	v0 =	vld [tilespmem:s26+$0x1B000];
	v34 =	vadd.f32 v16, v11;
	v16 =	vimm.f32 $0.0e+00;
	v11 =	vimm.f32 $0.0e+00  }
.LBB2_9:
0x17f: {  	p0 =	sne.s32 s29, $0x6200;
	v37 =	vld [tilespmem:s28+$0xFFFFF980];
	v32 =	vmul.f32 v32, v8;
	v31 =	vadd.f32 v31, v35;
	v21 =	vadd.f32 v29, v21  }
0x180: {  	v29 =	vmul.f32 v33, v8;
	v33 =	vld [tilespmem:s28+$0xFFFFFD00];
	v30 =	vadd.f32 v30, v36;
	v28 =	vadd.f32 v28, v34  }
0x181: {  	v34 =	vmul.f32 v20, v17;
	v35 =	vld [tilespmem:s28+$0xFFFFFD80];
	v20 =	vadd.f32 v25, v31;
	v21 =	vadd.f32 v23, v21  }
0x182: {  	v23 =	vmul.f32 v18, v17;
	v25 =	vld [tilespmem:s28+$0x100];
	v24 =	vadd.f32 v24, v30;
	v22 =	vadd.f32 v22, v28  }
0x183: {  	v28 =	vmul.f32 v19, v17;
	v30 =	vld [tilespmem:s28+$0x180];
	v18 =	vadd.f32 v15, v20;
	v19 =	vadd.f32 v13, v21  }
0x184: {  	v13 =	vmul.f32 v37, v17;
	v15 =	vld [tilespmem:s28+$0x500];
	v20 =	vadd.f32 v14, v24;
	v21 =	vadd.f32 v10, v22  }
0x185: {  	v9 =	vadd.f32 v34, v9;
	v10 =	vadd.f32 v23, v16;
	v14 =	vmul.f32 v33, v8;
	v16 =	vld [tilespmem:s28+$0x580]  }
0x186: {  	v11 =	vadd.f32 v28, v11;
	v12 =	vadd.f32 v13, v12;
	v8 =	vmul.f32 v35, v8;
	v13 =	vld [tilespmem:s28+$0x900]  }
0x187: {  	v9 =	vadd.f32 v32, v9;
	v10 =	vadd.f32 v29, v10;
	v17 =	vmul.f32 v25, v5;
	v22 =	vld [tilespmem:s28+$0x980];
	s28 =	sadd.s32 $0x1400, s28  }
0x188: {  	v11 =	vadd.f32 v14, v11;
	v23 =	vld [tilespmem:s28+$0x600];
	v8 =	vadd.f32 v8, v12;
	v5 =	vmul.f32 v30, v5  }
0x189: {  	v9 =	vadd.f32 v26, v9;
	v10 =	vadd.f32 v27, v10;
	v14 =	vld [tilespmem:s28+$0x680];
	v12 =	vmul.f32 v15, v2  }
0x18a: {  	v11 =	vadd.f32 v17, v11;
	v24 =	vld [tilespmem:s28+$0x700];
	v5 =	vadd.f32 v5, v8;
	v2 =	vmul.f32 v16, v2  }
0x18b: {  	v6 =	vadd.f32 v6, v9;
	v7 =	vadd.f32 v7, v10;
	v17 =	vld [tilespmem:s28+$0x780];
	v8 =	vmul.f32 v13, v1  }
0x18c: {  	v10 =	vadd.f32 v12, v11;
	v25 =	vld [tilespmem:s28+$0x800];
	v2 =	vadd.f32 v2, v5;
	v5 =	vmul.f32 v22, v1  }
0x18d: {  	s30 =	sshra.s32 s29, $0x2;
	v9 =	vadd.f32 v4, v6;
	v16 =	vadd.f32 v3, v7;
	v22 =	vld [tilespmem:s28+$0x880]  }
0x18e: {  	v11 =	vadd.f32 v8, v10;
	v1 =	vld [tilespmem:s30+$0x1B080];
	v12 =	vadd.f32 v5, v2  }
0x18f: {  	v6 =	vld [tilespmem:s28+$0x200]  }
0x190: {  	v7 =	vld [tilespmem:s28+$0x280]  }
0x191: {  	v26 =	vld [tilespmem:s28+$0x300]  }
0x192: {  	v27 =	vld [tilespmem:s28+$0x380]  }
0x193: {  	v28 =	vld [tilespmem:s28+$0x400]  }
0x194: {  	v29 =	vld [tilespmem:s28+$0x480]  }
0x195: {  	v2 =	vld [tilespmem:s30+$0x1B000]  }
0x196: {  	v30 =	vld [tilespmem:s28+$0xFFFFFE00]  }
0x197: {  	v32 =	vld [tilespmem:s28+$0xFFFFFE80]  }
0x198: {  	v33 =	vld [tilespmem:s28+$0xFFFFFF00]  }
0x199: {  	v34 =	vld [tilespmem:s28+$0xFFFFFF80]  }
0x19a: {  	v5 =	vld [tilespmem:s30+$0x1AF80]  }
0x19b: {  	v35 =	vld [tilespmem:s28+$0xFFFFFA00]  }
0x19c: {  	v36 =	vld [tilespmem:s28+$0xFFFFFA80]  }
0x19d: {  	v15 =	vmul.f32 v23, v1;
	v13 =	vmul.f32 v14, v1;
	v8 =	vld [tilespmem:s30+$0x1AF00]  }
0x19e: {  	v14 =	vmul.f32 v24, v1;
	v10 =	vmul.f32 v17, v1;
	v37 =	vld [tilespmem:s28+$0xFFFFF600]  }
0x19f: {  	v4 =	vmul.f32 v25, v1;
	v3 =	vmul.f32 v22, v1;
	v38 =	vld [tilespmem:s28+$0xFFFFF680]  }
0x1a0: {  	v25 =	vmul.f32 v6, v2;
	v23 =	vmul.f32 v7, v2;
	v39 =	vld [tilespmem:s28+$0xFFFFF700]  }
0x1a1: {  	v24 =	vmul.f32 v26, v2;
	v22 =	vmul.f32 v27, v2;
	v17 =	vld [tilespmem:s30+$0x1AE80]  }
0x1a2: {  	v6 =	vmul.f32 v28, v2;
	v7 =	vmul.f32 v29, v2;
	v26 =	vld [tilespmem:s28+$0xFFFFF780]  }
0x1a3: {  	v31 =	vmul.f32 v30, v5;
	v29 =	vmul.f32 v32, v5;
	v27 =	vld [tilespmem:s28+$0xFFFFFB00]  }
0x1a4: {  	v30 =	vmul.f32 v33, v5;
	v28 =	vmul.f32 v34, v5;
	v40 =	vld [tilespmem:s28+$0xFFFFFB80]  }
0x1a5: {  	v34 =	vmul.f32 v35, v8;
	v36 =	vmul.f32 v36, v8;
	v41 =	vld [tilespmem:s28+$0x0]  }
0x1a6: {  	v33 =	vmul.f32 v37, v17;
	v35 =	vmul.f32 v38, v17;
	v37 =	vld [tilespmem:s28+$0x80]  }
.Ltmp3:
0x1a7: {  	v38 =	vmul.f32 v39, v17;
	v26 =	vmul.f32 v26, v17;
	v32 =	vld [tilespmem:s28+$0xFFFFFC00];
	(pc) =	sbr.rel @p0 .LBB2_9-.Ltmp3, $4  }
0x1a8: {  	v39 =	vadd.f32 v33, v18;
	v19 =	vadd.f32 v35, v19;
	v27 =	vmul.f32 v27, v8;
	v33 =	vld [tilespmem:s28+$0xFFFFFC80]  }
0x1a9: {  	v38 =	vadd.f32 v38, v20;
	v42 =	vadd.f32 v26, v21;
	v20 =	vld [tilespmem:s28+$0xFFFFF800];
	v40 =	vmul.f32 v40, v8  }
0x1aa: {  	v18 =	vld [tilespmem:s28+$0xFFFFF880];
	v35 =	vadd.f32 v34, v39;
	v21 =	vadd.f32 v36, v19;
	v26 =	vmul.f32 v41, v5  }
0x1ab: {  	s29 =	sadd.s32 $0xA00, s29;
	v36 =	vadd.f32 v27, v38;
	v19 =	vld [tilespmem:s28+$0xFFFFF900];
	v34 =	vadd.f32 v40, v42;
	v27 =	vmul.f32 v37, v5  }
0x1ac: {  	v31 =	vadd.f32 v31, v35  }
0x1ad: {  	v48 =	vld [tilespmem:s28+$0xFFFFF980];
	v32 =	vmul.f32 v32, v8;
	v21 =	vadd.f32 v29, v21;
	v49 =	vadd.f32 v30, v36  }
0x1ae: {  	v51 =	vld [tilespmem:s28+$0xFFFFFD00];
	v50 =	vmul.f32 v33, v8;
	v28 =	vadd.f32 v28, v34;
	v25 =	vadd.f32 v25, v31  }
0x1af: {  	v52 =	vld [tilespmem:s28+$0xFFFFFD80];
	v20 =	vmul.f32 v20, v17;
	v21 =	vadd.f32 v23, v21;
	v53 =	vadd.f32 v24, v49  }
0x1b0: {  	v54 =	vld [tilespmem:s28+$0x100];
	v18 =	vmul.f32 v18, v17;
	v22 =	vadd.f32 v22, v28;
	v15 =	vadd.f32 v15, v25  }
0x1b1: {  	v55 =	vld [tilespmem:s28+$0x180];
	v19 =	vmul.f32 v19, v17;
	v13 =	vadd.f32 v13, v21;
	v9 =	vadd.f32 v20, v9  }
0x1b2: {  	v57 =	vld [tilespmem:s28+$0x500];
	v14 =	vadd.f32 v14, v53;
	v56 =	vmul.f32 v48, v17;
	v10 =	vadd.f32 v10, v22  }
0x1b3: {  	v59 =	vld [tilespmem:s28+$0x580];
	v16 =	vadd.f32 v18, v16;
	v58 =	vmul.f32 v51, v8;
	v11 =	vadd.f32 v19, v11  }
0x1b4: {  	v60 =	vld [tilespmem:s28+$0x900];
	v8 =	vmul.f32 v52, v8;
	v9 =	vadd.f32 v32, v9;
	v12 =	vadd.f32 v56, v12  }
0x1b5: {  	v62 =	vld [tilespmem:s28+$0x980];
	v61 =	vmul.f32 v54, v5;
	v16 =	vadd.f32 v50, v16;
	v11 =	vadd.f32 v58, v11  }
0x1b6: {  	v5 =	vmul.f32 v55, v5;
	v9 =	vadd.f32 v26, v9;
	v8 =	vadd.f32 v8, v12  }
0x1b7: {  	v63 =	vmul.f32 v57, v2;
	v12 =	vadd.f32 v27, v16;
	v11 =	vadd.f32 v61, v11  }
0x1b8: {  	v2 =	vmul.f32 v59, v2;
	v6 =	vadd.f32 v6, v9;
	v9 =	vadd.f32 v15, v0  }
0x1b9: {  	v5 =	vadd.f32 v5, v8;
	v7 =	vadd.f32 v7, v12;
	v8 =	vmul.f32 v60, v1  }
0x1ba: {  	v1 =	vmul.f32 v62, v1;
	v11 =	vadd.f32 v63, v11;
	v4 =	vadd.f32 v4, v6  }
0x1bb: {  	v6 =	vadd.f32 v13, v0;
	v2 =	vadd.f32 v2, v5;
	v5 =	vmul.f32 $2.000000030e-01, v9  }
0x1bc: {  	vm0 =	vgt.f32 v9, $0.0e+00;
	v3 =	vadd.f32 v3, v7;
	v7 =	vadd.f32 v8, v11  }
0x1bd: {  	v8 =	vmul.f32 $2.000000030e-01, v6;
	v5 =	vsel vm0, v9, v5;
	v9 =	vadd.f32 v14, v0  }
0x1be: {  	vm9 =	vgt.f32 v6, $0.0e+00;
	v1 =	vadd.f32 v1, v2;
	v2 =	vmul.f32 $1.442695020e+00, v5  }
0x1bf: {  	v5 =	vsel vm9, v6, v8;
	v8 =	vadd.f32 v10, v0;
	v6 =	vmul.f32 $2.000000030e-01, v9  }
0x1c0: {  	vm10 =	vgt.f32 v9, $0.0e+00;
	(erf) = vpow2.f32 v2;
	v2 =	vmul.f32 $1.442695020e+00, v5  }
0x1c1: {  	v4 =	vadd.f32 v4, v0;
	v5 =	vsel vm10, v9, v6;
	v6 =	vmul.f32 $2.000000030e-01, v8  }
0x1c2: {  	vm11 =	vgt.f32 v8, $0.0e+00;
	(erf) = vpow2.f32 v2;
	v2 =	vmul.f32 $1.442695020e+00, v5  }
0x1c3: {  	v3 =	vadd.f32 v3, v0;
	v5 =	vsel vm11, v8, v6;
	v6 =	vmul.f32 $2.000000030e-01, v4  }
0x1c4: {  	vm12 =	vgt.f32 v4, $0.0e+00;
	(erf) = vpow2.f32 v2;
	v2 =	vmul.f32 $1.442695020e+00, v5  }
0x1c5: {  	v5 =	vmul.f32 $2.000000030e-01, v3;
	v4 =	vsel vm12, v4, v6;
	v6 =	vadd.f32 v7, v0  }
0x1c6: {  	vm13 =	vgt.f32 v3, $0.0e+00;
	(erf) = vpow2.f32 v2;
	v2 =	vmul.f32 $1.442695020e+00, v4  }
0x1c7: {  	v3 =	vsel vm13, v3, v5;
	v5 =	vadd.f32 v1, v0;
	v4 =	vmul.f32 $2.000000030e-01, v6  }
0x1c8: {  	v1 =	vmul.f32 $1.442695020e+00, v3;
	vm14 =	vgt.f32 v6, $0.0e+00  }
0x1c9: {  	(erf) = vpow2.f32 v2;
	v3 =	vmul.f32 $2.000000030e-01, v5;
	v2 =	vsel vm14, v6, v4  }
0x1ca: {  	vm15 =	vgt.f32 v5, $0.0e+00;
	v2 =	vmul.f32 $1.442695020e+00, v2  }
0x1cb: {  	v0 =	vpop (erf);
	v3 =	vsel vm15, v5, v3  }
0x1cc: {  	(erf) = vpow2.f32 v1;
	v1 =	vpop (erf);
	v3 =	vmul.f32 $1.442695020e+00, v3  }
0x1cd: {  	v4 =	vadd.f32 v1, v0  }
0x1ce: {  	(erf) = vpow2.f32 v2;
	v2 =	vpop (erf)  }
0x1cf: {  	v4 =	vadd.f32 v2, v4  }
0x1d0: {  	(erf) = vpow2.f32 v3;
	v3 =	vpop (erf)  }
0x1d1: {  	v5 =	vadd.f32 v3, v4;
	_ =	sdelay $0x1  }
0x1d2: {  	v4 =	vpop (erf)  }
0x1d3: {  	v6 =	vadd.f32 v4, v5  }
0x1d4: {  	v5 =	vpop (erf)  }
0x1d5: {  	v7 =	vadd.f32 v5, v6;
	_ =	sdelay $0x1  }
0x1d6: {  	v8 =	vld [tilespmem:s26+$0x1AF80];
	v6 =	vpop (erf)  }
0x1d7: {  	v9 =	vadd.f32 v6, v7  }
0x1d8: {  	v7 =	vpop (erf)  }
0x1d9: {  	v9 =	vadd.f32 v7, v9;
	_ =	sdelay $0x1  }
0x1da: {  	v8 =	vadd.f32 v8, v9;
	_ =	sdelay $0x1  }
0x1db: {  	[tilespmem:s26+$0x1AF80] =	vst v8  }
0x1dc: {  	v8 =	vld [tilespmem:s24+$0xFFFFF680]  }
0x1dd: {  	v9 =	vld [tilespmem:s24+$0xFFFFF600];
	_ =	sdelay $0x1  }
0x1de: {  	v10 =	vld [tilespmem:s24+$0xFFFFF700];
	_ =	sdelay $0x1  }
0x1df: {  	v11 =	vld [tilespmem:s24+$0xFFFFF780]  }
0x1e0: {  	v9 =	vmul.f32 v9, v0;
	v8 =	vmul.f32 v8, v1  }
0x1e1: {  	v12 =	vld [tilespmem:s24+$0xFFFFF800]  }
0x1e2: {  	v8 =	vadd.f32 v8, v9;
	v9 =	vmul.f32 v10, v2  }
0x1e3: {  	v10 =	vld [tilespmem:s24+$0xFFFFF880]  }
0x1e4: {  	v11 =	vmul.f32 v11, v3;
	v9 =	vadd.f32 v9, v8  }
0x1e5: {  	v13 =	vld [tilespmem:s24+$0xFFFFF900]  }
0x1e6: {  	v8 =	vmov s25;
	v9 =	vadd.f32 v11, v9;
	v11 =	vmul.f32 v12, v4  }
0x1e7: {  	v12 =	vld [tilespmem:s24+$0xFFFFF980]  }
0x1e8: {  	v10 =	vmul.f32 v10, v5;
	v9 =	vadd.f32 v11, v9;
	_ =	sdelay $0x1  }
0x1e9: {  	s26 =	simm.s32 $0x200;
	v9 =	vadd.f32 v10, v9;
	v10 =	vmul.f32 v13, v6  }
0x1ea: {  	v11 =	vld.idx.msk [tilespmem:v8+s26+$0xFFFFFE00 ss:$0x1], $0xffff  }
0x1eb: {  	v9 =	vadd.f32 v10, v9;
	v10 =	vmul.f32 v12, v7;
	_ =	sdelay $0x1  }
0x1ec: {  	v9 =	vadd.f32 v10, v9;
	_ =	sdelay $0x1  }
0x1ed: {  	v9 =	vadd.f32 v9, v11;
	_ =	sdelay $0x1  }
0x1ee: {  	[tilespmem:v8+s26+$0xFFFFFE00 ss:$0x1] =	vst.idx.msk $0xffff, v9  }
0x1ef: {  	v9 =	vld [tilespmem:s24+$0xFFFFFA00]  }
0x1f0: {  	v10 =	vld [tilespmem:s24+$0xFFFFFA80];
	_ =	sdelay $0x1  }
0x1f1: {  	v11 =	vld [tilespmem:s24+$0xFFFFFB00];
	_ =	sdelay $0x1  }
0x1f2: {  	v12 =	vld [tilespmem:s24+$0xFFFFFB80]  }
0x1f3: {  	v9 =	vmul.f32 v9, v0;
	v10 =	vmul.f32 v10, v1  }
0x1f4: {  	v13 =	vld [tilespmem:s24+$0xFFFFFC00]  }
0x1f5: {  	v9 =	vadd.f32 v10, v9;
	v10 =	vmul.f32 v11, v2  }
0x1f6: {  	v11 =	vld [tilespmem:s24+$0xFFFFFC80]  }
0x1f7: {  	v9 =	vadd.f32 v10, v9;
	v10 =	vmul.f32 v12, v3  }
0x1f8: {  	v12 =	vld [tilespmem:s24+$0xFFFFFD00]  }
0x1f9: {  	v9 =	vadd.f32 v10, v9;
	v10 =	vmul.f32 v13, v4  }
0x1fa: {  	v13 =	vld [tilespmem:s24+$0xFFFFFD80]  }
0x1fb: {  	v9 =	vadd.f32 v10, v9;
	v10 =	vmul.f32 v11, v5;
	_ =	sdelay $0x1  }
0x1fc: {  	v9 =	vadd.f32 v10, v9;
	v10 =	vmul.f32 v12, v6  }
0x1fd: {  	v11 =	vld.idx.msk [tilespmem:v8+s26+$0xFFFFFE80 ss:$0x1], $0xffff  }
0x1fe: {  	v9 =	vadd.f32 v10, v9;
	v10 =	vmul.f32 v13, v7;
	_ =	sdelay $0x1  }
0x1ff: {  	v9 =	vadd.f32 v10, v9;
	_ =	sdelay $0x1  }
0x200: {  	v9 =	vadd.f32 v9, v11;
	_ =	sdelay $0x1  }
0x201: {  	[tilespmem:v8+s26+$0xFFFFFE80 ss:$0x1] =	vst.idx.msk $0xffff, v9  }
0x202: {  	v9 =	vld [tilespmem:s24+$0xFFFFFE00]  }
0x203: {  	v10 =	vld [tilespmem:s24+$0xFFFFFE80];
	_ =	sdelay $0x1  }
0x204: {  	v11 =	vld [tilespmem:s24+$0xFFFFFF00];
	_ =	sdelay $0x1  }
0x205: {  	v12 =	vld [tilespmem:s24+$0xFFFFFF80]  }
0x206: {  	v9 =	vmul.f32 v9, v0;
	v10 =	vmul.f32 v10, v1  }
0x207: {  	v13 =	vld [tilespmem:s24+$0x0]  }
0x208: {  	v9 =	vadd.f32 v10, v9;
	v10 =	vmul.f32 v11, v2  }
0x209: {  	v11 =	vld [tilespmem:s24+$0x80]  }
0x20a: {  	v9 =	vadd.f32 v10, v9;
	v10 =	vmul.f32 v12, v3  }
0x20b: {  	v12 =	vld [tilespmem:s24+$0x100]  }
0x20c: {  	v9 =	vadd.f32 v10, v9;
	v10 =	vmul.f32 v13, v4  }
0x20d: {  	v13 =	vld [tilespmem:s24+$0x180]  }
0x20e: {  	v9 =	vadd.f32 v10, v9;
	v10 =	vmul.f32 v11, v5;
	_ =	sdelay $0x1  }
0x20f: {  	v9 =	vadd.f32 v10, v9;
	v10 =	vmul.f32 v12, v6  }
0x210: {  	v11 =	vld.idx.msk [tilespmem:v8+s26+$0xFFFFFF00 ss:$0x1], $0xffff  }
0x211: {  	v9 =	vadd.f32 v10, v9;
	v10 =	vmul.f32 v13, v7;
	_ =	sdelay $0x1  }
0x212: {  	v9 =	vadd.f32 v10, v9;
	_ =	sdelay $0x1  }
0x213: {  	v9 =	vadd.f32 v9, v11;
	_ =	sdelay $0x1  }
0x214: {  	[tilespmem:v8+s26+$0xFFFFFF00 ss:$0x1] =	vst.idx.msk $0xffff, v9  }
0x215: {  	v9 =	vld [tilespmem:s24+$0x200]  }
0x216: {  	v10 =	vld [tilespmem:s24+$0x280];
	_ =	sdelay $0x1  }
0x217: {  	v11 =	vld [tilespmem:s24+$0x300];
	_ =	sdelay $0x1  }
0x218: {  	v12 =	vld [tilespmem:s24+$0x380]  }
0x219: {  	v9 =	vmul.f32 v9, v0;
	v10 =	vmul.f32 v10, v1  }
0x21a: {  	v13 =	vld [tilespmem:s24+$0x400]  }
0x21b: {  	v9 =	vadd.f32 v10, v9;
	v10 =	vmul.f32 v11, v2  }
0x21c: {  	v11 =	vld [tilespmem:s24+$0x480]  }
0x21d: {  	v9 =	vadd.f32 v10, v9;
	v10 =	vmul.f32 v12, v3  }
0x21e: {  	v12 =	vld [tilespmem:s24+$0x500]  }
0x21f: {  	v9 =	vadd.f32 v10, v9;
	v10 =	vmul.f32 v13, v4  }
0x220: {  	v13 =	vld [tilespmem:s24+$0x580]  }
0x221: {  	v9 =	vadd.f32 v10, v9;
	v10 =	vmul.f32 v11, v5;
	_ =	sdelay $0x1  }
0x222: {  	v9 =	vadd.f32 v10, v9;
	v10 =	vmul.f32 v12, v6  }
0x223: {  	v11 =	vld.idx.msk [tilespmem:v8+s26+$0xFFFFFF80 ss:$0x1], $0xffff  }
0x224: {  	v9 =	vadd.f32 v10, v9;
	v10 =	vmul.f32 v13, v7;
	_ =	sdelay $0x1  }
0x225: {  	v9 =	vadd.f32 v10, v9;
	_ =	sdelay $0x1  }
0x226: {  	v9 =	vadd.f32 v9, v11;
	_ =	sdelay $0x1  }
0x227: {  	[tilespmem:v8+s26+$0xFFFFFF80 ss:$0x1] =	vst.idx.msk $0xffff, v9  }
0x228: {  	v9 =	vld [tilespmem:s24+$0x600]  }
0x229: {  	v10 =	vld [tilespmem:s24+$0x680];
	_ =	sdelay $0x1  }
0x22a: {  	v11 =	vld [tilespmem:s24+$0x700];
	_ =	sdelay $0x1  }
0x22b: {  	v12 =	vld [tilespmem:s24+$0x780]  }
0x22c: {  	v9 =	vmul.f32 v9, v0;
	v10 =	vmul.f32 v10, v1  }
0x22d: {  	v13 =	vld [tilespmem:s24+$0x800]  }
0x22e: {  	v9 =	vadd.f32 v10, v9;
	v10 =	vmul.f32 v11, v2  }
0x22f: {  	v11 =	vld [tilespmem:s24+$0x880]  }
0x230: {  	v14 =	vld [tilespmem:s24+$0x900];
	v12 =	vmul.f32 v12, v3;
	v9 =	vadd.f32 v10, v9  }
0x231: {  	v15 =	vld [tilespmem:s24+$0x980]  }
0x232: {  	v10 =	vmul.f32 v13, v4;
	v9 =	vadd.f32 v12, v9;
	_ =	sdelay $0x1  }
0x233: {  	v12 =	vmul.f32 v11, v5;
	v13 =	vadd.f32 v10, v9;
	_ =	sdelay $0x1  }
0x234: {  	s28 =	simm.s32 $0x1200;
	s29 =	smov.u32 s24;
	v11 =	vmul.f32 v15, v7;
	v9 =	vld.idx.msk [tilespmem:v8+s26+$0x0 ss:$0x1], $0xffff;
	v10 =	vmul.f32 v14, v6;
	v12 =	vadd.f32 v12, v13  }
.LBB2_11:
0x235: {  	p0 =	sne.s32 s28, $0x6200  }
0x236: {  	s29 =	sadd.s32 $0x1400, s29;
	s30 =	smov.u32 s28;
	s28 =	sadd.s32 $0xA00, s28  }
0x237: {  	v10 =	vadd.f32 v10, v12;
	_ =	sdelay $0x1  }
0x238: {  	v10 =	vadd.f32 v11, v10;
	_ =	sdelay $0x1  }
0x239: {  	v9 =	vadd.f32 v10, v9;
	_ =	sdelay $0x1  }
0x23a: {  	[tilespmem:v8+s26+$0x0 ss:$0x1] =	vst.idx.msk $0xffff, v9  }
0x23b: {  	v9 =	vld [tilespmem:s29+$0xFFFFF680]  }
0x23c: {  	v10 =	vld [tilespmem:s29+$0xFFFFF600];
	_ =	sdelay $0x1  }
0x23d: {  	v11 =	vld [tilespmem:s29+$0xFFFFF700];
	_ =	sdelay $0x1  }
0x23e: {  	v12 =	vld [tilespmem:s29+$0xFFFFF780]  }
0x23f: {  	v9 =	vmul.f32 v9, v1;
	v10 =	vmul.f32 v10, v0  }
0x240: {  	v13 =	vld [tilespmem:s29+$0xFFFFF800]  }
0x241: {  	v9 =	vadd.f32 v9, v10;
	v10 =	vmul.f32 v11, v2  }
0x242: {  	v11 =	vld [tilespmem:s29+$0xFFFFF880]  }
0x243: {  	v9 =	vadd.f32 v10, v9;
	v10 =	vmul.f32 v12, v3  }
0x244: {  	v12 =	vld [tilespmem:s29+$0xFFFFF900]  }
0x245: {  	v9 =	vadd.f32 v10, v9;
	v10 =	vmul.f32 v13, v4  }
0x246: {  	v13 =	vld [tilespmem:s29+$0xFFFFF980]  }
0x247: {  	v9 =	vadd.f32 v10, v9;
	v10 =	vmul.f32 v11, v5  }
0x248: {  	s26 =	sshra.s32 s30, $0x2  }
0x249: {  	v9 =	vadd.f32 v10, v9;
	v10 =	vmul.f32 v12, v6;
	v11 =	vld.idx.msk [tilespmem:v8+s26+$0xFFFFFE00 ss:$0x1], $0xffff;
	_ =	sdelay $0x1  }
0x24a: {  	v9 =	vadd.f32 v10, v9;
	v10 =	vmul.f32 v13, v7;
	_ =	sdelay $0x1  }
0x24b: {  	v9 =	vadd.f32 v10, v9;
	_ =	sdelay $0x1  }
0x24c: {  	v9 =	vadd.f32 v9, v11;
	_ =	sdelay $0x1  }
0x24d: {  	[tilespmem:v8+s26+$0xFFFFFE00 ss:$0x1] =	vst.idx.msk $0xffff, v9  }
0x24e: {  	v9 =	vld [tilespmem:s29+$0xFFFFFA00]  }
0x24f: {  	v10 =	vld [tilespmem:s29+$0xFFFFFA80];
	_ =	sdelay $0x1  }
0x250: {  	v11 =	vld [tilespmem:s29+$0xFFFFFB00];
	_ =	sdelay $0x1  }
0x251: {  	v12 =	vld [tilespmem:s29+$0xFFFFFB80]  }
0x252: {  	v9 =	vmul.f32 v9, v0;
	v10 =	vmul.f32 v10, v1  }
0x253: {  	v13 =	vld [tilespmem:s29+$0xFFFFFC00]  }
0x254: {  	v9 =	vadd.f32 v10, v9;
	v10 =	vmul.f32 v11, v2  }
0x255: {  	v11 =	vld [tilespmem:s29+$0xFFFFFC80]  }
0x256: {  	v9 =	vadd.f32 v10, v9;
	v10 =	vmul.f32 v12, v3  }
0x257: {  	v12 =	vld [tilespmem:s29+$0xFFFFFD00]  }
0x258: {  	v9 =	vadd.f32 v10, v9;
	v10 =	vmul.f32 v13, v4  }
0x259: {  	v13 =	vld [tilespmem:s29+$0xFFFFFD80]  }
0x25a: {  	v9 =	vadd.f32 v10, v9;
	v10 =	vmul.f32 v11, v5;
	_ =	sdelay $0x1  }
0x25b: {  	v9 =	vadd.f32 v10, v9;
	v10 =	vmul.f32 v12, v6;
	v11 =	vld.idx.msk [tilespmem:v8+s26+$0xFFFFFE80 ss:$0x1], $0xffff;
	_ =	sdelay $0x1  }
0x25c: {  	v9 =	vadd.f32 v10, v9;
	v10 =	vmul.f32 v13, v7;
	_ =	sdelay $0x1  }
0x25d: {  	v9 =	vadd.f32 v10, v9;
	_ =	sdelay $0x1  }
0x25e: {  	v9 =	vadd.f32 v9, v11;
	_ =	sdelay $0x1  }
0x25f: {  	[tilespmem:v8+s26+$0xFFFFFE80 ss:$0x1] =	vst.idx.msk $0xffff, v9  }
0x260: {  	v9 =	vld [tilespmem:s29+$0xFFFFFE00]  }
0x261: {  	v10 =	vld [tilespmem:s29+$0xFFFFFE80];
	_ =	sdelay $0x1  }
0x262: {  	v11 =	vld [tilespmem:s29+$0xFFFFFF00];
	_ =	sdelay $0x1  }
0x263: {  	v12 =	vld [tilespmem:s29+$0xFFFFFF80]  }
0x264: {  	v9 =	vmul.f32 v9, v0;
	v10 =	vmul.f32 v10, v1  }
0x265: {  	v13 =	vld [tilespmem:s29+$0x0]  }
0x266: {  	v9 =	vadd.f32 v10, v9;
	v10 =	vmul.f32 v11, v2  }
0x267: {  	v11 =	vld [tilespmem:s29+$0x80]  }
0x268: {  	v9 =	vadd.f32 v10, v9;
	v10 =	vmul.f32 v12, v3  }
0x269: {  	v12 =	vld [tilespmem:s29+$0x100]  }
0x26a: {  	v9 =	vadd.f32 v10, v9;
	v10 =	vmul.f32 v13, v4  }
0x26b: {  	v13 =	vld [tilespmem:s29+$0x180]  }
0x26c: {  	v9 =	vadd.f32 v10, v9;
	v10 =	vmul.f32 v11, v5;
	_ =	sdelay $0x1  }
0x26d: {  	v9 =	vadd.f32 v10, v9;
	v10 =	vmul.f32 v12, v6;
	v11 =	vld.idx.msk [tilespmem:v8+s26+$0xFFFFFF00 ss:$0x1], $0xffff;
	_ =	sdelay $0x1  }
0x26e: {  	v9 =	vadd.f32 v10, v9;
	v10 =	vmul.f32 v13, v7;
	_ =	sdelay $0x1  }
0x26f: {  	v9 =	vadd.f32 v10, v9;
	_ =	sdelay $0x1  }
0x270: {  	v9 =	vadd.f32 v9, v11;
	_ =	sdelay $0x1  }
0x271: {  	[tilespmem:v8+s26+$0xFFFFFF00 ss:$0x1] =	vst.idx.msk $0xffff, v9  }
0x272: {  	v9 =	vld [tilespmem:s29+$0x200]  }
0x273: {  	v10 =	vld [tilespmem:s29+$0x280]  }
0x274: {  	v11 =	vld [tilespmem:s29+$0x300]  }
0x275: {  	v12 =	vld [tilespmem:s29+$0x380]  }
0x276: {  	v13 =	vld [tilespmem:s29+$0x400]  }
0x277: {  	v9 =	vmul.f32 v9, v0;
	v14 =	vld [tilespmem:s29+$0x480]  }
0x278: {  	v10 =	vmul.f32 v10, v1;
	v15 =	vld [tilespmem:s29+$0x500]  }
0x279: {  	v16 =	vld [tilespmem:s29+$0x580]  }
0x27a: {  	v9 =	vadd.f32 v10, v9;
	v10 =	vmul.f32 v11, v2;
	_ =	sdelay $0x1  }
0x27b: {  	v9 =	vadd.f32 v10, v9;
	v10 =	vmul.f32 v12, v3;
	_ =	sdelay $0x1  }
0x27c: {  	v9 =	vadd.f32 v10, v9;
	v10 =	vmul.f32 v13, v4;
	_ =	sdelay $0x1  }
0x27d: {  	v9 =	vadd.f32 v10, v9;
	v10 =	vmul.f32 v14, v5;
	_ =	sdelay $0x1  }
0x27e: {  	v9 =	vadd.f32 v10, v9;
	v10 =	vmul.f32 v15, v6;
	v11 =	vld.idx.msk [tilespmem:v8+s26+$0xFFFFFF80 ss:$0x1], $0xffff;
	_ =	sdelay $0x1  }
0x27f: {  	v9 =	vadd.f32 v10, v9;
	v10 =	vmul.f32 v16, v7;
	_ =	sdelay $0x1  }
0x280: {  	v9 =	vadd.f32 v10, v9;
	_ =	sdelay $0x1  }
0x281: {  	v9 =	vadd.f32 v9, v11;
	_ =	sdelay $0x1  }
0x282: {  	[tilespmem:v8+s26+$0xFFFFFF80 ss:$0x1] =	vst.idx.msk $0xffff, v9  }
0x283: {  	v9 =	vld [tilespmem:s29+$0x600]  }
0x284: {  	v10 =	vld [tilespmem:s29+$0x680]  }
0x285: {  	v11 =	vld [tilespmem:s29+$0x780]  }
0x286: {  	v12 =	vld [tilespmem:s29+$0x700]  }
0x287: {  	v13 =	vld [tilespmem:s29+$0x800]  }
0x288: {  	v9 =	vmul.f32 v9, v0;
	v14 =	vld [tilespmem:s29+$0x880]  }
0x289: {  	v10 =	vmul.f32 v10, v1;
	v15 =	vld [tilespmem:s29+$0x900]  }
0x28a: {  	v11 =	vmul.f32 v11, v3;
	v16 =	vld [tilespmem:s29+$0x980]  }
0x28b: {  	v10 =	vadd.f32 v10, v9;
	v12 =	vmul.f32 v12, v2;
	v9 =	vld.idx.msk [tilespmem:v8+s26+$0x0 ss:$0x1], $0xffff  }
0x28c: {  	v13 =	vmul.f32 v13, v4  }
0x28d: {  	v10 =	vadd.f32 v12, v10  }
0x28e: {  	v12 =	vmul.f32 v14, v5  }
.Ltmp4:
0x28f: {  	v11 =	vadd.f32 v11, v10;
	(pc) =	sbr.rel @p0 .LBB2_11-.Ltmp4, $4  }
0x290: {  	v10 =	vmul.f32 v15, v6  }
0x291: {  	v13 =	vadd.f32 v13, v11  }
0x292: {  	v11 =	vmul.f32 v16, v7  }
0x293: {  	v12 =	vadd.f32 v12, v13  }
0x294: {  	_ = 	snop  }
0x295: {  	s23 =	sadd.s32 $0x1, s23;
	v0 =	vadd.f32 v10, v12  }
0x296: {  	p0 =	sne.s32 s23, $0x8  }
.Ltmp5:
0x297: {  	v0 =	vadd.f32 v11, v0;
	(pc) =	sbr.rel @p0 .LBB2_8-.Ltmp5, $3  }
0x298: {  	_ = 	snop  }
0x299: {  	v0 =	vadd.f32 v0, v9;
	_ =	sdelay $0x1  }
0x29a: {  	s24 =	sadd.s32 $0x10, s24;
	s25 =	sadd.s32 $0x10, s25;
	[tilespmem:v8+s26+$0x0 ss:$0x1] =	vst.idx.msk $0xffff, v0  }
0x29b: {  	[tilespmem:s16], [sflag:$0x2] =	stream.strided.gather [hbm4b:s8+s13], $0xC800, s14, s13, $0x38;
	[tilespmem:$0x1D080] =	vst v63  }
0x29c: {  	_ =	swait.ge [sflag:s17], $0xC800  }
0x29d: {  	s23 =	simm.s32 $0x0;
	[sflag:s17] =	ssyncset.done $0x0  }
0x29e: {  	s24 =	simm.s32 $0xA00;
	s25 =	simm.s32 $0x19000;
	[sflag:s17] =	ssyncadd.s32 $0xFFFF3800  }
.LBB2_14:
0x29f: {  	v0 =	vld [tilespmem:s24+$0x600]  }
0x2a0: {  	v3 =	vld [tilespmem:s24+$0x680]  }
0x2a1: {  	v4 =	vld [tilespmem:s24+$0x700]  }
0x2a2: {  	v6 =	vld [tilespmem:s24+$0x780]  }
0x2a3: {  	v7 =	vld [tilespmem:s24+$0x800]  }
0x2a4: {  	v9 =	vld [tilespmem:s24+$0x880]  }
0x2a5: {  	v11 =	vld [tilespmem:s24+$0x200]  }
0x2a6: {  	v12 =	vld [tilespmem:s24+$0x280]  }
0x2a7: {  	v16 =	vld [tilespmem:s24+$0x300]  }
0x2a8: {  	v18 =	vld [tilespmem:s24+$0x380]  }
0x2a9: {  	v19 =	vld [tilespmem:s24+$0x400]  }
0x2aa: {  	v20 =	vld [tilespmem:s24+$0x480]  }
0x2ab: {  	v21 =	vld [tilespmem:s24+$0xFFFFFE00]  }
0x2ac: {  	v26 =	vld [tilespmem:s24+$0xFFFFFE80]  }
0x2ad: {  	v27 =	vld [tilespmem:s24+$0xFFFFFF00]  }
0x2ae: {  	v28 =	vld [tilespmem:s24+$0xFFFFFF80]  }
0x2af: {  	s26 =	simm.s32 $0x200;
	v32 =	vld [tilespmem:s24+$0xFFFFFA00]  }
0x2b0: {  	v1 =	vld [tilespmem:s26+$0x1B080]  }
0x2b1: {  	v33 =	vld [tilespmem:s24+$0xFFFFFA80]  }
0x2b2: {  	v34 =	vld [tilespmem:s24+$0xFFFFF680]  }
0x2b3: {  	v2 =	vld [tilespmem:s26+$0x1B000]  }
0x2b4: {  	v35 =	vld [tilespmem:s24+$0xFFFFF700]  }
0x2b5: {  	v5 =	vld [tilespmem:s26+$0x1AF80];
	v15 =	vmul.f32 v0, v1  }
0x2b6: {  	v8 =	vld [tilespmem:s26+$0x1AF00];
	v13 =	vmul.f32 v3, v1;
	v14 =	vmul.f32 v4, v1  }
0x2b7: {  	v17 =	vld [tilespmem:s26+$0x1AE80];
	v10 =	vmul.f32 v6, v1;
	v4 =	vmul.f32 v7, v1  }
0x2b8: {  	v0 =	vld [tilespmem:s24+$0xFFFFF600];
	v3 =	vmul.f32 v9, v1;
	v25 =	vmul.f32 v11, v2  }
0x2b9: {  	v23 =	vmul.f32 v12, v2;
	v24 =	vmul.f32 v16, v2;
	v11 =	vld [tilespmem:s24+$0xFFFFF780]  }
0x2ba: {  	v22 =	vmul.f32 v18, v2;
	v6 =	vmul.f32 v19, v2;
	v12 =	vld [tilespmem:s24+$0xFFFFFB00]  }
0x2bb: {  	v7 =	vmul.f32 v20, v2;
	v31 =	vmul.f32 v21, v5;
	v16 =	vld [tilespmem:s24+$0xFFFFFB80]  }
0x2bc: {  	v29 =	vmul.f32 v26, v5;
	v26 =	vld [tilespmem:s24+$0x0];
	v21 =	vmul.f32 v34, v17  }
0x2bd: {  	v30 =	vmul.f32 v27, v5;
	v28 =	vmul.f32 v28, v5;
	v27 =	vld [tilespmem:s24+$0x80];
	v9 =	vimm.f32 $0.0e+00  }
0x2be: {  	v19 =	vmul.f32 v33, v8;
	v62 =	vmul.f32 v35, v17;
	v21 =	vadd.f32 v21, v9  }
0x2bf: {  	v18 =	vmul.f32 v32, v8;
	v32 =	vld [tilespmem:s24+$0xFFFFFC00];
	v20 =	vmul.f32 v0, v17  }
0x2c0: {  	v33 =	vld [tilespmem:s24+$0xFFFFFC80];
	v34 =	vadd.f32 v62, v9;
	v21 =	vadd.f32 v19, v21;
	v11 =	vmul.f32 v11, v17  }
0x2c1: {  	v19 =	vld [tilespmem:s24+$0xFFFFF900];
	v12 =	vmul.f32 v12, v8;
	v16 =	vmul.f32 v16, v8;
	v63 =	vadd.f32 v20, v9  }
0x2c2: {  	v26 =	vmul.f32 v26, v5;
	v27 =	vmul.f32 v27, v5;
	v11 =	vadd.f32 v11, v9;
	v20 =	vld [tilespmem:s24+$0xFFFFF800]  }
0x2c3: {  	s26 =	sshll.u32 s23, $0x4;
	v36 =	vadd.f32 v12, v34;
	v12 =	vimm.f32 $0.0e+00;
	v35 =	vadd.f32 v18, v63;
	v18 =	vld [tilespmem:s24+$0xFFFFF880]  }
0x2c4: {  	s29 =	simm.s32 $0x1200;
	s28 =	smov.u32 s24;
	v0 =	vld [tilespmem:s26+$0x1B000];
	v34 =	vadd.f32 v16, v11;
	v16 =	vimm.f32 $0.0e+00;
	v11 =	vimm.f32 $0.0e+00  }
.LBB2_15:
0x2c5: {  	p0 =	sne.s32 s29, $0x6200;
	v37 =	vld [tilespmem:s28+$0xFFFFF980];
	v32 =	vmul.f32 v32, v8;
	v31 =	vadd.f32 v31, v35;
	v21 =	vadd.f32 v29, v21  }
0x2c6: {  	v29 =	vmul.f32 v33, v8;
	v33 =	vld [tilespmem:s28+$0xFFFFFD00];
	v30 =	vadd.f32 v30, v36;
	v28 =	vadd.f32 v28, v34  }
0x2c7: {  	v34 =	vmul.f32 v20, v17;
	v35 =	vld [tilespmem:s28+$0xFFFFFD80];
	v20 =	vadd.f32 v25, v31;
	v21 =	vadd.f32 v23, v21  }
0x2c8: {  	v23 =	vmul.f32 v18, v17;
	v25 =	vld [tilespmem:s28+$0x100];
	v24 =	vadd.f32 v24, v30;
	v22 =	vadd.f32 v22, v28  }
0x2c9: {  	v28 =	vmul.f32 v19, v17;
	v30 =	vld [tilespmem:s28+$0x180];
	v18 =	vadd.f32 v15, v20;
	v19 =	vadd.f32 v13, v21  }
0x2ca: {  	v13 =	vmul.f32 v37, v17;
	v15 =	vld [tilespmem:s28+$0x500];
	v20 =	vadd.f32 v14, v24;
	v21 =	vadd.f32 v10, v22  }
0x2cb: {  	v9 =	vadd.f32 v34, v9;
	v10 =	vadd.f32 v23, v16;
	v14 =	vmul.f32 v33, v8;
	v16 =	vld [tilespmem:s28+$0x580]  }
0x2cc: {  	v11 =	vadd.f32 v28, v11;
	v12 =	vadd.f32 v13, v12;
	v8 =	vmul.f32 v35, v8;
	v13 =	vld [tilespmem:s28+$0x900]  }
0x2cd: {  	v9 =	vadd.f32 v32, v9;
	v10 =	vadd.f32 v29, v10;
	v17 =	vmul.f32 v25, v5;
	v22 =	vld [tilespmem:s28+$0x980];
	s28 =	sadd.s32 $0x1400, s28  }
0x2ce: {  	v11 =	vadd.f32 v14, v11;
	v23 =	vld [tilespmem:s28+$0x600];
	v8 =	vadd.f32 v8, v12;
	v5 =	vmul.f32 v30, v5  }
0x2cf: {  	v9 =	vadd.f32 v26, v9;
	v10 =	vadd.f32 v27, v10;
	v14 =	vld [tilespmem:s28+$0x680];
	v12 =	vmul.f32 v15, v2  }
0x2d0: {  	v11 =	vadd.f32 v17, v11;
	v24 =	vld [tilespmem:s28+$0x700];
	v5 =	vadd.f32 v5, v8;
	v2 =	vmul.f32 v16, v2  }
0x2d1: {  	v6 =	vadd.f32 v6, v9;
	v7 =	vadd.f32 v7, v10;
	v17 =	vld [tilespmem:s28+$0x780];
	v8 =	vmul.f32 v13, v1  }
0x2d2: {  	v10 =	vadd.f32 v12, v11;
	v25 =	vld [tilespmem:s28+$0x800];
	v2 =	vadd.f32 v2, v5;
	v5 =	vmul.f32 v22, v1  }
0x2d3: {  	s30 =	sshra.s32 s29, $0x2;
	v9 =	vadd.f32 v4, v6;
	v16 =	vadd.f32 v3, v7;
	v22 =	vld [tilespmem:s28+$0x880]  }
0x2d4: {  	v11 =	vadd.f32 v8, v10;
	v1 =	vld [tilespmem:s30+$0x1B080];
	v12 =	vadd.f32 v5, v2  }
0x2d5: {  	v6 =	vld [tilespmem:s28+$0x200]  }
0x2d6: {  	v7 =	vld [tilespmem:s28+$0x280]  }
0x2d7: {  	v26 =	vld [tilespmem:s28+$0x300]  }
0x2d8: {  	v27 =	vld [tilespmem:s28+$0x380]  }
0x2d9: {  	v28 =	vld [tilespmem:s28+$0x400]  }
0x2da: {  	v29 =	vld [tilespmem:s28+$0x480]  }
0x2db: {  	v2 =	vld [tilespmem:s30+$0x1B000]  }
0x2dc: {  	v30 =	vld [tilespmem:s28+$0xFFFFFE00]  }
0x2dd: {  	v32 =	vld [tilespmem:s28+$0xFFFFFE80]  }
0x2de: {  	v33 =	vld [tilespmem:s28+$0xFFFFFF00]  }
0x2df: {  	v34 =	vld [tilespmem:s28+$0xFFFFFF80]  }
0x2e0: {  	v5 =	vld [tilespmem:s30+$0x1AF80]  }
0x2e1: {  	v35 =	vld [tilespmem:s28+$0xFFFFFA00]  }
0x2e2: {  	v36 =	vld [tilespmem:s28+$0xFFFFFA80]  }
0x2e3: {  	v15 =	vmul.f32 v23, v1;
	v13 =	vmul.f32 v14, v1;
	v8 =	vld [tilespmem:s30+$0x1AF00]  }
0x2e4: {  	v14 =	vmul.f32 v24, v1;
	v10 =	vmul.f32 v17, v1;
	v37 =	vld [tilespmem:s28+$0xFFFFF600]  }
0x2e5: {  	v4 =	vmul.f32 v25, v1;
	v3 =	vmul.f32 v22, v1;
	v38 =	vld [tilespmem:s28+$0xFFFFF680]  }
0x2e6: {  	v25 =	vmul.f32 v6, v2;
	v23 =	vmul.f32 v7, v2;
	v39 =	vld [tilespmem:s28+$0xFFFFF700]  }
0x2e7: {  	v24 =	vmul.f32 v26, v2;
	v22 =	vmul.f32 v27, v2;
	v17 =	vld [tilespmem:s30+$0x1AE80]  }
0x2e8: {  	v6 =	vmul.f32 v28, v2;
	v7 =	vmul.f32 v29, v2;
	v26 =	vld [tilespmem:s28+$0xFFFFF780]  }
0x2e9: {  	v31 =	vmul.f32 v30, v5;
	v29 =	vmul.f32 v32, v5;
	v27 =	vld [tilespmem:s28+$0xFFFFFB00]  }
0x2ea: {  	v30 =	vmul.f32 v33, v5;
	v28 =	vmul.f32 v34, v5;
	v40 =	vld [tilespmem:s28+$0xFFFFFB80]  }
0x2eb: {  	v34 =	vmul.f32 v35, v8;
	v36 =	vmul.f32 v36, v8;
	v41 =	vld [tilespmem:s28+$0x0]  }
0x2ec: {  	v33 =	vmul.f32 v37, v17;
	v35 =	vmul.f32 v38, v17;
	v37 =	vld [tilespmem:s28+$0x80]  }
.Ltmp6:
0x2ed: {  	v38 =	vmul.f32 v39, v17;
	v26 =	vmul.f32 v26, v17;
	v32 =	vld [tilespmem:s28+$0xFFFFFC00];
	(pc) =	sbr.rel @p0 .LBB2_15-.Ltmp6, $4  }
0x2ee: {  	v39 =	vadd.f32 v33, v18;
	v19 =	vadd.f32 v35, v19;
	v27 =	vmul.f32 v27, v8;
	v33 =	vld [tilespmem:s28+$0xFFFFFC80]  }
0x2ef: {  	v38 =	vadd.f32 v38, v20;
	v42 =	vadd.f32 v26, v21;
	v20 =	vld [tilespmem:s28+$0xFFFFF800];
	v40 =	vmul.f32 v40, v8  }
0x2f0: {  	v18 =	vld [tilespmem:s28+$0xFFFFF880];
	v35 =	vadd.f32 v34, v39;
	v21 =	vadd.f32 v36, v19;
	v26 =	vmul.f32 v41, v5  }
0x2f1: {  	s29 =	sadd.s32 $0xA00, s29;
	v36 =	vadd.f32 v27, v38;
	v19 =	vld [tilespmem:s28+$0xFFFFF900];
	v34 =	vadd.f32 v40, v42;
	v27 =	vmul.f32 v37, v5  }
0x2f2: {  	v31 =	vadd.f32 v31, v35  }
0x2f3: {  	v48 =	vld [tilespmem:s28+$0xFFFFF980];
	v32 =	vmul.f32 v32, v8;
	v21 =	vadd.f32 v29, v21;
	v49 =	vadd.f32 v30, v36  }
0x2f4: {  	v51 =	vld [tilespmem:s28+$0xFFFFFD00];
	v50 =	vmul.f32 v33, v8;
	v28 =	vadd.f32 v28, v34;
	v25 =	vadd.f32 v25, v31  }
0x2f5: {  	v52 =	vld [tilespmem:s28+$0xFFFFFD80];
	v20 =	vmul.f32 v20, v17;
	v21 =	vadd.f32 v23, v21;
	v53 =	vadd.f32 v24, v49  }
0x2f6: {  	v54 =	vld [tilespmem:s28+$0x100];
	v18 =	vmul.f32 v18, v17;
	v22 =	vadd.f32 v22, v28;
	v15 =	vadd.f32 v15, v25  }
0x2f7: {  	v55 =	vld [tilespmem:s28+$0x180];
	v19 =	vmul.f32 v19, v17;
	v13 =	vadd.f32 v13, v21;
	v9 =	vadd.f32 v20, v9  }
0x2f8: {  	v57 =	vld [tilespmem:s28+$0x500];
	v14 =	vadd.f32 v14, v53;
	v56 =	vmul.f32 v48, v17;
	v10 =	vadd.f32 v10, v22  }
0x2f9: {  	v59 =	vld [tilespmem:s28+$0x580];
	v16 =	vadd.f32 v18, v16;
	v58 =	vmul.f32 v51, v8;
	v11 =	vadd.f32 v19, v11  }
0x2fa: {  	v60 =	vld [tilespmem:s28+$0x900];
	v8 =	vmul.f32 v52, v8;
	v9 =	vadd.f32 v32, v9;
	v12 =	vadd.f32 v56, v12  }
0x2fb: {  	v62 =	vld [tilespmem:s28+$0x980];
	v61 =	vmul.f32 v54, v5;
	v16 =	vadd.f32 v50, v16;
	v11 =	vadd.f32 v58, v11  }
0x2fc: {  	v5 =	vmul.f32 v55, v5;
	v9 =	vadd.f32 v26, v9;
	v8 =	vadd.f32 v8, v12  }
0x2fd: {  	v63 =	vmul.f32 v57, v2;
	v12 =	vadd.f32 v27, v16;
	v11 =	vadd.f32 v61, v11  }
0x2fe: {  	v2 =	vmul.f32 v59, v2;
	v6 =	vadd.f32 v6, v9;
	v9 =	vadd.f32 v15, v0  }
0x2ff: {  	v5 =	vadd.f32 v5, v8;
	v7 =	vadd.f32 v7, v12;
	v8 =	vmul.f32 v60, v1  }
0x300: {  	v1 =	vmul.f32 v62, v1;
	v11 =	vadd.f32 v63, v11;
	v4 =	vadd.f32 v4, v6  }
0x301: {  	v6 =	vadd.f32 v13, v0;
	v2 =	vadd.f32 v2, v5;
	v5 =	vmul.f32 $2.000000030e-01, v9  }
0x302: {  	vm0 =	vgt.f32 v9, $0.0e+00;
	v3 =	vadd.f32 v3, v7;
	v7 =	vadd.f32 v8, v11  }
0x303: {  	v8 =	vmul.f32 $2.000000030e-01, v6;
	v5 =	vsel vm0, v9, v5;
	v9 =	vadd.f32 v14, v0  }
0x304: {  	vm9 =	vgt.f32 v6, $0.0e+00;
	v1 =	vadd.f32 v1, v2;
	v2 =	vmul.f32 $1.442695020e+00, v5  }
0x305: {  	v5 =	vsel vm9, v6, v8;
	v8 =	vadd.f32 v10, v0;
	v6 =	vmul.f32 $2.000000030e-01, v9  }
0x306: {  	vm10 =	vgt.f32 v9, $0.0e+00;
	(erf) = vpow2.f32 v2;
	v2 =	vmul.f32 $1.442695020e+00, v5  }
0x307: {  	v4 =	vadd.f32 v4, v0;
	v5 =	vsel vm10, v9, v6;
	v6 =	vmul.f32 $2.000000030e-01, v8  }
0x308: {  	vm11 =	vgt.f32 v8, $0.0e+00;
	(erf) = vpow2.f32 v2;
	v2 =	vmul.f32 $1.442695020e+00, v5  }
0x309: {  	v3 =	vadd.f32 v3, v0;
	v5 =	vsel vm11, v8, v6;
	v6 =	vmul.f32 $2.000000030e-01, v4  }
0x30a: {  	vm12 =	vgt.f32 v4, $0.0e+00;
	(erf) = vpow2.f32 v2;
	v2 =	vmul.f32 $1.442695020e+00, v5  }
0x30b: {  	v5 =	vmul.f32 $2.000000030e-01, v3;
	v4 =	vsel vm12, v4, v6;
	v6 =	vadd.f32 v7, v0  }
0x30c: {  	vm13 =	vgt.f32 v3, $0.0e+00;
	(erf) = vpow2.f32 v2;
	v2 =	vmul.f32 $1.442695020e+00, v4  }
0x30d: {  	v3 =	vsel vm13, v3, v5;
	v5 =	vadd.f32 v1, v0;
	v4 =	vmul.f32 $2.000000030e-01, v6  }
0x30e: {  	v1 =	vmul.f32 $1.442695020e+00, v3;
	vm14 =	vgt.f32 v6, $0.0e+00  }
0x30f: {  	(erf) = vpow2.f32 v2;
	v3 =	vmul.f32 $2.000000030e-01, v5;
	v2 =	vsel vm14, v6, v4  }
0x310: {  	vm15 =	vgt.f32 v5, $0.0e+00;
	v2 =	vmul.f32 $1.442695020e+00, v2  }
0x311: {  	v0 =	vpop (erf);
	v3 =	vsel vm15, v5, v3  }
0x312: {  	(erf) = vpow2.f32 v1;
	v1 =	vpop (erf);
	v3 =	vmul.f32 $1.442695020e+00, v3  }
0x313: {  	v4 =	vadd.f32 v1, v0  }
0x314: {  	(erf) = vpow2.f32 v2;
	v2 =	vpop (erf)  }
0x315: {  	v4 =	vadd.f32 v2, v4  }
0x316: {  	(erf) = vpow2.f32 v3;
	v3 =	vpop (erf)  }
0x317: {  	v5 =	vadd.f32 v3, v4;
	_ =	sdelay $0x1  }
0x318: {  	v4 =	vpop (erf)  }
0x319: {  	v6 =	vadd.f32 v4, v5  }
0x31a: {  	v5 =	vpop (erf)  }
0x31b: {  	v7 =	vadd.f32 v5, v6;
	_ =	sdelay $0x1  }
0x31c: {  	v8 =	vld [tilespmem:s26+$0x1AF80];
	v6 =	vpop (erf)  }
0x31d: {  	v9 =	vadd.f32 v6, v7  }
0x31e: {  	v7 =	vpop (erf)  }
0x31f: {  	v9 =	vadd.f32 v7, v9;
	_ =	sdelay $0x1  }
0x320: {  	v8 =	vadd.f32 v8, v9;
	_ =	sdelay $0x1  }
0x321: {  	[tilespmem:s26+$0x1AF80] =	vst v8  }
0x322: {  	v8 =	vld [tilespmem:s24+$0xFFFFF680]  }
0x323: {  	v9 =	vld [tilespmem:s24+$0xFFFFF600];
	_ =	sdelay $0x1  }
0x324: {  	v10 =	vld [tilespmem:s24+$0xFFFFF700];
	_ =	sdelay $0x1  }
0x325: {  	v11 =	vld [tilespmem:s24+$0xFFFFF780]  }
0x326: {  	v9 =	vmul.f32 v9, v0;
	v8 =	vmul.f32 v8, v1  }
0x327: {  	v12 =	vld [tilespmem:s24+$0xFFFFF800]  }
0x328: {  	v8 =	vadd.f32 v8, v9;
	v9 =	vmul.f32 v10, v2  }
0x329: {  	v10 =	vld [tilespmem:s24+$0xFFFFF880]  }
0x32a: {  	v11 =	vmul.f32 v11, v3;
	v9 =	vadd.f32 v9, v8  }
0x32b: {  	v13 =	vld [tilespmem:s24+$0xFFFFF900]  }
0x32c: {  	v8 =	vmov s25;
	v9 =	vadd.f32 v11, v9;
	v11 =	vmul.f32 v12, v4  }
0x32d: {  	v12 =	vld [tilespmem:s24+$0xFFFFF980]  }
0x32e: {  	v10 =	vmul.f32 v10, v5;
	v9 =	vadd.f32 v11, v9;
	_ =	sdelay $0x1  }
0x32f: {  	s26 =	simm.s32 $0x200;
	v9 =	vadd.f32 v10, v9;
	v10 =	vmul.f32 v13, v6  }
0x330: {  	v11 =	vld.idx.msk [tilespmem:v8+s26+$0xFFFFFE00 ss:$0x1], $0xffff  }
0x331: {  	v9 =	vadd.f32 v10, v9;
	v10 =	vmul.f32 v12, v7;
	_ =	sdelay $0x1  }
0x332: {  	v9 =	vadd.f32 v10, v9;
	_ =	sdelay $0x1  }
0x333: {  	v9 =	vadd.f32 v9, v11;
	_ =	sdelay $0x1  }
0x334: {  	[tilespmem:v8+s26+$0xFFFFFE00 ss:$0x1] =	vst.idx.msk $0xffff, v9  }
0x335: {  	v9 =	vld [tilespmem:s24+$0xFFFFFA00]  }
0x336: {  	v10 =	vld [tilespmem:s24+$0xFFFFFA80];
	_ =	sdelay $0x1  }
0x337: {  	v11 =	vld [tilespmem:s24+$0xFFFFFB00];
	_ =	sdelay $0x1  }
0x338: {  	v12 =	vld [tilespmem:s24+$0xFFFFFB80]  }
0x339: {  	v9 =	vmul.f32 v9, v0;
	v10 =	vmul.f32 v10, v1  }
0x33a: {  	v13 =	vld [tilespmem:s24+$0xFFFFFC00]  }
0x33b: {  	v9 =	vadd.f32 v10, v9;
	v10 =	vmul.f32 v11, v2  }
0x33c: {  	v11 =	vld [tilespmem:s24+$0xFFFFFC80]  }
0x33d: {  	v9 =	vadd.f32 v10, v9;
	v10 =	vmul.f32 v12, v3  }
0x33e: {  	v12 =	vld [tilespmem:s24+$0xFFFFFD00]  }
0x33f: {  	v9 =	vadd.f32 v10, v9;
	v10 =	vmul.f32 v13, v4  }
0x340: {  	v13 =	vld [tilespmem:s24+$0xFFFFFD80]  }
0x341: {  	v9 =	vadd.f32 v10, v9;
	v10 =	vmul.f32 v11, v5;
	_ =	sdelay $0x1  }
0x342: {  	v9 =	vadd.f32 v10, v9;
	v10 =	vmul.f32 v12, v6  }
0x343: {  	v11 =	vld.idx.msk [tilespmem:v8+s26+$0xFFFFFE80 ss:$0x1], $0xffff  }
0x344: {  	v9 =	vadd.f32 v10, v9;
	v10 =	vmul.f32 v13, v7;
	_ =	sdelay $0x1  }
0x345: {  	v9 =	vadd.f32 v10, v9;
	_ =	sdelay $0x1  }
0x346: {  	v9 =	vadd.f32 v9, v11;
	_ =	sdelay $0x1  }
0x347: {  	[tilespmem:v8+s26+$0xFFFFFE80 ss:$0x1] =	vst.idx.msk $0xffff, v9  }
0x348: {  	v9 =	vld [tilespmem:s24+$0xFFFFFE00]  }
0x349: {  	v10 =	vld [tilespmem:s24+$0xFFFFFE80];
	_ =	sdelay $0x1  }
0x34a: {  	v11 =	vld [tilespmem:s24+$0xFFFFFF00];
	_ =	sdelay $0x1  }
0x34b: {  	v12 =	vld [tilespmem:s24+$0xFFFFFF80]  }
0x34c: {  	v9 =	vmul.f32 v9, v0;
	v10 =	vmul.f32 v10, v1  }
0x34d: {  	v13 =	vld [tilespmem:s24+$0x0]  }
0x34e: {  	v9 =	vadd.f32 v10, v9;
	v10 =	vmul.f32 v11, v2  }
0x34f: {  	v11 =	vld [tilespmem:s24+$0x80]  }
0x350: {  	v9 =	vadd.f32 v10, v9;
	v10 =	vmul.f32 v12, v3  }
0x351: {  	v12 =	vld [tilespmem:s24+$0x100]  }
0x352: {  	v9 =	vadd.f32 v10, v9;
	v10 =	vmul.f32 v13, v4  }
0x353: {  	v13 =	vld [tilespmem:s24+$0x180]  }
0x354: {  	v9 =	vadd.f32 v10, v9;
	v10 =	vmul.f32 v11, v5;
	_ =	sdelay $0x1  }
0x355: {  	v9 =	vadd.f32 v10, v9;
	v10 =	vmul.f32 v12, v6  }
0x356: {  	v11 =	vld.idx.msk [tilespmem:v8+s26+$0xFFFFFF00 ss:$0x1], $0xffff  }
0x357: {  	v9 =	vadd.f32 v10, v9;
	v10 =	vmul.f32 v13, v7;
	_ =	sdelay $0x1  }
0x358: {  	v9 =	vadd.f32 v10, v9;
	_ =	sdelay $0x1  }
0x359: {  	v9 =	vadd.f32 v9, v11;
	_ =	sdelay $0x1  }
0x35a: {  	[tilespmem:v8+s26+$0xFFFFFF00 ss:$0x1] =	vst.idx.msk $0xffff, v9  }
0x35b: {  	v9 =	vld [tilespmem:s24+$0x200]  }
0x35c: {  	v10 =	vld [tilespmem:s24+$0x280];
	_ =	sdelay $0x1  }
0x35d: {  	v11 =	vld [tilespmem:s24+$0x300];
	_ =	sdelay $0x1  }
0x35e: {  	v12 =	vld [tilespmem:s24+$0x380]  }
0x35f: {  	v9 =	vmul.f32 v9, v0;
	v10 =	vmul.f32 v10, v1  }
0x360: {  	v13 =	vld [tilespmem:s24+$0x400]  }
0x361: {  	v9 =	vadd.f32 v10, v9;
	v10 =	vmul.f32 v11, v2  }
0x362: {  	v11 =	vld [tilespmem:s24+$0x480]  }
0x363: {  	v9 =	vadd.f32 v10, v9;
	v10 =	vmul.f32 v12, v3  }
0x364: {  	v12 =	vld [tilespmem:s24+$0x500]  }
0x365: {  	v9 =	vadd.f32 v10, v9;
	v10 =	vmul.f32 v13, v4  }
0x366: {  	v13 =	vld [tilespmem:s24+$0x580]  }
0x367: {  	v9 =	vadd.f32 v10, v9;
	v10 =	vmul.f32 v11, v5;
	_ =	sdelay $0x1  }
0x368: {  	v9 =	vadd.f32 v10, v9;
	v10 =	vmul.f32 v12, v6  }
0x369: {  	v11 =	vld.idx.msk [tilespmem:v8+s26+$0xFFFFFF80 ss:$0x1], $0xffff  }
0x36a: {  	v9 =	vadd.f32 v10, v9;
	v10 =	vmul.f32 v13, v7;
	_ =	sdelay $0x1  }
0x36b: {  	v9 =	vadd.f32 v10, v9;
	_ =	sdelay $0x1  }
0x36c: {  	v9 =	vadd.f32 v9, v11;
	_ =	sdelay $0x1  }
0x36d: {  	[tilespmem:v8+s26+$0xFFFFFF80 ss:$0x1] =	vst.idx.msk $0xffff, v9  }
0x36e: {  	v9 =	vld [tilespmem:s24+$0x600]  }
0x36f: {  	v10 =	vld [tilespmem:s24+$0x680];
	_ =	sdelay $0x1  }
0x370: {  	v11 =	vld [tilespmem:s24+$0x700];
	_ =	sdelay $0x1  }
0x371: {  	v12 =	vld [tilespmem:s24+$0x780]  }
0x372: {  	v9 =	vmul.f32 v9, v0;
	v10 =	vmul.f32 v10, v1  }
0x373: {  	v13 =	vld [tilespmem:s24+$0x800]  }
0x374: {  	v9 =	vadd.f32 v10, v9;
	v10 =	vmul.f32 v11, v2  }
0x375: {  	v11 =	vld [tilespmem:s24+$0x880]  }
0x376: {  	v14 =	vld [tilespmem:s24+$0x900];
	v12 =	vmul.f32 v12, v3;
	v9 =	vadd.f32 v10, v9  }
0x377: {  	v15 =	vld [tilespmem:s24+$0x980]  }
0x378: {  	v10 =	vmul.f32 v13, v4;
	v9 =	vadd.f32 v12, v9;
	_ =	sdelay $0x1  }
0x379: {  	v12 =	vmul.f32 v11, v5;
	v13 =	vadd.f32 v10, v9;
	_ =	sdelay $0x1  }
0x37a: {  	s28 =	simm.s32 $0x1200;
	s29 =	smov.u32 s24;
	v11 =	vmul.f32 v15, v7;
	v9 =	vld.idx.msk [tilespmem:v8+s26+$0x0 ss:$0x1], $0xffff;
	v10 =	vmul.f32 v14, v6;
	v12 =	vadd.f32 v12, v13  }
.LBB2_17:
0x37b: {  	p0 =	sne.s32 s28, $0x6200  }
0x37c: {  	s29 =	sadd.s32 $0x1400, s29;
	s30 =	smov.u32 s28;
	s28 =	sadd.s32 $0xA00, s28  }
0x37d: {  	v10 =	vadd.f32 v10, v12;
	_ =	sdelay $0x1  }
0x37e: {  	v10 =	vadd.f32 v11, v10;
	_ =	sdelay $0x1  }
0x37f: {  	v9 =	vadd.f32 v10, v9;
	_ =	sdelay $0x1  }
0x380: {  	[tilespmem:v8+s26+$0x0 ss:$0x1] =	vst.idx.msk $0xffff, v9  }
0x381: {  	v9 =	vld [tilespmem:s29+$0xFFFFF680]  }
0x382: {  	v10 =	vld [tilespmem:s29+$0xFFFFF600];
	_ =	sdelay $0x1  }
0x383: {  	v11 =	vld [tilespmem:s29+$0xFFFFF700];
	_ =	sdelay $0x1  }
0x384: {  	v12 =	vld [tilespmem:s29+$0xFFFFF780]  }
0x385: {  	v9 =	vmul.f32 v9, v1;
	v10 =	vmul.f32 v10, v0  }
0x386: {  	v13 =	vld [tilespmem:s29+$0xFFFFF800]  }
0x387: {  	v9 =	vadd.f32 v9, v10;
	v10 =	vmul.f32 v11, v2  }
0x388: {  	v11 =	vld [tilespmem:s29+$0xFFFFF880]  }
0x389: {  	v9 =	vadd.f32 v10, v9;
	v10 =	vmul.f32 v12, v3  }
0x38a: {  	v12 =	vld [tilespmem:s29+$0xFFFFF900]  }
0x38b: {  	v9 =	vadd.f32 v10, v9;
	v10 =	vmul.f32 v13, v4  }
0x38c: {  	v13 =	vld [tilespmem:s29+$0xFFFFF980]  }
0x38d: {  	v9 =	vadd.f32 v10, v9;
	v10 =	vmul.f32 v11, v5  }
0x38e: {  	s26 =	sshra.s32 s30, $0x2  }
0x38f: {  	v9 =	vadd.f32 v10, v9;
	v10 =	vmul.f32 v12, v6;
	v11 =	vld.idx.msk [tilespmem:v8+s26+$0xFFFFFE00 ss:$0x1], $0xffff;
	_ =	sdelay $0x1  }
0x390: {  	v9 =	vadd.f32 v10, v9;
	v10 =	vmul.f32 v13, v7;
	_ =	sdelay $0x1  }
0x391: {  	v9 =	vadd.f32 v10, v9;
	_ =	sdelay $0x1  }
0x392: {  	v9 =	vadd.f32 v9, v11;
	_ =	sdelay $0x1  }
0x393: {  	[tilespmem:v8+s26+$0xFFFFFE00 ss:$0x1] =	vst.idx.msk $0xffff, v9  }
0x394: {  	v9 =	vld [tilespmem:s29+$0xFFFFFA00]  }
0x395: {  	v10 =	vld [tilespmem:s29+$0xFFFFFA80];
	_ =	sdelay $0x1  }
0x396: {  	v11 =	vld [tilespmem:s29+$0xFFFFFB00];
	_ =	sdelay $0x1  }
0x397: {  	v12 =	vld [tilespmem:s29+$0xFFFFFB80]  }
0x398: {  	v9 =	vmul.f32 v9, v0;
	v10 =	vmul.f32 v10, v1  }
0x399: {  	v13 =	vld [tilespmem:s29+$0xFFFFFC00]  }
0x39a: {  	v9 =	vadd.f32 v10, v9;
	v10 =	vmul.f32 v11, v2  }
0x39b: {  	v11 =	vld [tilespmem:s29+$0xFFFFFC80]  }
0x39c: {  	v9 =	vadd.f32 v10, v9;
	v10 =	vmul.f32 v12, v3  }
0x39d: {  	v12 =	vld [tilespmem:s29+$0xFFFFFD00]  }
0x39e: {  	v9 =	vadd.f32 v10, v9;
	v10 =	vmul.f32 v13, v4  }
0x39f: {  	v13 =	vld [tilespmem:s29+$0xFFFFFD80]  }
0x3a0: {  	v9 =	vadd.f32 v10, v9;
	v10 =	vmul.f32 v11, v5;
	_ =	sdelay $0x1  }
0x3a1: {  	v9 =	vadd.f32 v10, v9;
	v10 =	vmul.f32 v12, v6;
	v11 =	vld.idx.msk [tilespmem:v8+s26+$0xFFFFFE80 ss:$0x1], $0xffff;
	_ =	sdelay $0x1  }
0x3a2: {  	v9 =	vadd.f32 v10, v9;
	v10 =	vmul.f32 v13, v7;
	_ =	sdelay $0x1  }
0x3a3: {  	v9 =	vadd.f32 v10, v9;
	_ =	sdelay $0x1  }
0x3a4: {  	v9 =	vadd.f32 v9, v11;
	_ =	sdelay $0x1  }
0x3a5: {  	[tilespmem:v8+s26+$0xFFFFFE80 ss:$0x1] =	vst.idx.msk $0xffff, v9  }
0x3a6: {  	v9 =	vld [tilespmem:s29+$0xFFFFFE00]  }
0x3a7: {  	v10 =	vld [tilespmem:s29+$0xFFFFFE80];
	_ =	sdelay $0x1  }
0x3a8: {  	v11 =	vld [tilespmem:s29+$0xFFFFFF00];
	_ =	sdelay $0x1  }
0x3a9: {  	v12 =	vld [tilespmem:s29+$0xFFFFFF80]  }
0x3aa: {  	v9 =	vmul.f32 v9, v0;
	v10 =	vmul.f32 v10, v1  }
0x3ab: {  	v13 =	vld [tilespmem:s29+$0x0]  }
0x3ac: {  	v9 =	vadd.f32 v10, v9;
	v10 =	vmul.f32 v11, v2  }
0x3ad: {  	v11 =	vld [tilespmem:s29+$0x80]  }
0x3ae: {  	v9 =	vadd.f32 v10, v9;
	v10 =	vmul.f32 v12, v3  }
0x3af: {  	v12 =	vld [tilespmem:s29+$0x100]  }
0x3b0: {  	v9 =	vadd.f32 v10, v9;
	v10 =	vmul.f32 v13, v4  }
0x3b1: {  	v13 =	vld [tilespmem:s29+$0x180]  }
0x3b2: {  	v9 =	vadd.f32 v10, v9;
	v10 =	vmul.f32 v11, v5;
	_ =	sdelay $0x1  }
0x3b3: {  	v9 =	vadd.f32 v10, v9;
	v10 =	vmul.f32 v12, v6;
	v11 =	vld.idx.msk [tilespmem:v8+s26+$0xFFFFFF00 ss:$0x1], $0xffff;
	_ =	sdelay $0x1  }
0x3b4: {  	v9 =	vadd.f32 v10, v9;
	v10 =	vmul.f32 v13, v7;
	_ =	sdelay $0x1  }
0x3b5: {  	v9 =	vadd.f32 v10, v9;
	_ =	sdelay $0x1  }
0x3b6: {  	v9 =	vadd.f32 v9, v11;
	_ =	sdelay $0x1  }
0x3b7: {  	[tilespmem:v8+s26+$0xFFFFFF00 ss:$0x1] =	vst.idx.msk $0xffff, v9  }
0x3b8: {  	v9 =	vld [tilespmem:s29+$0x200]  }
0x3b9: {  	v10 =	vld [tilespmem:s29+$0x280]  }
0x3ba: {  	v11 =	vld [tilespmem:s29+$0x300]  }
0x3bb: {  	v12 =	vld [tilespmem:s29+$0x380]  }
0x3bc: {  	v13 =	vld [tilespmem:s29+$0x400]  }
0x3bd: {  	v9 =	vmul.f32 v9, v0;
	v14 =	vld [tilespmem:s29+$0x480]  }
0x3be: {  	v10 =	vmul.f32 v10, v1;
	v15 =	vld [tilespmem:s29+$0x500]  }
0x3bf: {  	v16 =	vld [tilespmem:s29+$0x580]  }
0x3c0: {  	v9 =	vadd.f32 v10, v9;
	v10 =	vmul.f32 v11, v2;
	_ =	sdelay $0x1  }
0x3c1: {  	v9 =	vadd.f32 v10, v9;
	v10 =	vmul.f32 v12, v3;
	_ =	sdelay $0x1  }
0x3c2: {  	v9 =	vadd.f32 v10, v9;
	v10 =	vmul.f32 v13, v4;
	_ =	sdelay $0x1  }
0x3c3: {  	v9 =	vadd.f32 v10, v9;
	v10 =	vmul.f32 v14, v5;
	_ =	sdelay $0x1  }
0x3c4: {  	v9 =	vadd.f32 v10, v9;
	v10 =	vmul.f32 v15, v6;
	v11 =	vld.idx.msk [tilespmem:v8+s26+$0xFFFFFF80 ss:$0x1], $0xffff;
	_ =	sdelay $0x1  }
0x3c5: {  	v9 =	vadd.f32 v10, v9;
	v10 =	vmul.f32 v16, v7;
	_ =	sdelay $0x1  }
0x3c6: {  	v9 =	vadd.f32 v10, v9;
	_ =	sdelay $0x1  }
0x3c7: {  	v9 =	vadd.f32 v9, v11;
	_ =	sdelay $0x1  }
0x3c8: {  	[tilespmem:v8+s26+$0xFFFFFF80 ss:$0x1] =	vst.idx.msk $0xffff, v9  }
0x3c9: {  	v9 =	vld [tilespmem:s29+$0x600]  }
0x3ca: {  	v10 =	vld [tilespmem:s29+$0x680]  }
0x3cb: {  	v11 =	vld [tilespmem:s29+$0x780]  }
0x3cc: {  	v12 =	vld [tilespmem:s29+$0x700]  }
0x3cd: {  	v13 =	vld [tilespmem:s29+$0x800]  }
0x3ce: {  	v9 =	vmul.f32 v9, v0;
	v14 =	vld [tilespmem:s29+$0x880]  }
0x3cf: {  	v10 =	vmul.f32 v10, v1;
	v15 =	vld [tilespmem:s29+$0x900]  }
0x3d0: {  	v11 =	vmul.f32 v11, v3;
	v16 =	vld [tilespmem:s29+$0x980]  }
0x3d1: {  	v10 =	vadd.f32 v10, v9;
	v12 =	vmul.f32 v12, v2;
	v9 =	vld.idx.msk [tilespmem:v8+s26+$0x0 ss:$0x1], $0xffff  }
0x3d2: {  	v13 =	vmul.f32 v13, v4  }
0x3d3: {  	v10 =	vadd.f32 v12, v10  }
0x3d4: {  	v12 =	vmul.f32 v14, v5  }
.Ltmp7:
0x3d5: {  	v11 =	vadd.f32 v11, v10;
	(pc) =	sbr.rel @p0 .LBB2_17-.Ltmp7, $4  }
0x3d6: {  	v10 =	vmul.f32 v15, v6  }
0x3d7: {  	v13 =	vadd.f32 v13, v11  }
0x3d8: {  	v11 =	vmul.f32 v16, v7  }
0x3d9: {  	v12 =	vadd.f32 v12, v13  }
0x3da: {  	_ = 	snop  }
0x3db: {  	s23 =	sadd.s32 $0x1, s23;
	v0 =	vadd.f32 v10, v12  }
0x3dc: {  	p0 =	sne.s32 s23, $0x8  }
.Ltmp8:
0x3dd: {  	v0 =	vadd.f32 v11, v0;
	(pc) =	sbr.rel @p0 .LBB2_14-.Ltmp8, $3  }
0x3de: {  	_ = 	snop  }
0x3df: {  	v0 =	vadd.f32 v0, v9;
	_ =	sdelay $0x1  }
0x3e0: {  	s24 =	sadd.s32 $0x10, s24;
	s25 =	sadd.s32 $0x10, s25;
	[tilespmem:v8+s26+$0x0 ss:$0x1] =	vst.idx.msk $0xffff, v0  }
0x3e1: {  	_ =	swait.ge [sflag:s18], $0xC800  }
0x3e2: {  	s23 =	simm.s32 $0x0;
	[sflag:s18] =	ssyncset.done $0x0  }
0x3e3: {  	s24 =	simm.s32 $0xD200;
	s25 =	simm.s32 $0x19000;
	[sflag:s18] =	ssyncadd.s32 $0xFFFF3800  }
.LBB2_20:
0x3e4: {  	v0 =	vld [tilespmem:s24+$0x600]  }
0x3e5: {  	v3 =	vld [tilespmem:s24+$0x680]  }
0x3e6: {  	v4 =	vld [tilespmem:s24+$0x700]  }
0x3e7: {  	v6 =	vld [tilespmem:s24+$0x780]  }
0x3e8: {  	v7 =	vld [tilespmem:s24+$0x800]  }
0x3e9: {  	v9 =	vld [tilespmem:s24+$0x880]  }
0x3ea: {  	v11 =	vld [tilespmem:s24+$0x200]  }
0x3eb: {  	v12 =	vld [tilespmem:s24+$0x280]  }
0x3ec: {  	v16 =	vld [tilespmem:s24+$0x300]  }
0x3ed: {  	v18 =	vld [tilespmem:s24+$0x380]  }
0x3ee: {  	v19 =	vld [tilespmem:s24+$0x400]  }
0x3ef: {  	v20 =	vld [tilespmem:s24+$0x480]  }
0x3f0: {  	v21 =	vld [tilespmem:s24+$0xFFFFFE00]  }
0x3f1: {  	v26 =	vld [tilespmem:s24+$0xFFFFFE80]  }
0x3f2: {  	v27 =	vld [tilespmem:s24+$0xFFFFFF00]  }
0x3f3: {  	v28 =	vld [tilespmem:s24+$0xFFFFFF80]  }
0x3f4: {  	s26 =	simm.s32 $0x200;
	v32 =	vld [tilespmem:s24+$0xFFFFFA00]  }
0x3f5: {  	v1 =	vld [tilespmem:s26+$0x1B080]  }
0x3f6: {  	v33 =	vld [tilespmem:s24+$0xFFFFFA80]  }
0x3f7: {  	v34 =	vld [tilespmem:s24+$0xFFFFF680]  }
0x3f8: {  	v2 =	vld [tilespmem:s26+$0x1B000]  }
0x3f9: {  	v35 =	vld [tilespmem:s24+$0xFFFFF700]  }
0x3fa: {  	v5 =	vld [tilespmem:s26+$0x1AF80];
	v15 =	vmul.f32 v0, v1  }
0x3fb: {  	v8 =	vld [tilespmem:s26+$0x1AF00];
	v13 =	vmul.f32 v3, v1;
	v14 =	vmul.f32 v4, v1  }
0x3fc: {  	v17 =	vld [tilespmem:s26+$0x1AE80];
	v10 =	vmul.f32 v6, v1;
	v4 =	vmul.f32 v7, v1  }
0x3fd: {  	v0 =	vld [tilespmem:s24+$0xFFFFF600];
	v3 =	vmul.f32 v9, v1;
	v25 =	vmul.f32 v11, v2  }
0x3fe: {  	v23 =	vmul.f32 v12, v2;
	v24 =	vmul.f32 v16, v2;
	v11 =	vld [tilespmem:s24+$0xFFFFF780]  }
0x3ff: {  	v22 =	vmul.f32 v18, v2;
	v6 =	vmul.f32 v19, v2;
	v12 =	vld [tilespmem:s24+$0xFFFFFB00]  }
0x400: {  	v7 =	vmul.f32 v20, v2;
	v31 =	vmul.f32 v21, v5;
	v16 =	vld [tilespmem:s24+$0xFFFFFB80]  }
0x401: {  	v29 =	vmul.f32 v26, v5;
	v26 =	vld [tilespmem:s24+$0x0];
	v21 =	vmul.f32 v34, v17  }
0x402: {  	v30 =	vmul.f32 v27, v5;
	v28 =	vmul.f32 v28, v5;
	v27 =	vld [tilespmem:s24+$0x80];
	v9 =	vimm.f32 $0.0e+00  }
0x403: {  	v19 =	vmul.f32 v33, v8;
	v62 =	vmul.f32 v35, v17;
	v21 =	vadd.f32 v21, v9  }
0x404: {  	v18 =	vmul.f32 v32, v8;
	v32 =	vld [tilespmem:s24+$0xFFFFFC00];
	v20 =	vmul.f32 v0, v17  }
0x405: {  	v33 =	vld [tilespmem:s24+$0xFFFFFC80];
	v34 =	vadd.f32 v62, v9;
	v21 =	vadd.f32 v19, v21;
	v11 =	vmul.f32 v11, v17  }
0x406: {  	v19 =	vld [tilespmem:s24+$0xFFFFF900];
	v12 =	vmul.f32 v12, v8;
	v16 =	vmul.f32 v16, v8;
	v63 =	vadd.f32 v20, v9  }
0x407: {  	v26 =	vmul.f32 v26, v5;
	v27 =	vmul.f32 v27, v5;
	v11 =	vadd.f32 v11, v9;
	v20 =	vld [tilespmem:s24+$0xFFFFF800]  }
0x408: {  	s26 =	sshll.u32 s23, $0x4;
	v36 =	vadd.f32 v12, v34;
	v12 =	vimm.f32 $0.0e+00;
	v35 =	vadd.f32 v18, v63;
	v18 =	vld [tilespmem:s24+$0xFFFFF880]  }
0x409: {  	s29 =	simm.s32 $0x1200;
	s28 =	smov.u32 s24;
	v0 =	vld [tilespmem:s26+$0x1B000];
	v34 =	vadd.f32 v16, v11;
	v16 =	vimm.f32 $0.0e+00;
	v11 =	vimm.f32 $0.0e+00  }
.LBB2_21:
0x40a: {  	p0 =	sne.s32 s29, $0x6200;
	v37 =	vld [tilespmem:s28+$0xFFFFF980];
	v32 =	vmul.f32 v32, v8;
	v31 =	vadd.f32 v31, v35;
	v21 =	vadd.f32 v29, v21  }
0x40b: {  	v29 =	vmul.f32 v33, v8;
	v33 =	vld [tilespmem:s28+$0xFFFFFD00];
	v30 =	vadd.f32 v30, v36;
	v28 =	vadd.f32 v28, v34  }
0x40c: {  	v34 =	vmul.f32 v20, v17;
	v35 =	vld [tilespmem:s28+$0xFFFFFD80];
	v20 =	vadd.f32 v25, v31;
	v21 =	vadd.f32 v23, v21  }
0x40d: {  	v23 =	vmul.f32 v18, v17;
	v25 =	vld [tilespmem:s28+$0x100];
	v24 =	vadd.f32 v24, v30;
	v22 =	vadd.f32 v22, v28  }
0x40e: {  	v28 =	vmul.f32 v19, v17;
	v30 =	vld [tilespmem:s28+$0x180];
	v18 =	vadd.f32 v15, v20;
	v19 =	vadd.f32 v13, v21  }
0x40f: {  	v13 =	vmul.f32 v37, v17;
	v15 =	vld [tilespmem:s28+$0x500];
	v20 =	vadd.f32 v14, v24;
	v21 =	vadd.f32 v10, v22  }
0x410: {  	v9 =	vadd.f32 v34, v9;
	v10 =	vadd.f32 v23, v16;
	v14 =	vmul.f32 v33, v8;
	v16 =	vld [tilespmem:s28+$0x580]  }
0x411: {  	v11 =	vadd.f32 v28, v11;
	v12 =	vadd.f32 v13, v12;
	v8 =	vmul.f32 v35, v8;
	v13 =	vld [tilespmem:s28+$0x900]  }
0x412: {  	v9 =	vadd.f32 v32, v9;
	v10 =	vadd.f32 v29, v10;
	v17 =	vmul.f32 v25, v5;
	v22 =	vld [tilespmem:s28+$0x980];
	s28 =	sadd.s32 $0x1400, s28  }
0x413: {  	v11 =	vadd.f32 v14, v11;
	v23 =	vld [tilespmem:s28+$0x600];
	v8 =	vadd.f32 v8, v12;
	v5 =	vmul.f32 v30, v5  }
0x414: {  	v9 =	vadd.f32 v26, v9;
	v10 =	vadd.f32 v27, v10;
	v14 =	vld [tilespmem:s28+$0x680];
	v12 =	vmul.f32 v15, v2  }
0x415: {  	v11 =	vadd.f32 v17, v11;
	v24 =	vld [tilespmem:s28+$0x700];
	v5 =	vadd.f32 v5, v8;
	v2 =	vmul.f32 v16, v2  }
0x416: {  	v6 =	vadd.f32 v6, v9;
	v7 =	vadd.f32 v7, v10;
	v17 =	vld [tilespmem:s28+$0x780];
	v8 =	vmul.f32 v13, v1  }
0x417: {  	v10 =	vadd.f32 v12, v11;
	v25 =	vld [tilespmem:s28+$0x800];
	v2 =	vadd.f32 v2, v5;
	v5 =	vmul.f32 v22, v1  }
0x418: {  	s30 =	sshra.s32 s29, $0x2;
	v9 =	vadd.f32 v4, v6;
	v16 =	vadd.f32 v3, v7;
	v22 =	vld [tilespmem:s28+$0x880]  }
0x419: {  	v11 =	vadd.f32 v8, v10;
	v1 =	vld [tilespmem:s30+$0x1B080];
	v12 =	vadd.f32 v5, v2  }
0x41a: {  	v6 =	vld [tilespmem:s28+$0x200]  }
0x41b: {  	v7 =	vld [tilespmem:s28+$0x280]  }
0x41c: {  	v26 =	vld [tilespmem:s28+$0x300]  }
0x41d: {  	v27 =	vld [tilespmem:s28+$0x380]  }
0x41e: {  	v28 =	vld [tilespmem:s28+$0x400]  }
0x41f: {  	v29 =	vld [tilespmem:s28+$0x480]  }
0x420: {  	v2 =	vld [tilespmem:s30+$0x1B000]  }
0x421: {  	v30 =	vld [tilespmem:s28+$0xFFFFFE00]  }
0x422: {  	v32 =	vld [tilespmem:s28+$0xFFFFFE80]  }
0x423: {  	v33 =	vld [tilespmem:s28+$0xFFFFFF00]  }
0x424: {  	v34 =	vld [tilespmem:s28+$0xFFFFFF80]  }
0x425: {  	v5 =	vld [tilespmem:s30+$0x1AF80]  }
0x426: {  	v35 =	vld [tilespmem:s28+$0xFFFFFA00]  }
0x427: {  	v36 =	vld [tilespmem:s28+$0xFFFFFA80]  }
0x428: {  	v15 =	vmul.f32 v23, v1;
	v13 =	vmul.f32 v14, v1;
	v8 =	vld [tilespmem:s30+$0x1AF00]  }
0x429: {  	v14 =	vmul.f32 v24, v1;
	v10 =	vmul.f32 v17, v1;
	v37 =	vld [tilespmem:s28+$0xFFFFF600]  }
0x42a: {  	v4 =	vmul.f32 v25, v1;
	v3 =	vmul.f32 v22, v1;
	v38 =	vld [tilespmem:s28+$0xFFFFF680]  }
0x42b: {  	v25 =	vmul.f32 v6, v2;
	v23 =	vmul.f32 v7, v2;
	v39 =	vld [tilespmem:s28+$0xFFFFF700]  }
0x42c: {  	v24 =	vmul.f32 v26, v2;
	v22 =	vmul.f32 v27, v2;
	v17 =	vld [tilespmem:s30+$0x1AE80]  }
0x42d: {  	v6 =	vmul.f32 v28, v2;
	v7 =	vmul.f32 v29, v2;
	v26 =	vld [tilespmem:s28+$0xFFFFF780]  }
0x42e: {  	v31 =	vmul.f32 v30, v5;
	v29 =	vmul.f32 v32, v5;
	v27 =	vld [tilespmem:s28+$0xFFFFFB00]  }
0x42f: {  	v30 =	vmul.f32 v33, v5;
	v28 =	vmul.f32 v34, v5;
	v40 =	vld [tilespmem:s28+$0xFFFFFB80]  }
0x430: {  	v34 =	vmul.f32 v35, v8;
	v36 =	vmul.f32 v36, v8;
	v41 =	vld [tilespmem:s28+$0x0]  }
0x431: {  	v33 =	vmul.f32 v37, v17;
	v35 =	vmul.f32 v38, v17;
	v37 =	vld [tilespmem:s28+$0x80]  }
.Ltmp9:
0x432: {  	v38 =	vmul.f32 v39, v17;
	v26 =	vmul.f32 v26, v17;
	v32 =	vld [tilespmem:s28+$0xFFFFFC00];
	(pc) =	sbr.rel @p0 .LBB2_21-.Ltmp9, $4  }
0x433: {  	v39 =	vadd.f32 v33, v18;
	v19 =	vadd.f32 v35, v19;
	v27 =	vmul.f32 v27, v8;
	v33 =	vld [tilespmem:s28+$0xFFFFFC80]  }
0x434: {  	v38 =	vadd.f32 v38, v20;
	v42 =	vadd.f32 v26, v21;
	v20 =	vld [tilespmem:s28+$0xFFFFF800];
	v40 =	vmul.f32 v40, v8  }
0x435: {  	v18 =	vld [tilespmem:s28+$0xFFFFF880];
	v35 =	vadd.f32 v34, v39;
	v21 =	vadd.f32 v36, v19;
	v26 =	vmul.f32 v41, v5  }
0x436: {  	s29 =	sadd.s32 $0xA00, s29;
	v36 =	vadd.f32 v27, v38;
	v19 =	vld [tilespmem:s28+$0xFFFFF900];
	v34 =	vadd.f32 v40, v42;
	v27 =	vmul.f32 v37, v5  }
0x437: {  	v31 =	vadd.f32 v31, v35  }
0x438: {  	v48 =	vld [tilespmem:s28+$0xFFFFF980];
	v32 =	vmul.f32 v32, v8;
	v21 =	vadd.f32 v29, v21;
	v49 =	vadd.f32 v30, v36  }
0x439: {  	v51 =	vld [tilespmem:s28+$0xFFFFFD00];
	v50 =	vmul.f32 v33, v8;
	v28 =	vadd.f32 v28, v34;
	v25 =	vadd.f32 v25, v31  }
0x43a: {  	v52 =	vld [tilespmem:s28+$0xFFFFFD80];
	v20 =	vmul.f32 v20, v17;
	v21 =	vadd.f32 v23, v21;
	v53 =	vadd.f32 v24, v49  }
0x43b: {  	v54 =	vld [tilespmem:s28+$0x100];
	v18 =	vmul.f32 v18, v17;
	v22 =	vadd.f32 v22, v28;
	v15 =	vadd.f32 v15, v25  }
0x43c: {  	v55 =	vld [tilespmem:s28+$0x180];
	v19 =	vmul.f32 v19, v17;
	v13 =	vadd.f32 v13, v21;
	v9 =	vadd.f32 v20, v9  }
0x43d: {  	v57 =	vld [tilespmem:s28+$0x500];
	v14 =	vadd.f32 v14, v53;
	v56 =	vmul.f32 v48, v17;
	v10 =	vadd.f32 v10, v22  }
0x43e: {  	v59 =	vld [tilespmem:s28+$0x580];
	v16 =	vadd.f32 v18, v16;
	v58 =	vmul.f32 v51, v8;
	v11 =	vadd.f32 v19, v11  }
0x43f: {  	v60 =	vld [tilespmem:s28+$0x900];
	v8 =	vmul.f32 v52, v8;
	v9 =	vadd.f32 v32, v9;
	v12 =	vadd.f32 v56, v12  }
0x440: {  	v62 =	vld [tilespmem:s28+$0x980];
	v61 =	vmul.f32 v54, v5;
	v16 =	vadd.f32 v50, v16;
	v11 =	vadd.f32 v58, v11  }
0x441: {  	v5 =	vmul.f32 v55, v5;
	v9 =	vadd.f32 v26, v9;
	v8 =	vadd.f32 v8, v12  }
0x442: {  	v63 =	vmul.f32 v57, v2;
	v12 =	vadd.f32 v27, v16;
	v11 =	vadd.f32 v61, v11  }
0x443: {  	v2 =	vmul.f32 v59, v2;
	v6 =	vadd.f32 v6, v9;
	v9 =	vadd.f32 v15, v0  }
0x444: {  	v5 =	vadd.f32 v5, v8;
	v7 =	vadd.f32 v7, v12;
	v8 =	vmul.f32 v60, v1  }
0x445: {  	v1 =	vmul.f32 v62, v1;
	v11 =	vadd.f32 v63, v11;
	v4 =	vadd.f32 v4, v6  }
0x446: {  	v6 =	vadd.f32 v13, v0;
	v2 =	vadd.f32 v2, v5;
	v5 =	vmul.f32 $2.000000030e-01, v9  }
0x447: {  	vm0 =	vgt.f32 v9, $0.0e+00;
	v3 =	vadd.f32 v3, v7;
	v7 =	vadd.f32 v8, v11  }
0x448: {  	v8 =	vmul.f32 $2.000000030e-01, v6;
	v5 =	vsel vm0, v9, v5;
	v9 =	vadd.f32 v14, v0  }
0x449: {  	vm9 =	vgt.f32 v6, $0.0e+00;
	v1 =	vadd.f32 v1, v2;
	v2 =	vmul.f32 $1.442695020e+00, v5  }
0x44a: {  	v5 =	vsel vm9, v6, v8;
	v8 =	vadd.f32 v10, v0;
	v6 =	vmul.f32 $2.000000030e-01, v9  }
0x44b: {  	vm10 =	vgt.f32 v9, $0.0e+00;
	(erf) = vpow2.f32 v2;
	v2 =	vmul.f32 $1.442695020e+00, v5  }
0x44c: {  	v4 =	vadd.f32 v4, v0;
	v5 =	vsel vm10, v9, v6;
	v6 =	vmul.f32 $2.000000030e-01, v8  }
0x44d: {  	vm11 =	vgt.f32 v8, $0.0e+00;
	(erf) = vpow2.f32 v2;
	v2 =	vmul.f32 $1.442695020e+00, v5  }
0x44e: {  	v3 =	vadd.f32 v3, v0;
	v5 =	vsel vm11, v8, v6;
	v6 =	vmul.f32 $2.000000030e-01, v4  }
0x44f: {  	vm12 =	vgt.f32 v4, $0.0e+00;
	(erf) = vpow2.f32 v2;
	v2 =	vmul.f32 $1.442695020e+00, v5  }
0x450: {  	v5 =	vmul.f32 $2.000000030e-01, v3;
	v4 =	vsel vm12, v4, v6;
	v6 =	vadd.f32 v7, v0  }
0x451: {  	vm13 =	vgt.f32 v3, $0.0e+00;
	(erf) = vpow2.f32 v2;
	v2 =	vmul.f32 $1.442695020e+00, v4  }
0x452: {  	v3 =	vsel vm13, v3, v5;
	v5 =	vadd.f32 v1, v0;
	v4 =	vmul.f32 $2.000000030e-01, v6  }
0x453: {  	v1 =	vmul.f32 $1.442695020e+00, v3;
	vm14 =	vgt.f32 v6, $0.0e+00  }
0x454: {  	(erf) = vpow2.f32 v2;
	v3 =	vmul.f32 $2.000000030e-01, v5;
	v2 =	vsel vm14, v6, v4  }
0x455: {  	vm15 =	vgt.f32 v5, $0.0e+00;
	v2 =	vmul.f32 $1.442695020e+00, v2  }
0x456: {  	v0 =	vpop (erf);
	v3 =	vsel vm15, v5, v3  }
0x457: {  	(erf) = vpow2.f32 v1;
	v1 =	vpop (erf);
	v3 =	vmul.f32 $1.442695020e+00, v3  }
0x458: {  	v4 =	vadd.f32 v1, v0  }
0x459: {  	(erf) = vpow2.f32 v2;
	v2 =	vpop (erf)  }
0x45a: {  	v4 =	vadd.f32 v2, v4  }
0x45b: {  	(erf) = vpow2.f32 v3;
	v3 =	vpop (erf)  }
0x45c: {  	v5 =	vadd.f32 v3, v4;
	_ =	sdelay $0x1  }
0x45d: {  	v4 =	vpop (erf)  }
0x45e: {  	v6 =	vadd.f32 v4, v5  }
0x45f: {  	v5 =	vpop (erf)  }
0x460: {  	v7 =	vadd.f32 v5, v6;
	_ =	sdelay $0x1  }
0x461: {  	v8 =	vld [tilespmem:s26+$0x1AF80];
	v6 =	vpop (erf)  }
0x462: {  	v9 =	vadd.f32 v6, v7  }
0x463: {  	v7 =	vpop (erf)  }
0x464: {  	v9 =	vadd.f32 v7, v9;
	_ =	sdelay $0x1  }
0x465: {  	v8 =	vadd.f32 v8, v9;
	_ =	sdelay $0x1  }
0x466: {  	[tilespmem:s26+$0x1AF80] =	vst v8  }
0x467: {  	v8 =	vld [tilespmem:s24+$0xFFFFF680]  }
0x468: {  	v9 =	vld [tilespmem:s24+$0xFFFFF600];
	_ =	sdelay $0x1  }
0x469: {  	v10 =	vld [tilespmem:s24+$0xFFFFF700];
	_ =	sdelay $0x1  }
0x46a: {  	v11 =	vld [tilespmem:s24+$0xFFFFF780]  }
0x46b: {  	v9 =	vmul.f32 v9, v0;
	v8 =	vmul.f32 v8, v1  }
0x46c: {  	v12 =	vld [tilespmem:s24+$0xFFFFF800]  }
0x46d: {  	v8 =	vadd.f32 v8, v9;
	v9 =	vmul.f32 v10, v2  }
0x46e: {  	v10 =	vld [tilespmem:s24+$0xFFFFF880]  }
0x46f: {  	v11 =	vmul.f32 v11, v3;
	v9 =	vadd.f32 v9, v8  }
0x470: {  	v13 =	vld [tilespmem:s24+$0xFFFFF900]  }
0x471: {  	v8 =	vmov s25;
	v9 =	vadd.f32 v11, v9;
	v11 =	vmul.f32 v12, v4  }
0x472: {  	v12 =	vld [tilespmem:s24+$0xFFFFF980]  }
0x473: {  	v10 =	vmul.f32 v10, v5;
	v9 =	vadd.f32 v11, v9;
	_ =	sdelay $0x1  }
0x474: {  	s26 =	simm.s32 $0x200;
	v9 =	vadd.f32 v10, v9;
	v10 =	vmul.f32 v13, v6  }
0x475: {  	v11 =	vld.idx.msk [tilespmem:v8+s26+$0xFFFFFE00 ss:$0x1], $0xffff  }
0x476: {  	v9 =	vadd.f32 v10, v9;
	v10 =	vmul.f32 v12, v7;
	_ =	sdelay $0x1  }
0x477: {  	v9 =	vadd.f32 v10, v9;
	_ =	sdelay $0x1  }
0x478: {  	v9 =	vadd.f32 v9, v11;
	_ =	sdelay $0x1  }
0x479: {  	[tilespmem:v8+s26+$0xFFFFFE00 ss:$0x1] =	vst.idx.msk $0xffff, v9  }
0x47a: {  	v9 =	vld [tilespmem:s24+$0xFFFFFA00]  }
0x47b: {  	v10 =	vld [tilespmem:s24+$0xFFFFFA80];
	_ =	sdelay $0x1  }
0x47c: {  	v11 =	vld [tilespmem:s24+$0xFFFFFB00];
	_ =	sdelay $0x1  }
0x47d: {  	v12 =	vld [tilespmem:s24+$0xFFFFFB80]  }
0x47e: {  	v9 =	vmul.f32 v9, v0;
	v10 =	vmul.f32 v10, v1  }
0x47f: {  	v13 =	vld [tilespmem:s24+$0xFFFFFC00]  }
0x480: {  	v9 =	vadd.f32 v10, v9;
	v10 =	vmul.f32 v11, v2  }
0x481: {  	v11 =	vld [tilespmem:s24+$0xFFFFFC80]  }
0x482: {  	v9 =	vadd.f32 v10, v9;
	v10 =	vmul.f32 v12, v3  }
0x483: {  	v12 =	vld [tilespmem:s24+$0xFFFFFD00]  }
0x484: {  	v9 =	vadd.f32 v10, v9;
	v10 =	vmul.f32 v13, v4  }
0x485: {  	v13 =	vld [tilespmem:s24+$0xFFFFFD80]  }
0x486: {  	v9 =	vadd.f32 v10, v9;
	v10 =	vmul.f32 v11, v5;
	_ =	sdelay $0x1  }
0x487: {  	v9 =	vadd.f32 v10, v9;
	v10 =	vmul.f32 v12, v6  }
0x488: {  	v11 =	vld.idx.msk [tilespmem:v8+s26+$0xFFFFFE80 ss:$0x1], $0xffff  }
0x489: {  	v9 =	vadd.f32 v10, v9;
	v10 =	vmul.f32 v13, v7;
	_ =	sdelay $0x1  }
0x48a: {  	v9 =	vadd.f32 v10, v9;
	_ =	sdelay $0x1  }
0x48b: {  	v9 =	vadd.f32 v9, v11;
	_ =	sdelay $0x1  }
0x48c: {  	[tilespmem:v8+s26+$0xFFFFFE80 ss:$0x1] =	vst.idx.msk $0xffff, v9  }
0x48d: {  	v9 =	vld [tilespmem:s24+$0xFFFFFE00]  }
0x48e: {  	v10 =	vld [tilespmem:s24+$0xFFFFFE80];
	_ =	sdelay $0x1  }
0x48f: {  	v11 =	vld [tilespmem:s24+$0xFFFFFF00];
	_ =	sdelay $0x1  }
0x490: {  	v12 =	vld [tilespmem:s24+$0xFFFFFF80]  }
0x491: {  	v9 =	vmul.f32 v9, v0;
	v10 =	vmul.f32 v10, v1  }
0x492: {  	v13 =	vld [tilespmem:s24+$0x0]  }
0x493: {  	v9 =	vadd.f32 v10, v9;
	v10 =	vmul.f32 v11, v2  }
0x494: {  	v11 =	vld [tilespmem:s24+$0x80]  }
0x495: {  	v9 =	vadd.f32 v10, v9;
	v10 =	vmul.f32 v12, v3  }
0x496: {  	v12 =	vld [tilespmem:s24+$0x100]  }
0x497: {  	v9 =	vadd.f32 v10, v9;
	v10 =	vmul.f32 v13, v4  }
0x498: {  	v13 =	vld [tilespmem:s24+$0x180]  }
0x499: {  	v9 =	vadd.f32 v10, v9;
	v10 =	vmul.f32 v11, v5;
	_ =	sdelay $0x1  }
0x49a: {  	v9 =	vadd.f32 v10, v9;
	v10 =	vmul.f32 v12, v6  }
0x49b: {  	v11 =	vld.idx.msk [tilespmem:v8+s26+$0xFFFFFF00 ss:$0x1], $0xffff  }
0x49c: {  	v9 =	vadd.f32 v10, v9;
	v10 =	vmul.f32 v13, v7;
	_ =	sdelay $0x1  }
0x49d: {  	v9 =	vadd.f32 v10, v9;
	_ =	sdelay $0x1  }
0x49e: {  	v9 =	vadd.f32 v9, v11;
	_ =	sdelay $0x1  }
0x49f: {  	[tilespmem:v8+s26+$0xFFFFFF00 ss:$0x1] =	vst.idx.msk $0xffff, v9  }
0x4a0: {  	v9 =	vld [tilespmem:s24+$0x200]  }
0x4a1: {  	v10 =	vld [tilespmem:s24+$0x280];
	_ =	sdelay $0x1  }
0x4a2: {  	v11 =	vld [tilespmem:s24+$0x300];
	_ =	sdelay $0x1  }
0x4a3: {  	v12 =	vld [tilespmem:s24+$0x380]  }
0x4a4: {  	v9 =	vmul.f32 v9, v0;
	v10 =	vmul.f32 v10, v1  }
0x4a5: {  	v13 =	vld [tilespmem:s24+$0x400]  }
0x4a6: {  	v9 =	vadd.f32 v10, v9;
	v10 =	vmul.f32 v11, v2  }
0x4a7: {  	v11 =	vld [tilespmem:s24+$0x480]  }
0x4a8: {  	v9 =	vadd.f32 v10, v9;
	v10 =	vmul.f32 v12, v3  }
0x4a9: {  	v12 =	vld [tilespmem:s24+$0x500]  }
0x4aa: {  	v9 =	vadd.f32 v10, v9;
	v10 =	vmul.f32 v13, v4  }
0x4ab: {  	v13 =	vld [tilespmem:s24+$0x580]  }
0x4ac: {  	v9 =	vadd.f32 v10, v9;
	v10 =	vmul.f32 v11, v5;
	_ =	sdelay $0x1  }
0x4ad: {  	v9 =	vadd.f32 v10, v9;
	v10 =	vmul.f32 v12, v6  }
0x4ae: {  	v11 =	vld.idx.msk [tilespmem:v8+s26+$0xFFFFFF80 ss:$0x1], $0xffff  }
0x4af: {  	v9 =	vadd.f32 v10, v9;
	v10 =	vmul.f32 v13, v7;
	_ =	sdelay $0x1  }
0x4b0: {  	v9 =	vadd.f32 v10, v9;
	_ =	sdelay $0x1  }
0x4b1: {  	v9 =	vadd.f32 v9, v11;
	_ =	sdelay $0x1  }
0x4b2: {  	[tilespmem:v8+s26+$0xFFFFFF80 ss:$0x1] =	vst.idx.msk $0xffff, v9  }
0x4b3: {  	v9 =	vld [tilespmem:s24+$0x600]  }
0x4b4: {  	v10 =	vld [tilespmem:s24+$0x680];
	_ =	sdelay $0x1  }
0x4b5: {  	v11 =	vld [tilespmem:s24+$0x700];
	_ =	sdelay $0x1  }
0x4b6: {  	v12 =	vld [tilespmem:s24+$0x780]  }
0x4b7: {  	v9 =	vmul.f32 v9, v0;
	v10 =	vmul.f32 v10, v1  }
0x4b8: {  	v13 =	vld [tilespmem:s24+$0x800]  }
0x4b9: {  	v9 =	vadd.f32 v10, v9;
	v10 =	vmul.f32 v11, v2  }
0x4ba: {  	v11 =	vld [tilespmem:s24+$0x880]  }
0x4bb: {  	v14 =	vld [tilespmem:s24+$0x900];
	v12 =	vmul.f32 v12, v3;
	v9 =	vadd.f32 v10, v9  }
0x4bc: {  	v15 =	vld [tilespmem:s24+$0x980]  }
0x4bd: {  	v10 =	vmul.f32 v13, v4;
	v9 =	vadd.f32 v12, v9;
	_ =	sdelay $0x1  }
0x4be: {  	v12 =	vmul.f32 v11, v5;
	v13 =	vadd.f32 v10, v9;
	_ =	sdelay $0x1  }
0x4bf: {  	s28 =	simm.s32 $0x1200;
	s29 =	smov.u32 s24;
	v11 =	vmul.f32 v15, v7;
	v9 =	vld.idx.msk [tilespmem:v8+s26+$0x0 ss:$0x1], $0xffff;
	v10 =	vmul.f32 v14, v6;
	v12 =	vadd.f32 v12, v13  }
.LBB2_23:
0x4c0: {  	p0 =	sne.s32 s28, $0x6200  }
0x4c1: {  	s29 =	sadd.s32 $0x1400, s29;
	s30 =	smov.u32 s28;
	s28 =	sadd.s32 $0xA00, s28  }
0x4c2: {  	v10 =	vadd.f32 v10, v12;
	_ =	sdelay $0x1  }
0x4c3: {  	v10 =	vadd.f32 v11, v10;
	_ =	sdelay $0x1  }
0x4c4: {  	v9 =	vadd.f32 v10, v9;
	_ =	sdelay $0x1  }
0x4c5: {  	[tilespmem:v8+s26+$0x0 ss:$0x1] =	vst.idx.msk $0xffff, v9  }
0x4c6: {  	v9 =	vld [tilespmem:s29+$0xFFFFF680]  }
0x4c7: {  	v10 =	vld [tilespmem:s29+$0xFFFFF600];
	_ =	sdelay $0x1  }
0x4c8: {  	v11 =	vld [tilespmem:s29+$0xFFFFF700];
	_ =	sdelay $0x1  }
0x4c9: {  	v12 =	vld [tilespmem:s29+$0xFFFFF780]  }
0x4ca: {  	v9 =	vmul.f32 v9, v1;
	v10 =	vmul.f32 v10, v0  }
0x4cb: {  	v13 =	vld [tilespmem:s29+$0xFFFFF800]  }
0x4cc: {  	v9 =	vadd.f32 v9, v10;
	v10 =	vmul.f32 v11, v2  }
0x4cd: {  	v11 =	vld [tilespmem:s29+$0xFFFFF880]  }
0x4ce: {  	v9 =	vadd.f32 v10, v9;
	v10 =	vmul.f32 v12, v3  }
0x4cf: {  	v12 =	vld [tilespmem:s29+$0xFFFFF900]  }
0x4d0: {  	v9 =	vadd.f32 v10, v9;
	v10 =	vmul.f32 v13, v4  }
0x4d1: {  	v13 =	vld [tilespmem:s29+$0xFFFFF980]  }
0x4d2: {  	v9 =	vadd.f32 v10, v9;
	v10 =	vmul.f32 v11, v5  }
0x4d3: {  	s26 =	sshra.s32 s30, $0x2  }
0x4d4: {  	v9 =	vadd.f32 v10, v9;
	v10 =	vmul.f32 v12, v6;
	v11 =	vld.idx.msk [tilespmem:v8+s26+$0xFFFFFE00 ss:$0x1], $0xffff;
	_ =	sdelay $0x1  }
0x4d5: {  	v9 =	vadd.f32 v10, v9;
	v10 =	vmul.f32 v13, v7;
	_ =	sdelay $0x1  }
0x4d6: {  	v9 =	vadd.f32 v10, v9;
	_ =	sdelay $0x1  }
0x4d7: {  	v9 =	vadd.f32 v9, v11;
	_ =	sdelay $0x1  }
0x4d8: {  	[tilespmem:v8+s26+$0xFFFFFE00 ss:$0x1] =	vst.idx.msk $0xffff, v9  }
0x4d9: {  	v9 =	vld [tilespmem:s29+$0xFFFFFA00]  }
0x4da: {  	v10 =	vld [tilespmem:s29+$0xFFFFFA80];
	_ =	sdelay $0x1  }
0x4db: {  	v11 =	vld [tilespmem:s29+$0xFFFFFB00];
	_ =	sdelay $0x1  }
0x4dc: {  	v12 =	vld [tilespmem:s29+$0xFFFFFB80]  }
0x4dd: {  	v9 =	vmul.f32 v9, v0;
	v10 =	vmul.f32 v10, v1  }
0x4de: {  	v13 =	vld [tilespmem:s29+$0xFFFFFC00]  }
0x4df: {  	v9 =	vadd.f32 v10, v9;
	v10 =	vmul.f32 v11, v2  }
0x4e0: {  	v11 =	vld [tilespmem:s29+$0xFFFFFC80]  }
0x4e1: {  	v9 =	vadd.f32 v10, v9;
	v10 =	vmul.f32 v12, v3  }
0x4e2: {  	v12 =	vld [tilespmem:s29+$0xFFFFFD00]  }
0x4e3: {  	v9 =	vadd.f32 v10, v9;
	v10 =	vmul.f32 v13, v4  }
0x4e4: {  	v13 =	vld [tilespmem:s29+$0xFFFFFD80]  }
0x4e5: {  	v9 =	vadd.f32 v10, v9;
	v10 =	vmul.f32 v11, v5;
	_ =	sdelay $0x1  }
0x4e6: {  	v9 =	vadd.f32 v10, v9;
	v10 =	vmul.f32 v12, v6;
	v11 =	vld.idx.msk [tilespmem:v8+s26+$0xFFFFFE80 ss:$0x1], $0xffff;
	_ =	sdelay $0x1  }
0x4e7: {  	v9 =	vadd.f32 v10, v9;
	v10 =	vmul.f32 v13, v7;
	_ =	sdelay $0x1  }
0x4e8: {  	v9 =	vadd.f32 v10, v9;
	_ =	sdelay $0x1  }
0x4e9: {  	v9 =	vadd.f32 v9, v11;
	_ =	sdelay $0x1  }
0x4ea: {  	[tilespmem:v8+s26+$0xFFFFFE80 ss:$0x1] =	vst.idx.msk $0xffff, v9  }
0x4eb: {  	v9 =	vld [tilespmem:s29+$0xFFFFFE00]  }
0x4ec: {  	v10 =	vld [tilespmem:s29+$0xFFFFFE80];
	_ =	sdelay $0x1  }
0x4ed: {  	v11 =	vld [tilespmem:s29+$0xFFFFFF00];
	_ =	sdelay $0x1  }
0x4ee: {  	v12 =	vld [tilespmem:s29+$0xFFFFFF80]  }
0x4ef: {  	v9 =	vmul.f32 v9, v0;
	v10 =	vmul.f32 v10, v1  }
0x4f0: {  	v13 =	vld [tilespmem:s29+$0x0]  }
0x4f1: {  	v9 =	vadd.f32 v10, v9;
	v10 =	vmul.f32 v11, v2  }
0x4f2: {  	v11 =	vld [tilespmem:s29+$0x80]  }
0x4f3: {  	v9 =	vadd.f32 v10, v9;
	v10 =	vmul.f32 v12, v3  }
0x4f4: {  	v12 =	vld [tilespmem:s29+$0x100]  }
0x4f5: {  	v9 =	vadd.f32 v10, v9;
	v10 =	vmul.f32 v13, v4  }
0x4f6: {  	v13 =	vld [tilespmem:s29+$0x180]  }
0x4f7: {  	v9 =	vadd.f32 v10, v9;
	v10 =	vmul.f32 v11, v5;
	_ =	sdelay $0x1  }
0x4f8: {  	v9 =	vadd.f32 v10, v9;
	v10 =	vmul.f32 v12, v6;
	v11 =	vld.idx.msk [tilespmem:v8+s26+$0xFFFFFF00 ss:$0x1], $0xffff;
	_ =	sdelay $0x1  }
0x4f9: {  	v9 =	vadd.f32 v10, v9;
	v10 =	vmul.f32 v13, v7;
	_ =	sdelay $0x1  }
0x4fa: {  	v9 =	vadd.f32 v10, v9;
	_ =	sdelay $0x1  }
0x4fb: {  	v9 =	vadd.f32 v9, v11;
	_ =	sdelay $0x1  }
0x4fc: {  	[tilespmem:v8+s26+$0xFFFFFF00 ss:$0x1] =	vst.idx.msk $0xffff, v9  }
0x4fd: {  	v9 =	vld [tilespmem:s29+$0x200]  }
0x4fe: {  	v10 =	vld [tilespmem:s29+$0x280]  }
0x4ff: {  	v11 =	vld [tilespmem:s29+$0x300]  }
0x500: {  	v12 =	vld [tilespmem:s29+$0x380]  }
0x501: {  	v13 =	vld [tilespmem:s29+$0x400]  }
0x502: {  	v9 =	vmul.f32 v9, v0;
	v14 =	vld [tilespmem:s29+$0x480]  }
0x503: {  	v10 =	vmul.f32 v10, v1;
	v15 =	vld [tilespmem:s29+$0x500]  }
0x504: {  	v16 =	vld [tilespmem:s29+$0x580]  }
0x505: {  	v9 =	vadd.f32 v10, v9;
	v10 =	vmul.f32 v11, v2;
	_ =	sdelay $0x1  }
0x506: {  	v9 =	vadd.f32 v10, v9;
	v10 =	vmul.f32 v12, v3;
	_ =	sdelay $0x1  }
0x507: {  	v9 =	vadd.f32 v10, v9;
	v10 =	vmul.f32 v13, v4;
	_ =	sdelay $0x1  }
0x508: {  	v9 =	vadd.f32 v10, v9;
	v10 =	vmul.f32 v14, v5;
	_ =	sdelay $0x1  }
0x509: {  	v9 =	vadd.f32 v10, v9;
	v10 =	vmul.f32 v15, v6;
	v11 =	vld.idx.msk [tilespmem:v8+s26+$0xFFFFFF80 ss:$0x1], $0xffff;
	_ =	sdelay $0x1  }
0x50a: {  	v9 =	vadd.f32 v10, v9;
	v10 =	vmul.f32 v16, v7;
	_ =	sdelay $0x1  }
0x50b: {  	v9 =	vadd.f32 v10, v9;
	_ =	sdelay $0x1  }
0x50c: {  	v9 =	vadd.f32 v9, v11;
	_ =	sdelay $0x1  }
0x50d: {  	[tilespmem:v8+s26+$0xFFFFFF80 ss:$0x1] =	vst.idx.msk $0xffff, v9  }
0x50e: {  	v9 =	vld [tilespmem:s29+$0x600]  }
0x50f: {  	v10 =	vld [tilespmem:s29+$0x680]  }
0x510: {  	v11 =	vld [tilespmem:s29+$0x780]  }
0x511: {  	v12 =	vld [tilespmem:s29+$0x700]  }
0x512: {  	v13 =	vld [tilespmem:s29+$0x800]  }
0x513: {  	v9 =	vmul.f32 v9, v0;
	v14 =	vld [tilespmem:s29+$0x880]  }
0x514: {  	v10 =	vmul.f32 v10, v1;
	v15 =	vld [tilespmem:s29+$0x900]  }
0x515: {  	v11 =	vmul.f32 v11, v3;
	v16 =	vld [tilespmem:s29+$0x980]  }
0x516: {  	v10 =	vadd.f32 v10, v9;
	v12 =	vmul.f32 v12, v2;
	v9 =	vld.idx.msk [tilespmem:v8+s26+$0x0 ss:$0x1], $0xffff  }
0x517: {  	v13 =	vmul.f32 v13, v4  }
0x518: {  	v10 =	vadd.f32 v12, v10  }
0x519: {  	v12 =	vmul.f32 v14, v5  }
.Ltmp10:
0x51a: {  	v11 =	vadd.f32 v11, v10;
	(pc) =	sbr.rel @p0 .LBB2_23-.Ltmp10, $4  }
0x51b: {  	v10 =	vmul.f32 v15, v6  }
0x51c: {  	v13 =	vadd.f32 v13, v11  }
0x51d: {  	v11 =	vmul.f32 v16, v7  }
0x51e: {  	v12 =	vadd.f32 v12, v13  }
0x51f: {  	_ = 	snop  }
0x520: {  	s23 =	sadd.s32 $0x1, s23;
	v0 =	vadd.f32 v10, v12  }
0x521: {  	p0 =	sne.s32 s23, $0x8  }
.Ltmp11:
0x522: {  	v0 =	vadd.f32 v11, v0;
	(pc) =	sbr.rel @p0 .LBB2_20-.Ltmp11, $3  }
0x523: {  	_ = 	snop  }
0x524: {  	v0 =	vadd.f32 v0, v9;
	_ =	sdelay $0x1  }
0x525: {  	s24 =	sadd.s32 $0x10, s24;
	s25 =	sadd.s32 $0x10, s25;
	[tilespmem:v8+s26+$0x0 ss:$0x1] =	vst.idx.msk $0xffff, v0  }
0x526: {  	s22 =	sadd.s32 $0x1, s22  }
0x527: {  	p0 =	sne.s32 s22, s10  }
.Ltmp12:
0x528: {  	_ = 	snop;
	(pc) =	sbr.rel @p0 .LBB2_1-.Ltmp12, $4  }
0x529: {  	[hbm4b:s9+s13] =	stream.strided.scatter [tilespmem:s20], [sflag:$0x4], $0x2000, s19, s13, $0x38;
	[tilespmem:$0x1D080] =	vst v63  }
0x52a: {  	_ =	swait.ge [sflag:s21], $0x2000  }
0x52b: {  	[sflag:s21] =	ssyncset.done $0x0  }
0x52c: {  	[sflag:s21] =	ssyncadd.s32 $0xFFFFE000  }
0x52d: {  	_ =	sfence.sel $0x180000  }
0x52e: {  	[bflag:$0x0] =	sbarrier.arrive $0xFFFF  }
0x52f: {  	p0 =	sne.s32 s1, $0x0;
	_ =	strace $0x90000047  }
0x530: {  	s0 =	sadd.s32 @!p0 $0x100000, s0;
	[bflag:$0x2] =	sbarrier.arrive $0xFFFF  }
0x531: {  	[sflag:s0] =	ssyncadd.tile.s32 @!p0 $0x1;
	_ =	shalt  }
.Lfunc_end2:
_tile_overlayer_lowered:
.L_overlay_start_2:
0x532: {  	(tag) =	ssettag $0x2  }
0x533: {  	s0 =	rddreg [dreg:$0x0];
	s2 =	stileid.u32  }
0x534: {  	s1 =	rddreg [dreg:$0x1];
	p0 =	sne.s32 s2, $0x0  }
0x535: {  	s3 =	rddreg [dreg:$0x2];
	[bflag:$0x3] =	sbarrier.arrive $0xFFFF;
	s2 =	simm.s32 @!p0 $0x1C04  }
0x536: {  	[timem:s3], [sflag:s2] =	dma.local @!p0 [hbm:s0], s1  }
0x537: {  	s0 =	simm.s32 @!p0 $0x4  }
0x538: {  	_ =	swait.ge @!p0 [sflag:s0], s1  }
0x539: {  	s1 =	ssub.s32 @!p0 $0x0, s1;
	[sflag:s0] =	ssyncset.done @!p0 $0x0  }
0x53a: {  	[sflag:s0] =	ssyncadd.s32 @!p0 s1  }
0x53b: {  	[bflag:$0x3] =	sbarrier.arrive $0xFFFF  }
0x53c: {  	_ =	shalt  }

</sc_bundles>
